<compile_context>
chip_gen: v7x
topology: tpu7x:2x2x1
jax: 0.10.2.dev20260603
libtpu: 0.0.44.dev20260713+nightly
codegen_flags: <defaults>
</compile_context>

<pallas_src>
import jax
import jax.numpy as jnp
from jax import lax
from jax.experimental import pallas as pl
from jax.experimental.pallas import tpu as pltpu
from jax.experimental.pallas import tpu_sc as plsc

_TOPK = 8
_B = 256
_K = 17
_HW = 96 * 72
_PSC = 3456
_PTC = _HW - _PSC
_NC = 2
_NS = 16
_L = 16
_CB = _B // _NC
_NG = _CB // _L
_PPT = _PSC // _NS
_NSLOT = 3
_CP = _PPT // _NSLOT
_PUNROLL = 4
_NSTEP = _CP // _PUNROLL
_RB = 1728
_JTC = _PTC // _RB
_JOFF = _PSC // _RB


def _sc_body(x_hbm, y_hbm, out_hbm, o_buf, t_buf, partial_v, sems):
    c = lax.axis_index("c")
    s = lax.axis_index("s")
    cbase = c * _CB
    pbase = s * _PPT
    z = jnp.zeros((_L,), jnp.float32)

    def o_copy(ki, slot):
        return pltpu.make_async_copy(
            x_hbm.at[ki, pl.ds(pbase + slot * _CP, _CP), pl.ds(cbase, _CB)],
            o_buf.at[slot], sems.at[slot])

    def t_copy(ki, slot):
        return pltpu.make_async_copy(
            y_hbm.at[ki, pl.ds(pbase + slot * _CP, _CP), pl.ds(cbase, _CB)],
            t_buf.at[slot], sems.at[_NSLOT + slot])

    for slot in range(_NSLOT):
        o_copy(0, slot).start()
        t_copy(0, slot).start()

    def outer(ki, carry):
        accs = (z,) * _NG
        for slot in range(_NSLOT):
            o_copy(ki, slot).wait()
            t_copy(ki, slot).wait()

            def inner(i, a, _slot=slot):
                a = list(a)
                for u in range(_PUNROLL):
                    pp = i * _PUNROLL + u
                    for gg in range(_NG):
                        ov = o_buf[_slot, pp, pl.ds(gg * _L, _L)]
                        tv = t_buf[_slot, pp, pl.ds(gg * _L, _L)]
                        d = ov - tv
                        a[gg] = a[gg] + d * d
                return tuple(a)

            accs = lax.fori_loop(0, _NSTEP, inner, accs)

            @pl.when(ki + 1 < _K)
            def _():
                o_copy(ki + 1, slot).start()
                t_copy(ki + 1, slot).start()

        for gg in range(_NG):
            partial_v[ki, pl.ds(gg * _L, _L)] = accs[gg]
        return carry

    lax.fori_loop(0, _K, outer, 0)
    pltpu.sync_copy(partial_v, out_hbm.at[c, s])


def _tc_stage1(x_ref, y_ref, o_ref):
    j = pl.program_id(1)
    d = x_ref[0] - y_ref[0]
    part = jnp.sum(d * d, axis=0, keepdims=True)

    @pl.when(j == 0)
    def _():
        o_ref[0] = part

    @pl.when(j > 0)
    def _():
        o_ref[0] = o_ref[0] + part


def _tc_finish(p_ref, q_ref, w_ref, o_ref):
    x = p_ref[...]
    losses = (jnp.sum(x, axis=1) + q_ref[...]) * w_ref[...]
    tot = jnp.zeros((_NC, 1, _CB), jnp.float32)
    for _ in range(_TOPK):
        m = jnp.max(losses, axis=1, keepdims=True)
        tot = tot + m
        eq = losses == m
        taken = jnp.zeros((_NC, 1, _CB), jnp.bool_)
        cols = []
        for k in range(_K):
            ek = eq[:, k:k + 1, :] & (~taken)
            cols.append(jnp.where(ek, -1.0, losses[:, k:k + 1, :]))
            taken = taken | ek
        losses = jnp.concatenate(cols, axis=1)
    o_ref[...] = jnp.full((1, _CB), jnp.sum(tot) * (1.0 / (_TOPK * _B)),
                          jnp.float32)


def kernel(output, target, target_weight):
    x3 = output.transpose(1, 2, 3, 0).reshape(_K, _HW, _B)
    y3 = target.transpose(1, 2, 3, 0).reshape(_K, _HW, _B)
    wsq = ((target_weight * target_weight).reshape(_B, _K).T * (1.0 / _HW))
    wsq = wsq.reshape(_K, _NC, _CB).transpose(1, 0, 2)

    mesh = plsc.VectorSubcoreMesh(core_axis_name="c", subcore_axis_name="s")
    sc = pl.kernel(
        _sc_body,
        out_type=jax.ShapeDtypeStruct((_NC, _NS, _K, _CB), jnp.float32),
        mesh=mesh,
        compiler_params=pltpu.CompilerParams(needs_layout_passes=False),
        scratch_types=[
            pltpu.VMEM((_NSLOT, _CP, _CB), jnp.float32),
            pltpu.VMEM((_NSLOT, _CP, _CB), jnp.float32),
            pltpu.VMEM((_K, _CB), jnp.float32),
            pltpu.SemaphoreType.DMA((2 * _NSLOT,)),
        ],
    )
    sc_partials = sc(x3, y3)

    tc_losses = pl.pallas_call(
        _tc_stage1,
        grid=(_K, _JTC),
        in_specs=[
            pl.BlockSpec((1, _RB, _B), lambda k, j: (k, j + _JOFF, 0)),
            pl.BlockSpec((1, _RB, _B), lambda k, j: (k, j + _JOFF, 0)),
        ],
        out_specs=pl.BlockSpec((1, 1, _B), lambda k, j: (k, 0, 0)),
        out_shape=jax.ShapeDtypeStruct((_K, 1, _B), jnp.float32),
    )(x3, y3)
    tc_part = tc_losses.reshape(_K, _NC, _CB).transpose(1, 0, 2)

    total = pl.pallas_call(
        _tc_finish,
        out_shape=jax.ShapeDtypeStruct((1, _CB), jnp.float32),
    )(sc_partials, tc_part, wsq)
    return total[0, 0]

# --- scband reference (transcript-rebuilt; emitter-appended) ---
"""Pipeline reference for scband-joints-ohkmmseloss-10196252360784 (READ-ONLY COPY).

The authoritative reference and input builder live on the scoring server;
editing this copy changes nothing except your own understanding.
"""

import jax, jax.numpy as jnp
import numpy as np

TOPK = 8
LOSS_WEIGHT = 1.0
USE_TARGET_WEIGHT = True


def setup_inputs(seed: int = 0) -> dict:
    key = jax.random.key(seed)
    k1, k2, k3 = jax.random.split(key, 3)
    output = jax.random.normal(k1, (256, 17, 96, 72), dtype=jnp.float32)
    target = jax.random.uniform(k2, (256, 17, 96, 72), dtype=jnp.float32)
    target_weight = jax.random.uniform(k3, (256, 17, 1), dtype=jnp.float32)
    return {"output": output, "target": target, "target_weight": target_weight}


def reference(output, target, target_weight):
    batch_size = output.shape[0]
    num_joints = output.shape[1]
    pred = output.reshape(batch_size, num_joints, -1)  # [B, K, HW]
    gt = target.reshape(batch_size, num_joints, -1)    # [B, K, HW]
    if USE_TARGET_WEIGHT:
        # target_weight: [B, K, 1] broadcasts over HW
        diff = pred * target_weight - gt * target_weight
    else:
        diff = pred - gt
    sq = diff * diff                          # elementwise MSE (reduction='none')
    losses = jnp.mean(sq, axis=2)             # [B, K] per-joint mean loss
    # Online hard keypoint mining: per-sample top-k joint losses
    topk_vals, _ = jax.lax.top_k(losses, TOPK)  # [B, TOPK]
    per_sample = jnp.sum(topk_vals, axis=1) / TOPK  # [B]
    ohkm_loss = jnp.sum(per_sample) / batch_size
    return ohkm_loss * LOSS_WEIGHT

if __name__ == "__main__":
    import jax
    _d = setup_inputs()
    print(jax.jit(kernel)(*tuple(_d.values())))

</pallas_src>

<mosaic_0001>
#map = affine_map<(d0, d1) -> (0, 0, 0)>
#map1 = affine_map<(d0, d1) -> (0, 0, 0, 0)>
module attributes {stable_mosaic.version = 14 : i64} {
  func.func @_sc_body(%arg0: i32, %arg1: i32, %arg2: memref<17x6912x256xf32, #tpu.memory_space<hbm>>, %arg3: memref<17x6912x256xf32, #tpu.memory_space<hbm>>, %arg4: memref<2x16x17x128xf32, #tpu.memory_space<hbm>>, %arg5: memref<3x72x128xf32, #tpu.memory_space<vmem>>, %arg6: memref<3x72x128xf32, #tpu.memory_space<vmem>>, %arg7: memref<17x128xf32, #tpu.memory_space<vmem>>, %arg8: memref<6x!tpu.dma_semaphore, #tpu.memory_space<semaphore_mem>>) attributes {dimension_semantics = [#tpu.dimension_semantics<core_parallel>, #tpu.dimension_semantics<subcore_parallel>], iteration_bounds = array<i64: 2, 16>, scalar_prefetch = 0 : i64, scratch_operands = 4 : i64, tpu.core_type = #tpu.core_type<sc_vector_subcore>, window_params = [{transform_indices = #map}, {transform_indices = #map}, {transform_indices = #map1}]} {
    %mul3A = arith.constant 128 : i32
    %mul3A_0 = arith.muli %arg0, %mul3A : i32
    %mul3A_1 = arith.constant 216 : i32
    %mul3A_2 = arith.muli %arg1, %mul3A_1 : i32
    %broadcast_in_dim3A = arith.constant 0.000000e+00 : f32
    %broadcast_in_dim3A_3 = vector.broadcast %broadcast_in_dim3A : f32 to vector<16xf32>
    %add3A = arith.constant 0 : i32
    %add3A_4 = arith.addi %mul3A_2, %add3A : i32
    %dma_start3A = arith.constant 0 : i32
    %dma_start3A_5 = arith.constant 0 : i32
    %dma_start3A_6 = arith.constant 0 : i32
    %dma_start3A_7 = arith.constant 0 : i32
    %dma_start3A_8 = arith.constant 0 : i32
    %dma_start3A_9 = tpu.memref_slice %arg5[%dma_start3A_5, %dma_start3A_7, %dma_start3A_8] : memref<3x72x128xf32, #tpu.memory_space<vmem>> -> memref<1x72x128xf32, #tpu.memory_space<vmem>>
    %dma_start3A_10 = tpu.memref_squeeze %dma_start3A_9 : memref<1x72x128xf32, #tpu.memory_space<vmem>> -> memref<72x128xf32, #tpu.memory_space<vmem>>
    %dma_start3A_11 = tpu.memref_slice %arg2[%dma_start3A, %add3A_4, %mul3A_0] : memref<17x6912x256xf32, #tpu.memory_space<hbm>> -> memref<1x72x128xf32, #tpu.memory_space<hbm>>
    %dma_start3A_12 = tpu.memref_squeeze %dma_start3A_11 : memref<1x72x128xf32, #tpu.memory_space<hbm>> -> memref<72x128xf32, #tpu.memory_space<hbm>>
    %dma_start3A_13 = tpu.memref_slice %arg8[%dma_start3A_6] : memref<6x!tpu.dma_semaphore, #tpu.memory_space<semaphore_mem>> -> memref<1x!tpu.dma_semaphore, #tpu.memory_space<semaphore_mem>>
    %dma_start3A_14 = tpu.memref_squeeze %dma_start3A_13 : memref<1x!tpu.dma_semaphore, #tpu.memory_space<semaphore_mem>> -> memref<!tpu.dma_semaphore, #tpu.memory_space<semaphore_mem>>
    %dma_start3A_15 = arith.constant 0 : i32
    %dma_start3A_16 = arith.constant 0 : i32
    %dma_start3A_17 = tpu.memref_slice %arg5[%dma_start3A_5, %dma_start3A_15, %dma_start3A_16] : memref<3x72x128xf32, #tpu.memory_space<vmem>> -> memref<1x72x128xf32, #tpu.memory_space<vmem>>
    %dma_start3A_18 = tpu.memref_squeeze %dma_start3A_17 : memref<1x72x128xf32, #tpu.memory_space<vmem>> -> memref<72x128xf32, #tpu.memory_space<vmem>>
    %dma_start3A_19 = tpu.memref_slice %arg2[%dma_start3A, %add3A_4, %mul3A_0] : memref<17x6912x256xf32, #tpu.memory_space<hbm>> -> memref<1x72x128xf32, #tpu.memory_space<hbm>>
    %dma_start3A_20 = tpu.memref_squeeze %dma_start3A_19 : memref<1x72x128xf32, #tpu.memory_space<hbm>> -> memref<72x128xf32, #tpu.memory_space<hbm>>
    tpu.enqueue_dma source(%dma_start3A_20 : memref<72x128xf32, #tpu.memory_space<hbm>>) target(%dma_start3A_18 : memref<72x128xf32, #tpu.memory_space<vmem>>) target_semaphore(%dma_start3A_14 : memref<!tpu.dma_semaphore, #tpu.memory_space<semaphore_mem>>)
    %add3A_21 = arith.constant 0 : i32
    %add3A_22 = arith.addi %mul3A_2, %add3A_21 : i32
    %dma_start3A_23 = arith.constant 0 : i32
    %dma_start3A_24 = arith.constant 0 : i32
    %dma_start3A_25 = arith.constant 3 : i32
    %dma_start3A_26 = arith.constant 0 : i32
    %dma_start3A_27 = arith.constant 0 : i32
    %dma_start3A_28 = tpu.memref_slice %arg6[%dma_start3A_24, %dma_start3A_26, %dma_start3A_27] : memref<3x72x128xf32, #tpu.memory_space<vmem>> -> memref<1x72x128xf32, #tpu.memory_space<vmem>>
    %dma_start3A_29 = tpu.memref_squeeze %dma_start3A_28 : memref<1x72x128xf32, #tpu.memory_space<vmem>> -> memref<72x128xf32, #tpu.memory_space<vmem>>
    %dma_start3A_30 = tpu.memref_slice %arg3[%dma_start3A_23, %add3A_22, %mul3A_0] : memref<17x6912x256xf32, #tpu.memory_space<hbm>> -> memref<1x72x128xf32, #tpu.memory_space<hbm>>
    %dma_start3A_31 = tpu.memref_squeeze %dma_start3A_30 : memref<1x72x128xf32, #tpu.memory_space<hbm>> -> memref<72x128xf32, #tpu.memory_space<hbm>>
    %dma_start3A_32 = tpu.memref_slice %arg8[%dma_start3A_25] : memref<6x!tpu.dma_semaphore, #tpu.memory_space<semaphore_mem>> -> memref<1x!tpu.dma_semaphore, #tpu.memory_space<semaphore_mem>>
    %dma_start3A_33 = tpu.memref_squeeze %dma_start3A_32 : memref<1x!tpu.dma_semaphore, #tpu.memory_space<semaphore_mem>> -> memref<!tpu.dma_semaphore, #tpu.memory_space<semaphore_mem>>
    %dma_start3A_34 = arith.constant 0 : i32
    %dma_start3A_35 = arith.constant 0 : i32
    %dma_start3A_36 = tpu.memref_slice %arg6[%dma_start3A_24, %dma_start3A_34, %dma_start3A_35] : memref<3x72x128xf32, #tpu.memory_space<vmem>> -> memref<1x72x128xf32, #tpu.memory_space<vmem>>
    %dma_start3A_37 = tpu.memref_squeeze %dma_start3A_36 : memref<1x72x128xf32, #tpu.memory_space<vmem>> -> memref<72x128xf32, #tpu.memory_space<vmem>>
    %dma_start3A_38 = tpu.memref_slice %arg3[%dma_start3A_23, %add3A_22, %mul3A_0] : memref<17x6912x256xf32, #tpu.memory_space<hbm>> -> memref<1x72x128xf32, #tpu.memory_space<hbm>>
    %dma_start3A_39 = tpu.memref_squeeze %dma_start3A_38 : memref<1x72x128xf32, #tpu.memory_space<hbm>> -> memref<72x128xf32, #tpu.memory_space<hbm>>
    tpu.enqueue_dma source(%dma_start3A_39 : memref<72x128xf32, #tpu.memory_space<hbm>>) target(%dma_start3A_37 : memref<72x128xf32, #tpu.memory_space<vmem>>) target_semaphore(%dma_start3A_33 : memref<!tpu.dma_semaphore, #tpu.memory_space<semaphore_mem>>)
    %add3A_40 = arith.constant 72 : i32
    %add3A_41 = arith.addi %mul3A_2, %add3A_40 : i32
    %dma_start3A_42 = arith.constant 0 : i32
    %dma_start3A_43 = arith.constant 1 : i32
    %dma_start3A_44 = arith.constant 1 : i32
    %dma_start3A_45 = arith.constant 0 : i32
    %dma_start3A_46 = arith.constant 0 : i32
    %dma_start3A_47 = tpu.memref_slice %arg5[%dma_start3A_43, %dma_start3A_45, %dma_start3A_46] : memref<3x72x128xf32, #tpu.memory_space<vmem>> -> memref<1x72x128xf32, #tpu.memory_space<vmem>>
    %dma_start3A_48 = tpu.memref_squeeze %dma_start3A_47 : memref<1x72x128xf32, #tpu.memory_space<vmem>> -> memref<72x128xf32, #tpu.memory_space<vmem>>
    %dma_start3A_49 = tpu.memref_slice %arg2[%dma_start3A_42, %add3A_41, %mul3A_0] : memref<17x6912x256xf32, #tpu.memory_space<hbm>> -> memref<1x72x128xf32, #tpu.memory_space<hbm>>
    %dma_start3A_50 = tpu.memref_squeeze %dma_start3A_49 : memref<1x72x128xf32, #tpu.memory_space<hbm>> -> memref<72x128xf32, #tpu.memory_space<hbm>>
    %dma_start3A_51 = tpu.memref_slice %arg8[%dma_start3A_44] : memref<6x!tpu.dma_semaphore, #tpu.memory_space<semaphore_mem>> -> memref<1x!tpu.dma_semaphore, #tpu.memory_space<semaphore_mem>>
    %dma_start3A_52 = tpu.memref_squeeze %dma_start3A_51 : memref<1x!tpu.dma_semaphore, #tpu.memory_space<semaphore_mem>> -> memref<!tpu.dma_semaphore, #tpu.memory_space<semaphore_mem>>
    %dma_start3A_53 = arith.constant 0 : i32
    %dma_start3A_54 = arith.constant 0 : i32
    %dma_start3A_55 = tpu.memref_slice %arg5[%dma_start3A_43, %dma_start3A_53, %dma_start3A_54] : memref<3x72x128xf32, #tpu.memory_space<vmem>> -> memref<1x72x128xf32, #tpu.memory_space<vmem>>
    %dma_start3A_56 = tpu.memref_squeeze %dma_start3A_55 : memref<1x72x128xf32, #tpu.memory_space<vmem>> -> memref<72x128xf32, #tpu.memory_space<vmem>>
    %dma_start3A_57 = tpu.memref_slice %arg2[%dma_start3A_42, %add3A_41, %mul3A_0] : memref<17x6912x256xf32, #tpu.memory_space<hbm>> -> memref<1x72x128xf32, #tpu.memory_space<hbm>>
    %dma_start3A_58 = tpu.memref_squeeze %dma_start3A_57 : memref<1x72x128xf32, #tpu.memory_space<hbm>> -> memref<72x128xf32, #tpu.memory_space<hbm>>
    tpu.enqueue_dma source(%dma_start3A_58 : memref<72x128xf32, #tpu.memory_space<hbm>>) target(%dma_start3A_56 : memref<72x128xf32, #tpu.memory_space<vmem>>) target_semaphore(%dma_start3A_52 : memref<!tpu.dma_semaphore, #tpu.memory_space<semaphore_mem>>)
    %add3A_59 = arith.constant 72 : i32
    %add3A_60 = arith.addi %mul3A_2, %add3A_59 : i32
    %dma_start3A_61 = arith.constant 0 : i32
    %dma_start3A_62 = arith.constant 1 : i32
    %dma_start3A_63 = arith.constant 4 : i32
    %dma_start3A_64 = arith.constant 0 : i32
    %dma_start3A_65 = arith.constant 0 : i32
    %dma_start3A_66 = tpu.memref_slice %arg6[%dma_start3A_62, %dma_start3A_64, %dma_start3A_65] : memref<3x72x128xf32, #tpu.memory_space<vmem>> -> memref<1x72x128xf32, #tpu.memory_space<vmem>>
    %dma_start3A_67 = tpu.memref_squeeze %dma_start3A_66 : memref<1x72x128xf32, #tpu.memory_space<vmem>> -> memref<72x128xf32, #tpu.memory_space<vmem>>
    %dma_start3A_68 = tpu.memref_slice %arg3[%dma_start3A_61, %add3A_60, %mul3A_0] : memref<17x6912x256xf32, #tpu.memory_space<hbm>> -> memref<1x72x128xf32, #tpu.memory_space<hbm>>
    %dma_start3A_69 = tpu.memref_squeeze %dma_start3A_68 : memref<1x72x128xf32, #tpu.memory_space<hbm>> -> memref<72x128xf32, #tpu.memory_space<hbm>>
    %dma_start3A_70 = tpu.memref_slice %arg8[%dma_start3A_63] : memref<6x!tpu.dma_semaphore, #tpu.memory_space<semaphore_mem>> -> memref<1x!tpu.dma_semaphore, #tpu.memory_space<semaphore_mem>>
    %dma_start3A_71 = tpu.memref_squeeze %dma_start3A_70 : memref<1x!tpu.dma_semaphore, #tpu.memory_space<semaphore_mem>> -> memref<!tpu.dma_semaphore, #tpu.memory_space<semaphore_mem>>
    %dma_start3A_72 = arith.constant 0 : i32
    %dma_start3A_73 = arith.constant 0 : i32
    %dma_start3A_74 = tpu.memref_slice %arg6[%dma_start3A_62, %dma_start3A_72, %dma_start3A_73] : memref<3x72x128xf32, #tpu.memory_space<vmem>> -> memref<1x72x128xf32, #tpu.memory_space<vmem>>
    %dma_start3A_75 = tpu.memref_squeeze %dma_start3A_74 : memref<1x72x128xf32, #tpu.memory_space<vmem>> -> memref<72x128xf32, #tpu.memory_space<vmem>>
    %dma_start3A_76 = tpu.memref_slice %arg3[%dma_start3A_61, %add3A_60, %mul3A_0] : memref<17x6912x256xf32, #tpu.memory_space<hbm>> -> memref<1x72x128xf32, #tpu.memory_space<hbm>>
    %dma_start3A_77 = tpu.memref_squeeze %dma_start3A_76 : memref<1x72x128xf32, #tpu.memory_space<hbm>> -> memref<72x128xf32, #tpu.memory_space<hbm>>
    tpu.enqueue_dma source(%dma_start3A_77 : memref<72x128xf32, #tpu.memory_space<hbm>>) target(%dma_start3A_75 : memref<72x128xf32, #tpu.memory_space<vmem>>) target_semaphore(%dma_start3A_71 : memref<!tpu.dma_semaphore, #tpu.memory_space<semaphore_mem>>)
    %add3A_78 = arith.constant 144 : i32
    %add3A_79 = arith.addi %mul3A_2, %add3A_78 : i32
    %dma_start3A_80 = arith.constant 0 : i32
    %dma_start3A_81 = arith.constant 2 : i32
    %dma_start3A_82 = arith.constant 2 : i32
    %dma_start3A_83 = arith.constant 0 : i32
    %dma_start3A_84 = arith.constant 0 : i32
    %dma_start3A_85 = tpu.memref_slice %arg5[%dma_start3A_81, %dma_start3A_83, %dma_start3A_84] : memref<3x72x128xf32, #tpu.memory_space<vmem>> -> memref<1x72x128xf32, #tpu.memory_space<vmem>>
    %dma_start3A_86 = tpu.memref_squeeze %dma_start3A_85 : memref<1x72x128xf32, #tpu.memory_space<vmem>> -> memref<72x128xf32, #tpu.memory_space<vmem>>
    %dma_start3A_87 = tpu.memref_slice %arg2[%dma_start3A_80, %add3A_79, %mul3A_0] : memref<17x6912x256xf32, #tpu.memory_space<hbm>> -> memref<1x72x128xf32, #tpu.memory_space<hbm>>
    %dma_start3A_88 = tpu.memref_squeeze %dma_start3A_87 : memref<1x72x128xf32, #tpu.memory_space<hbm>> -> memref<72x128xf32, #tpu.memory_space<hbm>>
    %dma_start3A_89 = tpu.memref_slice %arg8[%dma_start3A_82] : memref<6x!tpu.dma_semaphore, #tpu.memory_space<semaphore_mem>> -> memref<1x!tpu.dma_semaphore, #tpu.memory_space<semaphore_mem>>
    %dma_start3A_90 = tpu.memref_squeeze %dma_start3A_89 : memref<1x!tpu.dma_semaphore, #tpu.memory_space<semaphore_mem>> -> memref<!tpu.dma_semaphore, #tpu.memory_space<semaphore_mem>>
    %dma_start3A_91 = arith.constant 0 : i32
    %dma_start3A_92 = arith.constant 0 : i32
    %dma_start3A_93 = tpu.memref_slice %arg5[%dma_start3A_81, %dma_start3A_91, %dma_start3A_92] : memref<3x72x128xf32, #tpu.memory_space<vmem>> -> memref<1x72x128xf32, #tpu.memory_space<vmem>>
    %dma_start3A_94 = tpu.memref_squeeze %dma_start3A_93 : memref<1x72x128xf32, #tpu.memory_space<vmem>> -> memref<72x128xf32, #tpu.memory_space<vmem>>
    %dma_start3A_95 = tpu.memref_slice %arg2[%dma_start3A_80, %add3A_79, %mul3A_0] : memref<17x6912x256xf32, #tpu.memory_space<hbm>> -> memref<1x72x128xf32, #tpu.memory_space<hbm>>
    %dma_start3A_96 = tpu.memref_squeeze %dma_start3A_95 : memref<1x72x128xf32, #tpu.memory_space<hbm>> -> memref<72x128xf32, #tpu.memory_space<hbm>>
    tpu.enqueue_dma source(%dma_start3A_96 : memref<72x128xf32, #tpu.memory_space<hbm>>) target(%dma_start3A_94 : memref<72x128xf32, #tpu.memory_space<vmem>>) target_semaphore(%dma_start3A_90 : memref<!tpu.dma_semaphore, #tpu.memory_space<semaphore_mem>>)
    %add3A_97 = arith.constant 144 : i32
    %add3A_98 = arith.addi %mul3A_2, %add3A_97 : i32
    %dma_start3A_99 = arith.constant 0 : i32
    %dma_start3A_100 = arith.constant 2 : i32
    %dma_start3A_101 = arith.constant 5 : i32
    %dma_start3A_102 = arith.constant 0 : i32
    %dma_start3A_103 = arith.constant 0 : i32
    %dma_start3A_104 = tpu.memref_slice %arg6[%dma_start3A_100, %dma_start3A_102, %dma_start3A_103] : memref<3x72x128xf32, #tpu.memory_space<vmem>> -> memref<1x72x128xf32, #tpu.memory_space<vmem>>
    %dma_start3A_105 = tpu.memref_squeeze %dma_start3A_104 : memref<1x72x128xf32, #tpu.memory_space<vmem>> -> memref<72x128xf32, #tpu.memory_space<vmem>>
    %dma_start3A_106 = tpu.memref_slice %arg3[%dma_start3A_99, %add3A_98, %mul3A_0] : memref<17x6912x256xf32, #tpu.memory_space<hbm>> -> memref<1x72x128xf32, #tpu.memory_space<hbm>>
    %dma_start3A_107 = tpu.memref_squeeze %dma_start3A_106 : memref<1x72x128xf32, #tpu.memory_space<hbm>> -> memref<72x128xf32, #tpu.memory_space<hbm>>
    %dma_start3A_108 = tpu.memref_slice %arg8[%dma_start3A_101] : memref<6x!tpu.dma_semaphore, #tpu.memory_space<semaphore_mem>> -> memref<1x!tpu.dma_semaphore, #tpu.memory_space<semaphore_mem>>
    %dma_start3A_109 = tpu.memref_squeeze %dma_start3A_108 : memref<1x!tpu.dma_semaphore, #tpu.memory_space<semaphore_mem>> -> memref<!tpu.dma_semaphore, #tpu.memory_space<semaphore_mem>>
    %dma_start3A_110 = arith.constant 0 : i32
    %dma_start3A_111 = arith.constant 0 : i32
    %dma_start3A_112 = tpu.memref_slice %arg6[%dma_start3A_100, %dma_start3A_110, %dma_start3A_111] : memref<3x72x128xf32, #tpu.memory_space<vmem>> -> memref<1x72x128xf32, #tpu.memory_space<vmem>>
    %dma_start3A_113 = tpu.memref_squeeze %dma_start3A_112 : memref<1x72x128xf32, #tpu.memory_space<vmem>> -> memref<72x128xf32, #tpu.memory_space<vmem>>
    %dma_start3A_114 = tpu.memref_slice %arg3[%dma_start3A_99, %add3A_98, %mul3A_0] : memref<17x6912x256xf32, #tpu.memory_space<hbm>> -> memref<1x72x128xf32, #tpu.memory_space<hbm>>
    %dma_start3A_115 = tpu.memref_squeeze %dma_start3A_114 : memref<1x72x128xf32, #tpu.memory_space<hbm>> -> memref<72x128xf32, #tpu.memory_space<hbm>>
    tpu.enqueue_dma source(%dma_start3A_115 : memref<72x128xf32, #tpu.memory_space<hbm>>) target(%dma_start3A_113 : memref<72x128xf32, #tpu.memory_space<vmem>>) target_semaphore(%dma_start3A_109 : memref<!tpu.dma_semaphore, #tpu.memory_space<semaphore_mem>>)
    %scan3A = arith.constant 0 : i32
    %scan3A_116 = arith.constant 0 : i32
    %scan3A_117 = arith.constant 17 : i32
    %scan3A_118 = arith.addi %scan3A_116, %scan3A_117 : i32
    %scan3A_119 = arith.constant 1 : i32
    scf.for %scan3A_121 = %scan3A_116 to %scan3A_118 step %scan3A_119  : i32 {
      %add3A_122 = arith.constant 0 : i32
      %add3A_123 = arith.addi %mul3A_2, %add3A_122 : i32
      %dma_wait3A = arith.constant 0 : i32
      %dma_wait3A_124 = arith.constant 0 : i32
      %dma_wait3A_125 = arith.constant 0 : i32
      %dma_wait3A_126 = arith.constant 0 : i32
      %dma_wait3A_127 = tpu.memref_slice %arg5[%dma_wait3A, %dma_wait3A_125, %dma_wait3A_126] : memref<3x72x128xf32, #tpu.memory_space<vmem>> -> memref<1x72x128xf32, #tpu.memory_space<vmem>>
      %dma_wait3A_128 = tpu.memref_squeeze %dma_wait3A_127 : memref<1x72x128xf32, #tpu.memory_space<vmem>> -> memref<72x128xf32, #tpu.memory_space<vmem>>
      %dma_wait3A_129 = tpu.memref_slice %arg2[%scan3A_121, %add3A_123, %mul3A_0] : memref<17x6912x256xf32, #tpu.memory_space<hbm>> -> memref<1x72x128xf32, #tpu.memory_space<hbm>>
      %dma_wait3A_130 = tpu.memref_squeeze %dma_wait3A_129 : memref<1x72x128xf32, #tpu.memory_space<hbm>> -> memref<72x128xf32, #tpu.memory_space<hbm>>
      %dma_wait3A_131 = tpu.memref_slice %arg8[%dma_wait3A_124] : memref<6x!tpu.dma_semaphore, #tpu.memory_space<semaphore_mem>> -> memref<1x!tpu.dma_semaphore, #tpu.memory_space<semaphore_mem>>
      %dma_wait3A_132 = tpu.memref_squeeze %dma_wait3A_131 : memref<1x!tpu.dma_semaphore, #tpu.memory_space<semaphore_mem>> -> memref<!tpu.dma_semaphore, #tpu.memory_space<semaphore_mem>>
      %dma_wait3A_133 = arith.constant 0 : i32
      %dma_wait3A_134 = arith.constant 0 : i32
      %dma_wait3A_135 = tpu.memref_slice %arg5[%dma_wait3A, %dma_wait3A_133, %dma_wait3A_134] : memref<3x72x128xf32, #tpu.memory_space<vmem>> -> memref<1x72x128xf32, #tpu.memory_space<vmem>>
      %dma_wait3A_136 = tpu.memref_squeeze %dma_wait3A_135 : memref<1x72x128xf32, #tpu.memory_space<vmem>> -> memref<72x128xf32, #tpu.memory_space<vmem>>
      %dma_wait3A_137 = tpu.memref_slice %arg2[%scan3A_121, %add3A_123, %mul3A_0] : memref<17x6912x256xf32, #tpu.memory_space<hbm>> -> memref<1x72x128xf32, #tpu.memory_space<hbm>>
      %dma_wait3A_138 = tpu.memref_squeeze %dma_wait3A_137 : memref<1x72x128xf32, #tpu.memory_space<hbm>> -> memref<72x128xf32, #tpu.memory_space<hbm>>
      tpu.wait_dma2 semaphore(%dma_wait3A_132 : memref<!tpu.dma_semaphore, #tpu.memory_space<semaphore_mem>>) src(%dma_wait3A_138 : memref<72x128xf32, #tpu.memory_space<hbm>>) dst(%dma_wait3A_136 : memref<72x128xf32, #tpu.memory_space<vmem>>)
      %add3A_139 = arith.constant 0 : i32
      %add3A_140 = arith.addi %mul3A_2, %add3A_139 : i32
      %dma_wait3A_141 = arith.constant 0 : i32
      %dma_wait3A_142 = arith.constant 3 : i32
      %dma_wait3A_143 = arith.constant 0 : i32
      %dma_wait3A_144 = arith.constant 0 : i32
      %dma_wait3A_145 = tpu.memref_slice %arg6[%dma_wait3A_141, %dma_wait3A_143, %dma_wait3A_144] : memref<3x72x128xf32, #tpu.memory_space<vmem>> -> memref<1x72x128xf32, #tpu.memory_space<vmem>>
      %dma_wait3A_146 = tpu.memref_squeeze %dma_wait3A_145 : memref<1x72x128xf32, #tpu.memory_space<vmem>> -> memref<72x128xf32, #tpu.memory_space<vmem>>
      %dma_wait3A_147 = tpu.memref_slice %arg3[%scan3A_121, %add3A_140, %mul3A_0] : memref<17x6912x256xf32, #tpu.memory_space<hbm>> -> memref<1x72x128xf32, #tpu.memory_space<hbm>>
      %dma_wait3A_148 = tpu.memref_squeeze %dma_wait3A_147 : memref<1x72x128xf32, #tpu.memory_space<hbm>> -> memref<72x128xf32, #tpu.memory_space<hbm>>
      %dma_wait3A_149 = tpu.memref_slice %arg8[%dma_wait3A_142] : memref<6x!tpu.dma_semaphore, #tpu.memory_space<semaphore_mem>> -> memref<1x!tpu.dma_semaphore, #tpu.memory_space<semaphore_mem>>
      %dma_wait3A_150 = tpu.memref_squeeze %dma_wait3A_149 : memref<1x!tpu.dma_semaphore, #tpu.memory_space<semaphore_mem>> -> memref<!tpu.dma_semaphore, #tpu.memory_space<semaphore_mem>>
      %dma_wait3A_151 = arith.constant 0 : i32
      %dma_wait3A_152 = arith.constant 0 : i32
      %dma_wait3A_153 = tpu.memref_slice %arg6[%dma_wait3A_141, %dma_wait3A_151, %dma_wait3A_152] : memref<3x72x128xf32, #tpu.memory_space<vmem>> -> memref<1x72x128xf32, #tpu.memory_space<vmem>>
      %dma_wait3A_154 = tpu.memref_squeeze %dma_wait3A_153 : memref<1x72x128xf32, #tpu.memory_space<vmem>> -> memref<72x128xf32, #tpu.memory_space<vmem>>
      %dma_wait3A_155 = tpu.memref_slice %arg3[%scan3A_121, %add3A_140, %mul3A_0] : memref<17x6912x256xf32, #tpu.memory_space<hbm>> -> memref<1x72x128xf32, #tpu.memory_space<hbm>>
      %dma_wait3A_156 = tpu.memref_squeeze %dma_wait3A_155 : memref<1x72x128xf32, #tpu.memory_space<hbm>> -> memref<72x128xf32, #tpu.memory_space<hbm>>
      tpu.wait_dma2 semaphore(%dma_wait3A_150 : memref<!tpu.dma_semaphore, #tpu.memory_space<semaphore_mem>>) src(%dma_wait3A_156 : memref<72x128xf32, #tpu.memory_space<hbm>>) dst(%dma_wait3A_154 : memref<72x128xf32, #tpu.memory_space<vmem>>)
      %scan3A_157 = arith.constant 0 : i32
      %scan3A_158 = arith.constant 18 : i32
      %scan3A_159 = arith.addi %scan3A_157, %scan3A_158 : i32
      %scan3A_160 = arith.constant 1 : i32
      %scan3A_161:8 = scf.for %scan3A_288 = %scan3A_157 to %scan3A_159 step %scan3A_160 iter_args(%scan3A_289 = %broadcast_in_dim3A_3, %scan3A_290 = %broadcast_in_dim3A_3, %scan3A_291 = %broadcast_in_dim3A_3, %scan3A_292 = %broadcast_in_dim3A_3, %scan3A_293 = %broadcast_in_dim3A_3, %scan3A_294 = %broadcast_in_dim3A_3, %scan3A_295 = %broadcast_in_dim3A_3, %scan3A_296 = %broadcast_in_dim3A_3) -> (vector<16xf32>, vector<16xf32>, vector<16xf32>, vector<16xf32>, vector<16xf32>, vector<16xf32>, vector<16xf32>, vector<16xf32>)  : i32 {
        %mul3A_297 = arith.constant 4 : i32
        %mul3A_298 = arith.muli %scan3A_288, %mul3A_297 : i32
        %add3A_299 = arith.constant 0 : i32
        %add3A_300 = arith.addi %mul3A_298, %add3A_299 : i32
        %get3A = arith.constant 0 : i32
        %get3A_301 = arith.index_cast %get3A : i32 to index
        %get3A_302 = arith.index_cast %add3A_300 : i32 to index
        %get3A_303 = arith.constant 0 : index
        %get3A_304 = tpu.vector_load %arg5[%get3A_301, %get3A_302, %get3A_303] {strides = array<i32>} : memref<3x72x128xf32, #tpu.memory_space<vmem>>, vector<16xf32>,
        %get3A_305 = arith.constant 0 : i32
        %get3A_306 = arith.index_cast %get3A_305 : i32 to index
        %get3A_307 = arith.index_cast %add3A_300 : i32 to index
        %get3A_308 = arith.constant 0 : index
        %get3A_309 = tpu.vector_load %arg6[%get3A_306, %get3A_307, %get3A_308] {strides = array<i32>} : memref<3x72x128xf32, #tpu.memory_space<vmem>>, vector<16xf32>,
        %sub3A = arith.subf %get3A_304, %get3A_309 : vector<16xf32>
        %mul3A_310 = arith.mulf %sub3A, %sub3A : vector<16xf32>
        %add3A_311 = arith.addf %scan3A_289, %mul3A_310 : vector<16xf32>
        %get3A_312 = arith.constant 0 : i32
        %get3A_313 = arith.index_cast %get3A_312 : i32 to index
        %get3A_314 = arith.index_cast %add3A_300 : i32 to index
        %get3A_315 = arith.constant 16 : index
        %get3A_316 = tpu.vector_load %arg5[%get3A_313, %get3A_314, %get3A_315] {strides = array<i32>} : memref<3x72x128xf32, #tpu.memory_space<vmem>>, vector<16xf32>,
        %get3A_317 = arith.constant 0 : i32
        %get3A_318 = arith.index_cast %get3A_317 : i32 to index
        %get3A_319 = arith.index_cast %add3A_300 : i32 to index
        %get3A_320 = arith.constant 16 : index
        %get3A_321 = tpu.vector_load %arg6[%get3A_318, %get3A_319, %get3A_320] {strides = array<i32>} : memref<3x72x128xf32, #tpu.memory_space<vmem>>, vector<16xf32>,
        %sub3A_322 = arith.subf %get3A_316, %get3A_321 : vector<16xf32>
        %mul3A_323 = arith.mulf %sub3A_322, %sub3A_322 : vector<16xf32>
        %add3A_324 = arith.addf %scan3A_290, %mul3A_323 : vector<16xf32>
        %get3A_325 = arith.constant 0 : i32
        %get3A_326 = arith.index_cast %get3A_325 : i32 to index
        %get3A_327 = arith.index_cast %add3A_300 : i32 to index
        %get3A_328 = arith.constant 32 : index
        %get3A_329 = tpu.vector_load %arg5[%get3A_326, %get3A_327, %get3A_328] {strides = array<i32>} : memref<3x72x128xf32, #tpu.memory_space<vmem>>, vector<16xf32>,
        %get3A_330 = arith.constant 0 : i32
        %get3A_331 = arith.index_cast %get3A_330 : i32 to index
        %get3A_332 = arith.index_cast %add3A_300 : i32 to index
        %get3A_333 = arith.constant 32 : index
        %get3A_334 = tpu.vector_load %arg6[%get3A_331, %get3A_332, %get3A_333] {strides = array<i32>} : memref<3x72x128xf32, #tpu.memory_space<vmem>>, vector<16xf32>,
        %sub3A_335 = arith.subf %get3A_329, %get3A_334 : vector<16xf32>
        %mul3A_336 = arith.mulf %sub3A_335, %sub3A_335 : vector<16xf32>
        %add3A_337 = arith.addf %scan3A_291, %mul3A_336 : vector<16xf32>
        %get3A_338 = arith.constant 0 : i32
        %get3A_339 = arith.index_cast %get3A_338 : i32 to index
        %get3A_340 = arith.index_cast %add3A_300 : i32 to index
        %get3A_341 = arith.constant 48 : index
        %get3A_342 = tpu.vector_load %arg5[%get3A_339, %get3A_340, %get3A_341] {strides = array<i32>} : memref<3x72x128xf32, #tpu.memory_space<vmem>>, vector<16xf32>,
        %get3A_343 = arith.constant 0 : i32
        %get3A_344 = arith.index_cast %get3A_343 : i32 to index
        %get3A_345 = arith.index_cast %add3A_300 : i32 to index
        %get3A_346 = arith.constant 48 : index
        %get3A_347 = tpu.vector_load %arg6[%get3A_344, %get3A_345, %get3A_346] {strides = array<i32>} : memref<3x72x128xf32, #tpu.memory_space<vmem>>, vector<16xf32>,
        %sub3A_348 = arith.subf %get3A_342, %get3A_347 : vector<16xf32>
        %mul3A_349 = arith.mulf %sub3A_348, %sub3A_348 : vector<16xf32>
        %add3A_350 = arith.addf %scan3A_292, %mul3A_349 : vector<16xf32>
        %get3A_351 = arith.constant 0 : i32
        %get3A_352 = arith.index_cast %get3A_351 : i32 to index
        %get3A_353 = arith.index_cast %add3A_300 : i32 to index
        %get3A_354 = arith.constant 64 : index
        %get3A_355 = tpu.vector_load %arg5[%get3A_352, %get3A_353, %get3A_354] {strides = array<i32>} : memref<3x72x128xf32, #tpu.memory_space<vmem>>, vector<16xf32>,
        %get3A_356 = arith.constant 0 : i32
        %get3A_357 = arith.index_cast %get3A_356 : i32 to index
        %get3A_358 = arith.index_cast %add3A_300 : i32 to index
        %get3A_359 = arith.constant 64 : index
        %get3A_360 = tpu.vector_load %arg6[%get3A_357, %get3A_358, %get3A_359] {strides = array<i32>} : memref<3x72x128xf32, #tpu.memory_space<vmem>>, vector<16xf32>,
        %sub3A_361 = arith.subf %get3A_355, %get3A_360 : vector<16xf32>
        %mul3A_362 = arith.mulf %sub3A_361, %sub3A_361 : vector<16xf32>
        %add3A_363 = arith.addf %scan3A_293, %mul3A_362 : vector<16xf32>
        %get3A_364 = arith.constant 0 : i32
        %get3A_365 = arith.index_cast %get3A_364 : i32 to index
        %get3A_366 = arith.index_cast %add3A_300 : i32 to index
        %get3A_367 = arith.constant 80 : index
        %get3A_368 = tpu.vector_load %arg5[%get3A_365, %get3A_366, %get3A_367] {strides = array<i32>} : memref<3x72x128xf32, #tpu.memory_space<vmem>>, vector<16xf32>,
        %get3A_369 = arith.constant 0 : i32
        %get3A_370 = arith.index_cast %get3A_369 : i32 to index
        %get3A_371 = arith.index_cast %add3A_300 : i32 to index
        %get3A_372 = arith.constant 80 : index
        %get3A_373 = tpu.vector_load %arg6[%get3A_370, %get3A_371, %get3A_372] {strides = array<i32>} : memref<3x72x128xf32, #tpu.memory_space<vmem>>, vector<16xf32>,
        %sub3A_374 = arith.subf %get3A_368, %get3A_373 : vector<16xf32>
        %mul3A_375 = arith.mulf %sub3A_374, %sub3A_374 : vector<16xf32>
        %add3A_376 = arith.addf %scan3A_294, %mul3A_375 : vector<16xf32>
        %get3A_377 = arith.constant 0 : i32
        %get3A_378 = arith.index_cast %get3A_377 : i32 to index
        %get3A_379 = arith.index_cast %add3A_300 : i32 to index
        %get3A_380 = arith.constant 96 : index
        %get3A_381 = tpu.vector_load %arg5[%get3A_378, %get3A_379, %get3A_380] {strides = array<i32>} : memref<3x72x128xf32, #tpu.memory_space<vmem>>, vector<16xf32>,
        %get3A_382 = arith.constant 0 : i32
        %get3A_383 = arith.index_cast %get3A_382 : i32 to index
        %get3A_384 = arith.index_cast %add3A_300 : i32 to index
        %get3A_385 = arith.constant 96 : index
        %get3A_386 = tpu.vector_load %arg6[%get3A_383, %get3A_384, %get3A_385] {strides = array<i32>} : memref<3x72x128xf32, #tpu.memory_space<vmem>>, vector<16xf32>,
        %sub3A_387 = arith.subf %get3A_381, %get3A_386 : vector<16xf32>
        %mul3A_388 = arith.mulf %sub3A_387, %sub3A_387 : vector<16xf32>
        %add3A_389 = arith.addf %scan3A_295, %mul3A_388 : vector<16xf32>
        %get3A_390 = arith.constant 0 : i32
        %get3A_391 = arith.index_cast %get3A_390 : i32 to index
        %get3A_392 = arith.index_cast %add3A_300 : i32 to index
        %get3A_393 = arith.constant 112 : index
        %get3A_394 = tpu.vector_load %arg5[%get3A_391, %get3A_392, %get3A_393] {strides = array<i32>} : memref<3x72x128xf32, #tpu.memory_space<vmem>>, vector<16xf32>,
        %get3A_395 = arith.constant 0 : i32
        %get3A_396 = arith.index_cast %get3A_395 : i32 to index
        %get3A_397 = arith.index_cast %add3A_300 : i32 to index
        %get3A_398 = arith.constant 112 : index
        %get3A_399 = tpu.vector_load %arg6[%get3A_396, %get3A_397, %get3A_398] {strides = array<i32>} : memref<3x72x128xf32, #tpu.memory_space<vmem>>, vector<16xf32>,
        %sub3A_400 = arith.subf %get3A_394, %get3A_399 : vector<16xf32>
        %mul3A_401 = arith.mulf %sub3A_400, %sub3A_400 : vector<16xf32>
        %add3A_402 = arith.addf %scan3A_296, %mul3A_401 : vector<16xf32>
        %mul3A_403 = arith.constant 4 : i32
        %mul3A_404 = arith.muli %scan3A_288, %mul3A_403 : i32
        %add3A_405 = arith.constant 1 : i32
        %add3A_406 = arith.addi %mul3A_404, %add3A_405 : i32
        %get3A_407 = arith.constant 0 : i32
        %get3A_408 = arith.index_cast %get3A_407 : i32 to index
        %get3A_409 = arith.index_cast %add3A_406 : i32 to index
        %get3A_410 = arith.constant 0 : index
        %get3A_411 = tpu.vector_load %arg5[%get3A_408, %get3A_409, %get3A_410] {strides = array<i32>} : memref<3x72x128xf32, #tpu.memory_space<vmem>>, vector<16xf32>,
        %get3A_412 = arith.constant 0 : i32
        %get3A_413 = arith.index_cast %get3A_412 : i32 to index
        %get3A_414 = arith.index_cast %add3A_406 : i32 to index
        %get3A_415 = arith.constant 0 : index
        %get3A_416 = tpu.vector_load %arg6[%get3A_413, %get3A_414, %get3A_415] {strides = array<i32>} : memref<3x72x128xf32, #tpu.memory_space<vmem>>, vector<16xf32>,
        %sub3A_417 = arith.subf %get3A_411, %get3A_416 : vector<16xf32>
        %mul3A_418 = arith.mulf %sub3A_417, %sub3A_417 : vector<16xf32>
        %add3A_419 = arith.addf %add3A_311, %mul3A_418 : vector<16xf32>
        %get3A_420 = arith.constant 0 : i32
        %get3A_421 = arith.index_cast %get3A_420 : i32 to index
        %get3A_422 = arith.index_cast %add3A_406 : i32 to index
        %get3A_423 = arith.constant 16 : index
        %get3A_424 = tpu.vector_load %arg5[%get3A_421, %get3A_422, %get3A_423] {strides = array<i32>} : memref<3x72x128xf32, #tpu.memory_space<vmem>>, vector<16xf32>,
        %get3A_425 = arith.constant 0 : i32
        %get3A_426 = arith.index_cast %get3A_425 : i32 to index
        %get3A_427 = arith.index_cast %add3A_406 : i32 to index
        %get3A_428 = arith.constant 16 : index
        %get3A_429 = tpu.vector_load %arg6[%get3A_426, %get3A_427, %get3A_428] {strides = array<i32>} : memref<3x72x128xf32, #tpu.memory_space<vmem>>, vector<16xf32>,
        %sub3A_430 = arith.subf %get3A_424, %get3A_429 : vector<16xf32>
        %mul3A_431 = arith.mulf %sub3A_430, %sub3A_430 : vector<16xf32>
        %add3A_432 = arith.addf %add3A_324, %mul3A_431 : vector<16xf32>
        %get3A_433 = arith.constant 0 : i32
        %get3A_434 = arith.index_cast %get3A_433 : i32 to index
        %get3A_435 = arith.index_cast %add3A_406 : i32 to index
        %get3A_436 = arith.constant 32 : index
        %get3A_437 = tpu.vector_load %arg5[%get3A_434, %get3A_435, %get3A_436] {strides = array<i32>} : memref<3x72x128xf32, #tpu.memory_space<vmem>>, vector<16xf32>,
        %get3A_438 = arith.constant 0 : i32
        %get3A_439 = arith.index_cast %get3A_438 : i32 to index
        %get3A_440 = arith.index_cast %add3A_406 : i32 to index
        %get3A_441 = arith.constant 32 : index
        %get3A_442 = tpu.vector_load %arg6[%get3A_439, %get3A_440, %get3A_441] {strides = array<i32>} : memref<3x72x128xf32, #tpu.memory_space<vmem>>, vector<16xf32>,
        %sub3A_443 = arith.subf %get3A_437, %get3A_442 : vector<16xf32>
        %mul3A_444 = arith.mulf %sub3A_443, %sub3A_443 : vector<16xf32>
        %add3A_445 = arith.addf %add3A_337, %mul3A_444 : vector<16xf32>
        %get3A_446 = arith.constant 0 : i32
        %get3A_447 = arith.index_cast %get3A_446 : i32 to index
        %get3A_448 = arith.index_cast %add3A_406 : i32 to index
        %get3A_449 = arith.constant 48 : index
        %get3A_450 = tpu.vector_load %arg5[%get3A_447, %get3A_448, %get3A_449] {strides = array<i32>} : memref<3x72x128xf32, #tpu.memory_space<vmem>>, vector<16xf32>,
        %get3A_451 = arith.constant 0 : i32
        %get3A_452 = arith.index_cast %get3A_451 : i32 to index
        %get3A_453 = arith.index_cast %add3A_406 : i32 to index
        %get3A_454 = arith.constant 48 : index
        %get3A_455 = tpu.vector_load %arg6[%get3A_452, %get3A_453, %get3A_454] {strides = array<i32>} : memref<3x72x128xf32, #tpu.memory_space<vmem>>, vector<16xf32>,
        %sub3A_456 = arith.subf %get3A_450, %get3A_455 : vector<16xf32>
        %mul3A_457 = arith.mulf %sub3A_456, %sub3A_456 : vector<16xf32>
        %add3A_458 = arith.addf %add3A_350, %mul3A_457 : vector<16xf32>
        %get3A_459 = arith.constant 0 : i32
        %get3A_460 = arith.index_cast %get3A_459 : i32 to index
        %get3A_461 = arith.index_cast %add3A_406 : i32 to index
        %get3A_462 = arith.constant 64 : index
        %get3A_463 = tpu.vector_load %arg5[%get3A_460, %get3A_461, %get3A_462] {strides = array<i32>} : memref<3x72x128xf32, #tpu.memory_space<vmem>>, vector<16xf32>,
        %get3A_464 = arith.constant 0 : i32
        %get3A_465 = arith.index_cast %get3A_464 : i32 to index
        %get3A_466 = arith.index_cast %add3A_406 : i32 to index
        %get3A_467 = arith.constant 64 : index
        %get3A_468 = tpu.vector_load %arg6[%get3A_465, %get3A_466, %get3A_467] {strides = array<i32>} : memref<3x72x128xf32, #tpu.memory_space<vmem>>, vector<16xf32>,
        %sub3A_469 = arith.subf %get3A_463, %get3A_468 : vector<16xf32>
        %mul3A_470 = arith.mulf %sub3A_469, %sub3A_469 : vector<16xf32>
        %add3A_471 = arith.addf %add3A_363, %mul3A_470 : vector<16xf32>
        %get3A_472 = arith.constant 0 : i32
        %get3A_473 = arith.index_cast %get3A_472 : i32 to index
        %get3A_474 = arith.index_cast %add3A_406 : i32 to index
        %get3A_475 = arith.constant 80 : index
        %get3A_476 = tpu.vector_load %arg5[%get3A_473, %get3A_474, %get3A_475] {strides = array<i32>} : memref<3x72x128xf32, #tpu.memory_space<vmem>>, vector<16xf32>,
        %get3A_477 = arith.constant 0 : i32
        %get3A_478 = arith.index_cast %get3A_477 : i32 to index
        %get3A_479 = arith.index_cast %add3A_406 : i32 to index
        %get3A_480 = arith.constant 80 : index
        %get3A_481 = tpu.vector_load %arg6[%get3A_478, %get3A_479, %get3A_480] {strides = array<i32>} : memref<3x72x128xf32, #tpu.memory_space<vmem>>, vector<16xf32>,
        %sub3A_482 = arith.subf %get3A_476, %get3A_481 : vector<16xf32>
        %mul3A_483 = arith.mulf %sub3A_482, %sub3A_482 : vector<16xf32>
        %add3A_484 = arith.addf %add3A_376, %mul3A_483 : vector<16xf32>
        %get3A_485 = arith.constant 0 : i32
        %get3A_486 = arith.index_cast %get3A_485 : i32 to index
        %get3A_487 = arith.index_cast %add3A_406 : i32 to index
        %get3A_488 = arith.constant 96 : index
        %get3A_489 = tpu.vector_load %arg5[%get3A_486, %get3A_487, %get3A_488] {strides = array<i32>} : memref<3x72x128xf32, #tpu.memory_space<vmem>>, vector<16xf32>,
        %get3A_490 = arith.constant 0 : i32
        %get3A_491 = arith.index_cast %get3A_490 : i32 to index
        %get3A_492 = arith.index_cast %add3A_406 : i32 to index
        %get3A_493 = arith.constant 96 : index
        %get3A_494 = tpu.vector_load %arg6[%get3A_491, %get3A_492, %get3A_493] {strides = array<i32>} : memref<3x72x128xf32, #tpu.memory_space<vmem>>, vector<16xf32>,
        %sub3A_495 = arith.subf %get3A_489, %get3A_494 : vector<16xf32>
        %mul3A_496 = arith.mulf %sub3A_495, %sub3A_495 : vector<16xf32>
        %add3A_497 = arith.addf %add3A_389, %mul3A_496 : vector<16xf32>
        %get3A_498 = arith.constant 0 : i32
        %get3A_499 = arith.index_cast %get3A_498 : i32 to index
        %get3A_500 = arith.index_cast %add3A_406 : i32 to index
        %get3A_501 = arith.constant 112 : index
        %get3A_502 = tpu.vector_load %arg5[%get3A_499, %get3A_500, %get3A_501] {strides = array<i32>} : memref<3x72x128xf32, #tpu.memory_space<vmem>>, vector<16xf32>,
        %get3A_503 = arith.constant 0 : i32
        %get3A_504 = arith.index_cast %get3A_503 : i32 to index
        %get3A_505 = arith.index_cast %add3A_406 : i32 to index
        %get3A_506 = arith.constant 112 : index
        %get3A_507 = tpu.vector_load %arg6[%get3A_504, %get3A_505, %get3A_506] {strides = array<i32>} : memref<3x72x128xf32, #tpu.memory_space<vmem>>, vector<16xf32>,
        %sub3A_508 = arith.subf %get3A_502, %get3A_507 : vector<16xf32>
        %mul3A_509 = arith.mulf %sub3A_508, %sub3A_508 : vector<16xf32>
        %add3A_510 = arith.addf %add3A_402, %mul3A_509 : vector<16xf32>
        %mul3A_511 = arith.constant 4 : i32
        %mul3A_512 = arith.muli %scan3A_288, %mul3A_511 : i32
        %add3A_513 = arith.constant 2 : i32
        %add3A_514 = arith.addi %mul3A_512, %add3A_513 : i32
        %get3A_515 = arith.constant 0 : i32
        %get3A_516 = arith.index_cast %get3A_515 : i32 to index
        %get3A_517 = arith.index_cast %add3A_514 : i32 to index
        %get3A_518 = arith.constant 0 : index
        %get3A_519 = tpu.vector_load %arg5[%get3A_516, %get3A_517, %get3A_518] {strides = array<i32>} : memref<3x72x128xf32, #tpu.memory_space<vmem>>, vector<16xf32>,
        %get3A_520 = arith.constant 0 : i32
        %get3A_521 = arith.index_cast %get3A_520 : i32 to index
        %get3A_522 = arith.index_cast %add3A_514 : i32 to index
        %get3A_523 = arith.constant 0 : index
        %get3A_524 = tpu.vector_load %arg6[%get3A_521, %get3A_522, %get3A_523] {strides = array<i32>} : memref<3x72x128xf32, #tpu.memory_space<vmem>>, vector<16xf32>,
        %sub3A_525 = arith.subf %get3A_519, %get3A_524 : vector<16xf32>
        %mul3A_526 = arith.mulf %sub3A_525, %sub3A_525 : vector<16xf32>
        %add3A_527 = arith.addf %add3A_419, %mul3A_526 : vector<16xf32>
        %get3A_528 = arith.constant 0 : i32
        %get3A_529 = arith.index_cast %get3A_528 : i32 to index
        %get3A_530 = arith.index_cast %add3A_514 : i32 to index
        %get3A_531 = arith.constant 16 : index
        %get3A_532 = tpu.vector_load %arg5[%get3A_529, %get3A_530, %get3A_531] {strides = array<i32>} : memref<3x72x128xf32, #tpu.memory_space<vmem>>, vector<16xf32>,
        %get3A_533 = arith.constant 0 : i32
        %get3A_534 = arith.index_cast %get3A_533 : i32 to index
        %get3A_535 = arith.index_cast %add3A_514 : i32 to index
        %get3A_536 = arith.constant 16 : index
        %get3A_537 = tpu.vector_load %arg6[%get3A_534, %get3A_535, %get3A_536] {strides = array<i32>} : memref<3x72x128xf32, #tpu.memory_space<vmem>>, vector<16xf32>,
        %sub3A_538 = arith.subf %get3A_532, %get3A_537 : vector<16xf32>
        %mul3A_539 = arith.mulf %sub3A_538, %sub3A_538 : vector<16xf32>
        %add3A_540 = arith.addf %add3A_432, %mul3A_539 : vector<16xf32>
        %get3A_541 = arith.constant 0 : i32
        %get3A_542 = arith.index_cast %get3A_541 : i32 to index
        %get3A_543 = arith.index_cast %add3A_514 : i32 to index
        %get3A_544 = arith.constant 32 : index
        %get3A_545 = tpu.vector_load %arg5[%get3A_542, %get3A_543, %get3A_544] {strides = array<i32>} : memref<3x72x128xf32, #tpu.memory_space<vmem>>, vector<16xf32>,
        %get3A_546 = arith.constant 0 : i32
        %get3A_547 = arith.index_cast %get3A_546 : i32 to index
        %get3A_548 = arith.index_cast %add3A_514 : i32 to index
        %get3A_549 = arith.constant 32 : index
        %get3A_550 = tpu.vector_load %arg6[%get3A_547, %get3A_548, %get3A_549] {strides = array<i32>} : memref<3x72x128xf32, #tpu.memory_space<vmem>>, vector<16xf32>,
        %sub3A_551 = arith.subf %get3A_545, %get3A_550 : vector<16xf32>
        %mul3A_552 = arith.mulf %sub3A_551, %sub3A_551 : vector<16xf32>
        %add3A_553 = arith.addf %add3A_445, %mul3A_552 : vector<16xf32>
        %get3A_554 = arith.constant 0 : i32
        %get3A_555 = arith.index_cast %get3A_554 : i32 to index
        %get3A_556 = arith.index_cast %add3A_514 : i32 to index
        %get3A_557 = arith.constant 48 : index
        %get3A_558 = tpu.vector_load %arg5[%get3A_555, %get3A_556, %get3A_557] {strides = array<i32>} : memref<3x72x128xf32, #tpu.memory_space<vmem>>, vector<16xf32>,
        %get3A_559 = arith.constant 0 : i32
        %get3A_560 = arith.index_cast %get3A_559 : i32 to index
        %get3A_561 = arith.index_cast %add3A_514 : i32 to index
        %get3A_562 = arith.constant 48 : index
        %get3A_563 = tpu.vector_load %arg6[%get3A_560, %get3A_561, %get3A_562] {strides = array<i32>} : memref<3x72x128xf32, #tpu.memory_space<vmem>>, vector<16xf32>,
        %sub3A_564 = arith.subf %get3A_558, %get3A_563 : vector<16xf32>
        %mul3A_565 = arith.mulf %sub3A_564, %sub3A_564 : vector<16xf32>
        %add3A_566 = arith.addf %add3A_458, %mul3A_565 : vector<16xf32>
        %get3A_567 = arith.constant 0 : i32
        %get3A_568 = arith.index_cast %get3A_567 : i32 to index
        %get3A_569 = arith.index_cast %add3A_514 : i32 to index
        %get3A_570 = arith.constant 64 : index
        %get3A_571 = tpu.vector_load %arg5[%get3A_568, %get3A_569, %get3A_570] {strides = array<i32>} : memref<3x72x128xf32, #tpu.memory_space<vmem>>, vector<16xf32>,
        %get3A_572 = arith.constant 0 : i32
        %get3A_573 = arith.index_cast %get3A_572 : i32 to index
        %get3A_574 = arith.index_cast %add3A_514 : i32 to index
        %get3A_575 = arith.constant 64 : index
        %get3A_576 = tpu.vector_load %arg6[%get3A_573, %get3A_574, %get3A_575] {strides = array<i32>} : memref<3x72x128xf32, #tpu.memory_space<vmem>>, vector<16xf32>,
        %sub3A_577 = arith.subf %get3A_571, %get3A_576 : vector<16xf32>
        %mul3A_578 = arith.mulf %sub3A_577, %sub3A_577 : vector<16xf32>
        %add3A_579 = arith.addf %add3A_471, %mul3A_578 : vector<16xf32>
        %get3A_580 = arith.constant 0 : i32
        %get3A_581 = arith.index_cast %get3A_580 : i32 to index
        %get3A_582 = arith.index_cast %add3A_514 : i32 to index
        %get3A_583 = arith.constant 80 : index
        %get3A_584 = tpu.vector_load %arg5[%get3A_581, %get3A_582, %get3A_583] {strides = array<i32>} : memref<3x72x128xf32, #tpu.memory_space<vmem>>, vector<16xf32>,
        %get3A_585 = arith.constant 0 : i32
        %get3A_586 = arith.index_cast %get3A_585 : i32 to index
        %get3A_587 = arith.index_cast %add3A_514 : i32 to index
        %get3A_588 = arith.constant 80 : index
        %get3A_589 = tpu.vector_load %arg6[%get3A_586, %get3A_587, %get3A_588] {strides = array<i32>} : memref<3x72x128xf32, #tpu.memory_space<vmem>>, vector<16xf32>,
        %sub3A_590 = arith.subf %get3A_584, %get3A_589 : vector<16xf32>
        %mul3A_591 = arith.mulf %sub3A_590, %sub3A_590 : vector<16xf32>
        %add3A_592 = arith.addf %add3A_484, %mul3A_591 : vector<16xf32>
        %get3A_593 = arith.constant 0 : i32
        %get3A_594 = arith.index_cast %get3A_593 : i32 to index
        %get3A_595 = arith.index_cast %add3A_514 : i32 to index
        %get3A_596 = arith.constant 96 : index
        %get3A_597 = tpu.vector_load %arg5[%get3A_594, %get3A_595, %get3A_596] {strides = array<i32>} : memref<3x72x128xf32, #tpu.memory_space<vmem>>, vector<16xf32>,
        %get3A_598 = arith.constant 0 : i32
        %get3A_599 = arith.index_cast %get3A_598 : i32 to index
        %get3A_600 = arith.index_cast %add3A_514 : i32 to index
        %get3A_601 = arith.constant 96 : index
        %get3A_602 = tpu.vector_load %arg6[%get3A_599, %get3A_600, %get3A_601] {strides = array<i32>} : memref<3x72x128xf32, #tpu.memory_space<vmem>>, vector<16xf32>,
        %sub3A_603 = arith.subf %get3A_597, %get3A_602 : vector<16xf32>
        %mul3A_604 = arith.mulf %sub3A_603, %sub3A_603 : vector<16xf32>
        %add3A_605 = arith.addf %add3A_497, %mul3A_604 : vector<16xf32>
        %get3A_606 = arith.constant 0 : i32
        %get3A_607 = arith.index_cast %get3A_606 : i32 to index
        %get3A_608 = arith.index_cast %add3A_514 : i32 to index
        %get3A_609 = arith.constant 112 : index
        %get3A_610 = tpu.vector_load %arg5[%get3A_607, %get3A_608, %get3A_609] {strides = array<i32>} : memref<3x72x128xf32, #tpu.memory_space<vmem>>, vector<16xf32>,
        %get3A_611 = arith.constant 0 : i32
        %get3A_612 = arith.index_cast %get3A_611 : i32 to index
        %get3A_613 = arith.index_cast %add3A_514 : i32 to index
        %get3A_614 = arith.constant 112 : index
        %get3A_615 = tpu.vector_load %arg6[%get3A_612, %get3A_613, %get3A_614] {strides = array<i32>} : memref<3x72x128xf32, #tpu.memory_space<vmem>>, vector<16xf32>,
        %sub3A_616 = arith.subf %get3A_610, %get3A_615 : vector<16xf32>
        %mul3A_617 = arith.mulf %sub3A_616, %sub3A_616 : vector<16xf32>
        %add3A_618 = arith.addf %add3A_510, %mul3A_617 : vector<16xf32>
        %mul3A_619 = arith.constant 4 : i32
        %mul3A_620 = arith.muli %scan3A_288, %mul3A_619 : i32
        %add3A_621 = arith.constant 3 : i32
        %add3A_622 = arith.addi %mul3A_620, %add3A_621 : i32
        %get3A_623 = arith.constant 0 : i32
        %get3A_624 = arith.index_cast %get3A_623 : i32 to index
        %get3A_625 = arith.index_cast %add3A_622 : i32 to index
        %get3A_626 = arith.constant 0 : index
        %get3A_627 = tpu.vector_load %arg5[%get3A_624, %get3A_625, %get3A_626] {strides = array<i32>} : memref<3x72x128xf32, #tpu.memory_space<vmem>>, vector<16xf32>,
        %get3A_628 = arith.constant 0 : i32
        %get3A_629 = arith.index_cast %get3A_628 : i32 to index
        %get3A_630 = arith.index_cast %add3A_622 : i32 to index
        %get3A_631 = arith.constant 0 : index
        %get3A_632 = tpu.vector_load %arg6[%get3A_629, %get3A_630, %get3A_631] {strides = array<i32>} : memref<3x72x128xf32, #tpu.memory_space<vmem>>, vector<16xf32>,
        %sub3A_633 = arith.subf %get3A_627, %get3A_632 : vector<16xf32>
        %mul3A_634 = arith.mulf %sub3A_633, %sub3A_633 : vector<16xf32>
        %add3A_635 = arith.addf %add3A_527, %mul3A_634 : vector<16xf32>
        %get3A_636 = arith.constant 0 : i32
        %get3A_637 = arith.index_cast %get3A_636 : i32 to index
        %get3A_638 = arith.index_cast %add3A_622 : i32 to index
        %get3A_639 = arith.constant 16 : index
        %get3A_640 = tpu.vector_load %arg5[%get3A_637, %get3A_638, %get3A_639] {strides = array<i32>} : memref<3x72x128xf32, #tpu.memory_space<vmem>>, vector<16xf32>,
        %get3A_641 = arith.constant 0 : i32
        %get3A_642 = arith.index_cast %get3A_641 : i32 to index
        %get3A_643 = arith.index_cast %add3A_622 : i32 to index
        %get3A_644 = arith.constant 16 : index
        %get3A_645 = tpu.vector_load %arg6[%get3A_642, %get3A_643, %get3A_644] {strides = array<i32>} : memref<3x72x128xf32, #tpu.memory_space<vmem>>, vector<16xf32>,
        %sub3A_646 = arith.subf %get3A_640, %get3A_645 : vector<16xf32>
        %mul3A_647 = arith.mulf %sub3A_646, %sub3A_646 : vector<16xf32>
        %add3A_648 = arith.addf %add3A_540, %mul3A_647 : vector<16xf32>
        %get3A_649 = arith.constant 0 : i32
        %get3A_650 = arith.index_cast %get3A_649 : i32 to index
        %get3A_651 = arith.index_cast %add3A_622 : i32 to index
        %get3A_652 = arith.constant 32 : index
        %get3A_653 = tpu.vector_load %arg5[%get3A_650, %get3A_651, %get3A_652] {strides = array<i32>} : memref<3x72x128xf32, #tpu.memory_space<vmem>>, vector<16xf32>,
        %get3A_654 = arith.constant 0 : i32
        %get3A_655 = arith.index_cast %get3A_654 : i32 to index
        %get3A_656 = arith.index_cast %add3A_622 : i32 to index
        %get3A_657 = arith.constant 32 : index
        %get3A_658 = tpu.vector_load %arg6[%get3A_655, %get3A_656, %get3A_657] {strides = array<i32>} : memref<3x72x128xf32, #tpu.memory_space<vmem>>, vector<16xf32>,
        %sub3A_659 = arith.subf %get3A_653, %get3A_658 : vector<16xf32>
        %mul3A_660 = arith.mulf %sub3A_659, %sub3A_659 : vector<16xf32>
        %add3A_661 = arith.addf %add3A_553, %mul3A_660 : vector<16xf32>
        %get3A_662 = arith.constant 0 : i32
        %get3A_663 = arith.index_cast %get3A_662 : i32 to index
        %get3A_664 = arith.index_cast %add3A_622 : i32 to index
        %get3A_665 = arith.constant 48 : index
        %get3A_666 = tpu.vector_load %arg5[%get3A_663, %get3A_664, %get3A_665] {strides = array<i32>} : memref<3x72x128xf32, #tpu.memory_space<vmem>>, vector<16xf32>,
        %get3A_667 = arith.constant 0 : i32
        %get3A_668 = arith.index_cast %get3A_667 : i32 to index
        %get3A_669 = arith.index_cast %add3A_622 : i32 to index
        %get3A_670 = arith.constant 48 : index
        %get3A_671 = tpu.vector_load %arg6[%get3A_668, %get3A_669, %get3A_670] {strides = array<i32>} : memref<3x72x128xf32, #tpu.memory_space<vmem>>, vector<16xf32>,
        %sub3A_672 = arith.subf %get3A_666, %get3A_671 : vector<16xf32>
        %mul3A_673 = arith.mulf %sub3A_672, %sub3A_672 : vector<16xf32>
        %add3A_674 = arith.addf %add3A_566, %mul3A_673 : vector<16xf32>
        %get3A_675 = arith.constant 0 : i32
        %get3A_676 = arith.index_cast %get3A_675 : i32 to index
        %get3A_677 = arith.index_cast %add3A_622 : i32 to index
        %get3A_678 = arith.constant 64 : index
        %get3A_679 = tpu.vector_load %arg5[%get3A_676, %get3A_677, %get3A_678] {strides = array<i32>} : memref<3x72x128xf32, #tpu.memory_space<vmem>>, vector<16xf32>,
        %get3A_680 = arith.constant 0 : i32
        %get3A_681 = arith.index_cast %get3A_680 : i32 to index
        %get3A_682 = arith.index_cast %add3A_622 : i32 to index
        %get3A_683 = arith.constant 64 : index
        %get3A_684 = tpu.vector_load %arg6[%get3A_681, %get3A_682, %get3A_683] {strides = array<i32>} : memref<3x72x128xf32, #tpu.memory_space<vmem>>, vector<16xf32>,
        %sub3A_685 = arith.subf %get3A_679, %get3A_684 : vector<16xf32>
        %mul3A_686 = arith.mulf %sub3A_685, %sub3A_685 : vector<16xf32>
        %add3A_687 = arith.addf %add3A_579, %mul3A_686 : vector<16xf32>
        %get3A_688 = arith.constant 0 : i32
        %get3A_689 = arith.index_cast %get3A_688 : i32 to index
        %get3A_690 = arith.index_cast %add3A_622 : i32 to index
        %get3A_691 = arith.constant 80 : index
        %get3A_692 = tpu.vector_load %arg5[%get3A_689, %get3A_690, %get3A_691] {strides = array<i32>} : memref<3x72x128xf32, #tpu.memory_space<vmem>>, vector<16xf32>,
        %get3A_693 = arith.constant 0 : i32
        %get3A_694 = arith.index_cast %get3A_693 : i32 to index
        %get3A_695 = arith.index_cast %add3A_622 : i32 to index
        %get3A_696 = arith.constant 80 : index
        %get3A_697 = tpu.vector_load %arg6[%get3A_694, %get3A_695, %get3A_696] {strides = array<i32>} : memref<3x72x128xf32, #tpu.memory_space<vmem>>, vector<16xf32>,
        %sub3A_698 = arith.subf %get3A_692, %get3A_697 : vector<16xf32>
        %mul3A_699 = arith.mulf %sub3A_698, %sub3A_698 : vector<16xf32>
        %add3A_700 = arith.addf %add3A_592, %mul3A_699 : vector<16xf32>
        %get3A_701 = arith.constant 0 : i32
        %get3A_702 = arith.index_cast %get3A_701 : i32 to index
        %get3A_703 = arith.index_cast %add3A_622 : i32 to index
        %get3A_704 = arith.constant 96 : index
        %get3A_705 = tpu.vector_load %arg5[%get3A_702, %get3A_703, %get3A_704] {strides = array<i32>} : memref<3x72x128xf32, #tpu.memory_space<vmem>>, vector<16xf32>,
        %get3A_706 = arith.constant 0 : i32
        %get3A_707 = arith.index_cast %get3A_706 : i32 to index
        %get3A_708 = arith.index_cast %add3A_622 : i32 to index
        %get3A_709 = arith.constant 96 : index
        %get3A_710 = tpu.vector_load %arg6[%get3A_707, %get3A_708, %get3A_709] {strides = array<i32>} : memref<3x72x128xf32, #tpu.memory_space<vmem>>, vector<16xf32>,
        %sub3A_711 = arith.subf %get3A_705, %get3A_710 : vector<16xf32>
        %mul3A_712 = arith.mulf %sub3A_711, %sub3A_711 : vector<16xf32>
        %add3A_713 = arith.addf %add3A_605, %mul3A_712 : vector<16xf32>
        %get3A_714 = arith.constant 0 : i32
        %get3A_715 = arith.index_cast %get3A_714 : i32 to index
        %get3A_716 = arith.index_cast %add3A_622 : i32 to index
        %get3A_717 = arith.constant 112 : index
        %get3A_718 = tpu.vector_load %arg5[%get3A_715, %get3A_716, %get3A_717] {strides = array<i32>} : memref<3x72x128xf32, #tpu.memory_space<vmem>>, vector<16xf32>,
        %get3A_719 = arith.constant 0 : i32
        %get3A_720 = arith.index_cast %get3A_719 : i32 to index
        %get3A_721 = arith.index_cast %add3A_622 : i32 to index
        %get3A_722 = arith.constant 112 : index
        %get3A_723 = tpu.vector_load %arg6[%get3A_720, %get3A_721, %get3A_722] {strides = array<i32>} : memref<3x72x128xf32, #tpu.memory_space<vmem>>, vector<16xf32>,
        %sub3A_724 = arith.subf %get3A_718, %get3A_723 : vector<16xf32>
        %mul3A_725 = arith.mulf %sub3A_724, %sub3A_724 : vector<16xf32>
        %add3A_726 = arith.addf %add3A_618, %mul3A_725 : vector<16xf32>
        scf.yield %add3A_635, %add3A_648, %add3A_661, %add3A_674, %add3A_687, %add3A_700, %add3A_713, %add3A_726 : vector<16xf32>, vector<16xf32>, vector<16xf32>, vector<16xf32>, vector<16xf32>, vector<16xf32>, vector<16xf32>, vector<16xf32>
      }
      %scan3A_162 = arith.constant 18 : i32
      %add3A_163 = arith.constant 1 : i32
      %add3A_164 = arith.addi %scan3A_121, %add3A_163 : i32
      %lt3A = arith.constant 17 : i32
      %lt3A_165 = arith.cmpi slt, %add3A_164, %lt3A : i32
      %convert_element_type3A = arith.extui %lt3A_165 : i1 to i32
      %cond3A = arith.constant 0 : i32
      %cond3A_166 = arith.cmpi ne, %convert_element_type3A, %cond3A : i32
      scf.if %cond3A_166 {
        %add3A_288 = arith.constant 1 : i32
        %add3A_289 = arith.addi %scan3A_121, %add3A_288 : i32
        %add3A_290 = arith.constant 0 : i32
        %add3A_291 = arith.addi %mul3A_2, %add3A_290 : i32
        %dma_start3A_292 = arith.constant 0 : i32
        %dma_start3A_293 = arith.constant 0 : i32
        %dma_start3A_294 = arith.constant 0 : i32
        %dma_start3A_295 = arith.constant 0 : i32
        %dma_start3A_296 = tpu.memref_slice %arg5[%dma_start3A_292, %dma_start3A_294, %dma_start3A_295] : memref<3x72x128xf32, #tpu.memory_space<vmem>> -> memref<1x72x128xf32, #tpu.memory_space<vmem>>
        %dma_start3A_297 = tpu.memref_squeeze %dma_start3A_296 : memref<1x72x128xf32, #tpu.memory_space<vmem>> -> memref<72x128xf32, #tpu.memory_space<vmem>>
        %dma_start3A_298 = tpu.memref_slice %arg2[%add3A_289, %add3A_291, %mul3A_0] : memref<17x6912x256xf32, #tpu.memory_space<hbm>> -> memref<1x72x128xf32, #tpu.memory_space<hbm>>
        %dma_start3A_299 = tpu.memref_squeeze %dma_start3A_298 : memref<1x72x128xf32, #tpu.memory_space<hbm>> -> memref<72x128xf32, #tpu.memory_space<hbm>>
        %dma_start3A_300 = tpu.memref_slice %arg8[%dma_start3A_293] : memref<6x!tpu.dma_semaphore, #tpu.memory_space<semaphore_mem>> -> memref<1x!tpu.dma_semaphore, #tpu.memory_space<semaphore_mem>>
        %dma_start3A_301 = tpu.memref_squeeze %dma_start3A_300 : memref<1x!tpu.dma_semaphore, #tpu.memory_space<semaphore_mem>> -> memref<!tpu.dma_semaphore, #tpu.memory_space<semaphore_mem>>
        %dma_start3A_302 = arith.constant 0 : i32
        %dma_start3A_303 = arith.constant 0 : i32
        %dma_start3A_304 = tpu.memref_slice %arg5[%dma_start3A_292, %dma_start3A_302, %dma_start3A_303] : memref<3x72x128xf32, #tpu.memory_space<vmem>> -> memref<1x72x128xf32, #tpu.memory_space<vmem>>
        %dma_start3A_305 = tpu.memref_squeeze %dma_start3A_304 : memref<1x72x128xf32, #tpu.memory_space<vmem>> -> memref<72x128xf32, #tpu.memory_space<vmem>>
        %dma_start3A_306 = tpu.memref_slice %arg2[%add3A_289, %add3A_291, %mul3A_0] : memref<17x6912x256xf32, #tpu.memory_space<hbm>> -> memref<1x72x128xf32, #tpu.memory_space<hbm>>
        %dma_start3A_307 = tpu.memref_squeeze %dma_start3A_306 : memref<1x72x128xf32, #tpu.memory_space<hbm>> -> memref<72x128xf32, #tpu.memory_space<hbm>>
        tpu.enqueue_dma source(%dma_start3A_307 : memref<72x128xf32, #tpu.memory_space<hbm>>) target(%dma_start3A_305 : memref<72x128xf32, #tpu.memory_space<vmem>>) target_semaphore(%dma_start3A_301 : memref<!tpu.dma_semaphore, #tpu.memory_space<semaphore_mem>>)
        %add3A_308 = arith.constant 1 : i32
        %add3A_309 = arith.addi %scan3A_121, %add3A_308 : i32
        %add3A_310 = arith.constant 0 : i32
        %add3A_311 = arith.addi %mul3A_2, %add3A_310 : i32
        %dma_start3A_312 = arith.constant 0 : i32
        %dma_start3A_313 = arith.constant 3 : i32
        %dma_start3A_314 = arith.constant 0 : i32
        %dma_start3A_315 = arith.constant 0 : i32
        %dma_start3A_316 = tpu.memref_slice %arg6[%dma_start3A_312, %dma_start3A_314, %dma_start3A_315] : memref<3x72x128xf32, #tpu.memory_space<vmem>> -> memref<1x72x128xf32, #tpu.memory_space<vmem>>
        %dma_start3A_317 = tpu.memref_squeeze %dma_start3A_316 : memref<1x72x128xf32, #tpu.memory_space<vmem>> -> memref<72x128xf32, #tpu.memory_space<vmem>>
        %dma_start3A_318 = tpu.memref_slice %arg3[%add3A_309, %add3A_311, %mul3A_0] : memref<17x6912x256xf32, #tpu.memory_space<hbm>> -> memref<1x72x128xf32, #tpu.memory_space<hbm>>
        %dma_start3A_319 = tpu.memref_squeeze %dma_start3A_318 : memref<1x72x128xf32, #tpu.memory_space<hbm>> -> memref<72x128xf32, #tpu.memory_space<hbm>>
        %dma_start3A_320 = tpu.memref_slice %arg8[%dma_start3A_313] : memref<6x!tpu.dma_semaphore, #tpu.memory_space<semaphore_mem>> -> memref<1x!tpu.dma_semaphore, #tpu.memory_space<semaphore_mem>>
        %dma_start3A_321 = tpu.memref_squeeze %dma_start3A_320 : memref<1x!tpu.dma_semaphore, #tpu.memory_space<semaphore_mem>> -> memref<!tpu.dma_semaphore, #tpu.memory_space<semaphore_mem>>
        %dma_start3A_322 = arith.constant 0 : i32
        %dma_start3A_323 = arith.constant 0 : i32
        %dma_start3A_324 = tpu.memref_slice %arg6[%dma_start3A_312, %dma_start3A_322, %dma_start3A_323] : memref<3x72x128xf32, #tpu.memory_space<vmem>> -> memref<1x72x128xf32, #tpu.memory_space<vmem>>
        %dma_start3A_325 = tpu.memref_squeeze %dma_start3A_324 : memref<1x72x128xf32, #tpu.memory_space<vmem>> -> memref<72x128xf32, #tpu.memory_space<vmem>>
        %dma_start3A_326 = tpu.memref_slice %arg3[%add3A_309, %add3A_311, %mul3A_0] : memref<17x6912x256xf32, #tpu.memory_space<hbm>> -> memref<1x72x128xf32, #tpu.memory_space<hbm>>
        %dma_start3A_327 = tpu.memref_squeeze %dma_start3A_326 : memref<1x72x128xf32, #tpu.memory_space<hbm>> -> memref<72x128xf32, #tpu.memory_space<hbm>>
        tpu.enqueue_dma source(%dma_start3A_327 : memref<72x128xf32, #tpu.memory_space<hbm>>) target(%dma_start3A_325 : memref<72x128xf32, #tpu.memory_space<vmem>>) target_semaphore(%dma_start3A_321 : memref<!tpu.dma_semaphore, #tpu.memory_space<semaphore_mem>>)
      } else {
      }
      %add3A_167 = arith.constant 72 : i32
      %add3A_168 = arith.addi %mul3A_2, %add3A_167 : i32
      %dma_wait3A_169 = arith.constant 1 : i32
      %dma_wait3A_170 = arith.constant 1 : i32
      %dma_wait3A_171 = arith.constant 0 : i32
      %dma_wait3A_172 = arith.constant 0 : i32
      %dma_wait3A_173 = tpu.memref_slice %arg5[%dma_wait3A_169, %dma_wait3A_171, %dma_wait3A_172] : memref<3x72x128xf32, #tpu.memory_space<vmem>> -> memref<1x72x128xf32, #tpu.memory_space<vmem>>
      %dma_wait3A_174 = tpu.memref_squeeze %dma_wait3A_173 : memref<1x72x128xf32, #tpu.memory_space<vmem>> -> memref<72x128xf32, #tpu.memory_space<vmem>>
      %dma_wait3A_175 = tpu.memref_slice %arg2[%scan3A_121, %add3A_168, %mul3A_0] : memref<17x6912x256xf32, #tpu.memory_space<hbm>> -> memref<1x72x128xf32, #tpu.memory_space<hbm>>
      %dma_wait3A_176 = tpu.memref_squeeze %dma_wait3A_175 : memref<1x72x128xf32, #tpu.memory_space<hbm>> -> memref<72x128xf32, #tpu.memory_space<hbm>>
      %dma_wait3A_177 = tpu.memref_slice %arg8[%dma_wait3A_170] : memref<6x!tpu.dma_semaphore, #tpu.memory_space<semaphore_mem>> -> memref<1x!tpu.dma_semaphore, #tpu.memory_space<semaphore_mem>>
      %dma_wait3A_178 = tpu.memref_squeeze %dma_wait3A_177 : memref<1x!tpu.dma_semaphore, #tpu.memory_space<semaphore_mem>> -> memref<!tpu.dma_semaphore, #tpu.memory_space<semaphore_mem>>
      %dma_wait3A_179 = arith.constant 0 : i32
      %dma_wait3A_180 = arith.constant 0 : i32
      %dma_wait3A_181 = tpu.memref_slice %arg5[%dma_wait3A_169, %dma_wait3A_179, %dma_wait3A_180] : memref<3x72x128xf32, #tpu.memory_space<vmem>> -> memref<1x72x128xf32, #tpu.memory_space<vmem>>
      %dma_wait3A_182 = tpu.memref_squeeze %dma_wait3A_181 : memref<1x72x128xf32, #tpu.memory_space<vmem>> -> memref<72x128xf32, #tpu.memory_space<vmem>>
      %dma_wait3A_183 = tpu.memref_slice %arg2[%scan3A_121, %add3A_168, %mul3A_0] : memref<17x6912x256xf32, #tpu.memory_space<hbm>> -> memref<1x72x128xf32, #tpu.memory_space<hbm>>
      %dma_wait3A_184 = tpu.memref_squeeze %dma_wait3A_183 : memref<1x72x128xf32, #tpu.memory_space<hbm>> -> memref<72x128xf32, #tpu.memory_space<hbm>>
      tpu.wait_dma2 semaphore(%dma_wait3A_178 : memref<!tpu.dma_semaphore, #tpu.memory_space<semaphore_mem>>) src(%dma_wait3A_184 : memref<72x128xf32, #tpu.memory_space<hbm>>) dst(%dma_wait3A_182 : memref<72x128xf32, #tpu.memory_space<vmem>>)
      %add3A_185 = arith.constant 72 : i32
      %add3A_186 = arith.addi %mul3A_2, %add3A_185 : i32
      %dma_wait3A_187 = arith.constant 1 : i32
      %dma_wait3A_188 = arith.constant 4 : i32
      %dma_wait3A_189 = arith.constant 0 : i32
      %dma_wait3A_190 = arith.constant 0 : i32
      %dma_wait3A_191 = tpu.memref_slice %arg6[%dma_wait3A_187, %dma_wait3A_189, %dma_wait3A_190] : memref<3x72x128xf32, #tpu.memory_space<vmem>> -> memref<1x72x128xf32, #tpu.memory_space<vmem>>
      %dma_wait3A_192 = tpu.memref_squeeze %dma_wait3A_191 : memref<1x72x128xf32, #tpu.memory_space<vmem>> -> memref<72x128xf32, #tpu.memory_space<vmem>>
      %dma_wait3A_193 = tpu.memref_slice %arg3[%scan3A_121, %add3A_186, %mul3A_0] : memref<17x6912x256xf32, #tpu.memory_space<hbm>> -> memref<1x72x128xf32, #tpu.memory_space<hbm>>
      %dma_wait3A_194 = tpu.memref_squeeze %dma_wait3A_193 : memref<1x72x128xf32, #tpu.memory_space<hbm>> -> memref<72x128xf32, #tpu.memory_space<hbm>>
      %dma_wait3A_195 = tpu.memref_slice %arg8[%dma_wait3A_188] : memref<6x!tpu.dma_semaphore, #tpu.memory_space<semaphore_mem>> -> memref<1x!tpu.dma_semaphore, #tpu.memory_space<semaphore_mem>>
      %dma_wait3A_196 = tpu.memref_squeeze %dma_wait3A_195 : memref<1x!tpu.dma_semaphore, #tpu.memory_space<semaphore_mem>> -> memref<!tpu.dma_semaphore, #tpu.memory_space<semaphore_mem>>
      %dma_wait3A_197 = arith.constant 0 : i32
      %dma_wait3A_198 = arith.constant 0 : i32
      %dma_wait3A_199 = tpu.memref_slice %arg6[%dma_wait3A_187, %dma_wait3A_197, %dma_wait3A_198] : memref<3x72x128xf32, #tpu.memory_space<vmem>> -> memref<1x72x128xf32, #tpu.memory_space<vmem>>
      %dma_wait3A_200 = tpu.memref_squeeze %dma_wait3A_199 : memref<1x72x128xf32, #tpu.memory_space<vmem>> -> memref<72x128xf32, #tpu.memory_space<vmem>>
      %dma_wait3A_201 = tpu.memref_slice %arg3[%scan3A_121, %add3A_186, %mul3A_0] : memref<17x6912x256xf32, #tpu.memory_space<hbm>> -> memref<1x72x128xf32, #tpu.memory_space<hbm>>
      %dma_wait3A_202 = tpu.memref_squeeze %dma_wait3A_201 : memref<1x72x128xf32, #tpu.memory_space<hbm>> -> memref<72x128xf32, #tpu.memory_space<hbm>>
      tpu.wait_dma2 semaphore(%dma_wait3A_196 : memref<!tpu.dma_semaphore, #tpu.memory_space<semaphore_mem>>) src(%dma_wait3A_202 : memref<72x128xf32, #tpu.memory_space<hbm>>) dst(%dma_wait3A_200 : memref<72x128xf32, #tpu.memory_space<vmem>>)
      %scan3A_203 = arith.constant 0 : i32
      %scan3A_204 = arith.constant 18 : i32
      %scan3A_205 = arith.addi %scan3A_203, %scan3A_204 : i32
      %scan3A_206 = arith.constant 1 : i32
      %scan3A_207:8 = scf.for %scan3A_288 = %scan3A_203 to %scan3A_205 step %scan3A_206 iter_args(%scan3A_289 = %scan3A_161#0, %scan3A_290 = %scan3A_161#1, %scan3A_291 = %scan3A_161#2, %scan3A_292 = %scan3A_161#3, %scan3A_293 = %scan3A_161#4, %scan3A_294 = %scan3A_161#5, %scan3A_295 = %scan3A_161#6, %scan3A_296 = %scan3A_161#7) -> (vector<16xf32>, vector<16xf32>, vector<16xf32>, vector<16xf32>, vector<16xf32>, vector<16xf32>, vector<16xf32>, vector<16xf32>)  : i32 {
        %mul3A_297 = arith.constant 4 : i32
        %mul3A_298 = arith.muli %scan3A_288, %mul3A_297 : i32
        %add3A_299 = arith.constant 0 : i32
        %add3A_300 = arith.addi %mul3A_298, %add3A_299 : i32
        %get3A = arith.constant 1 : i32
        %get3A_301 = arith.index_cast %get3A : i32 to index
        %get3A_302 = arith.index_cast %add3A_300 : i32 to index
        %get3A_303 = arith.constant 0 : index
        %get3A_304 = tpu.vector_load %arg5[%get3A_301, %get3A_302, %get3A_303] {strides = array<i32>} : memref<3x72x128xf32, #tpu.memory_space<vmem>>, vector<16xf32>,
        %get3A_305 = arith.constant 1 : i32
        %get3A_306 = arith.index_cast %get3A_305 : i32 to index
        %get3A_307 = arith.index_cast %add3A_300 : i32 to index
        %get3A_308 = arith.constant 0 : index
        %get3A_309 = tpu.vector_load %arg6[%get3A_306, %get3A_307, %get3A_308] {strides = array<i32>} : memref<3x72x128xf32, #tpu.memory_space<vmem>>, vector<16xf32>,
        %sub3A = arith.subf %get3A_304, %get3A_309 : vector<16xf32>
        %mul3A_310 = arith.mulf %sub3A, %sub3A : vector<16xf32>
        %add3A_311 = arith.addf %scan3A_289, %mul3A_310 : vector<16xf32>
        %get3A_312 = arith.constant 1 : i32
        %get3A_313 = arith.index_cast %get3A_312 : i32 to index
        %get3A_314 = arith.index_cast %add3A_300 : i32 to index
        %get3A_315 = arith.constant 16 : index
        %get3A_316 = tpu.vector_load %arg5[%get3A_313, %get3A_314, %get3A_315] {strides = array<i32>} : memref<3x72x128xf32, #tpu.memory_space<vmem>>, vector<16xf32>,
        %get3A_317 = arith.constant 1 : i32
        %get3A_318 = arith.index_cast %get3A_317 : i32 to index
        %get3A_319 = arith.index_cast %add3A_300 : i32 to index
        %get3A_320 = arith.constant 16 : index
        %get3A_321 = tpu.vector_load %arg6[%get3A_318, %get3A_319, %get3A_320] {strides = array<i32>} : memref<3x72x128xf32, #tpu.memory_space<vmem>>, vector<16xf32>,
        %sub3A_322 = arith.subf %get3A_316, %get3A_321 : vector<16xf32>
        %mul3A_323 = arith.mulf %sub3A_322, %sub3A_322 : vector<16xf32>
        %add3A_324 = arith.addf %scan3A_290, %mul3A_323 : vector<16xf32>
        %get3A_325 = arith.constant 1 : i32
        %get3A_326 = arith.index_cast %get3A_325 : i32 to index
        %get3A_327 = arith.index_cast %add3A_300 : i32 to index
        %get3A_328 = arith.constant 32 : index
        %get3A_329 = tpu.vector_load %arg5[%get3A_326, %get3A_327, %get3A_328] {strides = array<i32>} : memref<3x72x128xf32, #tpu.memory_space<vmem>>, vector<16xf32>,
        %get3A_330 = arith.constant 1 : i32
        %get3A_331 = arith.index_cast %get3A_330 : i32 to index
        %get3A_332 = arith.index_cast %add3A_300 : i32 to index
        %get3A_333 = arith.constant 32 : index
        %get3A_334 = tpu.vector_load %arg6[%get3A_331, %get3A_332, %get3A_333] {strides = array<i32>} : memref<3x72x128xf32, #tpu.memory_space<vmem>>, vector<16xf32>,
        %sub3A_335 = arith.subf %get3A_329, %get3A_334 : vector<16xf32>
        %mul3A_336 = arith.mulf %sub3A_335, %sub3A_335 : vector<16xf32>
        %add3A_337 = arith.addf %scan3A_291, %mul3A_336 : vector<16xf32>
        %get3A_338 = arith.constant 1 : i32
        %get3A_339 = arith.index_cast %get3A_338 : i32 to index
        %get3A_340 = arith.index_cast %add3A_300 : i32 to index
        %get3A_341 = arith.constant 48 : index
        %get3A_342 = tpu.vector_load %arg5[%get3A_339, %get3A_340, %get3A_341] {strides = array<i32>} : memref<3x72x128xf32, #tpu.memory_space<vmem>>, vector<16xf32>,
        %get3A_343 = arith.constant 1 : i32
        %get3A_344 = arith.index_cast %get3A_343 : i32 to index
        %get3A_345 = arith.index_cast %add3A_300 : i32 to index
        %get3A_346 = arith.constant 48 : index
        %get3A_347 = tpu.vector_load %arg6[%get3A_344, %get3A_345, %get3A_346] {strides = array<i32>} : memref<3x72x128xf32, #tpu.memory_space<vmem>>, vector<16xf32>,
        %sub3A_348 = arith.subf %get3A_342, %get3A_347 : vector<16xf32>
        %mul3A_349 = arith.mulf %sub3A_348, %sub3A_348 : vector<16xf32>
        %add3A_350 = arith.addf %scan3A_292, %mul3A_349 : vector<16xf32>
        %get3A_351 = arith.constant 1 : i32
        %get3A_352 = arith.index_cast %get3A_351 : i32 to index
        %get3A_353 = arith.index_cast %add3A_300 : i32 to index
        %get3A_354 = arith.constant 64 : index
        %get3A_355 = tpu.vector_load %arg5[%get3A_352, %get3A_353, %get3A_354] {strides = array<i32>} : memref<3x72x128xf32, #tpu.memory_space<vmem>>, vector<16xf32>,
        %get3A_356 = arith.constant 1 : i32
        %get3A_357 = arith.index_cast %get3A_356 : i32 to index
        %get3A_358 = arith.index_cast %add3A_300 : i32 to index
        %get3A_359 = arith.constant 64 : index
        %get3A_360 = tpu.vector_load %arg6[%get3A_357, %get3A_358, %get3A_359] {strides = array<i32>} : memref<3x72x128xf32, #tpu.memory_space<vmem>>, vector<16xf32>,
        %sub3A_361 = arith.subf %get3A_355, %get3A_360 : vector<16xf32>
        %mul3A_362 = arith.mulf %sub3A_361, %sub3A_361 : vector<16xf32>
        %add3A_363 = arith.addf %scan3A_293, %mul3A_362 : vector<16xf32>
        %get3A_364 = arith.constant 1 : i32
        %get3A_365 = arith.index_cast %get3A_364 : i32 to index
        %get3A_366 = arith.index_cast %add3A_300 : i32 to index
        %get3A_367 = arith.constant 80 : index
        %get3A_368 = tpu.vector_load %arg5[%get3A_365, %get3A_366, %get3A_367] {strides = array<i32>} : memref<3x72x128xf32, #tpu.memory_space<vmem>>, vector<16xf32>,
        %get3A_369 = arith.constant 1 : i32
        %get3A_370 = arith.index_cast %get3A_369 : i32 to index
        %get3A_371 = arith.index_cast %add3A_300 : i32 to index
        %get3A_372 = arith.constant 80 : index
        %get3A_373 = tpu.vector_load %arg6[%get3A_370, %get3A_371, %get3A_372] {strides = array<i32>} : memref<3x72x128xf32, #tpu.memory_space<vmem>>, vector<16xf32>,
        %sub3A_374 = arith.subf %get3A_368, %get3A_373 : vector<16xf32>
        %mul3A_375 = arith.mulf %sub3A_374, %sub3A_374 : vector<16xf32>
        %add3A_376 = arith.addf %scan3A_294, %mul3A_375 : vector<16xf32>
        %get3A_377 = arith.constant 1 : i32
        %get3A_378 = arith.index_cast %get3A_377 : i32 to index
        %get3A_379 = arith.index_cast %add3A_300 : i32 to index
        %get3A_380 = arith.constant 96 : index
        %get3A_381 = tpu.vector_load %arg5[%get3A_378, %get3A_379, %get3A_380] {strides = array<i32>} : memref<3x72x128xf32, #tpu.memory_space<vmem>>, vector<16xf32>,
        %get3A_382 = arith.constant 1 : i32
        %get3A_383 = arith.index_cast %get3A_382 : i32 to index
        %get3A_384 = arith.index_cast %add3A_300 : i32 to index
        %get3A_385 = arith.constant 96 : index
        %get3A_386 = tpu.vector_load %arg6[%get3A_383, %get3A_384, %get3A_385] {strides = array<i32>} : memref<3x72x128xf32, #tpu.memory_space<vmem>>, vector<16xf32>,
        %sub3A_387 = arith.subf %get3A_381, %get3A_386 : vector<16xf32>
        %mul3A_388 = arith.mulf %sub3A_387, %sub3A_387 : vector<16xf32>
        %add3A_389 = arith.addf %scan3A_295, %mul3A_388 : vector<16xf32>
        %get3A_390 = arith.constant 1 : i32
        %get3A_391 = arith.index_cast %get3A_390 : i32 to index
        %get3A_392 = arith.index_cast %add3A_300 : i32 to index
        %get3A_393 = arith.constant 112 : index
        %get3A_394 = tpu.vector_load %arg5[%get3A_391, %get3A_392, %get3A_393] {strides = array<i32>} : memref<3x72x128xf32, #tpu.memory_space<vmem>>, vector<16xf32>,
        %get3A_395 = arith.constant 1 : i32
        %get3A_396 = arith.index_cast %get3A_395 : i32 to index
        %get3A_397 = arith.index_cast %add3A_300 : i32 to index
        %get3A_398 = arith.constant 112 : index
        %get3A_399 = tpu.vector_load %arg6[%get3A_396, %get3A_397, %get3A_398] {strides = array<i32>} : memref<3x72x128xf32, #tpu.memory_space<vmem>>, vector<16xf32>,
        %sub3A_400 = arith.subf %get3A_394, %get3A_399 : vector<16xf32>
        %mul3A_401 = arith.mulf %sub3A_400, %sub3A_400 : vector<16xf32>
        %add3A_402 = arith.addf %scan3A_296, %mul3A_401 : vector<16xf32>
        %mul3A_403 = arith.constant 4 : i32
        %mul3A_404 = arith.muli %scan3A_288, %mul3A_403 : i32
        %add3A_405 = arith.constant 1 : i32
        %add3A_406 = arith.addi %mul3A_404, %add3A_405 : i32
        %get3A_407 = arith.constant 1 : i32
        %get3A_408 = arith.index_cast %get3A_407 : i32 to index
        %get3A_409 = arith.index_cast %add3A_406 : i32 to index
        %get3A_410 = arith.constant 0 : index
        %get3A_411 = tpu.vector_load %arg5[%get3A_408, %get3A_409, %get3A_410] {strides = array<i32>} : memref<3x72x128xf32, #tpu.memory_space<vmem>>, vector<16xf32>,
        %get3A_412 = arith.constant 1 : i32
        %get3A_413 = arith.index_cast %get3A_412 : i32 to index
        %get3A_414 = arith.index_cast %add3A_406 : i32 to index
        %get3A_415 = arith.constant 0 : index
        %get3A_416 = tpu.vector_load %arg6[%get3A_413, %get3A_414, %get3A_415] {strides = array<i32>} : memref<3x72x128xf32, #tpu.memory_space<vmem>>, vector<16xf32>,
        %sub3A_417 = arith.subf %get3A_411, %get3A_416 : vector<16xf32>
        %mul3A_418 = arith.mulf %sub3A_417, %sub3A_417 : vector<16xf32>
        %add3A_419 = arith.addf %add3A_311, %mul3A_418 : vector<16xf32>
        %get3A_420 = arith.constant 1 : i32
        %get3A_421 = arith.index_cast %get3A_420 : i32 to index
        %get3A_422 = arith.index_cast %add3A_406 : i32 to index
        %get3A_423 = arith.constant 16 : index
        %get3A_424 = tpu.vector_load %arg5[%get3A_421, %get3A_422, %get3A_423] {strides = array<i32>} : memref<3x72x128xf32, #tpu.memory_space<vmem>>, vector<16xf32>,
        %get3A_425 = arith.constant 1 : i32
        %get3A_426 = arith.index_cast %get3A_425 : i32 to index
        %get3A_427 = arith.index_cast %add3A_406 : i32 to index
        %get3A_428 = arith.constant 16 : index
        %get3A_429 = tpu.vector_load %arg6[%get3A_426, %get3A_427, %get3A_428] {strides = array<i32>} : memref<3x72x128xf32, #tpu.memory_space<vmem>>, vector<16xf32>,
        %sub3A_430 = arith.subf %get3A_424, %get3A_429 : vector<16xf32>
        %mul3A_431 = arith.mulf %sub3A_430, %sub3A_430 : vector<16xf32>
        %add3A_432 = arith.addf %add3A_324, %mul3A_431 : vector<16xf32>
        %get3A_433 = arith.constant 1 : i32
        %get3A_434 = arith.index_cast %get3A_433 : i32 to index
        %get3A_435 = arith.index_cast %add3A_406 : i32 to index
        %get3A_436 = arith.constant 32 : index
        %get3A_437 = tpu.vector_load %arg5[%get3A_434, %get3A_435, %get3A_436] {strides = array<i32>} : memref<3x72x128xf32, #tpu.memory_space<vmem>>, vector<16xf32>,
        %get3A_438 = arith.constant 1 : i32
        %get3A_439 = arith.index_cast %get3A_438 : i32 to index
        %get3A_440 = arith.index_cast %add3A_406 : i32 to index
        %get3A_441 = arith.constant 32 : index
        %get3A_442 = tpu.vector_load %arg6[%get3A_439, %get3A_440, %get3A_441] {strides = array<i32>} : memref<3x72x128xf32, #tpu.memory_space<vmem>>, vector<16xf32>,
        %sub3A_443 = arith.subf %get3A_437, %get3A_442 : vector<16xf32>
        %mul3A_444 = arith.mulf %sub3A_443, %sub3A_443 : vector<16xf32>
        %add3A_445 = arith.addf %add3A_337, %mul3A_444 : vector<16xf32>
        %get3A_446 = arith.constant 1 : i32
        %get3A_447 = arith.index_cast %get3A_446 : i32 to index
        %get3A_448 = arith.index_cast %add3A_406 : i32 to index
        %get3A_449 = arith.constant 48 : index
        %get3A_450 = tpu.vector_load %arg5[%get3A_447, %get3A_448, %get3A_449] {strides = array<i32>} : memref<3x72x128xf32, #tpu.memory_space<vmem>>, vector<16xf32>,
        %get3A_451 = arith.constant 1 : i32
        %get3A_452 = arith.index_cast %get3A_451 : i32 to index
        %get3A_453 = arith.index_cast %add3A_406 : i32 to index
        %get3A_454 = arith.constant 48 : index
        %get3A_455 = tpu.vector_load %arg6[%get3A_452, %get3A_453, %get3A_454] {strides = array<i32>} : memref<3x72x128xf32, #tpu.memory_space<vmem>>, vector<16xf32>,
        %sub3A_456 = arith.subf %get3A_450, %get3A_455 : vector<16xf32>
        %mul3A_457 = arith.mulf %sub3A_456, %sub3A_456 : vector<16xf32>
        %add3A_458 = arith.addf %add3A_350, %mul3A_457 : vector<16xf32>
        %get3A_459 = arith.constant 1 : i32
        %get3A_460 = arith.index_cast %get3A_459 : i32 to index
        %get3A_461 = arith.index_cast %add3A_406 : i32 to index
        %get3A_462 = arith.constant 64 : index
        %get3A_463 = tpu.vector_load %arg5[%get3A_460, %get3A_461, %get3A_462] {strides = array<i32>} : memref<3x72x128xf32, #tpu.memory_space<vmem>>, vector<16xf32>,
        %get3A_464 = arith.constant 1 : i32
        %get3A_465 = arith.index_cast %get3A_464 : i32 to index
        %get3A_466 = arith.index_cast %add3A_406 : i32 to index
        %get3A_467 = arith.constant 64 : index
        %get3A_468 = tpu.vector_load %arg6[%get3A_465, %get3A_466, %get3A_467] {strides = array<i32>} : memref<3x72x128xf32, #tpu.memory_space<vmem>>, vector<16xf32>,
        %sub3A_469 = arith.subf %get3A_463, %get3A_468 : vector<16xf32>
        %mul3A_470 = arith.mulf %sub3A_469, %sub3A_469 : vector<16xf32>
        %add3A_471 = arith.addf %add3A_363, %mul3A_470 : vector<16xf32>
        %get3A_472 = arith.constant 1 : i32
        %get3A_473 = arith.index_cast %get3A_472 : i32 to index
        %get3A_474 = arith.index_cast %add3A_406 : i32 to index
        %get3A_475 = arith.constant 80 : index
        %get3A_476 = tpu.vector_load %arg5[%get3A_473, %get3A_474, %get3A_475] {strides = array<i32>} : memref<3x72x128xf32, #tpu.memory_space<vmem>>, vector<16xf32>,
        %get3A_477 = arith.constant 1 : i32
        %get3A_478 = arith.index_cast %get3A_477 : i32 to index
        %get3A_479 = arith.index_cast %add3A_406 : i32 to index
        %get3A_480 = arith.constant 80 : index
        %get3A_481 = tpu.vector_load %arg6[%get3A_478, %get3A_479, %get3A_480] {strides = array<i32>} : memref<3x72x128xf32, #tpu.memory_space<vmem>>, vector<16xf32>,
        %sub3A_482 = arith.subf %get3A_476, %get3A_481 : vector<16xf32>
        %mul3A_483 = arith.mulf %sub3A_482, %sub3A_482 : vector<16xf32>
        %add3A_484 = arith.addf %add3A_376, %mul3A_483 : vector<16xf32>
        %get3A_485 = arith.constant 1 : i32
        %get3A_486 = arith.index_cast %get3A_485 : i32 to index
        %get3A_487 = arith.index_cast %add3A_406 : i32 to index
        %get3A_488 = arith.constant 96 : index
        %get3A_489 = tpu.vector_load %arg5[%get3A_486, %get3A_487, %get3A_488] {strides = array<i32>} : memref<3x72x128xf32, #tpu.memory_space<vmem>>, vector<16xf32>,
        %get3A_490 = arith.constant 1 : i32
        %get3A_491 = arith.index_cast %get3A_490 : i32 to index
        %get3A_492 = arith.index_cast %add3A_406 : i32 to index
        %get3A_493 = arith.constant 96 : index
        %get3A_494 = tpu.vector_load %arg6[%get3A_491, %get3A_492, %get3A_493] {strides = array<i32>} : memref<3x72x128xf32, #tpu.memory_space<vmem>>, vector<16xf32>,
        %sub3A_495 = arith.subf %get3A_489, %get3A_494 : vector<16xf32>
        %mul3A_496 = arith.mulf %sub3A_495, %sub3A_495 : vector<16xf32>
        %add3A_497 = arith.addf %add3A_389, %mul3A_496 : vector<16xf32>
        %get3A_498 = arith.constant 1 : i32
        %get3A_499 = arith.index_cast %get3A_498 : i32 to index
        %get3A_500 = arith.index_cast %add3A_406 : i32 to index
        %get3A_501 = arith.constant 112 : index
        %get3A_502 = tpu.vector_load %arg5[%get3A_499, %get3A_500, %get3A_501] {strides = array<i32>} : memref<3x72x128xf32, #tpu.memory_space<vmem>>, vector<16xf32>,
        %get3A_503 = arith.constant 1 : i32
        %get3A_504 = arith.index_cast %get3A_503 : i32 to index
        %get3A_505 = arith.index_cast %add3A_406 : i32 to index
        %get3A_506 = arith.constant 112 : index
        %get3A_507 = tpu.vector_load %arg6[%get3A_504, %get3A_505, %get3A_506] {strides = array<i32>} : memref<3x72x128xf32, #tpu.memory_space<vmem>>, vector<16xf32>,
        %sub3A_508 = arith.subf %get3A_502, %get3A_507 : vector<16xf32>
        %mul3A_509 = arith.mulf %sub3A_508, %sub3A_508 : vector<16xf32>
        %add3A_510 = arith.addf %add3A_402, %mul3A_509 : vector<16xf32>
        %mul3A_511 = arith.constant 4 : i32
        %mul3A_512 = arith.muli %scan3A_288, %mul3A_511 : i32
        %add3A_513 = arith.constant 2 : i32
        %add3A_514 = arith.addi %mul3A_512, %add3A_513 : i32
        %get3A_515 = arith.constant 1 : i32
        %get3A_516 = arith.index_cast %get3A_515 : i32 to index
        %get3A_517 = arith.index_cast %add3A_514 : i32 to index
        %get3A_518 = arith.constant 0 : index
        %get3A_519 = tpu.vector_load %arg5[%get3A_516, %get3A_517, %get3A_518] {strides = array<i32>} : memref<3x72x128xf32, #tpu.memory_space<vmem>>, vector<16xf32>,
        %get3A_520 = arith.constant 1 : i32
        %get3A_521 = arith.index_cast %get3A_520 : i32 to index
        %get3A_522 = arith.index_cast %add3A_514 : i32 to index
        %get3A_523 = arith.constant 0 : index
        %get3A_524 = tpu.vector_load %arg6[%get3A_521, %get3A_522, %get3A_523] {strides = array<i32>} : memref<3x72x128xf32, #tpu.memory_space<vmem>>, vector<16xf32>,
        %sub3A_525 = arith.subf %get3A_519, %get3A_524 : vector<16xf32>
        %mul3A_526 = arith.mulf %sub3A_525, %sub3A_525 : vector<16xf32>
        %add3A_527 = arith.addf %add3A_419, %mul3A_526 : vector<16xf32>
        %get3A_528 = arith.constant 1 : i32
        %get3A_529 = arith.index_cast %get3A_528 : i32 to index
        %get3A_530 = arith.index_cast %add3A_514 : i32 to index
        %get3A_531 = arith.constant 16 : index
        %get3A_532 = tpu.vector_load %arg5[%get3A_529, %get3A_530, %get3A_531] {strides = array<i32>} : memref<3x72x128xf32, #tpu.memory_space<vmem>>, vector<16xf32>,
        %get3A_533 = arith.constant 1 : i32
        %get3A_534 = arith.index_cast %get3A_533 : i32 to index
        %get3A_535 = arith.index_cast %add3A_514 : i32 to index
        %get3A_536 = arith.constant 16 : index
        %get3A_537 = tpu.vector_load %arg6[%get3A_534, %get3A_535, %get3A_536] {strides = array<i32>} : memref<3x72x128xf32, #tpu.memory_space<vmem>>, vector<16xf32>,
        %sub3A_538 = arith.subf %get3A_532, %get3A_537 : vector<16xf32>
        %mul3A_539 = arith.mulf %sub3A_538, %sub3A_538 : vector<16xf32>
        %add3A_540 = arith.addf %add3A_432, %mul3A_539 : vector<16xf32>
        %get3A_541 = arith.constant 1 : i32
        %get3A_542 = arith.index_cast %get3A_541 : i32 to index
        %get3A_543 = arith.index_cast %add3A_514 : i32 to index
        %get3A_544 = arith.constant 32 : index
        %get3A_545 = tpu.vector_load %arg5[%get3A_542, %get3A_543, %get3A_544] {strides = array<i32>} : memref<3x72x128xf32, #tpu.memory_space<vmem>>, vector<16xf32>,
        %get3A_546 = arith.constant 1 : i32
        %get3A_547 = arith.index_cast %get3A_546 : i32 to index
        %get3A_548 = arith.index_cast %add3A_514 : i32 to index
        %get3A_549 = arith.constant 32 : index
        %get3A_550 = tpu.vector_load %arg6[%get3A_547, %get3A_548, %get3A_549] {strides = array<i32>} : memref<3x72x128xf32, #tpu.memory_space<vmem>>, vector<16xf32>,
        %sub3A_551 = arith.subf %get3A_545, %get3A_550 : vector<16xf32>
        %mul3A_552 = arith.mulf %sub3A_551, %sub3A_551 : vector<16xf32>
        %add3A_553 = arith.addf %add3A_445, %mul3A_552 : vector<16xf32>
        %get3A_554 = arith.constant 1 : i32
        %get3A_555 = arith.index_cast %get3A_554 : i32 to index
        %get3A_556 = arith.index_cast %add3A_514 : i32 to index
        %get3A_557 = arith.constant 48 : index
        %get3A_558 = tpu.vector_load %arg5[%get3A_555, %get3A_556, %get3A_557] {strides = array<i32>} : memref<3x72x128xf32, #tpu.memory_space<vmem>>, vector<16xf32>,
        %get3A_559 = arith.constant 1 : i32
        %get3A_560 = arith.index_cast %get3A_559 : i32 to index
        %get3A_561 = arith.index_cast %add3A_514 : i32 to index
        %get3A_562 = arith.constant 48 : index
        %get3A_563 = tpu.vector_load %arg6[%get3A_560, %get3A_561, %get3A_562] {strides = array<i32>} : memref<3x72x128xf32, #tpu.memory_space<vmem>>, vector<16xf32>,
        %sub3A_564 = arith.subf %get3A_558, %get3A_563 : vector<16xf32>
        %mul3A_565 = arith.mulf %sub3A_564, %sub3A_564 : vector<16xf32>
        %add3A_566 = arith.addf %add3A_458, %mul3A_565 : vector<16xf32>
        %get3A_567 = arith.constant 1 : i32
        %get3A_568 = arith.index_cast %get3A_567 : i32 to index
        %get3A_569 = arith.index_cast %add3A_514 : i32 to index
        %get3A_570 = arith.constant 64 : index
        %get3A_571 = tpu.vector_load %arg5[%get3A_568, %get3A_569, %get3A_570] {strides = array<i32>} : memref<3x72x128xf32, #tpu.memory_space<vmem>>, vector<16xf32>,
        %get3A_572 = arith.constant 1 : i32
        %get3A_573 = arith.index_cast %get3A_572 : i32 to index
        %get3A_574 = arith.index_cast %add3A_514 : i32 to index
        %get3A_575 = arith.constant 64 : index
        %get3A_576 = tpu.vector_load %arg6[%get3A_573, %get3A_574, %get3A_575] {strides = array<i32>} : memref<3x72x128xf32, #tpu.memory_space<vmem>>, vector<16xf32>,
        %sub3A_577 = arith.subf %get3A_571, %get3A_576 : vector<16xf32>
        %mul3A_578 = arith.mulf %sub3A_577, %sub3A_577 : vector<16xf32>
        %add3A_579 = arith.addf %add3A_471, %mul3A_578 : vector<16xf32>
        %get3A_580 = arith.constant 1 : i32
        %get3A_581 = arith.index_cast %get3A_580 : i32 to index
        %get3A_582 = arith.index_cast %add3A_514 : i32 to index
        %get3A_583 = arith.constant 80 : index
        %get3A_584 = tpu.vector_load %arg5[%get3A_581, %get3A_582, %get3A_583] {strides = array<i32>} : memref<3x72x128xf32, #tpu.memory_space<vmem>>, vector<16xf32>,
        %get3A_585 = arith.constant 1 : i32
        %get3A_586 = arith.index_cast %get3A_585 : i32 to index
        %get3A_587 = arith.index_cast %add3A_514 : i32 to index
        %get3A_588 = arith.constant 80 : index
        %get3A_589 = tpu.vector_load %arg6[%get3A_586, %get3A_587, %get3A_588] {strides = array<i32>} : memref<3x72x128xf32, #tpu.memory_space<vmem>>, vector<16xf32>,
        %sub3A_590 = arith.subf %get3A_584, %get3A_589 : vector<16xf32>
        %mul3A_591 = arith.mulf %sub3A_590, %sub3A_590 : vector<16xf32>
        %add3A_592 = arith.addf %add3A_484, %mul3A_591 : vector<16xf32>
        %get3A_593 = arith.constant 1 : i32
        %get3A_594 = arith.index_cast %get3A_593 : i32 to index
        %get3A_595 = arith.index_cast %add3A_514 : i32 to index
        %get3A_596 = arith.constant 96 : index
        %get3A_597 = tpu.vector_load %arg5[%get3A_594, %get3A_595, %get3A_596] {strides = array<i32>} : memref<3x72x128xf32, #tpu.memory_space<vmem>>, vector<16xf32>,
        %get3A_598 = arith.constant 1 : i32
        %get3A_599 = arith.index_cast %get3A_598 : i32 to index
        %get3A_600 = arith.index_cast %add3A_514 : i32 to index
        %get3A_601 = arith.constant 96 : index
        %get3A_602 = tpu.vector_load %arg6[%get3A_599, %get3A_600, %get3A_601] {strides = array<i32>} : memref<3x72x128xf32, #tpu.memory_space<vmem>>, vector<16xf32>,
        %sub3A_603 = arith.subf %get3A_597, %get3A_602 : vector<16xf32>
        %mul3A_604 = arith.mulf %sub3A_603, %sub3A_603 : vector<16xf32>
        %add3A_605 = arith.addf %add3A_497, %mul3A_604 : vector<16xf32>
        %get3A_606 = arith.constant 1 : i32
        %get3A_607 = arith.index_cast %get3A_606 : i32 to index
        %get3A_608 = arith.index_cast %add3A_514 : i32 to index
        %get3A_609 = arith.constant 112 : index
        %get3A_610 = tpu.vector_load %arg5[%get3A_607, %get3A_608, %get3A_609] {strides = array<i32>} : memref<3x72x128xf32, #tpu.memory_space<vmem>>, vector<16xf32>,
        %get3A_611 = arith.constant 1 : i32
        %get3A_612 = arith.index_cast %get3A_611 : i32 to index
        %get3A_613 = arith.index_cast %add3A_514 : i32 to index
        %get3A_614 = arith.constant 112 : index
        %get3A_615 = tpu.vector_load %arg6[%get3A_612, %get3A_613, %get3A_614] {strides = array<i32>} : memref<3x72x128xf32, #tpu.memory_space<vmem>>, vector<16xf32>,
        %sub3A_616 = arith.subf %get3A_610, %get3A_615 : vector<16xf32>
        %mul3A_617 = arith.mulf %sub3A_616, %sub3A_616 : vector<16xf32>
        %add3A_618 = arith.addf %add3A_510, %mul3A_617 : vector<16xf32>
        %mul3A_619 = arith.constant 4 : i32
        %mul3A_620 = arith.muli %scan3A_288, %mul3A_619 : i32
        %add3A_621 = arith.constant 3 : i32
        %add3A_622 = arith.addi %mul3A_620, %add3A_621 : i32
        %get3A_623 = arith.constant 1 : i32
        %get3A_624 = arith.index_cast %get3A_623 : i32 to index
        %get3A_625 = arith.index_cast %add3A_622 : i32 to index
        %get3A_626 = arith.constant 0 : index
        %get3A_627 = tpu.vector_load %arg5[%get3A_624, %get3A_625, %get3A_626] {strides = array<i32>} : memref<3x72x128xf32, #tpu.memory_space<vmem>>, vector<16xf32>,
        %get3A_628 = arith.constant 1 : i32
        %get3A_629 = arith.index_cast %get3A_628 : i32 to index
        %get3A_630 = arith.index_cast %add3A_622 : i32 to index
        %get3A_631 = arith.constant 0 : index
        %get3A_632 = tpu.vector_load %arg6[%get3A_629, %get3A_630, %get3A_631] {strides = array<i32>} : memref<3x72x128xf32, #tpu.memory_space<vmem>>, vector<16xf32>,
        %sub3A_633 = arith.subf %get3A_627, %get3A_632 : vector<16xf32>
        %mul3A_634 = arith.mulf %sub3A_633, %sub3A_633 : vector<16xf32>
        %add3A_635 = arith.addf %add3A_527, %mul3A_634 : vector<16xf32>
        %get3A_636 = arith.constant 1 : i32
        %get3A_637 = arith.index_cast %get3A_636 : i32 to index
        %get3A_638 = arith.index_cast %add3A_622 : i32 to index
        %get3A_639 = arith.constant 16 : index
        %get3A_640 = tpu.vector_load %arg5[%get3A_637, %get3A_638, %get3A_639] {strides = array<i32>} : memref<3x72x128xf32, #tpu.memory_space<vmem>>, vector<16xf32>,
        %get3A_641 = arith.constant 1 : i32
        %get3A_642 = arith.index_cast %get3A_641 : i32 to index
        %get3A_643 = arith.index_cast %add3A_622 : i32 to index
        %get3A_644 = arith.constant 16 : index
        %get3A_645 = tpu.vector_load %arg6[%get3A_642, %get3A_643, %get3A_644] {strides = array<i32>} : memref<3x72x128xf32, #tpu.memory_space<vmem>>, vector<16xf32>,
        %sub3A_646 = arith.subf %get3A_640, %get3A_645 : vector<16xf32>
        %mul3A_647 = arith.mulf %sub3A_646, %sub3A_646 : vector<16xf32>
        %add3A_648 = arith.addf %add3A_540, %mul3A_647 : vector<16xf32>
        %get3A_649 = arith.constant 1 : i32
        %get3A_650 = arith.index_cast %get3A_649 : i32 to index
        %get3A_651 = arith.index_cast %add3A_622 : i32 to index
        %get3A_652 = arith.constant 32 : index
        %get3A_653 = tpu.vector_load %arg5[%get3A_650, %get3A_651, %get3A_652] {strides = array<i32>} : memref<3x72x128xf32, #tpu.memory_space<vmem>>, vector<16xf32>,
        %get3A_654 = arith.constant 1 : i32
        %get3A_655 = arith.index_cast %get3A_654 : i32 to index
        %get3A_656 = arith.index_cast %add3A_622 : i32 to index
        %get3A_657 = arith.constant 32 : index
        %get3A_658 = tpu.vector_load %arg6[%get3A_655, %get3A_656, %get3A_657] {strides = array<i32>} : memref<3x72x128xf32, #tpu.memory_space<vmem>>, vector<16xf32>,
        %sub3A_659 = arith.subf %get3A_653, %get3A_658 : vector<16xf32>
        %mul3A_660 = arith.mulf %sub3A_659, %sub3A_659 : vector<16xf32>
        %add3A_661 = arith.addf %add3A_553, %mul3A_660 : vector<16xf32>
        %get3A_662 = arith.constant 1 : i32
        %get3A_663 = arith.index_cast %get3A_662 : i32 to index
        %get3A_664 = arith.index_cast %add3A_622 : i32 to index
        %get3A_665 = arith.constant 48 : index
        %get3A_666 = tpu.vector_load %arg5[%get3A_663, %get3A_664, %get3A_665] {strides = array<i32>} : memref<3x72x128xf32, #tpu.memory_space<vmem>>, vector<16xf32>,
        %get3A_667 = arith.constant 1 : i32
        %get3A_668 = arith.index_cast %get3A_667 : i32 to index
        %get3A_669 = arith.index_cast %add3A_622 : i32 to index
        %get3A_670 = arith.constant 48 : index
        %get3A_671 = tpu.vector_load %arg6[%get3A_668, %get3A_669, %get3A_670] {strides = array<i32>} : memref<3x72x128xf32, #tpu.memory_space<vmem>>, vector<16xf32>,
        %sub3A_672 = arith.subf %get3A_666, %get3A_671 : vector<16xf32>
        %mul3A_673 = arith.mulf %sub3A_672, %sub3A_672 : vector<16xf32>
        %add3A_674 = arith.addf %add3A_566, %mul3A_673 : vector<16xf32>
        %get3A_675 = arith.constant 1 : i32
        %get3A_676 = arith.index_cast %get3A_675 : i32 to index
        %get3A_677 = arith.index_cast %add3A_622 : i32 to index
        %get3A_678 = arith.constant 64 : index
        %get3A_679 = tpu.vector_load %arg5[%get3A_676, %get3A_677, %get3A_678] {strides = array<i32>} : memref<3x72x128xf32, #tpu.memory_space<vmem>>, vector<16xf32>,
        %get3A_680 = arith.constant 1 : i32
        %get3A_681 = arith.index_cast %get3A_680 : i32 to index
        %get3A_682 = arith.index_cast %add3A_622 : i32 to index
        %get3A_683 = arith.constant 64 : index
        %get3A_684 = tpu.vector_load %arg6[%get3A_681, %get3A_682, %get3A_683] {strides = array<i32>} : memref<3x72x128xf32, #tpu.memory_space<vmem>>, vector<16xf32>,
        %sub3A_685 = arith.subf %get3A_679, %get3A_684 : vector<16xf32>
        %mul3A_686 = arith.mulf %sub3A_685, %sub3A_685 : vector<16xf32>
        %add3A_687 = arith.addf %add3A_579, %mul3A_686 : vector<16xf32>
        %get3A_688 = arith.constant 1 : i32
        %get3A_689 = arith.index_cast %get3A_688 : i32 to index
        %get3A_690 = arith.index_cast %add3A_622 : i32 to index
        %get3A_691 = arith.constant 80 : index
        %get3A_692 = tpu.vector_load %arg5[%get3A_689, %get3A_690, %get3A_691] {strides = array<i32>} : memref<3x72x128xf32, #tpu.memory_space<vmem>>, vector<16xf32>,
        %get3A_693 = arith.constant 1 : i32
        %get3A_694 = arith.index_cast %get3A_693 : i32 to index
        %get3A_695 = arith.index_cast %add3A_622 : i32 to index
        %get3A_696 = arith.constant 80 : index
        %get3A_697 = tpu.vector_load %arg6[%get3A_694, %get3A_695, %get3A_696] {strides = array<i32>} : memref<3x72x128xf32, #tpu.memory_space<vmem>>, vector<16xf32>,
        %sub3A_698 = arith.subf %get3A_692, %get3A_697 : vector<16xf32>
        %mul3A_699 = arith.mulf %sub3A_698, %sub3A_698 : vector<16xf32>
        %add3A_700 = arith.addf %add3A_592, %mul3A_699 : vector<16xf32>
        %get3A_701 = arith.constant 1 : i32
        %get3A_702 = arith.index_cast %get3A_701 : i32 to index
        %get3A_703 = arith.index_cast %add3A_622 : i32 to index
        %get3A_704 = arith.constant 96 : index
        %get3A_705 = tpu.vector_load %arg5[%get3A_702, %get3A_703, %get3A_704] {strides = array<i32>} : memref<3x72x128xf32, #tpu.memory_space<vmem>>, vector<16xf32>,
        %get3A_706 = arith.constant 1 : i32
        %get3A_707 = arith.index_cast %get3A_706 : i32 to index
        %get3A_708 = arith.index_cast %add3A_622 : i32 to index
        %get3A_709 = arith.constant 96 : index
        %get3A_710 = tpu.vector_load %arg6[%get3A_707, %get3A_708, %get3A_709] {strides = array<i32>} : memref<3x72x128xf32, #tpu.memory_space<vmem>>, vector<16xf32>,
        %sub3A_711 = arith.subf %get3A_705, %get3A_710 : vector<16xf32>
        %mul3A_712 = arith.mulf %sub3A_711, %sub3A_711 : vector<16xf32>
        %add3A_713 = arith.addf %add3A_605, %mul3A_712 : vector<16xf32>
        %get3A_714 = arith.constant 1 : i32
        %get3A_715 = arith.index_cast %get3A_714 : i32 to index
        %get3A_716 = arith.index_cast %add3A_622 : i32 to index
        %get3A_717 = arith.constant 112 : index
        %get3A_718 = tpu.vector_load %arg5[%get3A_715, %get3A_716, %get3A_717] {strides = array<i32>} : memref<3x72x128xf32, #tpu.memory_space<vmem>>, vector<16xf32>,
        %get3A_719 = arith.constant 1 : i32
        %get3A_720 = arith.index_cast %get3A_719 : i32 to index
        %get3A_721 = arith.index_cast %add3A_622 : i32 to index
        %get3A_722 = arith.constant 112 : index
        %get3A_723 = tpu.vector_load %arg6[%get3A_720, %get3A_721, %get3A_722] {strides = array<i32>} : memref<3x72x128xf32, #tpu.memory_space<vmem>>, vector<16xf32>,
        %sub3A_724 = arith.subf %get3A_718, %get3A_723 : vector<16xf32>
        %mul3A_725 = arith.mulf %sub3A_724, %sub3A_724 : vector<16xf32>
        %add3A_726 = arith.addf %add3A_618, %mul3A_725 : vector<16xf32>
        scf.yield %add3A_635, %add3A_648, %add3A_661, %add3A_674, %add3A_687, %add3A_700, %add3A_713, %add3A_726 : vector<16xf32>, vector<16xf32>, vector<16xf32>, vector<16xf32>, vector<16xf32>, vector<16xf32>, vector<16xf32>, vector<16xf32>
      }
      %scan3A_208 = arith.constant 18 : i32
      %add3A_209 = arith.constant 1 : i32
      %add3A_210 = arith.addi %scan3A_121, %add3A_209 : i32
      %lt3A_211 = arith.constant 17 : i32
      %lt3A_212 = arith.cmpi slt, %add3A_210, %lt3A_211 : i32
      %convert_element_type3A_213 = arith.extui %lt3A_212 : i1 to i32
      %cond3A_214 = arith.constant 0 : i32
      %cond3A_215 = arith.cmpi ne, %convert_element_type3A_213, %cond3A_214 : i32
      scf.if %cond3A_215 {
        %add3A_288 = arith.constant 1 : i32
        %add3A_289 = arith.addi %scan3A_121, %add3A_288 : i32
        %add3A_290 = arith.constant 72 : i32
        %add3A_291 = arith.addi %mul3A_2, %add3A_290 : i32
        %dma_start3A_292 = arith.constant 1 : i32
        %dma_start3A_293 = arith.constant 1 : i32
        %dma_start3A_294 = arith.constant 0 : i32
        %dma_start3A_295 = arith.constant 0 : i32
        %dma_start3A_296 = tpu.memref_slice %arg5[%dma_start3A_292, %dma_start3A_294, %dma_start3A_295] : memref<3x72x128xf32, #tpu.memory_space<vmem>> -> memref<1x72x128xf32, #tpu.memory_space<vmem>>
        %dma_start3A_297 = tpu.memref_squeeze %dma_start3A_296 : memref<1x72x128xf32, #tpu.memory_space<vmem>> -> memref<72x128xf32, #tpu.memory_space<vmem>>
        %dma_start3A_298 = tpu.memref_slice %arg2[%add3A_289, %add3A_291, %mul3A_0] : memref<17x6912x256xf32, #tpu.memory_space<hbm>> -> memref<1x72x128xf32, #tpu.memory_space<hbm>>
        %dma_start3A_299 = tpu.memref_squeeze %dma_start3A_298 : memref<1x72x128xf32, #tpu.memory_space<hbm>> -> memref<72x128xf32, #tpu.memory_space<hbm>>
        %dma_start3A_300 = tpu.memref_slice %arg8[%dma_start3A_293] : memref<6x!tpu.dma_semaphore, #tpu.memory_space<semaphore_mem>> -> memref<1x!tpu.dma_semaphore, #tpu.memory_space<semaphore_mem>>
        %dma_start3A_301 = tpu.memref_squeeze %dma_start3A_300 : memref<1x!tpu.dma_semaphore, #tpu.memory_space<semaphore_mem>> -> memref<!tpu.dma_semaphore, #tpu.memory_space<semaphore_mem>>
        %dma_start3A_302 = arith.constant 0 : i32
        %dma_start3A_303 = arith.constant 0 : i32
        %dma_start3A_304 = tpu.memref_slice %arg5[%dma_start3A_292, %dma_start3A_302, %dma_start3A_303] : memref<3x72x128xf32, #tpu.memory_space<vmem>> -> memref<1x72x128xf32, #tpu.memory_space<vmem>>
        %dma_start3A_305 = tpu.memref_squeeze %dma_start3A_304 : memref<1x72x128xf32, #tpu.memory_space<vmem>> -> memref<72x128xf32, #tpu.memory_space<vmem>>
        %dma_start3A_306 = tpu.memref_slice %arg2[%add3A_289, %add3A_291, %mul3A_0] : memref<17x6912x256xf32, #tpu.memory_space<hbm>> -> memref<1x72x128xf32, #tpu.memory_space<hbm>>
        %dma_start3A_307 = tpu.memref_squeeze %dma_start3A_306 : memref<1x72x128xf32, #tpu.memory_space<hbm>> -> memref<72x128xf32, #tpu.memory_space<hbm>>
        tpu.enqueue_dma source(%dma_start3A_307 : memref<72x128xf32, #tpu.memory_space<hbm>>) target(%dma_start3A_305 : memref<72x128xf32, #tpu.memory_space<vmem>>) target_semaphore(%dma_start3A_301 : memref<!tpu.dma_semaphore, #tpu.memory_space<semaphore_mem>>)
        %add3A_308 = arith.constant 1 : i32
        %add3A_309 = arith.addi %scan3A_121, %add3A_308 : i32
        %add3A_310 = arith.constant 72 : i32
        %add3A_311 = arith.addi %mul3A_2, %add3A_310 : i32
        %dma_start3A_312 = arith.constant 1 : i32
        %dma_start3A_313 = arith.constant 4 : i32
        %dma_start3A_314 = arith.constant 0 : i32
        %dma_start3A_315 = arith.constant 0 : i32
        %dma_start3A_316 = tpu.memref_slice %arg6[%dma_start3A_312, %dma_start3A_314, %dma_start3A_315] : memref<3x72x128xf32, #tpu.memory_space<vmem>> -> memref<1x72x128xf32, #tpu.memory_space<vmem>>
        %dma_start3A_317 = tpu.memref_squeeze %dma_start3A_316 : memref<1x72x128xf32, #tpu.memory_space<vmem>> -> memref<72x128xf32, #tpu.memory_space<vmem>>
        %dma_start3A_318 = tpu.memref_slice %arg3[%add3A_309, %add3A_311, %mul3A_0] : memref<17x6912x256xf32, #tpu.memory_space<hbm>> -> memref<1x72x128xf32, #tpu.memory_space<hbm>>
        %dma_start3A_319 = tpu.memref_squeeze %dma_start3A_318 : memref<1x72x128xf32, #tpu.memory_space<hbm>> -> memref<72x128xf32, #tpu.memory_space<hbm>>
        %dma_start3A_320 = tpu.memref_slice %arg8[%dma_start3A_313] : memref<6x!tpu.dma_semaphore, #tpu.memory_space<semaphore_mem>> -> memref<1x!tpu.dma_semaphore, #tpu.memory_space<semaphore_mem>>
        %dma_start3A_321 = tpu.memref_squeeze %dma_start3A_320 : memref<1x!tpu.dma_semaphore, #tpu.memory_space<semaphore_mem>> -> memref<!tpu.dma_semaphore, #tpu.memory_space<semaphore_mem>>
        %dma_start3A_322 = arith.constant 0 : i32
        %dma_start3A_323 = arith.constant 0 : i32
        %dma_start3A_324 = tpu.memref_slice %arg6[%dma_start3A_312, %dma_start3A_322, %dma_start3A_323] : memref<3x72x128xf32, #tpu.memory_space<vmem>> -> memref<1x72x128xf32, #tpu.memory_space<vmem>>
        %dma_start3A_325 = tpu.memref_squeeze %dma_start3A_324 : memref<1x72x128xf32, #tpu.memory_space<vmem>> -> memref<72x128xf32, #tpu.memory_space<vmem>>
        %dma_start3A_326 = tpu.memref_slice %arg3[%add3A_309, %add3A_311, %mul3A_0] : memref<17x6912x256xf32, #tpu.memory_space<hbm>> -> memref<1x72x128xf32, #tpu.memory_space<hbm>>
        %dma_start3A_327 = tpu.memref_squeeze %dma_start3A_326 : memref<1x72x128xf32, #tpu.memory_space<hbm>> -> memref<72x128xf32, #tpu.memory_space<hbm>>
        tpu.enqueue_dma source(%dma_start3A_327 : memref<72x128xf32, #tpu.memory_space<hbm>>) target(%dma_start3A_325 : memref<72x128xf32, #tpu.memory_space<vmem>>) target_semaphore(%dma_start3A_321 : memref<!tpu.dma_semaphore, #tpu.memory_space<semaphore_mem>>)
      } else {
      }
      %add3A_216 = arith.constant 144 : i32
      %add3A_217 = arith.addi %mul3A_2, %add3A_216 : i32
      %dma_wait3A_218 = arith.constant 2 : i32
      %dma_wait3A_219 = arith.constant 2 : i32
      %dma_wait3A_220 = arith.constant 0 : i32
      %dma_wait3A_221 = arith.constant 0 : i32
      %dma_wait3A_222 = tpu.memref_slice %arg5[%dma_wait3A_218, %dma_wait3A_220, %dma_wait3A_221] : memref<3x72x128xf32, #tpu.memory_space<vmem>> -> memref<1x72x128xf32, #tpu.memory_space<vmem>>
      %dma_wait3A_223 = tpu.memref_squeeze %dma_wait3A_222 : memref<1x72x128xf32, #tpu.memory_space<vmem>> -> memref<72x128xf32, #tpu.memory_space<vmem>>
      %dma_wait3A_224 = tpu.memref_slice %arg2[%scan3A_121, %add3A_217, %mul3A_0] : memref<17x6912x256xf32, #tpu.memory_space<hbm>> -> memref<1x72x128xf32, #tpu.memory_space<hbm>>
      %dma_wait3A_225 = tpu.memref_squeeze %dma_wait3A_224 : memref<1x72x128xf32, #tpu.memory_space<hbm>> -> memref<72x128xf32, #tpu.memory_space<hbm>>
      %dma_wait3A_226 = tpu.memref_slice %arg8[%dma_wait3A_219] : memref<6x!tpu.dma_semaphore, #tpu.memory_space<semaphore_mem>> -> memref<1x!tpu.dma_semaphore, #tpu.memory_space<semaphore_mem>>
      %dma_wait3A_227 = tpu.memref_squeeze %dma_wait3A_226 : memref<1x!tpu.dma_semaphore, #tpu.memory_space<semaphore_mem>> -> memref<!tpu.dma_semaphore, #tpu.memory_space<semaphore_mem>>
      %dma_wait3A_228 = arith.constant 0 : i32
      %dma_wait3A_229 = arith.constant 0 : i32
      %dma_wait3A_230 = tpu.memref_slice %arg5[%dma_wait3A_218, %dma_wait3A_228, %dma_wait3A_229] : memref<3x72x128xf32, #tpu.memory_space<vmem>> -> memref<1x72x128xf32, #tpu.memory_space<vmem>>
      %dma_wait3A_231 = tpu.memref_squeeze %dma_wait3A_230 : memref<1x72x128xf32, #tpu.memory_space<vmem>> -> memref<72x128xf32, #tpu.memory_space<vmem>>
      %dma_wait3A_232 = tpu.memref_slice %arg2[%scan3A_121, %add3A_217, %mul3A_0] : memref<17x6912x256xf32, #tpu.memory_space<hbm>> -> memref<1x72x128xf32, #tpu.memory_space<hbm>>
      %dma_wait3A_233 = tpu.memref_squeeze %dma_wait3A_232 : memref<1x72x128xf32, #tpu.memory_space<hbm>> -> memref<72x128xf32, #tpu.memory_space<hbm>>
      tpu.wait_dma2 semaphore(%dma_wait3A_227 : memref<!tpu.dma_semaphore, #tpu.memory_space<semaphore_mem>>) src(%dma_wait3A_233 : memref<72x128xf32, #tpu.memory_space<hbm>>) dst(%dma_wait3A_231 : memref<72x128xf32, #tpu.memory_space<vmem>>)
      %add3A_234 = arith.constant 144 : i32
      %add3A_235 = arith.addi %mul3A_2, %add3A_234 : i32
      %dma_wait3A_236 = arith.constant 2 : i32
      %dma_wait3A_237 = arith.constant 5 : i32
      %dma_wait3A_238 = arith.constant 0 : i32
      %dma_wait3A_239 = arith.constant 0 : i32
      %dma_wait3A_240 = tpu.memref_slice %arg6[%dma_wait3A_236, %dma_wait3A_238, %dma_wait3A_239] : memref<3x72x128xf32, #tpu.memory_space<vmem>> -> memref<1x72x128xf32, #tpu.memory_space<vmem>>
      %dma_wait3A_241 = tpu.memref_squeeze %dma_wait3A_240 : memref<1x72x128xf32, #tpu.memory_space<vmem>> -> memref<72x128xf32, #tpu.memory_space<vmem>>
      %dma_wait3A_242 = tpu.memref_slice %arg3[%scan3A_121, %add3A_235, %mul3A_0] : memref<17x6912x256xf32, #tpu.memory_space<hbm>> -> memref<1x72x128xf32, #tpu.memory_space<hbm>>
      %dma_wait3A_243 = tpu.memref_squeeze %dma_wait3A_242 : memref<1x72x128xf32, #tpu.memory_space<hbm>> -> memref<72x128xf32, #tpu.memory_space<hbm>>
      %dma_wait3A_244 = tpu.memref_slice %arg8[%dma_wait3A_237] : memref<6x!tpu.dma_semaphore, #tpu.memory_space<semaphore_mem>> -> memref<1x!tpu.dma_semaphore, #tpu.memory_space<semaphore_mem>>
      %dma_wait3A_245 = tpu.memref_squeeze %dma_wait3A_244 : memref<1x!tpu.dma_semaphore, #tpu.memory_space<semaphore_mem>> -> memref<!tpu.dma_semaphore, #tpu.memory_space<semaphore_mem>>
      %dma_wait3A_246 = arith.constant 0 : i32
      %dma_wait3A_247 = arith.constant 0 : i32
      %dma_wait3A_248 = tpu.memref_slice %arg6[%dma_wait3A_236, %dma_wait3A_246, %dma_wait3A_247] : memref<3x72x128xf32, #tpu.memory_space<vmem>> -> memref<1x72x128xf32, #tpu.memory_space<vmem>>
      %dma_wait3A_249 = tpu.memref_squeeze %dma_wait3A_248 : memref<1x72x128xf32, #tpu.memory_space<vmem>> -> memref<72x128xf32, #tpu.memory_space<vmem>>
      %dma_wait3A_250 = tpu.memref_slice %arg3[%scan3A_121, %add3A_235, %mul3A_0] : memref<17x6912x256xf32, #tpu.memory_space<hbm>> -> memref<1x72x128xf32, #tpu.memory_space<hbm>>
      %dma_wait3A_251 = tpu.memref_squeeze %dma_wait3A_250 : memref<1x72x128xf32, #tpu.memory_space<hbm>> -> memref<72x128xf32, #tpu.memory_space<hbm>>
      tpu.wait_dma2 semaphore(%dma_wait3A_245 : memref<!tpu.dma_semaphore, #tpu.memory_space<semaphore_mem>>) src(%dma_wait3A_251 : memref<72x128xf32, #tpu.memory_space<hbm>>) dst(%dma_wait3A_249 : memref<72x128xf32, #tpu.memory_space<vmem>>)
      %scan3A_252 = arith.constant 0 : i32
      %scan3A_253 = arith.constant 18 : i32
      %scan3A_254 = arith.addi %scan3A_252, %scan3A_253 : i32
      %scan3A_255 = arith.constant 1 : i32
      %scan3A_256:8 = scf.for %scan3A_288 = %scan3A_252 to %scan3A_254 step %scan3A_255 iter_args(%scan3A_289 = %scan3A_207#0, %scan3A_290 = %scan3A_207#1, %scan3A_291 = %scan3A_207#2, %scan3A_292 = %scan3A_207#3, %scan3A_293 = %scan3A_207#4, %scan3A_294 = %scan3A_207#5, %scan3A_295 = %scan3A_207#6, %scan3A_296 = %scan3A_207#7) -> (vector<16xf32>, vector<16xf32>, vector<16xf32>, vector<16xf32>, vector<16xf32>, vector<16xf32>, vector<16xf32>, vector<16xf32>)  : i32 {
        %mul3A_297 = arith.constant 4 : i32
        %mul3A_298 = arith.muli %scan3A_288, %mul3A_297 : i32
        %add3A_299 = arith.constant 0 : i32
        %add3A_300 = arith.addi %mul3A_298, %add3A_299 : i32
        %get3A = arith.constant 2 : i32
        %get3A_301 = arith.index_cast %get3A : i32 to index
        %get3A_302 = arith.index_cast %add3A_300 : i32 to index
        %get3A_303 = arith.constant 0 : index
        %get3A_304 = tpu.vector_load %arg5[%get3A_301, %get3A_302, %get3A_303] {strides = array<i32>} : memref<3x72x128xf32, #tpu.memory_space<vmem>>, vector<16xf32>,
        %get3A_305 = arith.constant 2 : i32
        %get3A_306 = arith.index_cast %get3A_305 : i32 to index
        %get3A_307 = arith.index_cast %add3A_300 : i32 to index
        %get3A_308 = arith.constant 0 : index
        %get3A_309 = tpu.vector_load %arg6[%get3A_306, %get3A_307, %get3A_308] {strides = array<i32>} : memref<3x72x128xf32, #tpu.memory_space<vmem>>, vector<16xf32>,
        %sub3A = arith.subf %get3A_304, %get3A_309 : vector<16xf32>
        %mul3A_310 = arith.mulf %sub3A, %sub3A : vector<16xf32>
        %add3A_311 = arith.addf %scan3A_289, %mul3A_310 : vector<16xf32>
        %get3A_312 = arith.constant 2 : i32
        %get3A_313 = arith.index_cast %get3A_312 : i32 to index
        %get3A_314 = arith.index_cast %add3A_300 : i32 to index
        %get3A_315 = arith.constant 16 : index
        %get3A_316 = tpu.vector_load %arg5[%get3A_313, %get3A_314, %get3A_315] {strides = array<i32>} : memref<3x72x128xf32, #tpu.memory_space<vmem>>, vector<16xf32>,
        %get3A_317 = arith.constant 2 : i32
        %get3A_318 = arith.index_cast %get3A_317 : i32 to index
        %get3A_319 = arith.index_cast %add3A_300 : i32 to index
        %get3A_320 = arith.constant 16 : index
        %get3A_321 = tpu.vector_load %arg6[%get3A_318, %get3A_319, %get3A_320] {strides = array<i32>} : memref<3x72x128xf32, #tpu.memory_space<vmem>>, vector<16xf32>,
        %sub3A_322 = arith.subf %get3A_316, %get3A_321 : vector<16xf32>
        %mul3A_323 = arith.mulf %sub3A_322, %sub3A_322 : vector<16xf32>
        %add3A_324 = arith.addf %scan3A_290, %mul3A_323 : vector<16xf32>
        %get3A_325 = arith.constant 2 : i32
        %get3A_326 = arith.index_cast %get3A_325 : i32 to index
        %get3A_327 = arith.index_cast %add3A_300 : i32 to index
        %get3A_328 = arith.constant 32 : index
        %get3A_329 = tpu.vector_load %arg5[%get3A_326, %get3A_327, %get3A_328] {strides = array<i32>} : memref<3x72x128xf32, #tpu.memory_space<vmem>>, vector<16xf32>,
        %get3A_330 = arith.constant 2 : i32
        %get3A_331 = arith.index_cast %get3A_330 : i32 to index
        %get3A_332 = arith.index_cast %add3A_300 : i32 to index
        %get3A_333 = arith.constant 32 : index
        %get3A_334 = tpu.vector_load %arg6[%get3A_331, %get3A_332, %get3A_333] {strides = array<i32>} : memref<3x72x128xf32, #tpu.memory_space<vmem>>, vector<16xf32>,
        %sub3A_335 = arith.subf %get3A_329, %get3A_334 : vector<16xf32>
        %mul3A_336 = arith.mulf %sub3A_335, %sub3A_335 : vector<16xf32>
        %add3A_337 = arith.addf %scan3A_291, %mul3A_336 : vector<16xf32>
        %get3A_338 = arith.constant 2 : i32
        %get3A_339 = arith.index_cast %get3A_338 : i32 to index
        %get3A_340 = arith.index_cast %add3A_300 : i32 to index
        %get3A_341 = arith.constant 48 : index
        %get3A_342 = tpu.vector_load %arg5[%get3A_339, %get3A_340, %get3A_341] {strides = array<i32>} : memref<3x72x128xf32, #tpu.memory_space<vmem>>, vector<16xf32>,
        %get3A_343 = arith.constant 2 : i32
        %get3A_344 = arith.index_cast %get3A_343 : i32 to index
        %get3A_345 = arith.index_cast %add3A_300 : i32 to index
        %get3A_346 = arith.constant 48 : index
        %get3A_347 = tpu.vector_load %arg6[%get3A_344, %get3A_345, %get3A_346] {strides = array<i32>} : memref<3x72x128xf32, #tpu.memory_space<vmem>>, vector<16xf32>,
        %sub3A_348 = arith.subf %get3A_342, %get3A_347 : vector<16xf32>
        %mul3A_349 = arith.mulf %sub3A_348, %sub3A_348 : vector<16xf32>
        %add3A_350 = arith.addf %scan3A_292, %mul3A_349 : vector<16xf32>
        %get3A_351 = arith.constant 2 : i32
        %get3A_352 = arith.index_cast %get3A_351 : i32 to index
        %get3A_353 = arith.index_cast %add3A_300 : i32 to index
        %get3A_354 = arith.constant 64 : index
        %get3A_355 = tpu.vector_load %arg5[%get3A_352, %get3A_353, %get3A_354] {strides = array<i32>} : memref<3x72x128xf32, #tpu.memory_space<vmem>>, vector<16xf32>,
        %get3A_356 = arith.constant 2 : i32
        %get3A_357 = arith.index_cast %get3A_356 : i32 to index
        %get3A_358 = arith.index_cast %add3A_300 : i32 to index
        %get3A_359 = arith.constant 64 : index
        %get3A_360 = tpu.vector_load %arg6[%get3A_357, %get3A_358, %get3A_359] {strides = array<i32>} : memref<3x72x128xf32, #tpu.memory_space<vmem>>, vector<16xf32>,
        %sub3A_361 = arith.subf %get3A_355, %get3A_360 : vector<16xf32>
        %mul3A_362 = arith.mulf %sub3A_361, %sub3A_361 : vector<16xf32>
        %add3A_363 = arith.addf %scan3A_293, %mul3A_362 : vector<16xf32>
        %get3A_364 = arith.constant 2 : i32
        %get3A_365 = arith.index_cast %get3A_364 : i32 to index
        %get3A_366 = arith.index_cast %add3A_300 : i32 to index
        %get3A_367 = arith.constant 80 : index
        %get3A_368 = tpu.vector_load %arg5[%get3A_365, %get3A_366, %get3A_367] {strides = array<i32>} : memref<3x72x128xf32, #tpu.memory_space<vmem>>, vector<16xf32>,
        %get3A_369 = arith.constant 2 : i32
        %get3A_370 = arith.index_cast %get3A_369 : i32 to index
        %get3A_371 = arith.index_cast %add3A_300 : i32 to index
        %get3A_372 = arith.constant 80 : index
        %get3A_373 = tpu.vector_load %arg6[%get3A_370, %get3A_371, %get3A_372] {strides = array<i32>} : memref<3x72x128xf32, #tpu.memory_space<vmem>>, vector<16xf32>,
        %sub3A_374 = arith.subf %get3A_368, %get3A_373 : vector<16xf32>
        %mul3A_375 = arith.mulf %sub3A_374, %sub3A_374 : vector<16xf32>
        %add3A_376 = arith.addf %scan3A_294, %mul3A_375 : vector<16xf32>
        %get3A_377 = arith.constant 2 : i32
        %get3A_378 = arith.index_cast %get3A_377 : i32 to index
        %get3A_379 = arith.index_cast %add3A_300 : i32 to index
        %get3A_380 = arith.constant 96 : index
        %get3A_381 = tpu.vector_load %arg5[%get3A_378, %get3A_379, %get3A_380] {strides = array<i32>} : memref<3x72x128xf32, #tpu.memory_space<vmem>>, vector<16xf32>,
        %get3A_382 = arith.constant 2 : i32
        %get3A_383 = arith.index_cast %get3A_382 : i32 to index
        %get3A_384 = arith.index_cast %add3A_300 : i32 to index
        %get3A_385 = arith.constant 96 : index
        %get3A_386 = tpu.vector_load %arg6[%get3A_383, %get3A_384, %get3A_385] {strides = array<i32>} : memref<3x72x128xf32, #tpu.memory_space<vmem>>, vector<16xf32>,
        %sub3A_387 = arith.subf %get3A_381, %get3A_386 : vector<16xf32>
        %mul3A_388 = arith.mulf %sub3A_387, %sub3A_387 : vector<16xf32>
        %add3A_389 = arith.addf %scan3A_295, %mul3A_388 : vector<16xf32>
        %get3A_390 = arith.constant 2 : i32
        %get3A_391 = arith.index_cast %get3A_390 : i32 to index
        %get3A_392 = arith.index_cast %add3A_300 : i32 to index
        %get3A_393 = arith.constant 112 : index
        %get3A_394 = tpu.vector_load %arg5[%get3A_391, %get3A_392, %get3A_393] {strides = array<i32>} : memref<3x72x128xf32, #tpu.memory_space<vmem>>, vector<16xf32>,
        %get3A_395 = arith.constant 2 : i32
        %get3A_396 = arith.index_cast %get3A_395 : i32 to index
        %get3A_397 = arith.index_cast %add3A_300 : i32 to index
        %get3A_398 = arith.constant 112 : index
        %get3A_399 = tpu.vector_load %arg6[%get3A_396, %get3A_397, %get3A_398] {strides = array<i32>} : memref<3x72x128xf32, #tpu.memory_space<vmem>>, vector<16xf32>,
        %sub3A_400 = arith.subf %get3A_394, %get3A_399 : vector<16xf32>
        %mul3A_401 = arith.mulf %sub3A_400, %sub3A_400 : vector<16xf32>
        %add3A_402 = arith.addf %scan3A_296, %mul3A_401 : vector<16xf32>
        %mul3A_403 = arith.constant 4 : i32
        %mul3A_404 = arith.muli %scan3A_288, %mul3A_403 : i32
        %add3A_405 = arith.constant 1 : i32
        %add3A_406 = arith.addi %mul3A_404, %add3A_405 : i32
        %get3A_407 = arith.constant 2 : i32
        %get3A_408 = arith.index_cast %get3A_407 : i32 to index
        %get3A_409 = arith.index_cast %add3A_406 : i32 to index
        %get3A_410 = arith.constant 0 : index
        %get3A_411 = tpu.vector_load %arg5[%get3A_408, %get3A_409, %get3A_410] {strides = array<i32>} : memref<3x72x128xf32, #tpu.memory_space<vmem>>, vector<16xf32>,
        %get3A_412 = arith.constant 2 : i32
        %get3A_413 = arith.index_cast %get3A_412 : i32 to index
        %get3A_414 = arith.index_cast %add3A_406 : i32 to index
        %get3A_415 = arith.constant 0 : index
        %get3A_416 = tpu.vector_load %arg6[%get3A_413, %get3A_414, %get3A_415] {strides = array<i32>} : memref<3x72x128xf32, #tpu.memory_space<vmem>>, vector<16xf32>,
        %sub3A_417 = arith.subf %get3A_411, %get3A_416 : vector<16xf32>
        %mul3A_418 = arith.mulf %sub3A_417, %sub3A_417 : vector<16xf32>
        %add3A_419 = arith.addf %add3A_311, %mul3A_418 : vector<16xf32>
        %get3A_420 = arith.constant 2 : i32
        %get3A_421 = arith.index_cast %get3A_420 : i32 to index
        %get3A_422 = arith.index_cast %add3A_406 : i32 to index
        %get3A_423 = arith.constant 16 : index
        %get3A_424 = tpu.vector_load %arg5[%get3A_421, %get3A_422, %get3A_423] {strides = array<i32>} : memref<3x72x128xf32, #tpu.memory_space<vmem>>, vector<16xf32>,
        %get3A_425 = arith.constant 2 : i32
        %get3A_426 = arith.index_cast %get3A_425 : i32 to index
        %get3A_427 = arith.index_cast %add3A_406 : i32 to index
        %get3A_428 = arith.constant 16 : index
        %get3A_429 = tpu.vector_load %arg6[%get3A_426, %get3A_427, %get3A_428] {strides = array<i32>} : memref<3x72x128xf32, #tpu.memory_space<vmem>>, vector<16xf32>,
        %sub3A_430 = arith.subf %get3A_424, %get3A_429 : vector<16xf32>
        %mul3A_431 = arith.mulf %sub3A_430, %sub3A_430 : vector<16xf32>
        %add3A_432 = arith.addf %add3A_324, %mul3A_431 : vector<16xf32>
        %get3A_433 = arith.constant 2 : i32
        %get3A_434 = arith.index_cast %get3A_433 : i32 to index
        %get3A_435 = arith.index_cast %add3A_406 : i32 to index
        %get3A_436 = arith.constant 32 : index
        %get3A_437 = tpu.vector_load %arg5[%get3A_434, %get3A_435, %get3A_436] {strides = array<i32>} : memref<3x72x128xf32, #tpu.memory_space<vmem>>, vector<16xf32>,
        %get3A_438 = arith.constant 2 : i32
        %get3A_439 = arith.index_cast %get3A_438 : i32 to index
        %get3A_440 = arith.index_cast %add3A_406 : i32 to index
        %get3A_441 = arith.constant 32 : index
        %get3A_442 = tpu.vector_load %arg6[%get3A_439, %get3A_440, %get3A_441] {strides = array<i32>} : memref<3x72x128xf32, #tpu.memory_space<vmem>>, vector<16xf32>,
        %sub3A_443 = arith.subf %get3A_437, %get3A_442 : vector<16xf32>
        %mul3A_444 = arith.mulf %sub3A_443, %sub3A_443 : vector<16xf32>
        %add3A_445 = arith.addf %add3A_337, %mul3A_444 : vector<16xf32>
        %get3A_446 = arith.constant 2 : i32
        %get3A_447 = arith.index_cast %get3A_446 : i32 to index
        %get3A_448 = arith.index_cast %add3A_406 : i32 to index
        %get3A_449 = arith.constant 48 : index
        %get3A_450 = tpu.vector_load %arg5[%get3A_447, %get3A_448, %get3A_449] {strides = array<i32>} : memref<3x72x128xf32, #tpu.memory_space<vmem>>, vector<16xf32>,
        %get3A_451 = arith.constant 2 : i32
        %get3A_452 = arith.index_cast %get3A_451 : i32 to index
        %get3A_453 = arith.index_cast %add3A_406 : i32 to index
        %get3A_454 = arith.constant 48 : index
        %get3A_455 = tpu.vector_load %arg6[%get3A_452, %get3A_453, %get3A_454] {strides = array<i32>} : memref<3x72x128xf32, #tpu.memory_space<vmem>>, vector<16xf32>,
        %sub3A_456 = arith.subf %get3A_450, %get3A_455 : vector<16xf32>
        %mul3A_457 = arith.mulf %sub3A_456, %sub3A_456 : vector<16xf32>
        %add3A_458 = arith.addf %add3A_350, %mul3A_457 : vector<16xf32>
        %get3A_459 = arith.constant 2 : i32
        %get3A_460 = arith.index_cast %get3A_459 : i32 to index
        %get3A_461 = arith.index_cast %add3A_406 : i32 to index
        %get3A_462 = arith.constant 64 : index
        %get3A_463 = tpu.vector_load %arg5[%get3A_460, %get3A_461, %get3A_462] {strides = array<i32>} : memref<3x72x128xf32, #tpu.memory_space<vmem>>, vector<16xf32>,
        %get3A_464 = arith.constant 2 : i32
        %get3A_465 = arith.index_cast %get3A_464 : i32 to index
        %get3A_466 = arith.index_cast %add3A_406 : i32 to index
        %get3A_467 = arith.constant 64 : index
        %get3A_468 = tpu.vector_load %arg6[%get3A_465, %get3A_466, %get3A_467] {strides = array<i32>} : memref<3x72x128xf32, #tpu.memory_space<vmem>>, vector<16xf32>,
        %sub3A_469 = arith.subf %get3A_463, %get3A_468 : vector<16xf32>
        %mul3A_470 = arith.mulf %sub3A_469, %sub3A_469 : vector<16xf32>
        %add3A_471 = arith.addf %add3A_363, %mul3A_470 : vector<16xf32>
        %get3A_472 = arith.constant 2 : i32
        %get3A_473 = arith.index_cast %get3A_472 : i32 to index
        %get3A_474 = arith.index_cast %add3A_406 : i32 to index
        %get3A_475 = arith.constant 80 : index
        %get3A_476 = tpu.vector_load %arg5[%get3A_473, %get3A_474, %get3A_475] {strides = array<i32>} : memref<3x72x128xf32, #tpu.memory_space<vmem>>, vector<16xf32>,
        %get3A_477 = arith.constant 2 : i32
        %get3A_478 = arith.index_cast %get3A_477 : i32 to index
        %get3A_479 = arith.index_cast %add3A_406 : i32 to index
        %get3A_480 = arith.constant 80 : index
        %get3A_481 = tpu.vector_load %arg6[%get3A_478, %get3A_479, %get3A_480] {strides = array<i32>} : memref<3x72x128xf32, #tpu.memory_space<vmem>>, vector<16xf32>,
        %sub3A_482 = arith.subf %get3A_476, %get3A_481 : vector<16xf32>
        %mul3A_483 = arith.mulf %sub3A_482, %sub3A_482 : vector<16xf32>
        %add3A_484 = arith.addf %add3A_376, %mul3A_483 : vector<16xf32>
        %get3A_485 = arith.constant 2 : i32
        %get3A_486 = arith.index_cast %get3A_485 : i32 to index
        %get3A_487 = arith.index_cast %add3A_406 : i32 to index
        %get3A_488 = arith.constant 96 : index
        %get3A_489 = tpu.vector_load %arg5[%get3A_486, %get3A_487, %get3A_488] {strides = array<i32>} : memref<3x72x128xf32, #tpu.memory_space<vmem>>, vector<16xf32>,
        %get3A_490 = arith.constant 2 : i32
        %get3A_491 = arith.index_cast %get3A_490 : i32 to index
        %get3A_492 = arith.index_cast %add3A_406 : i32 to index
        %get3A_493 = arith.constant 96 : index
        %get3A_494 = tpu.vector_load %arg6[%get3A_491, %get3A_492, %get3A_493] {strides = array<i32>} : memref<3x72x128xf32, #tpu.memory_space<vmem>>, vector<16xf32>,
        %sub3A_495 = arith.subf %get3A_489, %get3A_494 : vector<16xf32>
        %mul3A_496 = arith.mulf %sub3A_495, %sub3A_495 : vector<16xf32>
        %add3A_497 = arith.addf %add3A_389, %mul3A_496 : vector<16xf32>
        %get3A_498 = arith.constant 2 : i32
        %get3A_499 = arith.index_cast %get3A_498 : i32 to index
        %get3A_500 = arith.index_cast %add3A_406 : i32 to index
        %get3A_501 = arith.constant 112 : index
        %get3A_502 = tpu.vector_load %arg5[%get3A_499, %get3A_500, %get3A_501] {strides = array<i32>} : memref<3x72x128xf32, #tpu.memory_space<vmem>>, vector<16xf32>,
        %get3A_503 = arith.constant 2 : i32
        %get3A_504 = arith.index_cast %get3A_503 : i32 to index
        %get3A_505 = arith.index_cast %add3A_406 : i32 to index
        %get3A_506 = arith.constant 112 : index
        %get3A_507 = tpu.vector_load %arg6[%get3A_504, %get3A_505, %get3A_506] {strides = array<i32>} : memref<3x72x128xf32, #tpu.memory_space<vmem>>, vector<16xf32>,
        %sub3A_508 = arith.subf %get3A_502, %get3A_507 : vector<16xf32>
        %mul3A_509 = arith.mulf %sub3A_508, %sub3A_508 : vector<16xf32>
        %add3A_510 = arith.addf %add3A_402, %mul3A_509 : vector<16xf32>
        %mul3A_511 = arith.constant 4 : i32
        %mul3A_512 = arith.muli %scan3A_288, %mul3A_511 : i32
        %add3A_513 = arith.constant 2 : i32
        %add3A_514 = arith.addi %mul3A_512, %add3A_513 : i32
        %get3A_515 = arith.constant 2 : i32
        %get3A_516 = arith.index_cast %get3A_515 : i32 to index
        %get3A_517 = arith.index_cast %add3A_514 : i32 to index
        %get3A_518 = arith.constant 0 : index
        %get3A_519 = tpu.vector_load %arg5[%get3A_516, %get3A_517, %get3A_518] {strides = array<i32>} : memref<3x72x128xf32, #tpu.memory_space<vmem>>, vector<16xf32>,
        %get3A_520 = arith.constant 2 : i32
        %get3A_521 = arith.index_cast %get3A_520 : i32 to index
        %get3A_522 = arith.index_cast %add3A_514 : i32 to index
        %get3A_523 = arith.constant 0 : index
        %get3A_524 = tpu.vector_load %arg6[%get3A_521, %get3A_522, %get3A_523] {strides = array<i32>} : memref<3x72x128xf32, #tpu.memory_space<vmem>>, vector<16xf32>,
        %sub3A_525 = arith.subf %get3A_519, %get3A_524 : vector<16xf32>
        %mul3A_526 = arith.mulf %sub3A_525, %sub3A_525 : vector<16xf32>
        %add3A_527 = arith.addf %add3A_419, %mul3A_526 : vector<16xf32>
        %get3A_528 = arith.constant 2 : i32
        %get3A_529 = arith.index_cast %get3A_528 : i32 to index
        %get3A_530 = arith.index_cast %add3A_514 : i32 to index
        %get3A_531 = arith.constant 16 : index
        %get3A_532 = tpu.vector_load %arg5[%get3A_529, %get3A_530, %get3A_531] {strides = array<i32>} : memref<3x72x128xf32, #tpu.memory_space<vmem>>, vector<16xf32>,
        %get3A_533 = arith.constant 2 : i32
        %get3A_534 = arith.index_cast %get3A_533 : i32 to index
        %get3A_535 = arith.index_cast %add3A_514 : i32 to index
        %get3A_536 = arith.constant 16 : index
        %get3A_537 = tpu.vector_load %arg6[%get3A_534, %get3A_535, %get3A_536] {strides = array<i32>} : memref<3x72x128xf32, #tpu.memory_space<vmem>>, vector<16xf32>,
        %sub3A_538 = arith.subf %get3A_532, %get3A_537 : vector<16xf32>
        %mul3A_539 = arith.mulf %sub3A_538, %sub3A_538 : vector<16xf32>
        %add3A_540 = arith.addf %add3A_432, %mul3A_539 : vector<16xf32>
        %get3A_541 = arith.constant 2 : i32
        %get3A_542 = arith.index_cast %get3A_541 : i32 to index
        %get3A_543 = arith.index_cast %add3A_514 : i32 to index
        %get3A_544 = arith.constant 32 : index
        %get3A_545 = tpu.vector_load %arg5[%get3A_542, %get3A_543, %get3A_544] {strides = array<i32>} : memref<3x72x128xf32, #tpu.memory_space<vmem>>, vector<16xf32>,
        %get3A_546 = arith.constant 2 : i32
        %get3A_547 = arith.index_cast %get3A_546 : i32 to index
        %get3A_548 = arith.index_cast %add3A_514 : i32 to index
        %get3A_549 = arith.constant 32 : index
        %get3A_550 = tpu.vector_load %arg6[%get3A_547, %get3A_548, %get3A_549] {strides = array<i32>} : memref<3x72x128xf32, #tpu.memory_space<vmem>>, vector<16xf32>,
        %sub3A_551 = arith.subf %get3A_545, %get3A_550 : vector<16xf32>
        %mul3A_552 = arith.mulf %sub3A_551, %sub3A_551 : vector<16xf32>
        %add3A_553 = arith.addf %add3A_445, %mul3A_552 : vector<16xf32>
        %get3A_554 = arith.constant 2 : i32
        %get3A_555 = arith.index_cast %get3A_554 : i32 to index
        %get3A_556 = arith.index_cast %add3A_514 : i32 to index
        %get3A_557 = arith.constant 48 : index
        %get3A_558 = tpu.vector_load %arg5[%get3A_555, %get3A_556, %get3A_557] {strides = array<i32>} : memref<3x72x128xf32, #tpu.memory_space<vmem>>, vector<16xf32>,
        %get3A_559 = arith.constant 2 : i32
        %get3A_560 = arith.index_cast %get3A_559 : i32 to index
        %get3A_561 = arith.index_cast %add3A_514 : i32 to index
        %get3A_562 = arith.constant 48 : index
        %get3A_563 = tpu.vector_load %arg6[%get3A_560, %get3A_561, %get3A_562] {strides = array<i32>} : memref<3x72x128xf32, #tpu.memory_space<vmem>>, vector<16xf32>,
        %sub3A_564 = arith.subf %get3A_558, %get3A_563 : vector<16xf32>
        %mul3A_565 = arith.mulf %sub3A_564, %sub3A_564 : vector<16xf32>
        %add3A_566 = arith.addf %add3A_458, %mul3A_565 : vector<16xf32>
        %get3A_567 = arith.constant 2 : i32
        %get3A_568 = arith.index_cast %get3A_567 : i32 to index
        %get3A_569 = arith.index_cast %add3A_514 : i32 to index
        %get3A_570 = arith.constant 64 : index
        %get3A_571 = tpu.vector_load %arg5[%get3A_568, %get3A_569, %get3A_570] {strides = array<i32>} : memref<3x72x128xf32, #tpu.memory_space<vmem>>, vector<16xf32>,
        %get3A_572 = arith.constant 2 : i32
        %get3A_573 = arith.index_cast %get3A_572 : i32 to index
        %get3A_574 = arith.index_cast %add3A_514 : i32 to index
        %get3A_575 = arith.constant 64 : index
        %get3A_576 = tpu.vector_load %arg6[%get3A_573, %get3A_574, %get3A_575] {strides = array<i32>} : memref<3x72x128xf32, #tpu.memory_space<vmem>>, vector<16xf32>,
        %sub3A_577 = arith.subf %get3A_571, %get3A_576 : vector<16xf32>
        %mul3A_578 = arith.mulf %sub3A_577, %sub3A_577 : vector<16xf32>
        %add3A_579 = arith.addf %add3A_471, %mul3A_578 : vector<16xf32>
        %get3A_580 = arith.constant 2 : i32
        %get3A_581 = arith.index_cast %get3A_580 : i32 to index
        %get3A_582 = arith.index_cast %add3A_514 : i32 to index
        %get3A_583 = arith.constant 80 : index
        %get3A_584 = tpu.vector_load %arg5[%get3A_581, %get3A_582, %get3A_583] {strides = array<i32>} : memref<3x72x128xf32, #tpu.memory_space<vmem>>, vector<16xf32>,
        %get3A_585 = arith.constant 2 : i32
        %get3A_586 = arith.index_cast %get3A_585 : i32 to index
        %get3A_587 = arith.index_cast %add3A_514 : i32 to index
        %get3A_588 = arith.constant 80 : index
        %get3A_589 = tpu.vector_load %arg6[%get3A_586, %get3A_587, %get3A_588] {strides = array<i32>} : memref<3x72x128xf32, #tpu.memory_space<vmem>>, vector<16xf32>,
        %sub3A_590 = arith.subf %get3A_584, %get3A_589 : vector<16xf32>
        %mul3A_591 = arith.mulf %sub3A_590, %sub3A_590 : vector<16xf32>
        %add3A_592 = arith.addf %add3A_484, %mul3A_591 : vector<16xf32>
        %get3A_593 = arith.constant 2 : i32
        %get3A_594 = arith.index_cast %get3A_593 : i32 to index
        %get3A_595 = arith.index_cast %add3A_514 : i32 to index
        %get3A_596 = arith.constant 96 : index
        %get3A_597 = tpu.vector_load %arg5[%get3A_594, %get3A_595, %get3A_596] {strides = array<i32>} : memref<3x72x128xf32, #tpu.memory_space<vmem>>, vector<16xf32>,
        %get3A_598 = arith.constant 2 : i32
        %get3A_599 = arith.index_cast %get3A_598 : i32 to index
        %get3A_600 = arith.index_cast %add3A_514 : i32 to index
        %get3A_601 = arith.constant 96 : index
        %get3A_602 = tpu.vector_load %arg6[%get3A_599, %get3A_600, %get3A_601] {strides = array<i32>} : memref<3x72x128xf32, #tpu.memory_space<vmem>>, vector<16xf32>,
        %sub3A_603 = arith.subf %get3A_597, %get3A_602 : vector<16xf32>
        %mul3A_604 = arith.mulf %sub3A_603, %sub3A_603 : vector<16xf32>
        %add3A_605 = arith.addf %add3A_497, %mul3A_604 : vector<16xf32>
        %get3A_606 = arith.constant 2 : i32
        %get3A_607 = arith.index_cast %get3A_606 : i32 to index
        %get3A_608 = arith.index_cast %add3A_514 : i32 to index
        %get3A_609 = arith.constant 112 : index
        %get3A_610 = tpu.vector_load %arg5[%get3A_607, %get3A_608, %get3A_609] {strides = array<i32>} : memref<3x72x128xf32, #tpu.memory_space<vmem>>, vector<16xf32>,
        %get3A_611 = arith.constant 2 : i32
        %get3A_612 = arith.index_cast %get3A_611 : i32 to index
        %get3A_613 = arith.index_cast %add3A_514 : i32 to index
        %get3A_614 = arith.constant 112 : index
        %get3A_615 = tpu.vector_load %arg6[%get3A_612, %get3A_613, %get3A_614] {strides = array<i32>} : memref<3x72x128xf32, #tpu.memory_space<vmem>>, vector<16xf32>,
        %sub3A_616 = arith.subf %get3A_610, %get3A_615 : vector<16xf32>
        %mul3A_617 = arith.mulf %sub3A_616, %sub3A_616 : vector<16xf32>
        %add3A_618 = arith.addf %add3A_510, %mul3A_617 : vector<16xf32>
        %mul3A_619 = arith.constant 4 : i32
        %mul3A_620 = arith.muli %scan3A_288, %mul3A_619 : i32
        %add3A_621 = arith.constant 3 : i32
        %add3A_622 = arith.addi %mul3A_620, %add3A_621 : i32
        %get3A_623 = arith.constant 2 : i32
        %get3A_624 = arith.index_cast %get3A_623 : i32 to index
        %get3A_625 = arith.index_cast %add3A_622 : i32 to index
        %get3A_626 = arith.constant 0 : index
        %get3A_627 = tpu.vector_load %arg5[%get3A_624, %get3A_625, %get3A_626] {strides = array<i32>} : memref<3x72x128xf32, #tpu.memory_space<vmem>>, vector<16xf32>,
        %get3A_628 = arith.constant 2 : i32
        %get3A_629 = arith.index_cast %get3A_628 : i32 to index
        %get3A_630 = arith.index_cast %add3A_622 : i32 to index
        %get3A_631 = arith.constant 0 : index
        %get3A_632 = tpu.vector_load %arg6[%get3A_629, %get3A_630, %get3A_631] {strides = array<i32>} : memref<3x72x128xf32, #tpu.memory_space<vmem>>, vector<16xf32>,
        %sub3A_633 = arith.subf %get3A_627, %get3A_632 : vector<16xf32>
        %mul3A_634 = arith.mulf %sub3A_633, %sub3A_633 : vector<16xf32>
        %add3A_635 = arith.addf %add3A_527, %mul3A_634 : vector<16xf32>
        %get3A_636 = arith.constant 2 : i32
        %get3A_637 = arith.index_cast %get3A_636 : i32 to index
        %get3A_638 = arith.index_cast %add3A_622 : i32 to index
        %get3A_639 = arith.constant 16 : index
        %get3A_640 = tpu.vector_load %arg5[%get3A_637, %get3A_638, %get3A_639] {strides = array<i32>} : memref<3x72x128xf32, #tpu.memory_space<vmem>>, vector<16xf32>,
        %get3A_641 = arith.constant 2 : i32
        %get3A_642 = arith.index_cast %get3A_641 : i32 to index
        %get3A_643 = arith.index_cast %add3A_622 : i32 to index
        %get3A_644 = arith.constant 16 : index
        %get3A_645 = tpu.vector_load %arg6[%get3A_642, %get3A_643, %get3A_644] {strides = array<i32>} : memref<3x72x128xf32, #tpu.memory_space<vmem>>, vector<16xf32>,
        %sub3A_646 = arith.subf %get3A_640, %get3A_645 : vector<16xf32>
        %mul3A_647 = arith.mulf %sub3A_646, %sub3A_646 : vector<16xf32>
        %add3A_648 = arith.addf %add3A_540, %mul3A_647 : vector<16xf32>
        %get3A_649 = arith.constant 2 : i32
        %get3A_650 = arith.index_cast %get3A_649 : i32 to index
        %get3A_651 = arith.index_cast %add3A_622 : i32 to index
        %get3A_652 = arith.constant 32 : index
        %get3A_653 = tpu.vector_load %arg5[%get3A_650, %get3A_651, %get3A_652] {strides = array<i32>} : memref<3x72x128xf32, #tpu.memory_space<vmem>>, vector<16xf32>,
        %get3A_654 = arith.constant 2 : i32
        %get3A_655 = arith.index_cast %get3A_654 : i32 to index
        %get3A_656 = arith.index_cast %add3A_622 : i32 to index
        %get3A_657 = arith.constant 32 : index
        %get3A_658 = tpu.vector_load %arg6[%get3A_655, %get3A_656, %get3A_657] {strides = array<i32>} : memref<3x72x128xf32, #tpu.memory_space<vmem>>, vector<16xf32>,
        %sub3A_659 = arith.subf %get3A_653, %get3A_658 : vector<16xf32>
        %mul3A_660 = arith.mulf %sub3A_659, %sub3A_659 : vector<16xf32>
        %add3A_661 = arith.addf %add3A_553, %mul3A_660 : vector<16xf32>
        %get3A_662 = arith.constant 2 : i32
        %get3A_663 = arith.index_cast %get3A_662 : i32 to index
        %get3A_664 = arith.index_cast %add3A_622 : i32 to index
        %get3A_665 = arith.constant 48 : index
        %get3A_666 = tpu.vector_load %arg5[%get3A_663, %get3A_664, %get3A_665] {strides = array<i32>} : memref<3x72x128xf32, #tpu.memory_space<vmem>>, vector<16xf32>,
        %get3A_667 = arith.constant 2 : i32
        %get3A_668 = arith.index_cast %get3A_667 : i32 to index
        %get3A_669 = arith.index_cast %add3A_622 : i32 to index
        %get3A_670 = arith.constant 48 : index
        %get3A_671 = tpu.vector_load %arg6[%get3A_668, %get3A_669, %get3A_670] {strides = array<i32>} : memref<3x72x128xf32, #tpu.memory_space<vmem>>, vector<16xf32>,
        %sub3A_672 = arith.subf %get3A_666, %get3A_671 : vector<16xf32>
        %mul3A_673 = arith.mulf %sub3A_672, %sub3A_672 : vector<16xf32>
        %add3A_674 = arith.addf %add3A_566, %mul3A_673 : vector<16xf32>
        %get3A_675 = arith.constant 2 : i32
        %get3A_676 = arith.index_cast %get3A_675 : i32 to index
        %get3A_677 = arith.index_cast %add3A_622 : i32 to index
        %get3A_678 = arith.constant 64 : index
        %get3A_679 = tpu.vector_load %arg5[%get3A_676, %get3A_677, %get3A_678] {strides = array<i32>} : memref<3x72x128xf32, #tpu.memory_space<vmem>>, vector<16xf32>,
        %get3A_680 = arith.constant 2 : i32
        %get3A_681 = arith.index_cast %get3A_680 : i32 to index
        %get3A_682 = arith.index_cast %add3A_622 : i32 to index
        %get3A_683 = arith.constant 64 : index
        %get3A_684 = tpu.vector_load %arg6[%get3A_681, %get3A_682, %get3A_683] {strides = array<i32>} : memref<3x72x128xf32, #tpu.memory_space<vmem>>, vector<16xf32>,
        %sub3A_685 = arith.subf %get3A_679, %get3A_684 : vector<16xf32>
        %mul3A_686 = arith.mulf %sub3A_685, %sub3A_685 : vector<16xf32>
        %add3A_687 = arith.addf %add3A_579, %mul3A_686 : vector<16xf32>
        %get3A_688 = arith.constant 2 : i32
        %get3A_689 = arith.index_cast %get3A_688 : i32 to index
        %get3A_690 = arith.index_cast %add3A_622 : i32 to index
        %get3A_691 = arith.constant 80 : index
        %get3A_692 = tpu.vector_load %arg5[%get3A_689, %get3A_690, %get3A_691] {strides = array<i32>} : memref<3x72x128xf32, #tpu.memory_space<vmem>>, vector<16xf32>,
        %get3A_693 = arith.constant 2 : i32
        %get3A_694 = arith.index_cast %get3A_693 : i32 to index
        %get3A_695 = arith.index_cast %add3A_622 : i32 to index
        %get3A_696 = arith.constant 80 : index
        %get3A_697 = tpu.vector_load %arg6[%get3A_694, %get3A_695, %get3A_696] {strides = array<i32>} : memref<3x72x128xf32, #tpu.memory_space<vmem>>, vector<16xf32>,
        %sub3A_698 = arith.subf %get3A_692, %get3A_697 : vector<16xf32>
        %mul3A_699 = arith.mulf %sub3A_698, %sub3A_698 : vector<16xf32>
        %add3A_700 = arith.addf %add3A_592, %mul3A_699 : vector<16xf32>
        %get3A_701 = arith.constant 2 : i32
        %get3A_702 = arith.index_cast %get3A_701 : i32 to index
        %get3A_703 = arith.index_cast %add3A_622 : i32 to index
        %get3A_704 = arith.constant 96 : index
        %get3A_705 = tpu.vector_load %arg5[%get3A_702, %get3A_703, %get3A_704] {strides = array<i32>} : memref<3x72x128xf32, #tpu.memory_space<vmem>>, vector<16xf32>,
        %get3A_706 = arith.constant 2 : i32
        %get3A_707 = arith.index_cast %get3A_706 : i32 to index
        %get3A_708 = arith.index_cast %add3A_622 : i32 to index
        %get3A_709 = arith.constant 96 : index
        %get3A_710 = tpu.vector_load %arg6[%get3A_707, %get3A_708, %get3A_709] {strides = array<i32>} : memref<3x72x128xf32, #tpu.memory_space<vmem>>, vector<16xf32>,
        %sub3A_711 = arith.subf %get3A_705, %get3A_710 : vector<16xf32>
        %mul3A_712 = arith.mulf %sub3A_711, %sub3A_711 : vector<16xf32>
        %add3A_713 = arith.addf %add3A_605, %mul3A_712 : vector<16xf32>
        %get3A_714 = arith.constant 2 : i32
        %get3A_715 = arith.index_cast %get3A_714 : i32 to index
        %get3A_716 = arith.index_cast %add3A_622 : i32 to index
        %get3A_717 = arith.constant 112 : index
        %get3A_718 = tpu.vector_load %arg5[%get3A_715, %get3A_716, %get3A_717] {strides = array<i32>} : memref<3x72x128xf32, #tpu.memory_space<vmem>>, vector<16xf32>,
        %get3A_719 = arith.constant 2 : i32
        %get3A_720 = arith.index_cast %get3A_719 : i32 to index
        %get3A_721 = arith.index_cast %add3A_622 : i32 to index
        %get3A_722 = arith.constant 112 : index
        %get3A_723 = tpu.vector_load %arg6[%get3A_720, %get3A_721, %get3A_722] {strides = array<i32>} : memref<3x72x128xf32, #tpu.memory_space<vmem>>, vector<16xf32>,
        %sub3A_724 = arith.subf %get3A_718, %get3A_723 : vector<16xf32>
        %mul3A_725 = arith.mulf %sub3A_724, %sub3A_724 : vector<16xf32>
        %add3A_726 = arith.addf %add3A_618, %mul3A_725 : vector<16xf32>
        scf.yield %add3A_635, %add3A_648, %add3A_661, %add3A_674, %add3A_687, %add3A_700, %add3A_713, %add3A_726 : vector<16xf32>, vector<16xf32>, vector<16xf32>, vector<16xf32>, vector<16xf32>, vector<16xf32>, vector<16xf32>, vector<16xf32>
      }
      %scan3A_257 = arith.constant 18 : i32
      %add3A_258 = arith.constant 1 : i32
      %add3A_259 = arith.addi %scan3A_121, %add3A_258 : i32
      %lt3A_260 = arith.constant 17 : i32
      %lt3A_261 = arith.cmpi slt, %add3A_259, %lt3A_260 : i32
      %convert_element_type3A_262 = arith.extui %lt3A_261 : i1 to i32
      %cond3A_263 = arith.constant 0 : i32
      %cond3A_264 = arith.cmpi ne, %convert_element_type3A_262, %cond3A_263 : i32
      scf.if %cond3A_264 {
        %add3A_288 = arith.constant 1 : i32
        %add3A_289 = arith.addi %scan3A_121, %add3A_288 : i32
        %add3A_290 = arith.constant 144 : i32
        %add3A_291 = arith.addi %mul3A_2, %add3A_290 : i32
        %dma_start3A_292 = arith.constant 2 : i32
        %dma_start3A_293 = arith.constant 2 : i32
        %dma_start3A_294 = arith.constant 0 : i32
        %dma_start3A_295 = arith.constant 0 : i32
        %dma_start3A_296 = tpu.memref_slice %arg5[%dma_start3A_292, %dma_start3A_294, %dma_start3A_295] : memref<3x72x128xf32, #tpu.memory_space<vmem>> -> memref<1x72x128xf32, #tpu.memory_space<vmem>>
        %dma_start3A_297 = tpu.memref_squeeze %dma_start3A_296 : memref<1x72x128xf32, #tpu.memory_space<vmem>> -> memref<72x128xf32, #tpu.memory_space<vmem>>
        %dma_start3A_298 = tpu.memref_slice %arg2[%add3A_289, %add3A_291, %mul3A_0] : memref<17x6912x256xf32, #tpu.memory_space<hbm>> -> memref<1x72x128xf32, #tpu.memory_space<hbm>>
        %dma_start3A_299 = tpu.memref_squeeze %dma_start3A_298 : memref<1x72x128xf32, #tpu.memory_space<hbm>> -> memref<72x128xf32, #tpu.memory_space<hbm>>
        %dma_start3A_300 = tpu.memref_slice %arg8[%dma_start3A_293] : memref<6x!tpu.dma_semaphore, #tpu.memory_space<semaphore_mem>> -> memref<1x!tpu.dma_semaphore, #tpu.memory_space<semaphore_mem>>
        %dma_start3A_301 = tpu.memref_squeeze %dma_start3A_300 : memref<1x!tpu.dma_semaphore, #tpu.memory_space<semaphore_mem>> -> memref<!tpu.dma_semaphore, #tpu.memory_space<semaphore_mem>>
        %dma_start3A_302 = arith.constant 0 : i32
        %dma_start3A_303 = arith.constant 0 : i32
        %dma_start3A_304 = tpu.memref_slice %arg5[%dma_start3A_292, %dma_start3A_302, %dma_start3A_303] : memref<3x72x128xf32, #tpu.memory_space<vmem>> -> memref<1x72x128xf32, #tpu.memory_space<vmem>>
        %dma_start3A_305 = tpu.memref_squeeze %dma_start3A_304 : memref<1x72x128xf32, #tpu.memory_space<vmem>> -> memref<72x128xf32, #tpu.memory_space<vmem>>
        %dma_start3A_306 = tpu.memref_slice %arg2[%add3A_289, %add3A_291, %mul3A_0] : memref<17x6912x256xf32, #tpu.memory_space<hbm>> -> memref<1x72x128xf32, #tpu.memory_space<hbm>>
        %dma_start3A_307 = tpu.memref_squeeze %dma_start3A_306 : memref<1x72x128xf32, #tpu.memory_space<hbm>> -> memref<72x128xf32, #tpu.memory_space<hbm>>
        tpu.enqueue_dma source(%dma_start3A_307 : memref<72x128xf32, #tpu.memory_space<hbm>>) target(%dma_start3A_305 : memref<72x128xf32, #tpu.memory_space<vmem>>) target_semaphore(%dma_start3A_301 : memref<!tpu.dma_semaphore, #tpu.memory_space<semaphore_mem>>)
        %add3A_308 = arith.constant 1 : i32
        %add3A_309 = arith.addi %scan3A_121, %add3A_308 : i32
        %add3A_310 = arith.constant 144 : i32
        %add3A_311 = arith.addi %mul3A_2, %add3A_310 : i32
        %dma_start3A_312 = arith.constant 2 : i32
        %dma_start3A_313 = arith.constant 5 : i32
        %dma_start3A_314 = arith.constant 0 : i32
        %dma_start3A_315 = arith.constant 0 : i32
        %dma_start3A_316 = tpu.memref_slice %arg6[%dma_start3A_312, %dma_start3A_314, %dma_start3A_315] : memref<3x72x128xf32, #tpu.memory_space<vmem>> -> memref<1x72x128xf32, #tpu.memory_space<vmem>>
        %dma_start3A_317 = tpu.memref_squeeze %dma_start3A_316 : memref<1x72x128xf32, #tpu.memory_space<vmem>> -> memref<72x128xf32, #tpu.memory_space<vmem>>
        %dma_start3A_318 = tpu.memref_slice %arg3[%add3A_309, %add3A_311, %mul3A_0] : memref<17x6912x256xf32, #tpu.memory_space<hbm>> -> memref<1x72x128xf32, #tpu.memory_space<hbm>>
        %dma_start3A_319 = tpu.memref_squeeze %dma_start3A_318 : memref<1x72x128xf32, #tpu.memory_space<hbm>> -> memref<72x128xf32, #tpu.memory_space<hbm>>
        %dma_start3A_320 = tpu.memref_slice %arg8[%dma_start3A_313] : memref<6x!tpu.dma_semaphore, #tpu.memory_space<semaphore_mem>> -> memref<1x!tpu.dma_semaphore, #tpu.memory_space<semaphore_mem>>
        %dma_start3A_321 = tpu.memref_squeeze %dma_start3A_320 : memref<1x!tpu.dma_semaphore, #tpu.memory_space<semaphore_mem>> -> memref<!tpu.dma_semaphore, #tpu.memory_space<semaphore_mem>>
        %dma_start3A_322 = arith.constant 0 : i32
        %dma_start3A_323 = arith.constant 0 : i32
        %dma_start3A_324 = tpu.memref_slice %arg6[%dma_start3A_312, %dma_start3A_322, %dma_start3A_323] : memref<3x72x128xf32, #tpu.memory_space<vmem>> -> memref<1x72x128xf32, #tpu.memory_space<vmem>>
        %dma_start3A_325 = tpu.memref_squeeze %dma_start3A_324 : memref<1x72x128xf32, #tpu.memory_space<vmem>> -> memref<72x128xf32, #tpu.memory_space<vmem>>
        %dma_start3A_326 = tpu.memref_slice %arg3[%add3A_309, %add3A_311, %mul3A_0] : memref<17x6912x256xf32, #tpu.memory_space<hbm>> -> memref<1x72x128xf32, #tpu.memory_space<hbm>>
        %dma_start3A_327 = tpu.memref_squeeze %dma_start3A_326 : memref<1x72x128xf32, #tpu.memory_space<hbm>> -> memref<72x128xf32, #tpu.memory_space<hbm>>
        tpu.enqueue_dma source(%dma_start3A_327 : memref<72x128xf32, #tpu.memory_space<hbm>>) target(%dma_start3A_325 : memref<72x128xf32, #tpu.memory_space<vmem>>) target_semaphore(%dma_start3A_321 : memref<!tpu.dma_semaphore, #tpu.memory_space<semaphore_mem>>)
      } else {
      }
      %swap3A = arith.index_cast %scan3A_121 : i32 to index
      %swap3A_265 = arith.constant 0 : index
      %swap3A_266 = tpu.vector_load %arg7[%swap3A, %swap3A_265] {strides = array<i32>} : memref<17x128xf32, #tpu.memory_space<vmem>>, vector<16xf32>,
      tpu.vector_store %arg7[%swap3A, %swap3A_265], %scan3A_256#0 {strides = array<i32>} : memref<17x128xf32, #tpu.memory_space<vmem>>, vector<16xf32>,
      %swap3A_267 = arith.index_cast %scan3A_121 : i32 to index
      %swap3A_268 = arith.constant 16 : index
      %swap3A_269 = tpu.vector_load %arg7[%swap3A_267, %swap3A_268] {strides = array<i32>} : memref<17x128xf32, #tpu.memory_space<vmem>>, vector<16xf32>,
      tpu.vector_store %arg7[%swap3A_267, %swap3A_268], %scan3A_256#1 {strides = array<i32>} : memref<17x128xf32, #tpu.memory_space<vmem>>, vector<16xf32>,
      %swap3A_270 = arith.index_cast %scan3A_121 : i32 to index
      %swap3A_271 = arith.constant 32 : index
      %swap3A_272 = tpu.vector_load %arg7[%swap3A_270, %swap3A_271] {strides = array<i32>} : memref<17x128xf32, #tpu.memory_space<vmem>>, vector<16xf32>,
      tpu.vector_store %arg7[%swap3A_270, %swap3A_271], %scan3A_256#2 {strides = array<i32>} : memref<17x128xf32, #tpu.memory_space<vmem>>, vector<16xf32>,
      %swap3A_273 = arith.index_cast %scan3A_121 : i32 to index
      %swap3A_274 = arith.constant 48 : index
      %swap3A_275 = tpu.vector_load %arg7[%swap3A_273, %swap3A_274] {strides = array<i32>} : memref<17x128xf32, #tpu.memory_space<vmem>>, vector<16xf32>,
      tpu.vector_store %arg7[%swap3A_273, %swap3A_274], %scan3A_256#3 {strides = array<i32>} : memref<17x128xf32, #tpu.memory_space<vmem>>, vector<16xf32>,
      %swap3A_276 = arith.index_cast %scan3A_121 : i32 to index
      %swap3A_277 = arith.constant 64 : index
      %swap3A_278 = tpu.vector_load %arg7[%swap3A_276, %swap3A_277] {strides = array<i32>} : memref<17x128xf32, #tpu.memory_space<vmem>>, vector<16xf32>,
      tpu.vector_store %arg7[%swap3A_276, %swap3A_277], %scan3A_256#4 {strides = array<i32>} : memref<17x128xf32, #tpu.memory_space<vmem>>, vector<16xf32>,
      %swap3A_279 = arith.index_cast %scan3A_121 : i32 to index
      %swap3A_280 = arith.constant 80 : index
      %swap3A_281 = tpu.vector_load %arg7[%swap3A_279, %swap3A_280] {strides = array<i32>} : memref<17x128xf32, #tpu.memory_space<vmem>>, vector<16xf32>,
      tpu.vector_store %arg7[%swap3A_279, %swap3A_280], %scan3A_256#5 {strides = array<i32>} : memref<17x128xf32, #tpu.memory_space<vmem>>, vector<16xf32>,
      %swap3A_282 = arith.index_cast %scan3A_121 : i32 to index
      %swap3A_283 = arith.constant 96 : index
      %swap3A_284 = tpu.vector_load %arg7[%swap3A_282, %swap3A_283] {strides = array<i32>} : memref<17x128xf32, #tpu.memory_space<vmem>>, vector<16xf32>,
      tpu.vector_store %arg7[%swap3A_282, %swap3A_283], %scan3A_256#6 {strides = array<i32>} : memref<17x128xf32, #tpu.memory_space<vmem>>, vector<16xf32>,
      %swap3A_285 = arith.index_cast %scan3A_121 : i32 to index
      %swap3A_286 = arith.constant 112 : index
      %swap3A_287 = tpu.vector_load %arg7[%swap3A_285, %swap3A_286] {strides = array<i32>} : memref<17x128xf32, #tpu.memory_space<vmem>>, vector<16xf32>,
      tpu.vector_store %arg7[%swap3A_285, %swap3A_286], %scan3A_256#7 {strides = array<i32>} : memref<17x128xf32, #tpu.memory_space<vmem>>, vector<16xf32>,
    }
    %scan3A_120 = arith.constant 17 : i32
    "tpu.region"() ({
      %run_scoped3A = tpu.sem_alloc : memref<!tpu.dma_semaphore, #tpu.memory_space<semaphore_mem>>
      %dma_start3A_121 = arith.constant 0 : i32
      %dma_start3A_122 = arith.constant 0 : i32
      %dma_start3A_123 = tpu.memref_slice %arg4[%arg0, %arg1, %dma_start3A_121, %dma_start3A_122] : memref<2x16x17x128xf32, #tpu.memory_space<hbm>> -> memref<1x1x17x128xf32, #tpu.memory_space<hbm>>
      %dma_start3A_124 = tpu.memref_squeeze %dma_start3A_123 : memref<1x1x17x128xf32, #tpu.memory_space<hbm>> -> memref<17x128xf32, #tpu.memory_space<hbm>>
      %dma_start3A_125 = arith.constant 0 : i32
      %dma_start3A_126 = arith.constant 0 : i32
      %dma_start3A_127 = tpu.memref_slice %arg4[%arg0, %arg1, %dma_start3A_125, %dma_start3A_126] : memref<2x16x17x128xf32, #tpu.memory_space<hbm>> -> memref<1x1x17x128xf32, #tpu.memory_space<hbm>>
      %dma_start3A_128 = tpu.memref_squeeze %dma_start3A_127 : memref<1x1x17x128xf32, #tpu.memory_space<hbm>> -> memref<17x128xf32, #tpu.memory_space<hbm>>
      tpu.enqueue_dma source(%arg7 : memref<17x128xf32, #tpu.memory_space<vmem>>) target(%dma_start3A_128 : memref<17x128xf32, #tpu.memory_space<hbm>>) target_semaphore(%run_scoped3A : memref<!tpu.dma_semaphore, #tpu.memory_space<semaphore_mem>>)
      %dma_wait3A = arith.constant 0 : i32
      %dma_wait3A_129 = arith.constant 0 : i32
      %dma_wait3A_130 = tpu.memref_slice %arg4[%arg0, %arg1, %dma_wait3A, %dma_wait3A_129] : memref<2x16x17x128xf32, #tpu.memory_space<hbm>> -> memref<1x1x17x128xf32, #tpu.memory_space<hbm>>
      %dma_wait3A_131 = tpu.memref_squeeze %dma_wait3A_130 : memref<1x1x17x128xf32, #tpu.memory_space<hbm>> -> memref<17x128xf32, #tpu.memory_space<hbm>>
      %dma_wait3A_132 = arith.constant 0 : i32
      %dma_wait3A_133 = arith.constant 0 : i32
      %dma_wait3A_134 = tpu.memref_slice %arg4[%arg0, %arg1, %dma_wait3A_132, %dma_wait3A_133] : memref<2x16x17x128xf32, #tpu.memory_space<hbm>> -> memref<1x1x17x128xf32, #tpu.memory_space<hbm>>
      %dma_wait3A_135 = tpu.memref_squeeze %dma_wait3A_134 : memref<1x1x17x128xf32, #tpu.memory_space<hbm>> -> memref<17x128xf32, #tpu.memory_space<hbm>>
      tpu.wait_dma2 semaphore(%run_scoped3A : memref<!tpu.dma_semaphore, #tpu.memory_space<semaphore_mem>>) src(%arg7 : memref<17x128xf32, #tpu.memory_space<vmem>>) dst(%dma_wait3A_135 : memref<17x128xf32, #tpu.memory_space<hbm>>)
      tpu.yield
    }) : () -> ()
    return
  }
}

module attributes {stable_mosaic.version = 14 : i64} {
  func.func @_tc_stage1(%arg0: i32, %arg1: i32, %arg2: memref<1x1728x256xf32, #tpu.memory_space<vmem>>, %arg3: memref<1x1728x256xf32, #tpu.memory_space<vmem>>, %arg4: memref<1x1x256xf32, #tpu.memory_space<vmem>>) attributes {dimension_semantics = [#tpu.dimension_semantics<arbitrary>, #tpu.dimension_semantics<arbitrary>], iteration_bounds = array<i64: 17, 2>, scalar_prefetch = 0 : i64, scratch_operands = 0 : i64, tpu.core_type = #tpu.core_type<tc>, window_params = [{transform_indices = @transform_0, window_bounds = array<i64: 1, 1728, 256>}, {transform_indices = @transform_1, window_bounds = array<i64: 1, 1728, 256>}, {transform_indices = @transform_2, window_bounds = array<i64: 1, 1, 256>}]} {
    %get3A = arith.constant 0 : index
    %get3A_0 = arith.constant 0 : index
    %get3A_1 = arith.constant 0 : index
    %get3A_2 = vector.load %arg2[%get3A, %get3A_0, %get3A_1] : memref<1x1728x256xf32, #tpu.memory_space<vmem>>, vector<1x1728x256xf32>
    %get3A_3 = vector.shape_cast %get3A_2 : vector<1x1728x256xf32> to vector<1728x256xf32>
    %get3A_4 = arith.constant 0 : index
    %get3A_5 = arith.constant 0 : index
    %get3A_6 = arith.constant 0 : index
    %get3A_7 = vector.load %arg3[%get3A_4, %get3A_5, %get3A_6] : memref<1x1728x256xf32, #tpu.memory_space<vmem>>, vector<1x1728x256xf32>
    %get3A_8 = vector.shape_cast %get3A_7 : vector<1x1728x256xf32> to vector<1728x256xf32>
    %sub3A = arith.subf %get3A_3, %get3A_8 : vector<1728x256xf32>
    %mul3A = arith.mulf %sub3A, %sub3A : vector<1728x256xf32>
    %reduce_sum3A = arith.constant dense<0.000000e+00> : vector<256xf32>
    %reduce_sum3A_9 = vector.multi_reduction <add>, %mul3A, %reduce_sum3A [0] : vector<1728x256xf32> to vector<256xf32>
    %broadcast_in_dim3A = vector.shape_cast %reduce_sum3A_9 : vector<256xf32> to vector<1x256xf32>
    %eq3A = arith.constant 0 : i32
    %eq3A_10 = arith.cmpi eq, %arg1, %eq3A : i32
    %convert_element_type3A = arith.extui %eq3A_10 : i1 to i32
    %cond3A = arith.constant 0 : i32
    %cond3A_11 = arith.cmpi ne, %convert_element_type3A, %cond3A : i32
    scf.if %cond3A_11 {
      %swap3A = arith.constant 0 : index
      %swap3A_16 = arith.constant 0 : index
      %swap3A_17 = arith.constant 0 : index
      %swap3A_18 = vector.load %arg4[%swap3A, %swap3A_16, %swap3A_17] : memref<1x1x256xf32, #tpu.memory_space<vmem>>, vector<1x1x256xf32>
      %swap3A_19 = vector.shape_cast %swap3A_18 : vector<1x1x256xf32> to vector<1x256xf32>
      %swap3A_20 = vector.shape_cast %broadcast_in_dim3A : vector<1x256xf32> to vector<1x1x256xf32>
      tpu.vector_store %arg4[%swap3A, %swap3A_16, %swap3A_17], %swap3A_20 {strides = array<i32>} : memref<1x1x256xf32, #tpu.memory_space<vmem>>, vector<1x1x256xf32>,
    } else {
    }
    %gt3A = arith.constant 0 : i32
    %gt3A_12 = arith.cmpi sgt, %arg1, %gt3A : i32
    %convert_element_type3A_13 = arith.extui %gt3A_12 : i1 to i32
    %cond3A_14 = arith.constant 0 : i32
    %cond3A_15 = arith.cmpi ne, %convert_element_type3A_13, %cond3A_14 : i32
    scf.if %cond3A_15 {
      %get3A_16 = arith.constant 0 : index
      %get3A_17 = arith.constant 0 : index
      %get3A_18 = arith.constant 0 : index
      %get3A_19 = vector.load %arg4[%get3A_16, %get3A_17, %get3A_18] : memref<1x1x256xf32, #tpu.memory_space<vmem>>, vector<1x1x256xf32>
      %get3A_20 = vector.shape_cast %get3A_19 : vector<1x1x256xf32> to vector<1x256xf32>
      %add3A = arith.addf %get3A_20, %broadcast_in_dim3A : vector<1x256xf32>
      %swap3A = arith.constant 0 : index
      %swap3A_21 = arith.constant 0 : index
      %swap3A_22 = arith.constant 0 : index
      %swap3A_23 = vector.load %arg4[%swap3A, %swap3A_21, %swap3A_22] : memref<1x1x256xf32, #tpu.memory_space<vmem>>, vector<1x1x256xf32>
      %swap3A_24 = vector.shape_cast %swap3A_23 : vector<1x1x256xf32> to vector<1x256xf32>
      %swap3A_25 = vector.shape_cast %add3A : vector<1x256xf32> to vector<1x1x256xf32>
      tpu.vector_store %arg4[%swap3A, %swap3A_21, %swap3A_22], %swap3A_25 {strides = array<i32>} : memref<1x1x256xf32, #tpu.memory_space<vmem>>, vector<1x1x256xf32>,
    } else {
    }
    return
  }
  func.func @transform_0(%arg0: i32, %arg1: i32) -> (i32, i32, i32) {
    %add3A = arith.constant 2 : i32
    %add3A_0 = arith.addi %arg1, %add3A : i32
    %c0_i32 = arith.constant 0 : i32
    %c0_i32_1 = arith.constant 0 : i32
    return %arg0, %add3A_0, %c0_i32 : i32, i32, i32
  }
  func.func @transform_1(%arg0: i32, %arg1: i32) -> (i32, i32, i32) {
    %add3A = arith.constant 2 : i32
    %add3A_0 = arith.addi %arg1, %add3A : i32
    %c0_i32 = arith.constant 0 : i32
    %c0_i32_1 = arith.constant 0 : i32
    return %arg0, %add3A_0, %c0_i32 : i32, i32, i32
  }
  func.func @transform_2(%arg0: i32, %arg1: i32) -> (i32, i32, i32) {
    %c0_i32 = arith.constant 0 : i32
    %c0_i32_0 = arith.constant 0 : i32
    %c0_i32_1 = arith.constant 0 : i32
    return %arg0, %c0_i32, %c0_i32_0 : i32, i32, i32
  }
}

module attributes {stable_mosaic.version = 14 : i64} {
  func.func @_tc_finish(%arg0: memref<2x16x17x128xf32, #tpu.memory_space<vmem>>, %arg1: memref<2x17x128xf32, #tpu.memory_space<vmem>>, %arg2: memref<2x17x128xf32, #tpu.memory_space<vmem>>, %arg3: memref<1x128xf32, #tpu.memory_space<vmem>>) attributes {dimension_semantics = [], scalar_prefetch = 0 : i64, scratch_operands = 0 : i64, tpu.core_type = #tpu.core_type<tc>} {
    %get3A = arith.constant 0 : index
    %get3A_0 = arith.constant 0 : index
    %get3A_1 = arith.constant 0 : index
    %get3A_2 = arith.constant 0 : index
    %get3A_3 = vector.load %arg0[%get3A, %get3A_0, %get3A_1, %get3A_2] : memref<2x16x17x128xf32, #tpu.memory_space<vmem>>, vector<2x16x17x128xf32>
    %reduce_sum3A = arith.constant dense<0.000000e+00> : vector<2x17x128xf32>
    %reduce_sum3A_4 = vector.multi_reduction <add>, %get3A_3, %reduce_sum3A [1] : vector<2x16x17x128xf32> to vector<2x17x128xf32>
    %get3A_5 = arith.constant 0 : index
    %get3A_6 = arith.constant 0 : index
    %get3A_7 = arith.constant 0 : index
    %get3A_8 = vector.load %arg1[%get3A_5, %get3A_6, %get3A_7] : memref<2x17x128xf32, #tpu.memory_space<vmem>>, vector<2x17x128xf32>
    %add3A = arith.addf %reduce_sum3A_4, %get3A_8 : vector<2x17x128xf32>
    %get3A_9 = arith.constant 0 : index
    %get3A_10 = arith.constant 0 : index
    %get3A_11 = arith.constant 0 : index
    %get3A_12 = vector.load %arg2[%get3A_9, %get3A_10, %get3A_11] : memref<2x17x128xf32, #tpu.memory_space<vmem>>, vector<2x17x128xf32>
    %mul3A = arith.mulf %add3A, %get3A_12 : vector<2x17x128xf32>
    %broadcast_in_dim3A = arith.constant 0.000000e+00 : f32
    %broadcast_in_dim3A_13 = vector.broadcast %broadcast_in_dim3A : f32 to vector<2x1x128xf32>
    %reduce_max3A = arith.constant dense<0xFF800000> : vector<2x128xf32>
    %reduce_max3A_14 = vector.multi_reduction <maximumf>, %mul3A, %reduce_max3A [1] : vector<2x17x128xf32> to vector<2x128xf32>
    %broadcast_in_dim3A_15 = vector.shape_cast %reduce_max3A_14 : vector<2x128xf32> to vector<2x1x128xf32>
    %add3A_16 = arith.addf %broadcast_in_dim3A_13, %broadcast_in_dim3A_15 : vector<2x1x128xf32>
    %eq3A = vector.broadcast %broadcast_in_dim3A_15 : vector<2x1x128xf32> to vector<2x17x128xf32>
    %eq3A_17 = arith.cmpf oeq, %mul3A, %eq3A : vector<2x17x128xf32>
    %broadcast_in_dim3A_18 = arith.constant false
    %broadcast_in_dim3A_19 = vector.broadcast %broadcast_in_dim3A_18 : i1 to vector<2x1x128xi1>
    %slice3A = vector.extract_strided_slice %eq3A_17 {offsets = [0, 0, 0], sizes = [2, 1, 128], strides = [1, 1, 1]} : vector<2x17x128xi1> to vector<2x1x128xi1>
    %not3A = arith.constant dense<true> : vector<2x1x128xi1>
    %not3A_20 = arith.xori %broadcast_in_dim3A_19, %not3A : vector<2x1x128xi1>
    %and3A = arith.andi %slice3A, %not3A_20 : vector<2x1x128xi1>
    %slice3A_21 = vector.extract_strided_slice %mul3A {offsets = [0, 0, 0], sizes = [2, 1, 128], strides = [1, 1, 1]} : vector<2x17x128xf32> to vector<2x1x128xf32>
    %jit3A = arith.constant -1.000000e+00 : f32
    %broadcast_in_dim3A_22 = vector.broadcast %jit3A : f32 to vector<2x1x128xf32>
    %select_n3A = arith.select %and3A, %broadcast_in_dim3A_22, %slice3A_21 : vector<2x1x128xi1>, vector<2x1x128xf32>
    %or3A = arith.ori %broadcast_in_dim3A_19, %and3A : vector<2x1x128xi1>
    %slice3A_23 = vector.extract_strided_slice %eq3A_17 {offsets = [0, 1, 0], sizes = [2, 1, 128], strides = [1, 1, 1]} : vector<2x17x128xi1> to vector<2x1x128xi1>
    %not3A_24 = arith.constant dense<true> : vector<2x1x128xi1>
    %not3A_25 = arith.xori %or3A, %not3A_24 : vector<2x1x128xi1>
    %and3A_26 = arith.andi %slice3A_23, %not3A_25 : vector<2x1x128xi1>
    %slice3A_27 = vector.extract_strided_slice %mul3A {offsets = [0, 1, 0], sizes = [2, 1, 128], strides = [1, 1, 1]} : vector<2x17x128xf32> to vector<2x1x128xf32>
    %jit3A_28 = arith.constant -1.000000e+00 : f32
    %broadcast_in_dim3A_29 = vector.broadcast %jit3A_28 : f32 to vector<2x1x128xf32>
    %select_n3A_30 = arith.select %and3A_26, %broadcast_in_dim3A_29, %slice3A_27 : vector<2x1x128xi1>, vector<2x1x128xf32>
    %or3A_31 = arith.ori %or3A, %and3A_26 : vector<2x1x128xi1>
    %slice3A_32 = vector.extract_strided_slice %eq3A_17 {offsets = [0, 2, 0], sizes = [2, 1, 128], strides = [1, 1, 1]} : vector<2x17x128xi1> to vector<2x1x128xi1>
    %not3A_33 = arith.constant dense<true> : vector<2x1x128xi1>
    %not3A_34 = arith.xori %or3A_31, %not3A_33 : vector<2x1x128xi1>
    %and3A_35 = arith.andi %slice3A_32, %not3A_34 : vector<2x1x128xi1>
    %slice3A_36 = vector.extract_strided_slice %mul3A {offsets = [0, 2, 0], sizes = [2, 1, 128], strides = [1, 1, 1]} : vector<2x17x128xf32> to vector<2x1x128xf32>
    %jit3A_37 = arith.constant -1.000000e+00 : f32
    %broadcast_in_dim3A_38 = vector.broadcast %jit3A_37 : f32 to vector<2x1x128xf32>
    %select_n3A_39 = arith.select %and3A_35, %broadcast_in_dim3A_38, %slice3A_36 : vector<2x1x128xi1>, vector<2x1x128xf32>
    %or3A_40 = arith.ori %or3A_31, %and3A_35 : vector<2x1x128xi1>
    %slice3A_41 = vector.extract_strided_slice %eq3A_17 {offsets = [0, 3, 0], sizes = [2, 1, 128], strides = [1, 1, 1]} : vector<2x17x128xi1> to vector<2x1x128xi1>
    %not3A_42 = arith.constant dense<true> : vector<2x1x128xi1>
    %not3A_43 = arith.xori %or3A_40, %not3A_42 : vector<2x1x128xi1>
    %and3A_44 = arith.andi %slice3A_41, %not3A_43 : vector<2x1x128xi1>
    %slice3A_45 = vector.extract_strided_slice %mul3A {offsets = [0, 3, 0], sizes = [2, 1, 128], strides = [1, 1, 1]} : vector<2x17x128xf32> to vector<2x1x128xf32>
    %jit3A_46 = arith.constant -1.000000e+00 : f32
    %broadcast_in_dim3A_47 = vector.broadcast %jit3A_46 : f32 to vector<2x1x128xf32>
    %select_n3A_48 = arith.select %and3A_44, %broadcast_in_dim3A_47, %slice3A_45 : vector<2x1x128xi1>, vector<2x1x128xf32>
    %or3A_49 = arith.ori %or3A_40, %and3A_44 : vector<2x1x128xi1>
    %slice3A_50 = vector.extract_strided_slice %eq3A_17 {offsets = [0, 4, 0], sizes = [2, 1, 128], strides = [1, 1, 1]} : vector<2x17x128xi1> to vector<2x1x128xi1>
    %not3A_51 = arith.constant dense<true> : vector<2x1x128xi1>
    %not3A_52 = arith.xori %or3A_49, %not3A_51 : vector<2x1x128xi1>
    %and3A_53 = arith.andi %slice3A_50, %not3A_52 : vector<2x1x128xi1>
    %slice3A_54 = vector.extract_strided_slice %mul3A {offsets = [0, 4, 0], sizes = [2, 1, 128], strides = [1, 1, 1]} : vector<2x17x128xf32> to vector<2x1x128xf32>
    %jit3A_55 = arith.constant -1.000000e+00 : f32
    %broadcast_in_dim3A_56 = vector.broadcast %jit3A_55 : f32 to vector<2x1x128xf32>
    %select_n3A_57 = arith.select %and3A_53, %broadcast_in_dim3A_56, %slice3A_54 : vector<2x1x128xi1>, vector<2x1x128xf32>
    %or3A_58 = arith.ori %or3A_49, %and3A_53 : vector<2x1x128xi1>
    %slice3A_59 = vector.extract_strided_slice %eq3A_17 {offsets = [0, 5, 0], sizes = [2, 1, 128], strides = [1, 1, 1]} : vector<2x17x128xi1> to vector<2x1x128xi1>
    %not3A_60 = arith.constant dense<true> : vector<2x1x128xi1>
    %not3A_61 = arith.xori %or3A_58, %not3A_60 : vector<2x1x128xi1>
    %and3A_62 = arith.andi %slice3A_59, %not3A_61 : vector<2x1x128xi1>
    %slice3A_63 = vector.extract_strided_slice %mul3A {offsets = [0, 5, 0], sizes = [2, 1, 128], strides = [1, 1, 1]} : vector<2x17x128xf32> to vector<2x1x128xf32>
    %jit3A_64 = arith.constant -1.000000e+00 : f32
    %broadcast_in_dim3A_65 = vector.broadcast %jit3A_64 : f32 to vector<2x1x128xf32>
    %select_n3A_66 = arith.select %and3A_62, %broadcast_in_dim3A_65, %slice3A_63 : vector<2x1x128xi1>, vector<2x1x128xf32>
    %or3A_67 = arith.ori %or3A_58, %and3A_62 : vector<2x1x128xi1>
    %slice3A_68 = vector.extract_strided_slice %eq3A_17 {offsets = [0, 6, 0], sizes = [2, 1, 128], strides = [1, 1, 1]} : vector<2x17x128xi1> to vector<2x1x128xi1>
    %not3A_69 = arith.constant dense<true> : vector<2x1x128xi1>
    %not3A_70 = arith.xori %or3A_67, %not3A_69 : vector<2x1x128xi1>
    %and3A_71 = arith.andi %slice3A_68, %not3A_70 : vector<2x1x128xi1>
    %slice3A_72 = vector.extract_strided_slice %mul3A {offsets = [0, 6, 0], sizes = [2, 1, 128], strides = [1, 1, 1]} : vector<2x17x128xf32> to vector<2x1x128xf32>
    %jit3A_73 = arith.constant -1.000000e+00 : f32
    %broadcast_in_dim3A_74 = vector.broadcast %jit3A_73 : f32 to vector<2x1x128xf32>
    %select_n3A_75 = arith.select %and3A_71, %broadcast_in_dim3A_74, %slice3A_72 : vector<2x1x128xi1>, vector<2x1x128xf32>
    %or3A_76 = arith.ori %or3A_67, %and3A_71 : vector<2x1x128xi1>
    %slice3A_77 = vector.extract_strided_slice %eq3A_17 {offsets = [0, 7, 0], sizes = [2, 1, 128], strides = [1, 1, 1]} : vector<2x17x128xi1> to vector<2x1x128xi1>
    %not3A_78 = arith.constant dense<true> : vector<2x1x128xi1>
    %not3A_79 = arith.xori %or3A_76, %not3A_78 : vector<2x1x128xi1>
    %and3A_80 = arith.andi %slice3A_77, %not3A_79 : vector<2x1x128xi1>
    %slice3A_81 = vector.extract_strided_slice %mul3A {offsets = [0, 7, 0], sizes = [2, 1, 128], strides = [1, 1, 1]} : vector<2x17x128xf32> to vector<2x1x128xf32>
    %jit3A_82 = arith.constant -1.000000e+00 : f32
    %broadcast_in_dim3A_83 = vector.broadcast %jit3A_82 : f32 to vector<2x1x128xf32>
    %select_n3A_84 = arith.select %and3A_80, %broadcast_in_dim3A_83, %slice3A_81 : vector<2x1x128xi1>, vector<2x1x128xf32>
    %or3A_85 = arith.ori %or3A_76, %and3A_80 : vector<2x1x128xi1>
    %slice3A_86 = vector.extract_strided_slice %eq3A_17 {offsets = [0, 8, 0], sizes = [2, 1, 128], strides = [1, 1, 1]} : vector<2x17x128xi1> to vector<2x1x128xi1>
    %not3A_87 = arith.constant dense<true> : vector<2x1x128xi1>
    %not3A_88 = arith.xori %or3A_85, %not3A_87 : vector<2x1x128xi1>
    %and3A_89 = arith.andi %slice3A_86, %not3A_88 : vector<2x1x128xi1>
    %slice3A_90 = vector.extract_strided_slice %mul3A {offsets = [0, 8, 0], sizes = [2, 1, 128], strides = [1, 1, 1]} : vector<2x17x128xf32> to vector<2x1x128xf32>
    %jit3A_91 = arith.constant -1.000000e+00 : f32
    %broadcast_in_dim3A_92 = vector.broadcast %jit3A_91 : f32 to vector<2x1x128xf32>
    %select_n3A_93 = arith.select %and3A_89, %broadcast_in_dim3A_92, %slice3A_90 : vector<2x1x128xi1>, vector<2x1x128xf32>
    %or3A_94 = arith.ori %or3A_85, %and3A_89 : vector<2x1x128xi1>
    %slice3A_95 = vector.extract_strided_slice %eq3A_17 {offsets = [0, 9, 0], sizes = [2, 1, 128], strides = [1, 1, 1]} : vector<2x17x128xi1> to vector<2x1x128xi1>
    %not3A_96 = arith.constant dense<true> : vector<2x1x128xi1>
    %not3A_97 = arith.xori %or3A_94, %not3A_96 : vector<2x1x128xi1>
    %and3A_98 = arith.andi %slice3A_95, %not3A_97 : vector<2x1x128xi1>
    %slice3A_99 = vector.extract_strided_slice %mul3A {offsets = [0, 9, 0], sizes = [2, 1, 128], strides = [1, 1, 1]} : vector<2x17x128xf32> to vector<2x1x128xf32>
    %jit3A_100 = arith.constant -1.000000e+00 : f32
    %broadcast_in_dim3A_101 = vector.broadcast %jit3A_100 : f32 to vector<2x1x128xf32>
    %select_n3A_102 = arith.select %and3A_98, %broadcast_in_dim3A_101, %slice3A_99 : vector<2x1x128xi1>, vector<2x1x128xf32>
    %or3A_103 = arith.ori %or3A_94, %and3A_98 : vector<2x1x128xi1>
    %slice3A_104 = vector.extract_strided_slice %eq3A_17 {offsets = [0, 10, 0], sizes = [2, 1, 128], strides = [1, 1, 1]} : vector<2x17x128xi1> to vector<2x1x128xi1>
    %not3A_105 = arith.constant dense<true> : vector<2x1x128xi1>
    %not3A_106 = arith.xori %or3A_103, %not3A_105 : vector<2x1x128xi1>
    %and3A_107 = arith.andi %slice3A_104, %not3A_106 : vector<2x1x128xi1>
    %slice3A_108 = vector.extract_strided_slice %mul3A {offsets = [0, 10, 0], sizes = [2, 1, 128], strides = [1, 1, 1]} : vector<2x17x128xf32> to vector<2x1x128xf32>
    %jit3A_109 = arith.constant -1.000000e+00 : f32
    %broadcast_in_dim3A_110 = vector.broadcast %jit3A_109 : f32 to vector<2x1x128xf32>
    %select_n3A_111 = arith.select %and3A_107, %broadcast_in_dim3A_110, %slice3A_108 : vector<2x1x128xi1>, vector<2x1x128xf32>
    %or3A_112 = arith.ori %or3A_103, %and3A_107 : vector<2x1x128xi1>
    %slice3A_113 = vector.extract_strided_slice %eq3A_17 {offsets = [0, 11, 0], sizes = [2, 1, 128], strides = [1, 1, 1]} : vector<2x17x128xi1> to vector<2x1x128xi1>
    %not3A_114 = arith.constant dense<true> : vector<2x1x128xi1>
    %not3A_115 = arith.xori %or3A_112, %not3A_114 : vector<2x1x128xi1>
    %and3A_116 = arith.andi %slice3A_113, %not3A_115 : vector<2x1x128xi1>
    %slice3A_117 = vector.extract_strided_slice %mul3A {offsets = [0, 11, 0], sizes = [2, 1, 128], strides = [1, 1, 1]} : vector<2x17x128xf32> to vector<2x1x128xf32>
    %jit3A_118 = arith.constant -1.000000e+00 : f32
    %broadcast_in_dim3A_119 = vector.broadcast %jit3A_118 : f32 to vector<2x1x128xf32>
    %select_n3A_120 = arith.select %and3A_116, %broadcast_in_dim3A_119, %slice3A_117 : vector<2x1x128xi1>, vector<2x1x128xf32>
    %or3A_121 = arith.ori %or3A_112, %and3A_116 : vector<2x1x128xi1>
    %slice3A_122 = vector.extract_strided_slice %eq3A_17 {offsets = [0, 12, 0], sizes = [2, 1, 128], strides = [1, 1, 1]} : vector<2x17x128xi1> to vector<2x1x128xi1>
    %not3A_123 = arith.constant dense<true> : vector<2x1x128xi1>
    %not3A_124 = arith.xori %or3A_121, %not3A_123 : vector<2x1x128xi1>
    %and3A_125 = arith.andi %slice3A_122, %not3A_124 : vector<2x1x128xi1>
    %slice3A_126 = vector.extract_strided_slice %mul3A {offsets = [0, 12, 0], sizes = [2, 1, 128], strides = [1, 1, 1]} : vector<2x17x128xf32> to vector<2x1x128xf32>
    %jit3A_127 = arith.constant -1.000000e+00 : f32
    %broadcast_in_dim3A_128 = vector.broadcast %jit3A_127 : f32 to vector<2x1x128xf32>
    %select_n3A_129 = arith.select %and3A_125, %broadcast_in_dim3A_128, %slice3A_126 : vector<2x1x128xi1>, vector<2x1x128xf32>
    %or3A_130 = arith.ori %or3A_121, %and3A_125 : vector<2x1x128xi1>
    %slice3A_131 = vector.extract_strided_slice %eq3A_17 {offsets = [0, 13, 0], sizes = [2, 1, 128], strides = [1, 1, 1]} : vector<2x17x128xi1> to vector<2x1x128xi1>
    %not3A_132 = arith.constant dense<true> : vector<2x1x128xi1>
    %not3A_133 = arith.xori %or3A_130, %not3A_132 : vector<2x1x128xi1>
    %and3A_134 = arith.andi %slice3A_131, %not3A_133 : vector<2x1x128xi1>
    %slice3A_135 = vector.extract_strided_slice %mul3A {offsets = [0, 13, 0], sizes = [2, 1, 128], strides = [1, 1, 1]} : vector<2x17x128xf32> to vector<2x1x128xf32>
    %jit3A_136 = arith.constant -1.000000e+00 : f32
    %broadcast_in_dim3A_137 = vector.broadcast %jit3A_136 : f32 to vector<2x1x128xf32>
    %select_n3A_138 = arith.select %and3A_134, %broadcast_in_dim3A_137, %slice3A_135 : vector<2x1x128xi1>, vector<2x1x128xf32>
    %or3A_139 = arith.ori %or3A_130, %and3A_134 : vector<2x1x128xi1>
    %slice3A_140 = vector.extract_strided_slice %eq3A_17 {offsets = [0, 14, 0], sizes = [2, 1, 128], strides = [1, 1, 1]} : vector<2x17x128xi1> to vector<2x1x128xi1>
    %not3A_141 = arith.constant dense<true> : vector<2x1x128xi1>
    %not3A_142 = arith.xori %or3A_139, %not3A_141 : vector<2x1x128xi1>
    %and3A_143 = arith.andi %slice3A_140, %not3A_142 : vector<2x1x128xi1>
    %slice3A_144 = vector.extract_strided_slice %mul3A {offsets = [0, 14, 0], sizes = [2, 1, 128], strides = [1, 1, 1]} : vector<2x17x128xf32> to vector<2x1x128xf32>
    %jit3A_145 = arith.constant -1.000000e+00 : f32
    %broadcast_in_dim3A_146 = vector.broadcast %jit3A_145 : f32 to vector<2x1x128xf32>
    %select_n3A_147 = arith.select %and3A_143, %broadcast_in_dim3A_146, %slice3A_144 : vector<2x1x128xi1>, vector<2x1x128xf32>
    %or3A_148 = arith.ori %or3A_139, %and3A_143 : vector<2x1x128xi1>
    %slice3A_149 = vector.extract_strided_slice %eq3A_17 {offsets = [0, 15, 0], sizes = [2, 1, 128], strides = [1, 1, 1]} : vector<2x17x128xi1> to vector<2x1x128xi1>
    %not3A_150 = arith.constant dense<true> : vector<2x1x128xi1>
    %not3A_151 = arith.xori %or3A_148, %not3A_150 : vector<2x1x128xi1>
    %and3A_152 = arith.andi %slice3A_149, %not3A_151 : vector<2x1x128xi1>
    %slice3A_153 = vector.extract_strided_slice %mul3A {offsets = [0, 15, 0], sizes = [2, 1, 128], strides = [1, 1, 1]} : vector<2x17x128xf32> to vector<2x1x128xf32>
    %jit3A_154 = arith.constant -1.000000e+00 : f32
    %broadcast_in_dim3A_155 = vector.broadcast %jit3A_154 : f32 to vector<2x1x128xf32>
    %select_n3A_156 = arith.select %and3A_152, %broadcast_in_dim3A_155, %slice3A_153 : vector<2x1x128xi1>, vector<2x1x128xf32>
    %or3A_157 = arith.ori %or3A_148, %and3A_152 : vector<2x1x128xi1>
    %slice3A_158 = vector.extract_strided_slice %eq3A_17 {offsets = [0, 16, 0], sizes = [2, 1, 128], strides = [1, 1, 1]} : vector<2x17x128xi1> to vector<2x1x128xi1>
    %not3A_159 = arith.constant dense<true> : vector<2x1x128xi1>
    %not3A_160 = arith.xori %or3A_157, %not3A_159 : vector<2x1x128xi1>
    %and3A_161 = arith.andi %slice3A_158, %not3A_160 : vector<2x1x128xi1>
    %slice3A_162 = vector.extract_strided_slice %mul3A {offsets = [0, 16, 0], sizes = [2, 1, 128], strides = [1, 1, 1]} : vector<2x17x128xf32> to vector<2x1x128xf32>
    %jit3A_163 = arith.constant -1.000000e+00 : f32
    %broadcast_in_dim3A_164 = vector.broadcast %jit3A_163 : f32 to vector<2x1x128xf32>
    %select_n3A_165 = arith.select %and3A_161, %broadcast_in_dim3A_164, %slice3A_162 : vector<2x1x128xi1>, vector<2x1x128xf32>
    %concatenate3A = tpu.concatenate %select_n3A, %select_n3A_30, %select_n3A_39, %select_n3A_48, %select_n3A_57, %select_n3A_66, %select_n3A_75, %select_n3A_84, %select_n3A_93, %select_n3A_102, %select_n3A_111, %select_n3A_120, %select_n3A_129, %select_n3A_138, %select_n3A_147, %select_n3A_156, %select_n3A_165 in 1 : vector<2x1x128xf32>, vector<2x1x128xf32>, vector<2x1x128xf32>, vector<2x1x128xf32>, vector<2x1x128xf32>, vector<2x1x128xf32>, vector<2x1x128xf32>, vector<2x1x128xf32>, vector<2x1x128xf32>, vector<2x1x128xf32>, vector<2x1x128xf32>, vector<2x1x128xf32>, vector<2x1x128xf32>, vector<2x1x128xf32>, vector<2x1x128xf32>, vector<2x1x128xf32>, vector<2x1x128xf32> -> vector<2x17x128xf32>
    %reduce_max3A_166 = arith.constant dense<0xFF800000> : vector<2x128xf32>
    %reduce_max3A_167 = vector.multi_reduction <maximumf>, %concatenate3A, %reduce_max3A_166 [1] : vector<2x17x128xf32> to vector<2x128xf32>
    %broadcast_in_dim3A_168 = vector.shape_cast %reduce_max3A_167 : vector<2x128xf32> to vector<2x1x128xf32>
    %add3A_169 = arith.addf %add3A_16, %broadcast_in_dim3A_168 : vector<2x1x128xf32>
    %eq3A_170 = vector.broadcast %broadcast_in_dim3A_168 : vector<2x1x128xf32> to vector<2x17x128xf32>
    %eq3A_171 = arith.cmpf oeq, %concatenate3A, %eq3A_170 : vector<2x17x128xf32>
    %broadcast_in_dim3A_172 = arith.constant false
    %broadcast_in_dim3A_173 = vector.broadcast %broadcast_in_dim3A_172 : i1 to vector<2x1x128xi1>
    %slice3A_174 = vector.extract_strided_slice %eq3A_171 {offsets = [0, 0, 0], sizes = [2, 1, 128], strides = [1, 1, 1]} : vector<2x17x128xi1> to vector<2x1x128xi1>
    %not3A_175 = arith.constant dense<true> : vector<2x1x128xi1>
    %not3A_176 = arith.xori %broadcast_in_dim3A_173, %not3A_175 : vector<2x1x128xi1>
    %and3A_177 = arith.andi %slice3A_174, %not3A_176 : vector<2x1x128xi1>
    %slice3A_178 = vector.extract_strided_slice %concatenate3A {offsets = [0, 0, 0], sizes = [2, 1, 128], strides = [1, 1, 1]} : vector<2x17x128xf32> to vector<2x1x128xf32>
    %jit3A_179 = arith.constant -1.000000e+00 : f32
    %broadcast_in_dim3A_180 = vector.broadcast %jit3A_179 : f32 to vector<2x1x128xf32>
    %select_n3A_181 = arith.select %and3A_177, %broadcast_in_dim3A_180, %slice3A_178 : vector<2x1x128xi1>, vector<2x1x128xf32>
    %or3A_182 = arith.ori %broadcast_in_dim3A_173, %and3A_177 : vector<2x1x128xi1>
    %slice3A_183 = vector.extract_strided_slice %eq3A_171 {offsets = [0, 1, 0], sizes = [2, 1, 128], strides = [1, 1, 1]} : vector<2x17x128xi1> to vector<2x1x128xi1>
    %not3A_184 = arith.constant dense<true> : vector<2x1x128xi1>
    %not3A_185 = arith.xori %or3A_182, %not3A_184 : vector<2x1x128xi1>
    %and3A_186 = arith.andi %slice3A_183, %not3A_185 : vector<2x1x128xi1>
    %slice3A_187 = vector.extract_strided_slice %concatenate3A {offsets = [0, 1, 0], sizes = [2, 1, 128], strides = [1, 1, 1]} : vector<2x17x128xf32> to vector<2x1x128xf32>
    %jit3A_188 = arith.constant -1.000000e+00 : f32
    %broadcast_in_dim3A_189 = vector.broadcast %jit3A_188 : f32 to vector<2x1x128xf32>
    %select_n3A_190 = arith.select %and3A_186, %broadcast_in_dim3A_189, %slice3A_187 : vector<2x1x128xi1>, vector<2x1x128xf32>
    %or3A_191 = arith.ori %or3A_182, %and3A_186 : vector<2x1x128xi1>
    %slice3A_192 = vector.extract_strided_slice %eq3A_171 {offsets = [0, 2, 0], sizes = [2, 1, 128], strides = [1, 1, 1]} : vector<2x17x128xi1> to vector<2x1x128xi1>
    %not3A_193 = arith.constant dense<true> : vector<2x1x128xi1>
    %not3A_194 = arith.xori %or3A_191, %not3A_193 : vector<2x1x128xi1>
    %and3A_195 = arith.andi %slice3A_192, %not3A_194 : vector<2x1x128xi1>
    %slice3A_196 = vector.extract_strided_slice %concatenate3A {offsets = [0, 2, 0], sizes = [2, 1, 128], strides = [1, 1, 1]} : vector<2x17x128xf32> to vector<2x1x128xf32>
    %jit3A_197 = arith.constant -1.000000e+00 : f32
    %broadcast_in_dim3A_198 = vector.broadcast %jit3A_197 : f32 to vector<2x1x128xf32>
    %select_n3A_199 = arith.select %and3A_195, %broadcast_in_dim3A_198, %slice3A_196 : vector<2x1x128xi1>, vector<2x1x128xf32>
    %or3A_200 = arith.ori %or3A_191, %and3A_195 : vector<2x1x128xi1>
    %slice3A_201 = vector.extract_strided_slice %eq3A_171 {offsets = [0, 3, 0], sizes = [2, 1, 128], strides = [1, 1, 1]} : vector<2x17x128xi1> to vector<2x1x128xi1>
    %not3A_202 = arith.constant dense<true> : vector<2x1x128xi1>
    %not3A_203 = arith.xori %or3A_200, %not3A_202 : vector<2x1x128xi1>
    %and3A_204 = arith.andi %slice3A_201, %not3A_203 : vector<2x1x128xi1>
    %slice3A_205 = vector.extract_strided_slice %concatenate3A {offsets = [0, 3, 0], sizes = [2, 1, 128], strides = [1, 1, 1]} : vector<2x17x128xf32> to vector<2x1x128xf32>
    %jit3A_206 = arith.constant -1.000000e+00 : f32
    %broadcast_in_dim3A_207 = vector.broadcast %jit3A_206 : f32 to vector<2x1x128xf32>
    %select_n3A_208 = arith.select %and3A_204, %broadcast_in_dim3A_207, %slice3A_205 : vector<2x1x128xi1>, vector<2x1x128xf32>
    %or3A_209 = arith.ori %or3A_200, %and3A_204 : vector<2x1x128xi1>
    %slice3A_210 = vector.extract_strided_slice %eq3A_171 {offsets = [0, 4, 0], sizes = [2, 1, 128], strides = [1, 1, 1]} : vector<2x17x128xi1> to vector<2x1x128xi1>
    %not3A_211 = arith.constant dense<true> : vector<2x1x128xi1>
    %not3A_212 = arith.xori %or3A_209, %not3A_211 : vector<2x1x128xi1>
    %and3A_213 = arith.andi %slice3A_210, %not3A_212 : vector<2x1x128xi1>
    %slice3A_214 = vector.extract_strided_slice %concatenate3A {offsets = [0, 4, 0], sizes = [2, 1, 128], strides = [1, 1, 1]} : vector<2x17x128xf32> to vector<2x1x128xf32>
    %jit3A_215 = arith.constant -1.000000e+00 : f32
    %broadcast_in_dim3A_216 = vector.broadcast %jit3A_215 : f32 to vector<2x1x128xf32>
    %select_n3A_217 = arith.select %and3A_213, %broadcast_in_dim3A_216, %slice3A_214 : vector<2x1x128xi1>, vector<2x1x128xf32>
    %or3A_218 = arith.ori %or3A_209, %and3A_213 : vector<2x1x128xi1>
    %slice3A_219 = vector.extract_strided_slice %eq3A_171 {offsets = [0, 5, 0], sizes = [2, 1, 128], strides = [1, 1, 1]} : vector<2x17x128xi1> to vector<2x1x128xi1>
    %not3A_220 = arith.constant dense<true> : vector<2x1x128xi1>
    %not3A_221 = arith.xori %or3A_218, %not3A_220 : vector<2x1x128xi1>
    %and3A_222 = arith.andi %slice3A_219, %not3A_221 : vector<2x1x128xi1>
    %slice3A_223 = vector.extract_strided_slice %concatenate3A {offsets = [0, 5, 0], sizes = [2, 1, 128], strides = [1, 1, 1]} : vector<2x17x128xf32> to vector<2x1x128xf32>
    %jit3A_224 = arith.constant -1.000000e+00 : f32
    %broadcast_in_dim3A_225 = vector.broadcast %jit3A_224 : f32 to vector<2x1x128xf32>
    %select_n3A_226 = arith.select %and3A_222, %broadcast_in_dim3A_225, %slice3A_223 : vector<2x1x128xi1>, vector<2x1x128xf32>
    %or3A_227 = arith.ori %or3A_218, %and3A_222 : vector<2x1x128xi1>
    %slice3A_228 = vector.extract_strided_slice %eq3A_171 {offsets = [0, 6, 0], sizes = [2, 1, 128], strides = [1, 1, 1]} : vector<2x17x128xi1> to vector<2x1x128xi1>
    %not3A_229 = arith.constant dense<true> : vector<2x1x128xi1>
    %not3A_230 = arith.xori %or3A_227, %not3A_229 : vector<2x1x128xi1>
    %and3A_231 = arith.andi %slice3A_228, %not3A_230 : vector<2x1x128xi1>
    %slice3A_232 = vector.extract_strided_slice %concatenate3A {offsets = [0, 6, 0], sizes = [2, 1, 128], strides = [1, 1, 1]} : vector<2x17x128xf32> to vector<2x1x128xf32>
    %jit3A_233 = arith.constant -1.000000e+00 : f32
    %broadcast_in_dim3A_234 = vector.broadcast %jit3A_233 : f32 to vector<2x1x128xf32>
    %select_n3A_235 = arith.select %and3A_231, %broadcast_in_dim3A_234, %slice3A_232 : vector<2x1x128xi1>, vector<2x1x128xf32>
    %or3A_236 = arith.ori %or3A_227, %and3A_231 : vector<2x1x128xi1>
    %slice3A_237 = vector.extract_strided_slice %eq3A_171 {offsets = [0, 7, 0], sizes = [2, 1, 128], strides = [1, 1, 1]} : vector<2x17x128xi1> to vector<2x1x128xi1>
    %not3A_238 = arith.constant dense<true> : vector<2x1x128xi1>
    %not3A_239 = arith.xori %or3A_236, %not3A_238 : vector<2x1x128xi1>
    %and3A_240 = arith.andi %slice3A_237, %not3A_239 : vector<2x1x128xi1>
    %slice3A_241 = vector.extract_strided_slice %concatenate3A {offsets = [0, 7, 0], sizes = [2, 1, 128], strides = [1, 1, 1]} : vector<2x17x128xf32> to vector<2x1x128xf32>
    %jit3A_242 = arith.constant -1.000000e+00 : f32
    %broadcast_in_dim3A_243 = vector.broadcast %jit3A_242 : f32 to vector<2x1x128xf32>
    %select_n3A_244 = arith.select %and3A_240, %broadcast_in_dim3A_243, %slice3A_241 : vector<2x1x128xi1>, vector<2x1x128xf32>
    %or3A_245 = arith.ori %or3A_236, %and3A_240 : vector<2x1x128xi1>
    %slice3A_246 = vector.extract_strided_slice %eq3A_171 {offsets = [0, 8, 0], sizes = [2, 1, 128], strides = [1, 1, 1]} : vector<2x17x128xi1> to vector<2x1x128xi1>
    %not3A_247 = arith.constant dense<true> : vector<2x1x128xi1>
    %not3A_248 = arith.xori %or3A_245, %not3A_247 : vector<2x1x128xi1>
    %and3A_249 = arith.andi %slice3A_246, %not3A_248 : vector<2x1x128xi1>
    %slice3A_250 = vector.extract_strided_slice %concatenate3A {offsets = [0, 8, 0], sizes = [2, 1, 128], strides = [1, 1, 1]} : vector<2x17x128xf32> to vector<2x1x128xf32>
    %jit3A_251 = arith.constant -1.000000e+00 : f32
    %broadcast_in_dim3A_252 = vector.broadcast %jit3A_251 : f32 to vector<2x1x128xf32>
    %select_n3A_253 = arith.select %and3A_249, %broadcast_in_dim3A_252, %slice3A_250 : vector<2x1x128xi1>, vector<2x1x128xf32>
    %or3A_254 = arith.ori %or3A_245, %and3A_249 : vector<2x1x128xi1>
    %slice3A_255 = vector.extract_strided_slice %eq3A_171 {offsets = [0, 9, 0], sizes = [2, 1, 128], strides = [1, 1, 1]} : vector<2x17x128xi1> to vector<2x1x128xi1>
    %not3A_256 = arith.constant dense<true> : vector<2x1x128xi1>
    %not3A_257 = arith.xori %or3A_254, %not3A_256 : vector<2x1x128xi1>
    %and3A_258 = arith.andi %slice3A_255, %not3A_257 : vector<2x1x128xi1>
    %slice3A_259 = vector.extract_strided_slice %concatenate3A {offsets = [0, 9, 0], sizes = [2, 1, 128], strides = [1, 1, 1]} : vector<2x17x128xf32> to vector<2x1x128xf32>
    %jit3A_260 = arith.constant -1.000000e+00 : f32
    %broadcast_in_dim3A_261 = vector.broadcast %jit3A_260 : f32 to vector<2x1x128xf32>
    %select_n3A_262 = arith.select %and3A_258, %broadcast_in_dim3A_261, %slice3A_259 : vector<2x1x128xi1>, vector<2x1x128xf32>
    %or3A_263 = arith.ori %or3A_254, %and3A_258 : vector<2x1x128xi1>
    %slice3A_264 = vector.extract_strided_slice %eq3A_171 {offsets = [0, 10, 0], sizes = [2, 1, 128], strides = [1, 1, 1]} : vector<2x17x128xi1> to vector<2x1x128xi1>
    %not3A_265 = arith.constant dense<true> : vector<2x1x128xi1>
    %not3A_266 = arith.xori %or3A_263, %not3A_265 : vector<2x1x128xi1>
    %and3A_267 = arith.andi %slice3A_264, %not3A_266 : vector<2x1x128xi1>
    %slice3A_268 = vector.extract_strided_slice %concatenate3A {offsets = [0, 10, 0], sizes = [2, 1, 128], strides = [1, 1, 1]} : vector<2x17x128xf32> to vector<2x1x128xf32>
    %jit3A_269 = arith.constant -1.000000e+00 : f32
    %broadcast_in_dim3A_270 = vector.broadcast %jit3A_269 : f32 to vector<2x1x128xf32>
    %select_n3A_271 = arith.select %and3A_267, %broadcast_in_dim3A_270, %slice3A_268 : vector<2x1x128xi1>, vector<2x1x128xf32>
    %or3A_272 = arith.ori %or3A_263, %and3A_267 : vector<2x1x128xi1>
    %slice3A_273 = vector.extract_strided_slice %eq3A_171 {offsets = [0, 11, 0], sizes = [2, 1, 128], strides = [1, 1, 1]} : vector<2x17x128xi1> to vector<2x1x128xi1>
    %not3A_274 = arith.constant dense<true> : vector<2x1x128xi1>
    %not3A_275 = arith.xori %or3A_272, %not3A_274 : vector<2x1x128xi1>
    %and3A_276 = arith.andi %slice3A_273, %not3A_275 : vector<2x1x128xi1>
    %slice3A_277 = vector.extract_strided_slice %concatenate3A {offsets = [0, 11, 0], sizes = [2, 1, 128], strides = [1, 1, 1]} : vector<2x17x128xf32> to vector<2x1x128xf32>
    %jit3A_278 = arith.constant -1.000000e+00 : f32
    %broadcast_in_dim3A_279 = vector.broadcast %jit3A_278 : f32 to vector<2x1x128xf32>
    %select_n3A_280 = arith.select %and3A_276, %broadcast_in_dim3A_279, %slice3A_277 : vector<2x1x128xi1>, vector<2x1x128xf32>
    %or3A_281 = arith.ori %or3A_272, %and3A_276 : vector<2x1x128xi1>
    %slice3A_282 = vector.extract_strided_slice %eq3A_171 {offsets = [0, 12, 0], sizes = [2, 1, 128], strides = [1, 1, 1]} : vector<2x17x128xi1> to vector<2x1x128xi1>
    %not3A_283 = arith.constant dense<true> : vector<2x1x128xi1>
    %not3A_284 = arith.xori %or3A_281, %not3A_283 : vector<2x1x128xi1>
    %and3A_285 = arith.andi %slice3A_282, %not3A_284 : vector<2x1x128xi1>
    %slice3A_286 = vector.extract_strided_slice %concatenate3A {offsets = [0, 12, 0], sizes = [2, 1, 128], strides = [1, 1, 1]} : vector<2x17x128xf32> to vector<2x1x128xf32>
    %jit3A_287 = arith.constant -1.000000e+00 : f32
    %broadcast_in_dim3A_288 = vector.broadcast %jit3A_287 : f32 to vector<2x1x128xf32>
    %select_n3A_289 = arith.select %and3A_285, %broadcast_in_dim3A_288, %slice3A_286 : vector<2x1x128xi1>, vector<2x1x128xf32>
    %or3A_290 = arith.ori %or3A_281, %and3A_285 : vector<2x1x128xi1>
    %slice3A_291 = vector.extract_strided_slice %eq3A_171 {offsets = [0, 13, 0], sizes = [2, 1, 128], strides = [1, 1, 1]} : vector<2x17x128xi1> to vector<2x1x128xi1>
    %not3A_292 = arith.constant dense<true> : vector<2x1x128xi1>
    %not3A_293 = arith.xori %or3A_290, %not3A_292 : vector<2x1x128xi1>
    %and3A_294 = arith.andi %slice3A_291, %not3A_293 : vector<2x1x128xi1>
    %slice3A_295 = vector.extract_strided_slice %concatenate3A {offsets = [0, 13, 0], sizes = [2, 1, 128], strides = [1, 1, 1]} : vector<2x17x128xf32> to vector<2x1x128xf32>
    %jit3A_296 = arith.constant -1.000000e+00 : f32
    %broadcast_in_dim3A_297 = vector.broadcast %jit3A_296 : f32 to vector<2x1x128xf32>
    %select_n3A_298 = arith.select %and3A_294, %broadcast_in_dim3A_297, %slice3A_295 : vector<2x1x128xi1>, vector<2x1x128xf32>
    %or3A_299 = arith.ori %or3A_290, %and3A_294 : vector<2x1x128xi1>
    %slice3A_300 = vector.extract_strided_slice %eq3A_171 {offsets = [0, 14, 0], sizes = [2, 1, 128], strides = [1, 1, 1]} : vector<2x17x128xi1> to vector<2x1x128xi1>
    %not3A_301 = arith.constant dense<true> : vector<2x1x128xi1>
    %not3A_302 = arith.xori %or3A_299, %not3A_301 : vector<2x1x128xi1>
    %and3A_303 = arith.andi %slice3A_300, %not3A_302 : vector<2x1x128xi1>
    %slice3A_304 = vector.extract_strided_slice %concatenate3A {offsets = [0, 14, 0], sizes = [2, 1, 128], strides = [1, 1, 1]} : vector<2x17x128xf32> to vector<2x1x128xf32>
    %jit3A_305 = arith.constant -1.000000e+00 : f32
    %broadcast_in_dim3A_306 = vector.broadcast %jit3A_305 : f32 to vector<2x1x128xf32>
    %select_n3A_307 = arith.select %and3A_303, %broadcast_in_dim3A_306, %slice3A_304 : vector<2x1x128xi1>, vector<2x1x128xf32>
    %or3A_308 = arith.ori %or3A_299, %and3A_303 : vector<2x1x128xi1>
    %slice3A_309 = vector.extract_strided_slice %eq3A_171 {offsets = [0, 15, 0], sizes = [2, 1, 128], strides = [1, 1, 1]} : vector<2x17x128xi1> to vector<2x1x128xi1>
    %not3A_310 = arith.constant dense<true> : vector<2x1x128xi1>
    %not3A_311 = arith.xori %or3A_308, %not3A_310 : vector<2x1x128xi1>
    %and3A_312 = arith.andi %slice3A_309, %not3A_311 : vector<2x1x128xi1>
    %slice3A_313 = vector.extract_strided_slice %concatenate3A {offsets = [0, 15, 0], sizes = [2, 1, 128], strides = [1, 1, 1]} : vector<2x17x128xf32> to vector<2x1x128xf32>
    %jit3A_314 = arith.constant -1.000000e+00 : f32
    %broadcast_in_dim3A_315 = vector.broadcast %jit3A_314 : f32 to vector<2x1x128xf32>
    %select_n3A_316 = arith.select %and3A_312, %broadcast_in_dim3A_315, %slice3A_313 : vector<2x1x128xi1>, vector<2x1x128xf32>
    %or3A_317 = arith.ori %or3A_308, %and3A_312 : vector<2x1x128xi1>
    %slice3A_318 = vector.extract_strided_slice %eq3A_171 {offsets = [0, 16, 0], sizes = [2, 1, 128], strides = [1, 1, 1]} : vector<2x17x128xi1> to vector<2x1x128xi1>
    %not3A_319 = arith.constant dense<true> : vector<2x1x128xi1>
    %not3A_320 = arith.xori %or3A_317, %not3A_319 : vector<2x1x128xi1>
    %and3A_321 = arith.andi %slice3A_318, %not3A_320 : vector<2x1x128xi1>
    %slice3A_322 = vector.extract_strided_slice %concatenate3A {offsets = [0, 16, 0], sizes = [2, 1, 128], strides = [1, 1, 1]} : vector<2x17x128xf32> to vector<2x1x128xf32>
    %jit3A_323 = arith.constant -1.000000e+00 : f32
    %broadcast_in_dim3A_324 = vector.broadcast %jit3A_323 : f32 to vector<2x1x128xf32>
    %select_n3A_325 = arith.select %and3A_321, %broadcast_in_dim3A_324, %slice3A_322 : vector<2x1x128xi1>, vector<2x1x128xf32>
    %concatenate3A_326 = tpu.concatenate %select_n3A_181, %select_n3A_190, %select_n3A_199, %select_n3A_208, %select_n3A_217, %select_n3A_226, %select_n3A_235, %select_n3A_244, %select_n3A_253, %select_n3A_262, %select_n3A_271, %select_n3A_280, %select_n3A_289, %select_n3A_298, %select_n3A_307, %select_n3A_316, %select_n3A_325 in 1 : vector<2x1x128xf32>, vector<2x1x128xf32>, vector<2x1x128xf32>, vector<2x1x128xf32>, vector<2x1x128xf32>, vector<2x1x128xf32>, vector<2x1x128xf32>, vector<2x1x128xf32>, vector<2x1x128xf32>, vector<2x1x128xf32>, vector<2x1x128xf32>, vector<2x1x128xf32>, vector<2x1x128xf32>, vector<2x1x128xf32>, vector<2x1x128xf32>, vector<2x1x128xf32>, vector<2x1x128xf32> -> vector<2x17x128xf32>
    %reduce_max3A_327 = arith.constant dense<0xFF800000> : vector<2x128xf32>
    %reduce_max3A_328 = vector.multi_reduction <maximumf>, %concatenate3A_326, %reduce_max3A_327 [1] : vector<2x17x128xf32> to vector<2x128xf32>
    %broadcast_in_dim3A_329 = vector.shape_cast %reduce_max3A_328 : vector<2x128xf32> to vector<2x1x128xf32>
    %add3A_330 = arith.addf %add3A_169, %broadcast_in_dim3A_329 : vector<2x1x128xf32>
    %eq3A_331 = vector.broadcast %broadcast_in_dim3A_329 : vector<2x1x128xf32> to vector<2x17x128xf32>
    %eq3A_332 = arith.cmpf oeq, %concatenate3A_326, %eq3A_331 : vector<2x17x128xf32>
    %broadcast_in_dim3A_333 = arith.constant false
    %broadcast_in_dim3A_334 = vector.broadcast %broadcast_in_dim3A_333 : i1 to vector<2x1x128xi1>
    %slice3A_335 = vector.extract_strided_slice %eq3A_332 {offsets = [0, 0, 0], sizes = [2, 1, 128], strides = [1, 1, 1]} : vector<2x17x128xi1> to vector<2x1x128xi1>
    %not3A_336 = arith.constant dense<true> : vector<2x1x128xi1>
    %not3A_337 = arith.xori %broadcast_in_dim3A_334, %not3A_336 : vector<2x1x128xi1>
    %and3A_338 = arith.andi %slice3A_335, %not3A_337 : vector<2x1x128xi1>
    %slice3A_339 = vector.extract_strided_slice %concatenate3A_326 {offsets = [0, 0, 0], sizes = [2, 1, 128], strides = [1, 1, 1]} : vector<2x17x128xf32> to vector<2x1x128xf32>
    %jit3A_340 = arith.constant -1.000000e+00 : f32
    %broadcast_in_dim3A_341 = vector.broadcast %jit3A_340 : f32 to vector<2x1x128xf32>
    %select_n3A_342 = arith.select %and3A_338, %broadcast_in_dim3A_341, %slice3A_339 : vector<2x1x128xi1>, vector<2x1x128xf32>
    %or3A_343 = arith.ori %broadcast_in_dim3A_334, %and3A_338 : vector<2x1x128xi1>
    %slice3A_344 = vector.extract_strided_slice %eq3A_332 {offsets = [0, 1, 0], sizes = [2, 1, 128], strides = [1, 1, 1]} : vector<2x17x128xi1> to vector<2x1x128xi1>
    %not3A_345 = arith.constant dense<true> : vector<2x1x128xi1>
    %not3A_346 = arith.xori %or3A_343, %not3A_345 : vector<2x1x128xi1>
    %and3A_347 = arith.andi %slice3A_344, %not3A_346 : vector<2x1x128xi1>
    %slice3A_348 = vector.extract_strided_slice %concatenate3A_326 {offsets = [0, 1, 0], sizes = [2, 1, 128], strides = [1, 1, 1]} : vector<2x17x128xf32> to vector<2x1x128xf32>
    %jit3A_349 = arith.constant -1.000000e+00 : f32
    %broadcast_in_dim3A_350 = vector.broadcast %jit3A_349 : f32 to vector<2x1x128xf32>
    %select_n3A_351 = arith.select %and3A_347, %broadcast_in_dim3A_350, %slice3A_348 : vector<2x1x128xi1>, vector<2x1x128xf32>
    %or3A_352 = arith.ori %or3A_343, %and3A_347 : vector<2x1x128xi1>
    %slice3A_353 = vector.extract_strided_slice %eq3A_332 {offsets = [0, 2, 0], sizes = [2, 1, 128], strides = [1, 1, 1]} : vector<2x17x128xi1> to vector<2x1x128xi1>
    %not3A_354 = arith.constant dense<true> : vector<2x1x128xi1>
    %not3A_355 = arith.xori %or3A_352, %not3A_354 : vector<2x1x128xi1>
    %and3A_356 = arith.andi %slice3A_353, %not3A_355 : vector<2x1x128xi1>
    %slice3A_357 = vector.extract_strided_slice %concatenate3A_326 {offsets = [0, 2, 0], sizes = [2, 1, 128], strides = [1, 1, 1]} : vector<2x17x128xf32> to vector<2x1x128xf32>
    %jit3A_358 = arith.constant -1.000000e+00 : f32
    %broadcast_in_dim3A_359 = vector.broadcast %jit3A_358 : f32 to vector<2x1x128xf32>
    %select_n3A_360 = arith.select %and3A_356, %broadcast_in_dim3A_359, %slice3A_357 : vector<2x1x128xi1>, vector<2x1x128xf32>
    %or3A_361 = arith.ori %or3A_352, %and3A_356 : vector<2x1x128xi1>
    %slice3A_362 = vector.extract_strided_slice %eq3A_332 {offsets = [0, 3, 0], sizes = [2, 1, 128], strides = [1, 1, 1]} : vector<2x17x128xi1> to vector<2x1x128xi1>
    %not3A_363 = arith.constant dense<true> : vector<2x1x128xi1>
    %not3A_364 = arith.xori %or3A_361, %not3A_363 : vector<2x1x128xi1>
    %and3A_365 = arith.andi %slice3A_362, %not3A_364 : vector<2x1x128xi1>
    %slice3A_366 = vector.extract_strided_slice %concatenate3A_326 {offsets = [0, 3, 0], sizes = [2, 1, 128], strides = [1, 1, 1]} : vector<2x17x128xf32> to vector<2x1x128xf32>
    %jit3A_367 = arith.constant -1.000000e+00 : f32
    %broadcast_in_dim3A_368 = vector.broadcast %jit3A_367 : f32 to vector<2x1x128xf32>
    %select_n3A_369 = arith.select %and3A_365, %broadcast_in_dim3A_368, %slice3A_366 : vector<2x1x128xi1>, vector<2x1x128xf32>
    %or3A_370 = arith.ori %or3A_361, %and3A_365 : vector<2x1x128xi1>
    %slice3A_371 = vector.extract_strided_slice %eq3A_332 {offsets = [0, 4, 0], sizes = [2, 1, 128], strides = [1, 1, 1]} : vector<2x17x128xi1> to vector<2x1x128xi1>
    %not3A_372 = arith.constant dense<true> : vector<2x1x128xi1>
    %not3A_373 = arith.xori %or3A_370, %not3A_372 : vector<2x1x128xi1>
    %and3A_374 = arith.andi %slice3A_371, %not3A_373 : vector<2x1x128xi1>
    %slice3A_375 = vector.extract_strided_slice %concatenate3A_326 {offsets = [0, 4, 0], sizes = [2, 1, 128], strides = [1, 1, 1]} : vector<2x17x128xf32> to vector<2x1x128xf32>
    %jit3A_376 = arith.constant -1.000000e+00 : f32
    %broadcast_in_dim3A_377 = vector.broadcast %jit3A_376 : f32 to vector<2x1x128xf32>
    %select_n3A_378 = arith.select %and3A_374, %broadcast_in_dim3A_377, %slice3A_375 : vector<2x1x128xi1>, vector<2x1x128xf32>
    %or3A_379 = arith.ori %or3A_370, %and3A_374 : vector<2x1x128xi1>
    %slice3A_380 = vector.extract_strided_slice %eq3A_332 {offsets = [0, 5, 0], sizes = [2, 1, 128], strides = [1, 1, 1]} : vector<2x17x128xi1> to vector<2x1x128xi1>
    %not3A_381 = arith.constant dense<true> : vector<2x1x128xi1>
    %not3A_382 = arith.xori %or3A_379, %not3A_381 : vector<2x1x128xi1>
    %and3A_383 = arith.andi %slice3A_380, %not3A_382 : vector<2x1x128xi1>
    %slice3A_384 = vector.extract_strided_slice %concatenate3A_326 {offsets = [0, 5, 0], sizes = [2, 1, 128], strides = [1, 1, 1]} : vector<2x17x128xf32> to vector<2x1x128xf32>
    %jit3A_385 = arith.constant -1.000000e+00 : f32
    %broadcast_in_dim3A_386 = vector.broadcast %jit3A_385 : f32 to vector<2x1x128xf32>
    %select_n3A_387 = arith.select %and3A_383, %broadcast_in_dim3A_386, %slice3A_384 : vector<2x1x128xi1>, vector<2x1x128xf32>
    %or3A_388 = arith.ori %or3A_379, %and3A_383 : vector<2x1x128xi1>
    %slice3A_389 = vector.extract_strided_slice %eq3A_332 {offsets = [0, 6, 0], sizes = [2, 1, 128], strides = [1, 1, 1]} : vector<2x17x128xi1> to vector<2x1x128xi1>
    %not3A_390 = arith.constant dense<true> : vector<2x1x128xi1>
    %not3A_391 = arith.xori %or3A_388, %not3A_390 : vector<2x1x128xi1>
    %and3A_392 = arith.andi %slice3A_389, %not3A_391 : vector<2x1x128xi1>
    %slice3A_393 = vector.extract_strided_slice %concatenate3A_326 {offsets = [0, 6, 0], sizes = [2, 1, 128], strides = [1, 1, 1]} : vector<2x17x128xf32> to vector<2x1x128xf32>
    %jit3A_394 = arith.constant -1.000000e+00 : f32
    %broadcast_in_dim3A_395 = vector.broadcast %jit3A_394 : f32 to vector<2x1x128xf32>
    %select_n3A_396 = arith.select %and3A_392, %broadcast_in_dim3A_395, %slice3A_393 : vector<2x1x128xi1>, vector<2x1x128xf32>
    %or3A_397 = arith.ori %or3A_388, %and3A_392 : vector<2x1x128xi1>
    %slice3A_398 = vector.extract_strided_slice %eq3A_332 {offsets = [0, 7, 0], sizes = [2, 1, 128], strides = [1, 1, 1]} : vector<2x17x128xi1> to vector<2x1x128xi1>
    %not3A_399 = arith.constant dense<true> : vector<2x1x128xi1>
    %not3A_400 = arith.xori %or3A_397, %not3A_399 : vector<2x1x128xi1>
    %and3A_401 = arith.andi %slice3A_398, %not3A_400 : vector<2x1x128xi1>
    %slice3A_402 = vector.extract_strided_slice %concatenate3A_326 {offsets = [0, 7, 0], sizes = [2, 1, 128], strides = [1, 1, 1]} : vector<2x17x128xf32> to vector<2x1x128xf32>
    %jit3A_403 = arith.constant -1.000000e+00 : f32
    %broadcast_in_dim3A_404 = vector.broadcast %jit3A_403 : f32 to vector<2x1x128xf32>
    %select_n3A_405 = arith.select %and3A_401, %broadcast_in_dim3A_404, %slice3A_402 : vector<2x1x128xi1>, vector<2x1x128xf32>
    %or3A_406 = arith.ori %or3A_397, %and3A_401 : vector<2x1x128xi1>
    %slice3A_407 = vector.extract_strided_slice %eq3A_332 {offsets = [0, 8, 0], sizes = [2, 1, 128], strides = [1, 1, 1]} : vector<2x17x128xi1> to vector<2x1x128xi1>
    %not3A_408 = arith.constant dense<true> : vector<2x1x128xi1>
    %not3A_409 = arith.xori %or3A_406, %not3A_408 : vector<2x1x128xi1>
    %and3A_410 = arith.andi %slice3A_407, %not3A_409 : vector<2x1x128xi1>
    %slice3A_411 = vector.extract_strided_slice %concatenate3A_326 {offsets = [0, 8, 0], sizes = [2, 1, 128], strides = [1, 1, 1]} : vector<2x17x128xf32> to vector<2x1x128xf32>
    %jit3A_412 = arith.constant -1.000000e+00 : f32
    %broadcast_in_dim3A_413 = vector.broadcast %jit3A_412 : f32 to vector<2x1x128xf32>
    %select_n3A_414 = arith.select %and3A_410, %broadcast_in_dim3A_413, %slice3A_411 : vector<2x1x128xi1>, vector<2x1x128xf32>
    %or3A_415 = arith.ori %or3A_406, %and3A_410 : vector<2x1x128xi1>
    %slice3A_416 = vector.extract_strided_slice %eq3A_332 {offsets = [0, 9, 0], sizes = [2, 1, 128], strides = [1, 1, 1]} : vector<2x17x128xi1> to vector<2x1x128xi1>
    %not3A_417 = arith.constant dense<true> : vector<2x1x128xi1>
    %not3A_418 = arith.xori %or3A_415, %not3A_417 : vector<2x1x128xi1>
    %and3A_419 = arith.andi %slice3A_416, %not3A_418 : vector<2x1x128xi1>
    %slice3A_420 = vector.extract_strided_slice %concatenate3A_326 {offsets = [0, 9, 0], sizes = [2, 1, 128], strides = [1, 1, 1]} : vector<2x17x128xf32> to vector<2x1x128xf32>
    %jit3A_421 = arith.constant -1.000000e+00 : f32
    %broadcast_in_dim3A_422 = vector.broadcast %jit3A_421 : f32 to vector<2x1x128xf32>
    %select_n3A_423 = arith.select %and3A_419, %broadcast_in_dim3A_422, %slice3A_420 : vector<2x1x128xi1>, vector<2x1x128xf32>
    %or3A_424 = arith.ori %or3A_415, %and3A_419 : vector<2x1x128xi1>
    %slice3A_425 = vector.extract_strided_slice %eq3A_332 {offsets = [0, 10, 0], sizes = [2, 1, 128], strides = [1, 1, 1]} : vector<2x17x128xi1> to vector<2x1x128xi1>
    %not3A_426 = arith.constant dense<true> : vector<2x1x128xi1>
    %not3A_427 = arith.xori %or3A_424, %not3A_426 : vector<2x1x128xi1>
    %and3A_428 = arith.andi %slice3A_425, %not3A_427 : vector<2x1x128xi1>
    %slice3A_429 = vector.extract_strided_slice %concatenate3A_326 {offsets = [0, 10, 0], sizes = [2, 1, 128], strides = [1, 1, 1]} : vector<2x17x128xf32> to vector<2x1x128xf32>
    %jit3A_430 = arith.constant -1.000000e+00 : f32
    %broadcast_in_dim3A_431 = vector.broadcast %jit3A_430 : f32 to vector<2x1x128xf32>
    %select_n3A_432 = arith.select %and3A_428, %broadcast_in_dim3A_431, %slice3A_429 : vector<2x1x128xi1>, vector<2x1x128xf32>
    %or3A_433 = arith.ori %or3A_424, %and3A_428 : vector<2x1x128xi1>
    %slice3A_434 = vector.extract_strided_slice %eq3A_332 {offsets = [0, 11, 0], sizes = [2, 1, 128], strides = [1, 1, 1]} : vector<2x17x128xi1> to vector<2x1x128xi1>
    %not3A_435 = arith.constant dense<true> : vector<2x1x128xi1>
    %not3A_436 = arith.xori %or3A_433, %not3A_435 : vector<2x1x128xi1>
    %and3A_437 = arith.andi %slice3A_434, %not3A_436 : vector<2x1x128xi1>
    %slice3A_438 = vector.extract_strided_slice %concatenate3A_326 {offsets = [0, 11, 0], sizes = [2, 1, 128], strides = [1, 1, 1]} : vector<2x17x128xf32> to vector<2x1x128xf32>
    %jit3A_439 = arith.constant -1.000000e+00 : f32
    %broadcast_in_dim3A_440 = vector.broadcast %jit3A_439 : f32 to vector<2x1x128xf32>
    %select_n3A_441 = arith.select %and3A_437, %broadcast_in_dim3A_440, %slice3A_438 : vector<2x1x128xi1>, vector<2x1x128xf32>
    %or3A_442 = arith.ori %or3A_433, %and3A_437 : vector<2x1x128xi1>
    %slice3A_443 = vector.extract_strided_slice %eq3A_332 {offsets = [0, 12, 0], sizes = [2, 1, 128], strides = [1, 1, 1]} : vector<2x17x128xi1> to vector<2x1x128xi1>
    %not3A_444 = arith.constant dense<true> : vector<2x1x128xi1>
    %not3A_445 = arith.xori %or3A_442, %not3A_444 : vector<2x1x128xi1>
    %and3A_446 = arith.andi %slice3A_443, %not3A_445 : vector<2x1x128xi1>
    %slice3A_447 = vector.extract_strided_slice %concatenate3A_326 {offsets = [0, 12, 0], sizes = [2, 1, 128], strides = [1, 1, 1]} : vector<2x17x128xf32> to vector<2x1x128xf32>
    %jit3A_448 = arith.constant -1.000000e+00 : f32
    %broadcast_in_dim3A_449 = vector.broadcast %jit3A_448 : f32 to vector<2x1x128xf32>
    %select_n3A_450 = arith.select %and3A_446, %broadcast_in_dim3A_449, %slice3A_447 : vector<2x1x128xi1>, vector<2x1x128xf32>
    %or3A_451 = arith.ori %or3A_442, %and3A_446 : vector<2x1x128xi1>
    %slice3A_452 = vector.extract_strided_slice %eq3A_332 {offsets = [0, 13, 0], sizes = [2, 1, 128], strides = [1, 1, 1]} : vector<2x17x128xi1> to vector<2x1x128xi1>
    %not3A_453 = arith.constant dense<true> : vector<2x1x128xi1>
    %not3A_454 = arith.xori %or3A_451, %not3A_453 : vector<2x1x128xi1>
    %and3A_455 = arith.andi %slice3A_452, %not3A_454 : vector<2x1x128xi1>
    %slice3A_456 = vector.extract_strided_slice %concatenate3A_326 {offsets = [0, 13, 0], sizes = [2, 1, 128], strides = [1, 1, 1]} : vector<2x17x128xf32> to vector<2x1x128xf32>
    %jit3A_457 = arith.constant -1.000000e+00 : f32
    %broadcast_in_dim3A_458 = vector.broadcast %jit3A_457 : f32 to vector<2x1x128xf32>
    %select_n3A_459 = arith.select %and3A_455, %broadcast_in_dim3A_458, %slice3A_456 : vector<2x1x128xi1>, vector<2x1x128xf32>
    %or3A_460 = arith.ori %or3A_451, %and3A_455 : vector<2x1x128xi1>
    %slice3A_461 = vector.extract_strided_slice %eq3A_332 {offsets = [0, 14, 0], sizes = [2, 1, 128], strides = [1, 1, 1]} : vector<2x17x128xi1> to vector<2x1x128xi1>
    %not3A_462 = arith.constant dense<true> : vector<2x1x128xi1>
    %not3A_463 = arith.xori %or3A_460, %not3A_462 : vector<2x1x128xi1>
    %and3A_464 = arith.andi %slice3A_461, %not3A_463 : vector<2x1x128xi1>
    %slice3A_465 = vector.extract_strided_slice %concatenate3A_326 {offsets = [0, 14, 0], sizes = [2, 1, 128], strides = [1, 1, 1]} : vector<2x17x128xf32> to vector<2x1x128xf32>
    %jit3A_466 = arith.constant -1.000000e+00 : f32
    %broadcast_in_dim3A_467 = vector.broadcast %jit3A_466 : f32 to vector<2x1x128xf32>
    %select_n3A_468 = arith.select %and3A_464, %broadcast_in_dim3A_467, %slice3A_465 : vector<2x1x128xi1>, vector<2x1x128xf32>
    %or3A_469 = arith.ori %or3A_460, %and3A_464 : vector<2x1x128xi1>
    %slice3A_470 = vector.extract_strided_slice %eq3A_332 {offsets = [0, 15, 0], sizes = [2, 1, 128], strides = [1, 1, 1]} : vector<2x17x128xi1> to vector<2x1x128xi1>
    %not3A_471 = arith.constant dense<true> : vector<2x1x128xi1>
    %not3A_472 = arith.xori %or3A_469, %not3A_471 : vector<2x1x128xi1>
    %and3A_473 = arith.andi %slice3A_470, %not3A_472 : vector<2x1x128xi1>
    %slice3A_474 = vector.extract_strided_slice %concatenate3A_326 {offsets = [0, 15, 0], sizes = [2, 1, 128], strides = [1, 1, 1]} : vector<2x17x128xf32> to vector<2x1x128xf32>
    %jit3A_475 = arith.constant -1.000000e+00 : f32
    %broadcast_in_dim3A_476 = vector.broadcast %jit3A_475 : f32 to vector<2x1x128xf32>
    %select_n3A_477 = arith.select %and3A_473, %broadcast_in_dim3A_476, %slice3A_474 : vector<2x1x128xi1>, vector<2x1x128xf32>
    %or3A_478 = arith.ori %or3A_469, %and3A_473 : vector<2x1x128xi1>
    %slice3A_479 = vector.extract_strided_slice %eq3A_332 {offsets = [0, 16, 0], sizes = [2, 1, 128], strides = [1, 1, 1]} : vector<2x17x128xi1> to vector<2x1x128xi1>
    %not3A_480 = arith.constant dense<true> : vector<2x1x128xi1>
    %not3A_481 = arith.xori %or3A_478, %not3A_480 : vector<2x1x128xi1>
    %and3A_482 = arith.andi %slice3A_479, %not3A_481 : vector<2x1x128xi1>
    %slice3A_483 = vector.extract_strided_slice %concatenate3A_326 {offsets = [0, 16, 0], sizes = [2, 1, 128], strides = [1, 1, 1]} : vector<2x17x128xf32> to vector<2x1x128xf32>
    %jit3A_484 = arith.constant -1.000000e+00 : f32
    %broadcast_in_dim3A_485 = vector.broadcast %jit3A_484 : f32 to vector<2x1x128xf32>
    %select_n3A_486 = arith.select %and3A_482, %broadcast_in_dim3A_485, %slice3A_483 : vector<2x1x128xi1>, vector<2x1x128xf32>
    %concatenate3A_487 = tpu.concatenate %select_n3A_342, %select_n3A_351, %select_n3A_360, %select_n3A_369, %select_n3A_378, %select_n3A_387, %select_n3A_396, %select_n3A_405, %select_n3A_414, %select_n3A_423, %select_n3A_432, %select_n3A_441, %select_n3A_450, %select_n3A_459, %select_n3A_468, %select_n3A_477, %select_n3A_486 in 1 : vector<2x1x128xf32>, vector<2x1x128xf32>, vector<2x1x128xf32>, vector<2x1x128xf32>, vector<2x1x128xf32>, vector<2x1x128xf32>, vector<2x1x128xf32>, vector<2x1x128xf32>, vector<2x1x128xf32>, vector<2x1x128xf32>, vector<2x1x128xf32>, vector<2x1x128xf32>, vector<2x1x128xf32>, vector<2x1x128xf32>, vector<2x1x128xf32>, vector<2x1x128xf32>, vector<2x1x128xf32> -> vector<2x17x128xf32>
    %reduce_max3A_488 = arith.constant dense<0xFF800000> : vector<2x128xf32>
    %reduce_max3A_489 = vector.multi_reduction <maximumf>, %concatenate3A_487, %reduce_max3A_488 [1] : vector<2x17x128xf32> to vector<2x128xf32>
    %broadcast_in_dim3A_490 = vector.shape_cast %reduce_max3A_489 : vector<2x128xf32> to vector<2x1x128xf32>
    %add3A_491 = arith.addf %add3A_330, %broadcast_in_dim3A_490 : vector<2x1x128xf32>
    %eq3A_492 = vector.broadcast %broadcast_in_dim3A_490 : vector<2x1x128xf32> to vector<2x17x128xf32>
    %eq3A_493 = arith.cmpf oeq, %concatenate3A_487, %eq3A_492 : vector<2x17x128xf32>
    %broadcast_in_dim3A_494 = arith.constant false
    %broadcast_in_dim3A_495 = vector.broadcast %broadcast_in_dim3A_494 : i1 to vector<2x1x128xi1>
    %slice3A_496 = vector.extract_strided_slice %eq3A_493 {offsets = [0, 0, 0], sizes = [2, 1, 128], strides = [1, 1, 1]} : vector<2x17x128xi1> to vector<2x1x128xi1>
    %not3A_497 = arith.constant dense<true> : vector<2x1x128xi1>
    %not3A_498 = arith.xori %broadcast_in_dim3A_495, %not3A_497 : vector<2x1x128xi1>
    %and3A_499 = arith.andi %slice3A_496, %not3A_498 : vector<2x1x128xi1>
    %slice3A_500 = vector.extract_strided_slice %concatenate3A_487 {offsets = [0, 0, 0], sizes = [2, 1, 128], strides = [1, 1, 1]} : vector<2x17x128xf32> to vector<2x1x128xf32>
    %jit3A_501 = arith.constant -1.000000e+00 : f32
    %broadcast_in_dim3A_502 = vector.broadcast %jit3A_501 : f32 to vector<2x1x128xf32>
    %select_n3A_503 = arith.select %and3A_499, %broadcast_in_dim3A_502, %slice3A_500 : vector<2x1x128xi1>, vector<2x1x128xf32>
    %or3A_504 = arith.ori %broadcast_in_dim3A_495, %and3A_499 : vector<2x1x128xi1>
    %slice3A_505 = vector.extract_strided_slice %eq3A_493 {offsets = [0, 1, 0], sizes = [2, 1, 128], strides = [1, 1, 1]} : vector<2x17x128xi1> to vector<2x1x128xi1>
    %not3A_506 = arith.constant dense<true> : vector<2x1x128xi1>
    %not3A_507 = arith.xori %or3A_504, %not3A_506 : vector<2x1x128xi1>
    %and3A_508 = arith.andi %slice3A_505, %not3A_507 : vector<2x1x128xi1>
    %slice3A_509 = vector.extract_strided_slice %concatenate3A_487 {offsets = [0, 1, 0], sizes = [2, 1, 128], strides = [1, 1, 1]} : vector<2x17x128xf32> to vector<2x1x128xf32>
    %jit3A_510 = arith.constant -1.000000e+00 : f32
    %broadcast_in_dim3A_511 = vector.broadcast %jit3A_510 : f32 to vector<2x1x128xf32>
    %select_n3A_512 = arith.select %and3A_508, %broadcast_in_dim3A_511, %slice3A_509 : vector<2x1x128xi1>, vector<2x1x128xf32>
    %or3A_513 = arith.ori %or3A_504, %and3A_508 : vector<2x1x128xi1>
    %slice3A_514 = vector.extract_strided_slice %eq3A_493 {offsets = [0, 2, 0], sizes = [2, 1, 128], strides = [1, 1, 1]} : vector<2x17x128xi1> to vector<2x1x128xi1>
    %not3A_515 = arith.constant dense<true> : vector<2x1x128xi1>
    %not3A_516 = arith.xori %or3A_513, %not3A_515 : vector<2x1x128xi1>
    %and3A_517 = arith.andi %slice3A_514, %not3A_516 : vector<2x1x128xi1>
    %slice3A_518 = vector.extract_strided_slice %concatenate3A_487 {offsets = [0, 2, 0], sizes = [2, 1, 128], strides = [1, 1, 1]} : vector<2x17x128xf32> to vector<2x1x128xf32>
    %jit3A_519 = arith.constant -1.000000e+00 : f32
    %broadcast_in_dim3A_520 = vector.broadcast %jit3A_519 : f32 to vector<2x1x128xf32>
    %select_n3A_521 = arith.select %and3A_517, %broadcast_in_dim3A_520, %slice3A_518 : vector<2x1x128xi1>, vector<2x1x128xf32>
    %or3A_522 = arith.ori %or3A_513, %and3A_517 : vector<2x1x128xi1>
    %slice3A_523 = vector.extract_strided_slice %eq3A_493 {offsets = [0, 3, 0], sizes = [2, 1, 128], strides = [1, 1, 1]} : vector<2x17x128xi1> to vector<2x1x128xi1>
    %not3A_524 = arith.constant dense<true> : vector<2x1x128xi1>
    %not3A_525 = arith.xori %or3A_522, %not3A_524 : vector<2x1x128xi1>
    %and3A_526 = arith.andi %slice3A_523, %not3A_525 : vector<2x1x128xi1>
    %slice3A_527 = vector.extract_strided_slice %concatenate3A_487 {offsets = [0, 3, 0], sizes = [2, 1, 128], strides = [1, 1, 1]} : vector<2x17x128xf32> to vector<2x1x128xf32>
    %jit3A_528 = arith.constant -1.000000e+00 : f32
    %broadcast_in_dim3A_529 = vector.broadcast %jit3A_528 : f32 to vector<2x1x128xf32>
    %select_n3A_530 = arith.select %and3A_526, %broadcast_in_dim3A_529, %slice3A_527 : vector<2x1x128xi1>, vector<2x1x128xf32>
    %or3A_531 = arith.ori %or3A_522, %and3A_526 : vector<2x1x128xi1>
    %slice3A_532 = vector.extract_strided_slice %eq3A_493 {offsets = [0, 4, 0], sizes = [2, 1, 128], strides = [1, 1, 1]} : vector<2x17x128xi1> to vector<2x1x128xi1>
    %not3A_533 = arith.constant dense<true> : vector<2x1x128xi1>
    %not3A_534 = arith.xori %or3A_531, %not3A_533 : vector<2x1x128xi1>
    %and3A_535 = arith.andi %slice3A_532, %not3A_534 : vector<2x1x128xi1>
    %slice3A_536 = vector.extract_strided_slice %concatenate3A_487 {offsets = [0, 4, 0], sizes = [2, 1, 128], strides = [1, 1, 1]} : vector<2x17x128xf32> to vector<2x1x128xf32>
    %jit3A_537 = arith.constant -1.000000e+00 : f32
    %broadcast_in_dim3A_538 = vector.broadcast %jit3A_537 : f32 to vector<2x1x128xf32>
    %select_n3A_539 = arith.select %and3A_535, %broadcast_in_dim3A_538, %slice3A_536 : vector<2x1x128xi1>, vector<2x1x128xf32>
    %or3A_540 = arith.ori %or3A_531, %and3A_535 : vector<2x1x128xi1>
    %slice3A_541 = vector.extract_strided_slice %eq3A_493 {offsets = [0, 5, 0], sizes = [2, 1, 128], strides = [1, 1, 1]} : vector<2x17x128xi1> to vector<2x1x128xi1>
    %not3A_542 = arith.constant dense<true> : vector<2x1x128xi1>
    %not3A_543 = arith.xori %or3A_540, %not3A_542 : vector<2x1x128xi1>
    %and3A_544 = arith.andi %slice3A_541, %not3A_543 : vector<2x1x128xi1>
    %slice3A_545 = vector.extract_strided_slice %concatenate3A_487 {offsets = [0, 5, 0], sizes = [2, 1, 128], strides = [1, 1, 1]} : vector<2x17x128xf32> to vector<2x1x128xf32>
    %jit3A_546 = arith.constant -1.000000e+00 : f32
    %broadcast_in_dim3A_547 = vector.broadcast %jit3A_546 : f32 to vector<2x1x128xf32>
    %select_n3A_548 = arith.select %and3A_544, %broadcast_in_dim3A_547, %slice3A_545 : vector<2x1x128xi1>, vector<2x1x128xf32>
    %or3A_549 = arith.ori %or3A_540, %and3A_544 : vector<2x1x128xi1>
    %slice3A_550 = vector.extract_strided_slice %eq3A_493 {offsets = [0, 6, 0], sizes = [2, 1, 128], strides = [1, 1, 1]} : vector<2x17x128xi1> to vector<2x1x128xi1>
    %not3A_551 = arith.constant dense<true> : vector<2x1x128xi1>
    %not3A_552 = arith.xori %or3A_549, %not3A_551 : vector<2x1x128xi1>
    %and3A_553 = arith.andi %slice3A_550, %not3A_552 : vector<2x1x128xi1>
    %slice3A_554 = vector.extract_strided_slice %concatenate3A_487 {offsets = [0, 6, 0], sizes = [2, 1, 128], strides = [1, 1, 1]} : vector<2x17x128xf32> to vector<2x1x128xf32>
    %jit3A_555 = arith.constant -1.000000e+00 : f32
    %broadcast_in_dim3A_556 = vector.broadcast %jit3A_555 : f32 to vector<2x1x128xf32>
    %select_n3A_557 = arith.select %and3A_553, %broadcast_in_dim3A_556, %slice3A_554 : vector<2x1x128xi1>, vector<2x1x128xf32>
    %or3A_558 = arith.ori %or3A_549, %and3A_553 : vector<2x1x128xi1>
    %slice3A_559 = vector.extract_strided_slice %eq3A_493 {offsets = [0, 7, 0], sizes = [2, 1, 128], strides = [1, 1, 1]} : vector<2x17x128xi1> to vector<2x1x128xi1>
    %not3A_560 = arith.constant dense<true> : vector<2x1x128xi1>
    %not3A_561 = arith.xori %or3A_558, %not3A_560 : vector<2x1x128xi1>
    %and3A_562 = arith.andi %slice3A_559, %not3A_561 : vector<2x1x128xi1>
    %slice3A_563 = vector.extract_strided_slice %concatenate3A_487 {offsets = [0, 7, 0], sizes = [2, 1, 128], strides = [1, 1, 1]} : vector<2x17x128xf32> to vector<2x1x128xf32>
    %jit3A_564 = arith.constant -1.000000e+00 : f32
    %broadcast_in_dim3A_565 = vector.broadcast %jit3A_564 : f32 to vector<2x1x128xf32>
    %select_n3A_566 = arith.select %and3A_562, %broadcast_in_dim3A_565, %slice3A_563 : vector<2x1x128xi1>, vector<2x1x128xf32>
    %or3A_567 = arith.ori %or3A_558, %and3A_562 : vector<2x1x128xi1>
    %slice3A_568 = vector.extract_strided_slice %eq3A_493 {offsets = [0, 8, 0], sizes = [2, 1, 128], strides = [1, 1, 1]} : vector<2x17x128xi1> to vector<2x1x128xi1>
    %not3A_569 = arith.constant dense<true> : vector<2x1x128xi1>
    %not3A_570 = arith.xori %or3A_567, %not3A_569 : vector<2x1x128xi1>
    %and3A_571 = arith.andi %slice3A_568, %not3A_570 : vector<2x1x128xi1>
    %slice3A_572 = vector.extract_strided_slice %concatenate3A_487 {offsets = [0, 8, 0], sizes = [2, 1, 128], strides = [1, 1, 1]} : vector<2x17x128xf32> to vector<2x1x128xf32>
    %jit3A_573 = arith.constant -1.000000e+00 : f32
    %broadcast_in_dim3A_574 = vector.broadcast %jit3A_573 : f32 to vector<2x1x128xf32>
    %select_n3A_575 = arith.select %and3A_571, %broadcast_in_dim3A_574, %slice3A_572 : vector<2x1x128xi1>, vector<2x1x128xf32>
    %or3A_576 = arith.ori %or3A_567, %and3A_571 : vector<2x1x128xi1>
    %slice3A_577 = vector.extract_strided_slice %eq3A_493 {offsets = [0, 9, 0], sizes = [2, 1, 128], strides = [1, 1, 1]} : vector<2x17x128xi1> to vector<2x1x128xi1>
    %not3A_578 = arith.constant dense<true> : vector<2x1x128xi1>
    %not3A_579 = arith.xori %or3A_576, %not3A_578 : vector<2x1x128xi1>
    %and3A_580 = arith.andi %slice3A_577, %not3A_579 : vector<2x1x128xi1>
    %slice3A_581 = vector.extract_strided_slice %concatenate3A_487 {offsets = [0, 9, 0], sizes = [2, 1, 128], strides = [1, 1, 1]} : vector<2x17x128xf32> to vector<2x1x128xf32>
    %jit3A_582 = arith.constant -1.000000e+00 : f32
    %broadcast_in_dim3A_583 = vector.broadcast %jit3A_582 : f32 to vector<2x1x128xf32>
    %select_n3A_584 = arith.select %and3A_580, %broadcast_in_dim3A_583, %slice3A_581 : vector<2x1x128xi1>, vector<2x1x128xf32>
    %or3A_585 = arith.ori %or3A_576, %and3A_580 : vector<2x1x128xi1>
    %slice3A_586 = vector.extract_strided_slice %eq3A_493 {offsets = [0, 10, 0], sizes = [2, 1, 128], strides = [1, 1, 1]} : vector<2x17x128xi1> to vector<2x1x128xi1>
    %not3A_587 = arith.constant dense<true> : vector<2x1x128xi1>
    %not3A_588 = arith.xori %or3A_585, %not3A_587 : vector<2x1x128xi1>
    %and3A_589 = arith.andi %slice3A_586, %not3A_588 : vector<2x1x128xi1>
    %slice3A_590 = vector.extract_strided_slice %concatenate3A_487 {offsets = [0, 10, 0], sizes = [2, 1, 128], strides = [1, 1, 1]} : vector<2x17x128xf32> to vector<2x1x128xf32>
    %jit3A_591 = arith.constant -1.000000e+00 : f32
    %broadcast_in_dim3A_592 = vector.broadcast %jit3A_591 : f32 to vector<2x1x128xf32>
    %select_n3A_593 = arith.select %and3A_589, %broadcast_in_dim3A_592, %slice3A_590 : vector<2x1x128xi1>, vector<2x1x128xf32>
    %or3A_594 = arith.ori %or3A_585, %and3A_589 : vector<2x1x128xi1>
    %slice3A_595 = vector.extract_strided_slice %eq3A_493 {offsets = [0, 11, 0], sizes = [2, 1, 128], strides = [1, 1, 1]} : vector<2x17x128xi1> to vector<2x1x128xi1>
    %not3A_596 = arith.constant dense<true> : vector<2x1x128xi1>
    %not3A_597 = arith.xori %or3A_594, %not3A_596 : vector<2x1x128xi1>
    %and3A_598 = arith.andi %slice3A_595, %not3A_597 : vector<2x1x128xi1>
    %slice3A_599 = vector.extract_strided_slice %concatenate3A_487 {offsets = [0, 11, 0], sizes = [2, 1, 128], strides = [1, 1, 1]} : vector<2x17x128xf32> to vector<2x1x128xf32>
    %jit3A_600 = arith.constant -1.000000e+00 : f32
    %broadcast_in_dim3A_601 = vector.broadcast %jit3A_600 : f32 to vector<2x1x128xf32>
    %select_n3A_602 = arith.select %and3A_598, %broadcast_in_dim3A_601, %slice3A_599 : vector<2x1x128xi1>, vector<2x1x128xf32>
    %or3A_603 = arith.ori %or3A_594, %and3A_598 : vector<2x1x128xi1>
    %slice3A_604 = vector.extract_strided_slice %eq3A_493 {offsets = [0, 12, 0], sizes = [2, 1, 128], strides = [1, 1, 1]} : vector<2x17x128xi1> to vector<2x1x128xi1>
    %not3A_605 = arith.constant dense<true> : vector<2x1x128xi1>
    %not3A_606 = arith.xori %or3A_603, %not3A_605 : vector<2x1x128xi1>
    %and3A_607 = arith.andi %slice3A_604, %not3A_606 : vector<2x1x128xi1>
    %slice3A_608 = vector.extract_strided_slice %concatenate3A_487 {offsets = [0, 12, 0], sizes = [2, 1, 128], strides = [1, 1, 1]} : vector<2x17x128xf32> to vector<2x1x128xf32>
    %jit3A_609 = arith.constant -1.000000e+00 : f32
    %broadcast_in_dim3A_610 = vector.broadcast %jit3A_609 : f32 to vector<2x1x128xf32>
    %select_n3A_611 = arith.select %and3A_607, %broadcast_in_dim3A_610, %slice3A_608 : vector<2x1x128xi1>, vector<2x1x128xf32>
    %or3A_612 = arith.ori %or3A_603, %and3A_607 : vector<2x1x128xi1>
    %slice3A_613 = vector.extract_strided_slice %eq3A_493 {offsets = [0, 13, 0], sizes = [2, 1, 128], strides = [1, 1, 1]} : vector<2x17x128xi1> to vector<2x1x128xi1>
    %not3A_614 = arith.constant dense<true> : vector<2x1x128xi1>
    %not3A_615 = arith.xori %or3A_612, %not3A_614 : vector<2x1x128xi1>
    %and3A_616 = arith.andi %slice3A_613, %not3A_615 : vector<2x1x128xi1>
    %slice3A_617 = vector.extract_strided_slice %concatenate3A_487 {offsets = [0, 13, 0], sizes = [2, 1, 128], strides = [1, 1, 1]} : vector<2x17x128xf32> to vector<2x1x128xf32>
    %jit3A_618 = arith.constant -1.000000e+00 : f32
    %broadcast_in_dim3A_619 = vector.broadcast %jit3A_618 : f32 to vector<2x1x128xf32>
    %select_n3A_620 = arith.select %and3A_616, %broadcast_in_dim3A_619, %slice3A_617 : vector<2x1x128xi1>, vector<2x1x128xf32>
    %or3A_621 = arith.ori %or3A_612, %and3A_616 : vector<2x1x128xi1>
    %slice3A_622 = vector.extract_strided_slice %eq3A_493 {offsets = [0, 14, 0], sizes = [2, 1, 128], strides = [1, 1, 1]} : vector<2x17x128xi1> to vector<2x1x128xi1>
    %not3A_623 = arith.constant dense<true> : vector<2x1x128xi1>
    %not3A_624 = arith.xori %or3A_621, %not3A_623 : vector<2x1x128xi1>
    %and3A_625 = arith.andi %slice3A_622, %not3A_624 : vector<2x1x128xi1>
    %slice3A_626 = vector.extract_strided_slice %concatenate3A_487 {offsets = [0, 14, 0], sizes = [2, 1, 128], strides = [1, 1, 1]} : vector<2x17x128xf32> to vector<2x1x128xf32>
    %jit3A_627 = arith.constant -1.000000e+00 : f32
    %broadcast_in_dim3A_628 = vector.broadcast %jit3A_627 : f32 to vector<2x1x128xf32>
    %select_n3A_629 = arith.select %and3A_625, %broadcast_in_dim3A_628, %slice3A_626 : vector<2x1x128xi1>, vector<2x1x128xf32>
    %or3A_630 = arith.ori %or3A_621, %and3A_625 : vector<2x1x128xi1>
    %slice3A_631 = vector.extract_strided_slice %eq3A_493 {offsets = [0, 15, 0], sizes = [2, 1, 128], strides = [1, 1, 1]} : vector<2x17x128xi1> to vector<2x1x128xi1>
    %not3A_632 = arith.constant dense<true> : vector<2x1x128xi1>
    %not3A_633 = arith.xori %or3A_630, %not3A_632 : vector<2x1x128xi1>
    %and3A_634 = arith.andi %slice3A_631, %not3A_633 : vector<2x1x128xi1>
    %slice3A_635 = vector.extract_strided_slice %concatenate3A_487 {offsets = [0, 15, 0], sizes = [2, 1, 128], strides = [1, 1, 1]} : vector<2x17x128xf32> to vector<2x1x128xf32>
    %jit3A_636 = arith.constant -1.000000e+00 : f32
    %broadcast_in_dim3A_637 = vector.broadcast %jit3A_636 : f32 to vector<2x1x128xf32>
    %select_n3A_638 = arith.select %and3A_634, %broadcast_in_dim3A_637, %slice3A_635 : vector<2x1x128xi1>, vector<2x1x128xf32>
    %or3A_639 = arith.ori %or3A_630, %and3A_634 : vector<2x1x128xi1>
    %slice3A_640 = vector.extract_strided_slice %eq3A_493 {offsets = [0, 16, 0], sizes = [2, 1, 128], strides = [1, 1, 1]} : vector<2x17x128xi1> to vector<2x1x128xi1>
    %not3A_641 = arith.constant dense<true> : vector<2x1x128xi1>
    %not3A_642 = arith.xori %or3A_639, %not3A_641 : vector<2x1x128xi1>
    %and3A_643 = arith.andi %slice3A_640, %not3A_642 : vector<2x1x128xi1>
    %slice3A_644 = vector.extract_strided_slice %concatenate3A_487 {offsets = [0, 16, 0], sizes = [2, 1, 128], strides = [1, 1, 1]} : vector<2x17x128xf32> to vector<2x1x128xf32>
    %jit3A_645 = arith.constant -1.000000e+00 : f32
    %broadcast_in_dim3A_646 = vector.broadcast %jit3A_645 : f32 to vector<2x1x128xf32>
    %select_n3A_647 = arith.select %and3A_643, %broadcast_in_dim3A_646, %slice3A_644 : vector<2x1x128xi1>, vector<2x1x128xf32>
    %concatenate3A_648 = tpu.concatenate %select_n3A_503, %select_n3A_512, %select_n3A_521, %select_n3A_530, %select_n3A_539, %select_n3A_548, %select_n3A_557, %select_n3A_566, %select_n3A_575, %select_n3A_584, %select_n3A_593, %select_n3A_602, %select_n3A_611, %select_n3A_620, %select_n3A_629, %select_n3A_638, %select_n3A_647 in 1 : vector<2x1x128xf32>, vector<2x1x128xf32>, vector<2x1x128xf32>, vector<2x1x128xf32>, vector<2x1x128xf32>, vector<2x1x128xf32>, vector<2x1x128xf32>, vector<2x1x128xf32>, vector<2x1x128xf32>, vector<2x1x128xf32>, vector<2x1x128xf32>, vector<2x1x128xf32>, vector<2x1x128xf32>, vector<2x1x128xf32>, vector<2x1x128xf32>, vector<2x1x128xf32>, vector<2x1x128xf32> -> vector<2x17x128xf32>
    %reduce_max3A_649 = arith.constant dense<0xFF800000> : vector<2x128xf32>
    %reduce_max3A_650 = vector.multi_reduction <maximumf>, %concatenate3A_648, %reduce_max3A_649 [1] : vector<2x17x128xf32> to vector<2x128xf32>
    %broadcast_in_dim3A_651 = vector.shape_cast %reduce_max3A_650 : vector<2x128xf32> to vector<2x1x128xf32>
    %add3A_652 = arith.addf %add3A_491, %broadcast_in_dim3A_651 : vector<2x1x128xf32>
    %eq3A_653 = vector.broadcast %broadcast_in_dim3A_651 : vector<2x1x128xf32> to vector<2x17x128xf32>
    %eq3A_654 = arith.cmpf oeq, %concatenate3A_648, %eq3A_653 : vector<2x17x128xf32>
    %broadcast_in_dim3A_655 = arith.constant false
    %broadcast_in_dim3A_656 = vector.broadcast %broadcast_in_dim3A_655 : i1 to vector<2x1x128xi1>
    %slice3A_657 = vector.extract_strided_slice %eq3A_654 {offsets = [0, 0, 0], sizes = [2, 1, 128], strides = [1, 1, 1]} : vector<2x17x128xi1> to vector<2x1x128xi1>
    %not3A_658 = arith.constant dense<true> : vector<2x1x128xi1>
    %not3A_659 = arith.xori %broadcast_in_dim3A_656, %not3A_658 : vector<2x1x128xi1>
    %and3A_660 = arith.andi %slice3A_657, %not3A_659 : vector<2x1x128xi1>
    %slice3A_661 = vector.extract_strided_slice %concatenate3A_648 {offsets = [0, 0, 0], sizes = [2, 1, 128], strides = [1, 1, 1]} : vector<2x17x128xf32> to vector<2x1x128xf32>
    %jit3A_662 = arith.constant -1.000000e+00 : f32
    %broadcast_in_dim3A_663 = vector.broadcast %jit3A_662 : f32 to vector<2x1x128xf32>
    %select_n3A_664 = arith.select %and3A_660, %broadcast_in_dim3A_663, %slice3A_661 : vector<2x1x128xi1>, vector<2x1x128xf32>
    %or3A_665 = arith.ori %broadcast_in_dim3A_656, %and3A_660 : vector<2x1x128xi1>
    %slice3A_666 = vector.extract_strided_slice %eq3A_654 {offsets = [0, 1, 0], sizes = [2, 1, 128], strides = [1, 1, 1]} : vector<2x17x128xi1> to vector<2x1x128xi1>
    %not3A_667 = arith.constant dense<true> : vector<2x1x128xi1>
    %not3A_668 = arith.xori %or3A_665, %not3A_667 : vector<2x1x128xi1>
    %and3A_669 = arith.andi %slice3A_666, %not3A_668 : vector<2x1x128xi1>
    %slice3A_670 = vector.extract_strided_slice %concatenate3A_648 {offsets = [0, 1, 0], sizes = [2, 1, 128], strides = [1, 1, 1]} : vector<2x17x128xf32> to vector<2x1x128xf32>
    %jit3A_671 = arith.constant -1.000000e+00 : f32
    %broadcast_in_dim3A_672 = vector.broadcast %jit3A_671 : f32 to vector<2x1x128xf32>
    %select_n3A_673 = arith.select %and3A_669, %broadcast_in_dim3A_672, %slice3A_670 : vector<2x1x128xi1>, vector<2x1x128xf32>
    %or3A_674 = arith.ori %or3A_665, %and3A_669 : vector<2x1x128xi1>
    %slice3A_675 = vector.extract_strided_slice %eq3A_654 {offsets = [0, 2, 0], sizes = [2, 1, 128], strides = [1, 1, 1]} : vector<2x17x128xi1> to vector<2x1x128xi1>
    %not3A_676 = arith.constant dense<true> : vector<2x1x128xi1>
    %not3A_677 = arith.xori %or3A_674, %not3A_676 : vector<2x1x128xi1>
    %and3A_678 = arith.andi %slice3A_675, %not3A_677 : vector<2x1x128xi1>
    %slice3A_679 = vector.extract_strided_slice %concatenate3A_648 {offsets = [0, 2, 0], sizes = [2, 1, 128], strides = [1, 1, 1]} : vector<2x17x128xf32> to vector<2x1x128xf32>
    %jit3A_680 = arith.constant -1.000000e+00 : f32
    %broadcast_in_dim3A_681 = vector.broadcast %jit3A_680 : f32 to vector<2x1x128xf32>
    %select_n3A_682 = arith.select %and3A_678, %broadcast_in_dim3A_681, %slice3A_679 : vector<2x1x128xi1>, vector<2x1x128xf32>
    %or3A_683 = arith.ori %or3A_674, %and3A_678 : vector<2x1x128xi1>
    %slice3A_684 = vector.extract_strided_slice %eq3A_654 {offsets = [0, 3, 0], sizes = [2, 1, 128], strides = [1, 1, 1]} : vector<2x17x128xi1> to vector<2x1x128xi1>
    %not3A_685 = arith.constant dense<true> : vector<2x1x128xi1>
    %not3A_686 = arith.xori %or3A_683, %not3A_685 : vector<2x1x128xi1>
    %and3A_687 = arith.andi %slice3A_684, %not3A_686 : vector<2x1x128xi1>
    %slice3A_688 = vector.extract_strided_slice %concatenate3A_648 {offsets = [0, 3, 0], sizes = [2, 1, 128], strides = [1, 1, 1]} : vector<2x17x128xf32> to vector<2x1x128xf32>
    %jit3A_689 = arith.constant -1.000000e+00 : f32
    %broadcast_in_dim3A_690 = vector.broadcast %jit3A_689 : f32 to vector<2x1x128xf32>
    %select_n3A_691 = arith.select %and3A_687, %broadcast_in_dim3A_690, %slice3A_688 : vector<2x1x128xi1>, vector<2x1x128xf32>
    %or3A_692 = arith.ori %or3A_683, %and3A_687 : vector<2x1x128xi1>
    %slice3A_693 = vector.extract_strided_slice %eq3A_654 {offsets = [0, 4, 0], sizes = [2, 1, 128], strides = [1, 1, 1]} : vector<2x17x128xi1> to vector<2x1x128xi1>
    %not3A_694 = arith.constant dense<true> : vector<2x1x128xi1>
    %not3A_695 = arith.xori %or3A_692, %not3A_694 : vector<2x1x128xi1>
    %and3A_696 = arith.andi %slice3A_693, %not3A_695 : vector<2x1x128xi1>
    %slice3A_697 = vector.extract_strided_slice %concatenate3A_648 {offsets = [0, 4, 0], sizes = [2, 1, 128], strides = [1, 1, 1]} : vector<2x17x128xf32> to vector<2x1x128xf32>
    %jit3A_698 = arith.constant -1.000000e+00 : f32
    %broadcast_in_dim3A_699 = vector.broadcast %jit3A_698 : f32 to vector<2x1x128xf32>
    %select_n3A_700 = arith.select %and3A_696, %broadcast_in_dim3A_699, %slice3A_697 : vector<2x1x128xi1>, vector<2x1x128xf32>
    %or3A_701 = arith.ori %or3A_692, %and3A_696 : vector<2x1x128xi1>
    %slice3A_702 = vector.extract_strided_slice %eq3A_654 {offsets = [0, 5, 0], sizes = [2, 1, 128], strides = [1, 1, 1]} : vector<2x17x128xi1> to vector<2x1x128xi1>
    %not3A_703 = arith.constant dense<true> : vector<2x1x128xi1>
    %not3A_704 = arith.xori %or3A_701, %not3A_703 : vector<2x1x128xi1>
    %and3A_705 = arith.andi %slice3A_702, %not3A_704 : vector<2x1x128xi1>
    %slice3A_706 = vector.extract_strided_slice %concatenate3A_648 {offsets = [0, 5, 0], sizes = [2, 1, 128], strides = [1, 1, 1]} : vector<2x17x128xf32> to vector<2x1x128xf32>
    %jit3A_707 = arith.constant -1.000000e+00 : f32
    %broadcast_in_dim3A_708 = vector.broadcast %jit3A_707 : f32 to vector<2x1x128xf32>
    %select_n3A_709 = arith.select %and3A_705, %broadcast_in_dim3A_708, %slice3A_706 : vector<2x1x128xi1>, vector<2x1x128xf32>
    %or3A_710 = arith.ori %or3A_701, %and3A_705 : vector<2x1x128xi1>
    %slice3A_711 = vector.extract_strided_slice %eq3A_654 {offsets = [0, 6, 0], sizes = [2, 1, 128], strides = [1, 1, 1]} : vector<2x17x128xi1> to vector<2x1x128xi1>
    %not3A_712 = arith.constant dense<true> : vector<2x1x128xi1>
    %not3A_713 = arith.xori %or3A_710, %not3A_712 : vector<2x1x128xi1>
    %and3A_714 = arith.andi %slice3A_711, %not3A_713 : vector<2x1x128xi1>
    %slice3A_715 = vector.extract_strided_slice %concatenate3A_648 {offsets = [0, 6, 0], sizes = [2, 1, 128], strides = [1, 1, 1]} : vector<2x17x128xf32> to vector<2x1x128xf32>
    %jit3A_716 = arith.constant -1.000000e+00 : f32
    %broadcast_in_dim3A_717 = vector.broadcast %jit3A_716 : f32 to vector<2x1x128xf32>
    %select_n3A_718 = arith.select %and3A_714, %broadcast_in_dim3A_717, %slice3A_715 : vector<2x1x128xi1>, vector<2x1x128xf32>
    %or3A_719 = arith.ori %or3A_710, %and3A_714 : vector<2x1x128xi1>
    %slice3A_720 = vector.extract_strided_slice %eq3A_654 {offsets = [0, 7, 0], sizes = [2, 1, 128], strides = [1, 1, 1]} : vector<2x17x128xi1> to vector<2x1x128xi1>
    %not3A_721 = arith.constant dense<true> : vector<2x1x128xi1>
    %not3A_722 = arith.xori %or3A_719, %not3A_721 : vector<2x1x128xi1>
    %and3A_723 = arith.andi %slice3A_720, %not3A_722 : vector<2x1x128xi1>
    %slice3A_724 = vector.extract_strided_slice %concatenate3A_648 {offsets = [0, 7, 0], sizes = [2, 1, 128], strides = [1, 1, 1]} : vector<2x17x128xf32> to vector<2x1x128xf32>
    %jit3A_725 = arith.constant -1.000000e+00 : f32
    %broadcast_in_dim3A_726 = vector.broadcast %jit3A_725 : f32 to vector<2x1x128xf32>
    %select_n3A_727 = arith.select %and3A_723, %broadcast_in_dim3A_726, %slice3A_724 : vector<2x1x128xi1>, vector<2x1x128xf32>
    %or3A_728 = arith.ori %or3A_719, %and3A_723 : vector<2x1x128xi1>
    %slice3A_729 = vector.extract_strided_slice %eq3A_654 {offsets = [0, 8, 0], sizes = [2, 1, 128], strides = [1, 1, 1]} : vector<2x17x128xi1> to vector<2x1x128xi1>
    %not3A_730 = arith.constant dense<true> : vector<2x1x128xi1>
    %not3A_731 = arith.xori %or3A_728, %not3A_730 : vector<2x1x128xi1>
    %and3A_732 = arith.andi %slice3A_729, %not3A_731 : vector<2x1x128xi1>
    %slice3A_733 = vector.extract_strided_slice %concatenate3A_648 {offsets = [0, 8, 0], sizes = [2, 1, 128], strides = [1, 1, 1]} : vector<2x17x128xf32> to vector<2x1x128xf32>
    %jit3A_734 = arith.constant -1.000000e+00 : f32
    %broadcast_in_dim3A_735 = vector.broadcast %jit3A_734 : f32 to vector<2x1x128xf32>
    %select_n3A_736 = arith.select %and3A_732, %broadcast_in_dim3A_735, %slice3A_733 : vector<2x1x128xi1>, vector<2x1x128xf32>
    %or3A_737 = arith.ori %or3A_728, %and3A_732 : vector<2x1x128xi1>
    %slice3A_738 = vector.extract_strided_slice %eq3A_654 {offsets = [0, 9, 0], sizes = [2, 1, 128], strides = [1, 1, 1]} : vector<2x17x128xi1> to vector<2x1x128xi1>
    %not3A_739 = arith.constant dense<true> : vector<2x1x128xi1>
    %not3A_740 = arith.xori %or3A_737, %not3A_739 : vector<2x1x128xi1>
    %and3A_741 = arith.andi %slice3A_738, %not3A_740 : vector<2x1x128xi1>
    %slice3A_742 = vector.extract_strided_slice %concatenate3A_648 {offsets = [0, 9, 0], sizes = [2, 1, 128], strides = [1, 1, 1]} : vector<2x17x128xf32> to vector<2x1x128xf32>
    %jit3A_743 = arith.constant -1.000000e+00 : f32
    %broadcast_in_dim3A_744 = vector.broadcast %jit3A_743 : f32 to vector<2x1x128xf32>
    %select_n3A_745 = arith.select %and3A_741, %broadcast_in_dim3A_744, %slice3A_742 : vector<2x1x128xi1>, vector<2x1x128xf32>
    %or3A_746 = arith.ori %or3A_737, %and3A_741 : vector<2x1x128xi1>
    %slice3A_747 = vector.extract_strided_slice %eq3A_654 {offsets = [0, 10, 0], sizes = [2, 1, 128], strides = [1, 1, 1]} : vector<2x17x128xi1> to vector<2x1x128xi1>
    %not3A_748 = arith.constant dense<true> : vector<2x1x128xi1>
    %not3A_749 = arith.xori %or3A_746, %not3A_748 : vector<2x1x128xi1>
    %and3A_750 = arith.andi %slice3A_747, %not3A_749 : vector<2x1x128xi1>
    %slice3A_751 = vector.extract_strided_slice %concatenate3A_648 {offsets = [0, 10, 0], sizes = [2, 1, 128], strides = [1, 1, 1]} : vector<2x17x128xf32> to vector<2x1x128xf32>
    %jit3A_752 = arith.constant -1.000000e+00 : f32
    %broadcast_in_dim3A_753 = vector.broadcast %jit3A_752 : f32 to vector<2x1x128xf32>
    %select_n3A_754 = arith.select %and3A_750, %broadcast_in_dim3A_753, %slice3A_751 : vector<2x1x128xi1>, vector<2x1x128xf32>
    %or3A_755 = arith.ori %or3A_746, %and3A_750 : vector<2x1x128xi1>
    %slice3A_756 = vector.extract_strided_slice %eq3A_654 {offsets = [0, 11, 0], sizes = [2, 1, 128], strides = [1, 1, 1]} : vector<2x17x128xi1> to vector<2x1x128xi1>
    %not3A_757 = arith.constant dense<true> : vector<2x1x128xi1>
    %not3A_758 = arith.xori %or3A_755, %not3A_757 : vector<2x1x128xi1>
    %and3A_759 = arith.andi %slice3A_756, %not3A_758 : vector<2x1x128xi1>
    %slice3A_760 = vector.extract_strided_slice %concatenate3A_648 {offsets = [0, 11, 0], sizes = [2, 1, 128], strides = [1, 1, 1]} : vector<2x17x128xf32> to vector<2x1x128xf32>
    %jit3A_761 = arith.constant -1.000000e+00 : f32
    %broadcast_in_dim3A_762 = vector.broadcast %jit3A_761 : f32 to vector<2x1x128xf32>
    %select_n3A_763 = arith.select %and3A_759, %broadcast_in_dim3A_762, %slice3A_760 : vector<2x1x128xi1>, vector<2x1x128xf32>
    %or3A_764 = arith.ori %or3A_755, %and3A_759 : vector<2x1x128xi1>
    %slice3A_765 = vector.extract_strided_slice %eq3A_654 {offsets = [0, 12, 0], sizes = [2, 1, 128], strides = [1, 1, 1]} : vector<2x17x128xi1> to vector<2x1x128xi1>
    %not3A_766 = arith.constant dense<true> : vector<2x1x128xi1>
    %not3A_767 = arith.xori %or3A_764, %not3A_766 : vector<2x1x128xi1>
    %and3A_768 = arith.andi %slice3A_765, %not3A_767 : vector<2x1x128xi1>
    %slice3A_769 = vector.extract_strided_slice %concatenate3A_648 {offsets = [0, 12, 0], sizes = [2, 1, 128], strides = [1, 1, 1]} : vector<2x17x128xf32> to vector<2x1x128xf32>
    %jit3A_770 = arith.constant -1.000000e+00 : f32
    %broadcast_in_dim3A_771 = vector.broadcast %jit3A_770 : f32 to vector<2x1x128xf32>
    %select_n3A_772 = arith.select %and3A_768, %broadcast_in_dim3A_771, %slice3A_769 : vector<2x1x128xi1>, vector<2x1x128xf32>
    %or3A_773 = arith.ori %or3A_764, %and3A_768 : vector<2x1x128xi1>
    %slice3A_774 = vector.extract_strided_slice %eq3A_654 {offsets = [0, 13, 0], sizes = [2, 1, 128], strides = [1, 1, 1]} : vector<2x17x128xi1> to vector<2x1x128xi1>
    %not3A_775 = arith.constant dense<true> : vector<2x1x128xi1>
    %not3A_776 = arith.xori %or3A_773, %not3A_775 : vector<2x1x128xi1>
    %and3A_777 = arith.andi %slice3A_774, %not3A_776 : vector<2x1x128xi1>
    %slice3A_778 = vector.extract_strided_slice %concatenate3A_648 {offsets = [0, 13, 0], sizes = [2, 1, 128], strides = [1, 1, 1]} : vector<2x17x128xf32> to vector<2x1x128xf32>
    %jit3A_779 = arith.constant -1.000000e+00 : f32
    %broadcast_in_dim3A_780 = vector.broadcast %jit3A_779 : f32 to vector<2x1x128xf32>
    %select_n3A_781 = arith.select %and3A_777, %broadcast_in_dim3A_780, %slice3A_778 : vector<2x1x128xi1>, vector<2x1x128xf32>
    %or3A_782 = arith.ori %or3A_773, %and3A_777 : vector<2x1x128xi1>
    %slice3A_783 = vector.extract_strided_slice %eq3A_654 {offsets = [0, 14, 0], sizes = [2, 1, 128], strides = [1, 1, 1]} : vector<2x17x128xi1> to vector<2x1x128xi1>
    %not3A_784 = arith.constant dense<true> : vector<2x1x128xi1>
    %not3A_785 = arith.xori %or3A_782, %not3A_784 : vector<2x1x128xi1>
    %and3A_786 = arith.andi %slice3A_783, %not3A_785 : vector<2x1x128xi1>
    %slice3A_787 = vector.extract_strided_slice %concatenate3A_648 {offsets = [0, 14, 0], sizes = [2, 1, 128], strides = [1, 1, 1]} : vector<2x17x128xf32> to vector<2x1x128xf32>
    %jit3A_788 = arith.constant -1.000000e+00 : f32
    %broadcast_in_dim3A_789 = vector.broadcast %jit3A_788 : f32 to vector<2x1x128xf32>
    %select_n3A_790 = arith.select %and3A_786, %broadcast_in_dim3A_789, %slice3A_787 : vector<2x1x128xi1>, vector<2x1x128xf32>
    %or3A_791 = arith.ori %or3A_782, %and3A_786 : vector<2x1x128xi1>
    %slice3A_792 = vector.extract_strided_slice %eq3A_654 {offsets = [0, 15, 0], sizes = [2, 1, 128], strides = [1, 1, 1]} : vector<2x17x128xi1> to vector<2x1x128xi1>
    %not3A_793 = arith.constant dense<true> : vector<2x1x128xi1>
    %not3A_794 = arith.xori %or3A_791, %not3A_793 : vector<2x1x128xi1>
    %and3A_795 = arith.andi %slice3A_792, %not3A_794 : vector<2x1x128xi1>
    %slice3A_796 = vector.extract_strided_slice %concatenate3A_648 {offsets = [0, 15, 0], sizes = [2, 1, 128], strides = [1, 1, 1]} : vector<2x17x128xf32> to vector<2x1x128xf32>
    %jit3A_797 = arith.constant -1.000000e+00 : f32
    %broadcast_in_dim3A_798 = vector.broadcast %jit3A_797 : f32 to vector<2x1x128xf32>
    %select_n3A_799 = arith.select %and3A_795, %broadcast_in_dim3A_798, %slice3A_796 : vector<2x1x128xi1>, vector<2x1x128xf32>
    %or3A_800 = arith.ori %or3A_791, %and3A_795 : vector<2x1x128xi1>
    %slice3A_801 = vector.extract_strided_slice %eq3A_654 {offsets = [0, 16, 0], sizes = [2, 1, 128], strides = [1, 1, 1]} : vector<2x17x128xi1> to vector<2x1x128xi1>
    %not3A_802 = arith.constant dense<true> : vector<2x1x128xi1>
    %not3A_803 = arith.xori %or3A_800, %not3A_802 : vector<2x1x128xi1>
    %and3A_804 = arith.andi %slice3A_801, %not3A_803 : vector<2x1x128xi1>
    %slice3A_805 = vector.extract_strided_slice %concatenate3A_648 {offsets = [0, 16, 0], sizes = [2, 1, 128], strides = [1, 1, 1]} : vector<2x17x128xf32> to vector<2x1x128xf32>
    %jit3A_806 = arith.constant -1.000000e+00 : f32
    %broadcast_in_dim3A_807 = vector.broadcast %jit3A_806 : f32 to vector<2x1x128xf32>
    %select_n3A_808 = arith.select %and3A_804, %broadcast_in_dim3A_807, %slice3A_805 : vector<2x1x128xi1>, vector<2x1x128xf32>
    %concatenate3A_809 = tpu.concatenate %select_n3A_664, %select_n3A_673, %select_n3A_682, %select_n3A_691, %select_n3A_700, %select_n3A_709, %select_n3A_718, %select_n3A_727, %select_n3A_736, %select_n3A_745, %select_n3A_754, %select_n3A_763, %select_n3A_772, %select_n3A_781, %select_n3A_790, %select_n3A_799, %select_n3A_808 in 1 : vector<2x1x128xf32>, vector<2x1x128xf32>, vector<2x1x128xf32>, vector<2x1x128xf32>, vector<2x1x128xf32>, vector<2x1x128xf32>, vector<2x1x128xf32>, vector<2x1x128xf32>, vector<2x1x128xf32>, vector<2x1x128xf32>, vector<2x1x128xf32>, vector<2x1x128xf32>, vector<2x1x128xf32>, vector<2x1x128xf32>, vector<2x1x128xf32>, vector<2x1x128xf32>, vector<2x1x128xf32> -> vector<2x17x128xf32>
    %reduce_max3A_810 = arith.constant dense<0xFF800000> : vector<2x128xf32>
    %reduce_max3A_811 = vector.multi_reduction <maximumf>, %concatenate3A_809, %reduce_max3A_810 [1] : vector<2x17x128xf32> to vector<2x128xf32>
    %broadcast_in_dim3A_812 = vector.shape_cast %reduce_max3A_811 : vector<2x128xf32> to vector<2x1x128xf32>
    %add3A_813 = arith.addf %add3A_652, %broadcast_in_dim3A_812 : vector<2x1x128xf32>
    %eq3A_814 = vector.broadcast %broadcast_in_dim3A_812 : vector<2x1x128xf32> to vector<2x17x128xf32>
    %eq3A_815 = arith.cmpf oeq, %concatenate3A_809, %eq3A_814 : vector<2x17x128xf32>
    %broadcast_in_dim3A_816 = arith.constant false
    %broadcast_in_dim3A_817 = vector.broadcast %broadcast_in_dim3A_816 : i1 to vector<2x1x128xi1>
    %slice3A_818 = vector.extract_strided_slice %eq3A_815 {offsets = [0, 0, 0], sizes = [2, 1, 128], strides = [1, 1, 1]} : vector<2x17x128xi1> to vector<2x1x128xi1>
    %not3A_819 = arith.constant dense<true> : vector<2x1x128xi1>
    %not3A_820 = arith.xori %broadcast_in_dim3A_817, %not3A_819 : vector<2x1x128xi1>
    %and3A_821 = arith.andi %slice3A_818, %not3A_820 : vector<2x1x128xi1>
    %slice3A_822 = vector.extract_strided_slice %concatenate3A_809 {offsets = [0, 0, 0], sizes = [2, 1, 128], strides = [1, 1, 1]} : vector<2x17x128xf32> to vector<2x1x128xf32>
    %jit3A_823 = arith.constant -1.000000e+00 : f32
    %broadcast_in_dim3A_824 = vector.broadcast %jit3A_823 : f32 to vector<2x1x128xf32>
    %select_n3A_825 = arith.select %and3A_821, %broadcast_in_dim3A_824, %slice3A_822 : vector<2x1x128xi1>, vector<2x1x128xf32>
    %or3A_826 = arith.ori %broadcast_in_dim3A_817, %and3A_821 : vector<2x1x128xi1>
    %slice3A_827 = vector.extract_strided_slice %eq3A_815 {offsets = [0, 1, 0], sizes = [2, 1, 128], strides = [1, 1, 1]} : vector<2x17x128xi1> to vector<2x1x128xi1>
    %not3A_828 = arith.constant dense<true> : vector<2x1x128xi1>
    %not3A_829 = arith.xori %or3A_826, %not3A_828 : vector<2x1x128xi1>
    %and3A_830 = arith.andi %slice3A_827, %not3A_829 : vector<2x1x128xi1>
    %slice3A_831 = vector.extract_strided_slice %concatenate3A_809 {offsets = [0, 1, 0], sizes = [2, 1, 128], strides = [1, 1, 1]} : vector<2x17x128xf32> to vector<2x1x128xf32>
    %jit3A_832 = arith.constant -1.000000e+00 : f32
    %broadcast_in_dim3A_833 = vector.broadcast %jit3A_832 : f32 to vector<2x1x128xf32>
    %select_n3A_834 = arith.select %and3A_830, %broadcast_in_dim3A_833, %slice3A_831 : vector<2x1x128xi1>, vector<2x1x128xf32>
    %or3A_835 = arith.ori %or3A_826, %and3A_830 : vector<2x1x128xi1>
    %slice3A_836 = vector.extract_strided_slice %eq3A_815 {offsets = [0, 2, 0], sizes = [2, 1, 128], strides = [1, 1, 1]} : vector<2x17x128xi1> to vector<2x1x128xi1>
    %not3A_837 = arith.constant dense<true> : vector<2x1x128xi1>
    %not3A_838 = arith.xori %or3A_835, %not3A_837 : vector<2x1x128xi1>
    %and3A_839 = arith.andi %slice3A_836, %not3A_838 : vector<2x1x128xi1>
    %slice3A_840 = vector.extract_strided_slice %concatenate3A_809 {offsets = [0, 2, 0], sizes = [2, 1, 128], strides = [1, 1, 1]} : vector<2x17x128xf32> to vector<2x1x128xf32>
    %jit3A_841 = arith.constant -1.000000e+00 : f32
    %broadcast_in_dim3A_842 = vector.broadcast %jit3A_841 : f32 to vector<2x1x128xf32>
    %select_n3A_843 = arith.select %and3A_839, %broadcast_in_dim3A_842, %slice3A_840 : vector<2x1x128xi1>, vector<2x1x128xf32>
    %or3A_844 = arith.ori %or3A_835, %and3A_839 : vector<2x1x128xi1>
    %slice3A_845 = vector.extract_strided_slice %eq3A_815 {offsets = [0, 3, 0], sizes = [2, 1, 128], strides = [1, 1, 1]} : vector<2x17x128xi1> to vector<2x1x128xi1>
    %not3A_846 = arith.constant dense<true> : vector<2x1x128xi1>
    %not3A_847 = arith.xori %or3A_844, %not3A_846 : vector<2x1x128xi1>
    %and3A_848 = arith.andi %slice3A_845, %not3A_847 : vector<2x1x128xi1>
    %slice3A_849 = vector.extract_strided_slice %concatenate3A_809 {offsets = [0, 3, 0], sizes = [2, 1, 128], strides = [1, 1, 1]} : vector<2x17x128xf32> to vector<2x1x128xf32>
    %jit3A_850 = arith.constant -1.000000e+00 : f32
    %broadcast_in_dim3A_851 = vector.broadcast %jit3A_850 : f32 to vector<2x1x128xf32>
    %select_n3A_852 = arith.select %and3A_848, %broadcast_in_dim3A_851, %slice3A_849 : vector<2x1x128xi1>, vector<2x1x128xf32>
    %or3A_853 = arith.ori %or3A_844, %and3A_848 : vector<2x1x128xi1>
    %slice3A_854 = vector.extract_strided_slice %eq3A_815 {offsets = [0, 4, 0], sizes = [2, 1, 128], strides = [1, 1, 1]} : vector<2x17x128xi1> to vector<2x1x128xi1>
    %not3A_855 = arith.constant dense<true> : vector<2x1x128xi1>
    %not3A_856 = arith.xori %or3A_853, %not3A_855 : vector<2x1x128xi1>
    %and3A_857 = arith.andi %slice3A_854, %not3A_856 : vector<2x1x128xi1>
    %slice3A_858 = vector.extract_strided_slice %concatenate3A_809 {offsets = [0, 4, 0], sizes = [2, 1, 128], strides = [1, 1, 1]} : vector<2x17x128xf32> to vector<2x1x128xf32>
    %jit3A_859 = arith.constant -1.000000e+00 : f32
    %broadcast_in_dim3A_860 = vector.broadcast %jit3A_859 : f32 to vector<2x1x128xf32>
    %select_n3A_861 = arith.select %and3A_857, %broadcast_in_dim3A_860, %slice3A_858 : vector<2x1x128xi1>, vector<2x1x128xf32>
    %or3A_862 = arith.ori %or3A_853, %and3A_857 : vector<2x1x128xi1>
    %slice3A_863 = vector.extract_strided_slice %eq3A_815 {offsets = [0, 5, 0], sizes = [2, 1, 128], strides = [1, 1, 1]} : vector<2x17x128xi1> to vector<2x1x128xi1>
    %not3A_864 = arith.constant dense<true> : vector<2x1x128xi1>
    %not3A_865 = arith.xori %or3A_862, %not3A_864 : vector<2x1x128xi1>
    %and3A_866 = arith.andi %slice3A_863, %not3A_865 : vector<2x1x128xi1>
    %slice3A_867 = vector.extract_strided_slice %concatenate3A_809 {offsets = [0, 5, 0], sizes = [2, 1, 128], strides = [1, 1, 1]} : vector<2x17x128xf32> to vector<2x1x128xf32>
    %jit3A_868 = arith.constant -1.000000e+00 : f32
    %broadcast_in_dim3A_869 = vector.broadcast %jit3A_868 : f32 to vector<2x1x128xf32>
    %select_n3A_870 = arith.select %and3A_866, %broadcast_in_dim3A_869, %slice3A_867 : vector<2x1x128xi1>, vector<2x1x128xf32>
    %or3A_871 = arith.ori %or3A_862, %and3A_866 : vector<2x1x128xi1>
    %slice3A_872 = vector.extract_strided_slice %eq3A_815 {offsets = [0, 6, 0], sizes = [2, 1, 128], strides = [1, 1, 1]} : vector<2x17x128xi1> to vector<2x1x128xi1>
    %not3A_873 = arith.constant dense<true> : vector<2x1x128xi1>
    %not3A_874 = arith.xori %or3A_871, %not3A_873 : vector<2x1x128xi1>
    %and3A_875 = arith.andi %slice3A_872, %not3A_874 : vector<2x1x128xi1>
    %slice3A_876 = vector.extract_strided_slice %concatenate3A_809 {offsets = [0, 6, 0], sizes = [2, 1, 128], strides = [1, 1, 1]} : vector<2x17x128xf32> to vector<2x1x128xf32>
    %jit3A_877 = arith.constant -1.000000e+00 : f32
    %broadcast_in_dim3A_878 = vector.broadcast %jit3A_877 : f32 to vector<2x1x128xf32>
    %select_n3A_879 = arith.select %and3A_875, %broadcast_in_dim3A_878, %slice3A_876 : vector<2x1x128xi1>, vector<2x1x128xf32>
    %or3A_880 = arith.ori %or3A_871, %and3A_875 : vector<2x1x128xi1>
    %slice3A_881 = vector.extract_strided_slice %eq3A_815 {offsets = [0, 7, 0], sizes = [2, 1, 128], strides = [1, 1, 1]} : vector<2x17x128xi1> to vector<2x1x128xi1>
    %not3A_882 = arith.constant dense<true> : vector<2x1x128xi1>
    %not3A_883 = arith.xori %or3A_880, %not3A_882 : vector<2x1x128xi1>
    %and3A_884 = arith.andi %slice3A_881, %not3A_883 : vector<2x1x128xi1>
    %slice3A_885 = vector.extract_strided_slice %concatenate3A_809 {offsets = [0, 7, 0], sizes = [2, 1, 128], strides = [1, 1, 1]} : vector<2x17x128xf32> to vector<2x1x128xf32>
    %jit3A_886 = arith.constant -1.000000e+00 : f32
    %broadcast_in_dim3A_887 = vector.broadcast %jit3A_886 : f32 to vector<2x1x128xf32>
    %select_n3A_888 = arith.select %and3A_884, %broadcast_in_dim3A_887, %slice3A_885 : vector<2x1x128xi1>, vector<2x1x128xf32>
    %or3A_889 = arith.ori %or3A_880, %and3A_884 : vector<2x1x128xi1>
    %slice3A_890 = vector.extract_strided_slice %eq3A_815 {offsets = [0, 8, 0], sizes = [2, 1, 128], strides = [1, 1, 1]} : vector<2x17x128xi1> to vector<2x1x128xi1>
    %not3A_891 = arith.constant dense<true> : vector<2x1x128xi1>
    %not3A_892 = arith.xori %or3A_889, %not3A_891 : vector<2x1x128xi1>
    %and3A_893 = arith.andi %slice3A_890, %not3A_892 : vector<2x1x128xi1>
    %slice3A_894 = vector.extract_strided_slice %concatenate3A_809 {offsets = [0, 8, 0], sizes = [2, 1, 128], strides = [1, 1, 1]} : vector<2x17x128xf32> to vector<2x1x128xf32>
    %jit3A_895 = arith.constant -1.000000e+00 : f32
    %broadcast_in_dim3A_896 = vector.broadcast %jit3A_895 : f32 to vector<2x1x128xf32>
    %select_n3A_897 = arith.select %and3A_893, %broadcast_in_dim3A_896, %slice3A_894 : vector<2x1x128xi1>, vector<2x1x128xf32>
    %or3A_898 = arith.ori %or3A_889, %and3A_893 : vector<2x1x128xi1>
    %slice3A_899 = vector.extract_strided_slice %eq3A_815 {offsets = [0, 9, 0], sizes = [2, 1, 128], strides = [1, 1, 1]} : vector<2x17x128xi1> to vector<2x1x128xi1>
    %not3A_900 = arith.constant dense<true> : vector<2x1x128xi1>
    %not3A_901 = arith.xori %or3A_898, %not3A_900 : vector<2x1x128xi1>
    %and3A_902 = arith.andi %slice3A_899, %not3A_901 : vector<2x1x128xi1>
    %slice3A_903 = vector.extract_strided_slice %concatenate3A_809 {offsets = [0, 9, 0], sizes = [2, 1, 128], strides = [1, 1, 1]} : vector<2x17x128xf32> to vector<2x1x128xf32>
    %jit3A_904 = arith.constant -1.000000e+00 : f32
    %broadcast_in_dim3A_905 = vector.broadcast %jit3A_904 : f32 to vector<2x1x128xf32>
    %select_n3A_906 = arith.select %and3A_902, %broadcast_in_dim3A_905, %slice3A_903 : vector<2x1x128xi1>, vector<2x1x128xf32>
    %or3A_907 = arith.ori %or3A_898, %and3A_902 : vector<2x1x128xi1>
    %slice3A_908 = vector.extract_strided_slice %eq3A_815 {offsets = [0, 10, 0], sizes = [2, 1, 128], strides = [1, 1, 1]} : vector<2x17x128xi1> to vector<2x1x128xi1>
    %not3A_909 = arith.constant dense<true> : vector<2x1x128xi1>
    %not3A_910 = arith.xori %or3A_907, %not3A_909 : vector<2x1x128xi1>
    %and3A_911 = arith.andi %slice3A_908, %not3A_910 : vector<2x1x128xi1>
    %slice3A_912 = vector.extract_strided_slice %concatenate3A_809 {offsets = [0, 10, 0], sizes = [2, 1, 128], strides = [1, 1, 1]} : vector<2x17x128xf32> to vector<2x1x128xf32>
    %jit3A_913 = arith.constant -1.000000e+00 : f32
    %broadcast_in_dim3A_914 = vector.broadcast %jit3A_913 : f32 to vector<2x1x128xf32>
    %select_n3A_915 = arith.select %and3A_911, %broadcast_in_dim3A_914, %slice3A_912 : vector<2x1x128xi1>, vector<2x1x128xf32>
    %or3A_916 = arith.ori %or3A_907, %and3A_911 : vector<2x1x128xi1>
    %slice3A_917 = vector.extract_strided_slice %eq3A_815 {offsets = [0, 11, 0], sizes = [2, 1, 128], strides = [1, 1, 1]} : vector<2x17x128xi1> to vector<2x1x128xi1>
    %not3A_918 = arith.constant dense<true> : vector<2x1x128xi1>
    %not3A_919 = arith.xori %or3A_916, %not3A_918 : vector<2x1x128xi1>
    %and3A_920 = arith.andi %slice3A_917, %not3A_919 : vector<2x1x128xi1>
    %slice3A_921 = vector.extract_strided_slice %concatenate3A_809 {offsets = [0, 11, 0], sizes = [2, 1, 128], strides = [1, 1, 1]} : vector<2x17x128xf32> to vector<2x1x128xf32>
    %jit3A_922 = arith.constant -1.000000e+00 : f32
    %broadcast_in_dim3A_923 = vector.broadcast %jit3A_922 : f32 to vector<2x1x128xf32>
    %select_n3A_924 = arith.select %and3A_920, %broadcast_in_dim3A_923, %slice3A_921 : vector<2x1x128xi1>, vector<2x1x128xf32>
    %or3A_925 = arith.ori %or3A_916, %and3A_920 : vector<2x1x128xi1>
    %slice3A_926 = vector.extract_strided_slice %eq3A_815 {offsets = [0, 12, 0], sizes = [2, 1, 128], strides = [1, 1, 1]} : vector<2x17x128xi1> to vector<2x1x128xi1>
    %not3A_927 = arith.constant dense<true> : vector<2x1x128xi1>
    %not3A_928 = arith.xori %or3A_925, %not3A_927 : vector<2x1x128xi1>
    %and3A_929 = arith.andi %slice3A_926, %not3A_928 : vector<2x1x128xi1>
    %slice3A_930 = vector.extract_strided_slice %concatenate3A_809 {offsets = [0, 12, 0], sizes = [2, 1, 128], strides = [1, 1, 1]} : vector<2x17x128xf32> to vector<2x1x128xf32>
    %jit3A_931 = arith.constant -1.000000e+00 : f32
    %broadcast_in_dim3A_932 = vector.broadcast %jit3A_931 : f32 to vector<2x1x128xf32>
    %select_n3A_933 = arith.select %and3A_929, %broadcast_in_dim3A_932, %slice3A_930 : vector<2x1x128xi1>, vector<2x1x128xf32>
    %or3A_934 = arith.ori %or3A_925, %and3A_929 : vector<2x1x128xi1>
    %slice3A_935 = vector.extract_strided_slice %eq3A_815 {offsets = [0, 13, 0], sizes = [2, 1, 128], strides = [1, 1, 1]} : vector<2x17x128xi1> to vector<2x1x128xi1>
    %not3A_936 = arith.constant dense<true> : vector<2x1x128xi1>
    %not3A_937 = arith.xori %or3A_934, %not3A_936 : vector<2x1x128xi1>
    %and3A_938 = arith.andi %slice3A_935, %not3A_937 : vector<2x1x128xi1>
    %slice3A_939 = vector.extract_strided_slice %concatenate3A_809 {offsets = [0, 13, 0], sizes = [2, 1, 128], strides = [1, 1, 1]} : vector<2x17x128xf32> to vector<2x1x128xf32>
    %jit3A_940 = arith.constant -1.000000e+00 : f32
    %broadcast_in_dim3A_941 = vector.broadcast %jit3A_940 : f32 to vector<2x1x128xf32>
    %select_n3A_942 = arith.select %and3A_938, %broadcast_in_dim3A_941, %slice3A_939 : vector<2x1x128xi1>, vector<2x1x128xf32>
    %or3A_943 = arith.ori %or3A_934, %and3A_938 : vector<2x1x128xi1>
    %slice3A_944 = vector.extract_strided_slice %eq3A_815 {offsets = [0, 14, 0], sizes = [2, 1, 128], strides = [1, 1, 1]} : vector<2x17x128xi1> to vector<2x1x128xi1>
    %not3A_945 = arith.constant dense<true> : vector<2x1x128xi1>
    %not3A_946 = arith.xori %or3A_943, %not3A_945 : vector<2x1x128xi1>
    %and3A_947 = arith.andi %slice3A_944, %not3A_946 : vector<2x1x128xi1>
    %slice3A_948 = vector.extract_strided_slice %concatenate3A_809 {offsets = [0, 14, 0], sizes = [2, 1, 128], strides = [1, 1, 1]} : vector<2x17x128xf32> to vector<2x1x128xf32>
    %jit3A_949 = arith.constant -1.000000e+00 : f32
    %broadcast_in_dim3A_950 = vector.broadcast %jit3A_949 : f32 to vector<2x1x128xf32>
    %select_n3A_951 = arith.select %and3A_947, %broadcast_in_dim3A_950, %slice3A_948 : vector<2x1x128xi1>, vector<2x1x128xf32>
    %or3A_952 = arith.ori %or3A_943, %and3A_947 : vector<2x1x128xi1>
    %slice3A_953 = vector.extract_strided_slice %eq3A_815 {offsets = [0, 15, 0], sizes = [2, 1, 128], strides = [1, 1, 1]} : vector<2x17x128xi1> to vector<2x1x128xi1>
    %not3A_954 = arith.constant dense<true> : vector<2x1x128xi1>
    %not3A_955 = arith.xori %or3A_952, %not3A_954 : vector<2x1x128xi1>
    %and3A_956 = arith.andi %slice3A_953, %not3A_955 : vector<2x1x128xi1>
    %slice3A_957 = vector.extract_strided_slice %concatenate3A_809 {offsets = [0, 15, 0], sizes = [2, 1, 128], strides = [1, 1, 1]} : vector<2x17x128xf32> to vector<2x1x128xf32>
    %jit3A_958 = arith.constant -1.000000e+00 : f32
    %broadcast_in_dim3A_959 = vector.broadcast %jit3A_958 : f32 to vector<2x1x128xf32>
    %select_n3A_960 = arith.select %and3A_956, %broadcast_in_dim3A_959, %slice3A_957 : vector<2x1x128xi1>, vector<2x1x128xf32>
    %or3A_961 = arith.ori %or3A_952, %and3A_956 : vector<2x1x128xi1>
    %slice3A_962 = vector.extract_strided_slice %eq3A_815 {offsets = [0, 16, 0], sizes = [2, 1, 128], strides = [1, 1, 1]} : vector<2x17x128xi1> to vector<2x1x128xi1>
    %not3A_963 = arith.constant dense<true> : vector<2x1x128xi1>
    %not3A_964 = arith.xori %or3A_961, %not3A_963 : vector<2x1x128xi1>
    %and3A_965 = arith.andi %slice3A_962, %not3A_964 : vector<2x1x128xi1>
    %slice3A_966 = vector.extract_strided_slice %concatenate3A_809 {offsets = [0, 16, 0], sizes = [2, 1, 128], strides = [1, 1, 1]} : vector<2x17x128xf32> to vector<2x1x128xf32>
    %jit3A_967 = arith.constant -1.000000e+00 : f32
    %broadcast_in_dim3A_968 = vector.broadcast %jit3A_967 : f32 to vector<2x1x128xf32>
    %select_n3A_969 = arith.select %and3A_965, %broadcast_in_dim3A_968, %slice3A_966 : vector<2x1x128xi1>, vector<2x1x128xf32>
    %concatenate3A_970 = tpu.concatenate %select_n3A_825, %select_n3A_834, %select_n3A_843, %select_n3A_852, %select_n3A_861, %select_n3A_870, %select_n3A_879, %select_n3A_888, %select_n3A_897, %select_n3A_906, %select_n3A_915, %select_n3A_924, %select_n3A_933, %select_n3A_942, %select_n3A_951, %select_n3A_960, %select_n3A_969 in 1 : vector<2x1x128xf32>, vector<2x1x128xf32>, vector<2x1x128xf32>, vector<2x1x128xf32>, vector<2x1x128xf32>, vector<2x1x128xf32>, vector<2x1x128xf32>, vector<2x1x128xf32>, vector<2x1x128xf32>, vector<2x1x128xf32>, vector<2x1x128xf32>, vector<2x1x128xf32>, vector<2x1x128xf32>, vector<2x1x128xf32>, vector<2x1x128xf32>, vector<2x1x128xf32>, vector<2x1x128xf32> -> vector<2x17x128xf32>
    %reduce_max3A_971 = arith.constant dense<0xFF800000> : vector<2x128xf32>
    %reduce_max3A_972 = vector.multi_reduction <maximumf>, %concatenate3A_970, %reduce_max3A_971 [1] : vector<2x17x128xf32> to vector<2x128xf32>
    %broadcast_in_dim3A_973 = vector.shape_cast %reduce_max3A_972 : vector<2x128xf32> to vector<2x1x128xf32>
    %add3A_974 = arith.addf %add3A_813, %broadcast_in_dim3A_973 : vector<2x1x128xf32>
    %eq3A_975 = vector.broadcast %broadcast_in_dim3A_973 : vector<2x1x128xf32> to vector<2x17x128xf32>
    %eq3A_976 = arith.cmpf oeq, %concatenate3A_970, %eq3A_975 : vector<2x17x128xf32>
    %broadcast_in_dim3A_977 = arith.constant false
    %broadcast_in_dim3A_978 = vector.broadcast %broadcast_in_dim3A_977 : i1 to vector<2x1x128xi1>
    %slice3A_979 = vector.extract_strided_slice %eq3A_976 {offsets = [0, 0, 0], sizes = [2, 1, 128], strides = [1, 1, 1]} : vector<2x17x128xi1> to vector<2x1x128xi1>
    %not3A_980 = arith.constant dense<true> : vector<2x1x128xi1>
    %not3A_981 = arith.xori %broadcast_in_dim3A_978, %not3A_980 : vector<2x1x128xi1>
    %and3A_982 = arith.andi %slice3A_979, %not3A_981 : vector<2x1x128xi1>
    %slice3A_983 = vector.extract_strided_slice %concatenate3A_970 {offsets = [0, 0, 0], sizes = [2, 1, 128], strides = [1, 1, 1]} : vector<2x17x128xf32> to vector<2x1x128xf32>
    %jit3A_984 = arith.constant -1.000000e+00 : f32
    %broadcast_in_dim3A_985 = vector.broadcast %jit3A_984 : f32 to vector<2x1x128xf32>
    %select_n3A_986 = arith.select %and3A_982, %broadcast_in_dim3A_985, %slice3A_983 : vector<2x1x128xi1>, vector<2x1x128xf32>
    %or3A_987 = arith.ori %broadcast_in_dim3A_978, %and3A_982 : vector<2x1x128xi1>
    %slice3A_988 = vector.extract_strided_slice %eq3A_976 {offsets = [0, 1, 0], sizes = [2, 1, 128], strides = [1, 1, 1]} : vector<2x17x128xi1> to vector<2x1x128xi1>
    %not3A_989 = arith.constant dense<true> : vector<2x1x128xi1>
    %not3A_990 = arith.xori %or3A_987, %not3A_989 : vector<2x1x128xi1>
    %and3A_991 = arith.andi %slice3A_988, %not3A_990 : vector<2x1x128xi1>
    %slice3A_992 = vector.extract_strided_slice %concatenate3A_970 {offsets = [0, 1, 0], sizes = [2, 1, 128], strides = [1, 1, 1]} : vector<2x17x128xf32> to vector<2x1x128xf32>
    %jit3A_993 = arith.constant -1.000000e+00 : f32
    %broadcast_in_dim3A_994 = vector.broadcast %jit3A_993 : f32 to vector<2x1x128xf32>
    %select_n3A_995 = arith.select %and3A_991, %broadcast_in_dim3A_994, %slice3A_992 : vector<2x1x128xi1>, vector<2x1x128xf32>
    %or3A_996 = arith.ori %or3A_987, %and3A_991 : vector<2x1x128xi1>
    %slice3A_997 = vector.extract_strided_slice %eq3A_976 {offsets = [0, 2, 0], sizes = [2, 1, 128], strides = [1, 1, 1]} : vector<2x17x128xi1> to vector<2x1x128xi1>
    %not3A_998 = arith.constant dense<true> : vector<2x1x128xi1>
    %not3A_999 = arith.xori %or3A_996, %not3A_998 : vector<2x1x128xi1>
    %and3A_1000 = arith.andi %slice3A_997, %not3A_999 : vector<2x1x128xi1>
    %slice3A_1001 = vector.extract_strided_slice %concatenate3A_970 {offsets = [0, 2, 0], sizes = [2, 1, 128], strides = [1, 1, 1]} : vector<2x17x128xf32> to vector<2x1x128xf32>
    %jit3A_1002 = arith.constant -1.000000e+00 : f32
    %broadcast_in_dim3A_1003 = vector.broadcast %jit3A_1002 : f32 to vector<2x1x128xf32>
    %select_n3A_1004 = arith.select %and3A_1000, %broadcast_in_dim3A_1003, %slice3A_1001 : vector<2x1x128xi1>, vector<2x1x128xf32>
    %or3A_1005 = arith.ori %or3A_996, %and3A_1000 : vector<2x1x128xi1>
    %slice3A_1006 = vector.extract_strided_slice %eq3A_976 {offsets = [0, 3, 0], sizes = [2, 1, 128], strides = [1, 1, 1]} : vector<2x17x128xi1> to vector<2x1x128xi1>
    %not3A_1007 = arith.constant dense<true> : vector<2x1x128xi1>
    %not3A_1008 = arith.xori %or3A_1005, %not3A_1007 : vector<2x1x128xi1>
    %and3A_1009 = arith.andi %slice3A_1006, %not3A_1008 : vector<2x1x128xi1>
    %slice3A_1010 = vector.extract_strided_slice %concatenate3A_970 {offsets = [0, 3, 0], sizes = [2, 1, 128], strides = [1, 1, 1]} : vector<2x17x128xf32> to vector<2x1x128xf32>
    %jit3A_1011 = arith.constant -1.000000e+00 : f32
    %broadcast_in_dim3A_1012 = vector.broadcast %jit3A_1011 : f32 to vector<2x1x128xf32>
    %select_n3A_1013 = arith.select %and3A_1009, %broadcast_in_dim3A_1012, %slice3A_1010 : vector<2x1x128xi1>, vector<2x1x128xf32>
    %or3A_1014 = arith.ori %or3A_1005, %and3A_1009 : vector<2x1x128xi1>
    %slice3A_1015 = vector.extract_strided_slice %eq3A_976 {offsets = [0, 4, 0], sizes = [2, 1, 128], strides = [1, 1, 1]} : vector<2x17x128xi1> to vector<2x1x128xi1>
    %not3A_1016 = arith.constant dense<true> : vector<2x1x128xi1>
    %not3A_1017 = arith.xori %or3A_1014, %not3A_1016 : vector<2x1x128xi1>
    %and3A_1018 = arith.andi %slice3A_1015, %not3A_1017 : vector<2x1x128xi1>
    %slice3A_1019 = vector.extract_strided_slice %concatenate3A_970 {offsets = [0, 4, 0], sizes = [2, 1, 128], strides = [1, 1, 1]} : vector<2x17x128xf32> to vector<2x1x128xf32>
    %jit3A_1020 = arith.constant -1.000000e+00 : f32
    %broadcast_in_dim3A_1021 = vector.broadcast %jit3A_1020 : f32 to vector<2x1x128xf32>
    %select_n3A_1022 = arith.select %and3A_1018, %broadcast_in_dim3A_1021, %slice3A_1019 : vector<2x1x128xi1>, vector<2x1x128xf32>
    %or3A_1023 = arith.ori %or3A_1014, %and3A_1018 : vector<2x1x128xi1>
    %slice3A_1024 = vector.extract_strided_slice %eq3A_976 {offsets = [0, 5, 0], sizes = [2, 1, 128], strides = [1, 1, 1]} : vector<2x17x128xi1> to vector<2x1x128xi1>
    %not3A_1025 = arith.constant dense<true> : vector<2x1x128xi1>
    %not3A_1026 = arith.xori %or3A_1023, %not3A_1025 : vector<2x1x128xi1>
    %and3A_1027 = arith.andi %slice3A_1024, %not3A_1026 : vector<2x1x128xi1>
    %slice3A_1028 = vector.extract_strided_slice %concatenate3A_970 {offsets = [0, 5, 0], sizes = [2, 1, 128], strides = [1, 1, 1]} : vector<2x17x128xf32> to vector<2x1x128xf32>
    %jit3A_1029 = arith.constant -1.000000e+00 : f32
    %broadcast_in_dim3A_1030 = vector.broadcast %jit3A_1029 : f32 to vector<2x1x128xf32>
    %select_n3A_1031 = arith.select %and3A_1027, %broadcast_in_dim3A_1030, %slice3A_1028 : vector<2x1x128xi1>, vector<2x1x128xf32>
    %or3A_1032 = arith.ori %or3A_1023, %and3A_1027 : vector<2x1x128xi1>
    %slice3A_1033 = vector.extract_strided_slice %eq3A_976 {offsets = [0, 6, 0], sizes = [2, 1, 128], strides = [1, 1, 1]} : vector<2x17x128xi1> to vector<2x1x128xi1>
    %not3A_1034 = arith.constant dense<true> : vector<2x1x128xi1>
    %not3A_1035 = arith.xori %or3A_1032, %not3A_1034 : vector<2x1x128xi1>
    %and3A_1036 = arith.andi %slice3A_1033, %not3A_1035 : vector<2x1x128xi1>
    %slice3A_1037 = vector.extract_strided_slice %concatenate3A_970 {offsets = [0, 6, 0], sizes = [2, 1, 128], strides = [1, 1, 1]} : vector<2x17x128xf32> to vector<2x1x128xf32>
    %jit3A_1038 = arith.constant -1.000000e+00 : f32
    %broadcast_in_dim3A_1039 = vector.broadcast %jit3A_1038 : f32 to vector<2x1x128xf32>
    %select_n3A_1040 = arith.select %and3A_1036, %broadcast_in_dim3A_1039, %slice3A_1037 : vector<2x1x128xi1>, vector<2x1x128xf32>
    %or3A_1041 = arith.ori %or3A_1032, %and3A_1036 : vector<2x1x128xi1>
    %slice3A_1042 = vector.extract_strided_slice %eq3A_976 {offsets = [0, 7, 0], sizes = [2, 1, 128], strides = [1, 1, 1]} : vector<2x17x128xi1> to vector<2x1x128xi1>
    %not3A_1043 = arith.constant dense<true> : vector<2x1x128xi1>
    %not3A_1044 = arith.xori %or3A_1041, %not3A_1043 : vector<2x1x128xi1>
    %and3A_1045 = arith.andi %slice3A_1042, %not3A_1044 : vector<2x1x128xi1>
    %slice3A_1046 = vector.extract_strided_slice %concatenate3A_970 {offsets = [0, 7, 0], sizes = [2, 1, 128], strides = [1, 1, 1]} : vector<2x17x128xf32> to vector<2x1x128xf32>
    %jit3A_1047 = arith.constant -1.000000e+00 : f32
    %broadcast_in_dim3A_1048 = vector.broadcast %jit3A_1047 : f32 to vector<2x1x128xf32>
    %select_n3A_1049 = arith.select %and3A_1045, %broadcast_in_dim3A_1048, %slice3A_1046 : vector<2x1x128xi1>, vector<2x1x128xf32>
    %or3A_1050 = arith.ori %or3A_1041, %and3A_1045 : vector<2x1x128xi1>
    %slice3A_1051 = vector.extract_strided_slice %eq3A_976 {offsets = [0, 8, 0], sizes = [2, 1, 128], strides = [1, 1, 1]} : vector<2x17x128xi1> to vector<2x1x128xi1>
    %not3A_1052 = arith.constant dense<true> : vector<2x1x128xi1>
    %not3A_1053 = arith.xori %or3A_1050, %not3A_1052 : vector<2x1x128xi1>
    %and3A_1054 = arith.andi %slice3A_1051, %not3A_1053 : vector<2x1x128xi1>
    %slice3A_1055 = vector.extract_strided_slice %concatenate3A_970 {offsets = [0, 8, 0], sizes = [2, 1, 128], strides = [1, 1, 1]} : vector<2x17x128xf32> to vector<2x1x128xf32>
    %jit3A_1056 = arith.constant -1.000000e+00 : f32
    %broadcast_in_dim3A_1057 = vector.broadcast %jit3A_1056 : f32 to vector<2x1x128xf32>
    %select_n3A_1058 = arith.select %and3A_1054, %broadcast_in_dim3A_1057, %slice3A_1055 : vector<2x1x128xi1>, vector<2x1x128xf32>
    %or3A_1059 = arith.ori %or3A_1050, %and3A_1054 : vector<2x1x128xi1>
    %slice3A_1060 = vector.extract_strided_slice %eq3A_976 {offsets = [0, 9, 0], sizes = [2, 1, 128], strides = [1, 1, 1]} : vector<2x17x128xi1> to vector<2x1x128xi1>
    %not3A_1061 = arith.constant dense<true> : vector<2x1x128xi1>
    %not3A_1062 = arith.xori %or3A_1059, %not3A_1061 : vector<2x1x128xi1>
    %and3A_1063 = arith.andi %slice3A_1060, %not3A_1062 : vector<2x1x128xi1>
    %slice3A_1064 = vector.extract_strided_slice %concatenate3A_970 {offsets = [0, 9, 0], sizes = [2, 1, 128], strides = [1, 1, 1]} : vector<2x17x128xf32> to vector<2x1x128xf32>
    %jit3A_1065 = arith.constant -1.000000e+00 : f32
    %broadcast_in_dim3A_1066 = vector.broadcast %jit3A_1065 : f32 to vector<2x1x128xf32>
    %select_n3A_1067 = arith.select %and3A_1063, %broadcast_in_dim3A_1066, %slice3A_1064 : vector<2x1x128xi1>, vector<2x1x128xf32>
    %or3A_1068 = arith.ori %or3A_1059, %and3A_1063 : vector<2x1x128xi1>
    %slice3A_1069 = vector.extract_strided_slice %eq3A_976 {offsets = [0, 10, 0], sizes = [2, 1, 128], strides = [1, 1, 1]} : vector<2x17x128xi1> to vector<2x1x128xi1>
    %not3A_1070 = arith.constant dense<true> : vector<2x1x128xi1>
    %not3A_1071 = arith.xori %or3A_1068, %not3A_1070 : vector<2x1x128xi1>
    %and3A_1072 = arith.andi %slice3A_1069, %not3A_1071 : vector<2x1x128xi1>
    %slice3A_1073 = vector.extract_strided_slice %concatenate3A_970 {offsets = [0, 10, 0], sizes = [2, 1, 128], strides = [1, 1, 1]} : vector<2x17x128xf32> to vector<2x1x128xf32>
    %jit3A_1074 = arith.constant -1.000000e+00 : f32
    %broadcast_in_dim3A_1075 = vector.broadcast %jit3A_1074 : f32 to vector<2x1x128xf32>
    %select_n3A_1076 = arith.select %and3A_1072, %broadcast_in_dim3A_1075, %slice3A_1073 : vector<2x1x128xi1>, vector<2x1x128xf32>
    %or3A_1077 = arith.ori %or3A_1068, %and3A_1072 : vector<2x1x128xi1>
    %slice3A_1078 = vector.extract_strided_slice %eq3A_976 {offsets = [0, 11, 0], sizes = [2, 1, 128], strides = [1, 1, 1]} : vector<2x17x128xi1> to vector<2x1x128xi1>
    %not3A_1079 = arith.constant dense<true> : vector<2x1x128xi1>
    %not3A_1080 = arith.xori %or3A_1077, %not3A_1079 : vector<2x1x128xi1>
    %and3A_1081 = arith.andi %slice3A_1078, %not3A_1080 : vector<2x1x128xi1>
    %slice3A_1082 = vector.extract_strided_slice %concatenate3A_970 {offsets = [0, 11, 0], sizes = [2, 1, 128], strides = [1, 1, 1]} : vector<2x17x128xf32> to vector<2x1x128xf32>
    %jit3A_1083 = arith.constant -1.000000e+00 : f32
    %broadcast_in_dim3A_1084 = vector.broadcast %jit3A_1083 : f32 to vector<2x1x128xf32>
    %select_n3A_1085 = arith.select %and3A_1081, %broadcast_in_dim3A_1084, %slice3A_1082 : vector<2x1x128xi1>, vector<2x1x128xf32>
    %or3A_1086 = arith.ori %or3A_1077, %and3A_1081 : vector<2x1x128xi1>
    %slice3A_1087 = vector.extract_strided_slice %eq3A_976 {offsets = [0, 12, 0], sizes = [2, 1, 128], strides = [1, 1, 1]} : vector<2x17x128xi1> to vector<2x1x128xi1>
    %not3A_1088 = arith.constant dense<true> : vector<2x1x128xi1>
    %not3A_1089 = arith.xori %or3A_1086, %not3A_1088 : vector<2x1x128xi1>
    %and3A_1090 = arith.andi %slice3A_1087, %not3A_1089 : vector<2x1x128xi1>
    %slice3A_1091 = vector.extract_strided_slice %concatenate3A_970 {offsets = [0, 12, 0], sizes = [2, 1, 128], strides = [1, 1, 1]} : vector<2x17x128xf32> to vector<2x1x128xf32>
    %jit3A_1092 = arith.constant -1.000000e+00 : f32
    %broadcast_in_dim3A_1093 = vector.broadcast %jit3A_1092 : f32 to vector<2x1x128xf32>
    %select_n3A_1094 = arith.select %and3A_1090, %broadcast_in_dim3A_1093, %slice3A_1091 : vector<2x1x128xi1>, vector<2x1x128xf32>
    %or3A_1095 = arith.ori %or3A_1086, %and3A_1090 : vector<2x1x128xi1>
    %slice3A_1096 = vector.extract_strided_slice %eq3A_976 {offsets = [0, 13, 0], sizes = [2, 1, 128], strides = [1, 1, 1]} : vector<2x17x128xi1> to vector<2x1x128xi1>
    %not3A_1097 = arith.constant dense<true> : vector<2x1x128xi1>
    %not3A_1098 = arith.xori %or3A_1095, %not3A_1097 : vector<2x1x128xi1>
    %and3A_1099 = arith.andi %slice3A_1096, %not3A_1098 : vector<2x1x128xi1>
    %slice3A_1100 = vector.extract_strided_slice %concatenate3A_970 {offsets = [0, 13, 0], sizes = [2, 1, 128], strides = [1, 1, 1]} : vector<2x17x128xf32> to vector<2x1x128xf32>
    %jit3A_1101 = arith.constant -1.000000e+00 : f32
    %broadcast_in_dim3A_1102 = vector.broadcast %jit3A_1101 : f32 to vector<2x1x128xf32>
    %select_n3A_1103 = arith.select %and3A_1099, %broadcast_in_dim3A_1102, %slice3A_1100 : vector<2x1x128xi1>, vector<2x1x128xf32>
    %or3A_1104 = arith.ori %or3A_1095, %and3A_1099 : vector<2x1x128xi1>
    %slice3A_1105 = vector.extract_strided_slice %eq3A_976 {offsets = [0, 14, 0], sizes = [2, 1, 128], strides = [1, 1, 1]} : vector<2x17x128xi1> to vector<2x1x128xi1>
    %not3A_1106 = arith.constant dense<true> : vector<2x1x128xi1>
    %not3A_1107 = arith.xori %or3A_1104, %not3A_1106 : vector<2x1x128xi1>
    %and3A_1108 = arith.andi %slice3A_1105, %not3A_1107 : vector<2x1x128xi1>
    %slice3A_1109 = vector.extract_strided_slice %concatenate3A_970 {offsets = [0, 14, 0], sizes = [2, 1, 128], strides = [1, 1, 1]} : vector<2x17x128xf32> to vector<2x1x128xf32>
    %jit3A_1110 = arith.constant -1.000000e+00 : f32
    %broadcast_in_dim3A_1111 = vector.broadcast %jit3A_1110 : f32 to vector<2x1x128xf32>
    %select_n3A_1112 = arith.select %and3A_1108, %broadcast_in_dim3A_1111, %slice3A_1109 : vector<2x1x128xi1>, vector<2x1x128xf32>
    %or3A_1113 = arith.ori %or3A_1104, %and3A_1108 : vector<2x1x128xi1>
    %slice3A_1114 = vector.extract_strided_slice %eq3A_976 {offsets = [0, 15, 0], sizes = [2, 1, 128], strides = [1, 1, 1]} : vector<2x17x128xi1> to vector<2x1x128xi1>
    %not3A_1115 = arith.constant dense<true> : vector<2x1x128xi1>
    %not3A_1116 = arith.xori %or3A_1113, %not3A_1115 : vector<2x1x128xi1>
    %and3A_1117 = arith.andi %slice3A_1114, %not3A_1116 : vector<2x1x128xi1>
    %slice3A_1118 = vector.extract_strided_slice %concatenate3A_970 {offsets = [0, 15, 0], sizes = [2, 1, 128], strides = [1, 1, 1]} : vector<2x17x128xf32> to vector<2x1x128xf32>
    %jit3A_1119 = arith.constant -1.000000e+00 : f32
    %broadcast_in_dim3A_1120 = vector.broadcast %jit3A_1119 : f32 to vector<2x1x128xf32>
    %select_n3A_1121 = arith.select %and3A_1117, %broadcast_in_dim3A_1120, %slice3A_1118 : vector<2x1x128xi1>, vector<2x1x128xf32>
    %or3A_1122 = arith.ori %or3A_1113, %and3A_1117 : vector<2x1x128xi1>
    %slice3A_1123 = vector.extract_strided_slice %eq3A_976 {offsets = [0, 16, 0], sizes = [2, 1, 128], strides = [1, 1, 1]} : vector<2x17x128xi1> to vector<2x1x128xi1>
    %not3A_1124 = arith.constant dense<true> : vector<2x1x128xi1>
    %not3A_1125 = arith.xori %or3A_1122, %not3A_1124 : vector<2x1x128xi1>
    %and3A_1126 = arith.andi %slice3A_1123, %not3A_1125 : vector<2x1x128xi1>
    %slice3A_1127 = vector.extract_strided_slice %concatenate3A_970 {offsets = [0, 16, 0], sizes = [2, 1, 128], strides = [1, 1, 1]} : vector<2x17x128xf32> to vector<2x1x128xf32>
    %jit3A_1128 = arith.constant -1.000000e+00 : f32
    %broadcast_in_dim3A_1129 = vector.broadcast %jit3A_1128 : f32 to vector<2x1x128xf32>
    %select_n3A_1130 = arith.select %and3A_1126, %broadcast_in_dim3A_1129, %slice3A_1127 : vector<2x1x128xi1>, vector<2x1x128xf32>
    %concatenate3A_1131 = tpu.concatenate %select_n3A_986, %select_n3A_995, %select_n3A_1004, %select_n3A_1013, %select_n3A_1022, %select_n3A_1031, %select_n3A_1040, %select_n3A_1049, %select_n3A_1058, %select_n3A_1067, %select_n3A_1076, %select_n3A_1085, %select_n3A_1094, %select_n3A_1103, %select_n3A_1112, %select_n3A_1121, %select_n3A_1130 in 1 : vector<2x1x128xf32>, vector<2x1x128xf32>, vector<2x1x128xf32>, vector<2x1x128xf32>, vector<2x1x128xf32>, vector<2x1x128xf32>, vector<2x1x128xf32>, vector<2x1x128xf32>, vector<2x1x128xf32>, vector<2x1x128xf32>, vector<2x1x128xf32>, vector<2x1x128xf32>, vector<2x1x128xf32>, vector<2x1x128xf32>, vector<2x1x128xf32>, vector<2x1x128xf32>, vector<2x1x128xf32> -> vector<2x17x128xf32>
    %reduce_max3A_1132 = arith.constant dense<0xFF800000> : vector<2x128xf32>
    %reduce_max3A_1133 = vector.multi_reduction <maximumf>, %concatenate3A_1131, %reduce_max3A_1132 [1] : vector<2x17x128xf32> to vector<2x128xf32>
    %broadcast_in_dim3A_1134 = vector.shape_cast %reduce_max3A_1133 : vector<2x128xf32> to vector<2x1x128xf32>
    %add3A_1135 = arith.addf %add3A_974, %broadcast_in_dim3A_1134 : vector<2x1x128xf32>
    %reduce_sum3A_1136 = vector.shape_cast %add3A_1135 : vector<2x1x128xf32> to vector<1x2x1x128xf32>
    %reduce_sum3A_1137 = arith.constant dense<0.000000e+00> : vector<1xf32>
    %reduce_sum3A_1138 = vector.multi_reduction <add>, %reduce_sum3A_1136, %reduce_sum3A_1137 [1, 2, 3] : vector<1x2x1x128xf32> to vector<1xf32>
    %reduce_sum3A_1139 = vector.shape_cast %reduce_sum3A_1138 : vector<1xf32> to vector<1x1x1x1xf32>
    %reduce_sum3A_1140 = vector.extract %reduce_sum3A_1139[0, 0, 0, 0] : f32 from vector<1x1x1x1xf32>
    %mul3A_1141 = arith.constant 4.8828125E-4 : f32
    %mul3A_1142 = arith.mulf %reduce_sum3A_1140, %mul3A_1141 : f32
    %broadcast_in_dim3A_1143 = vector.broadcast %mul3A_1142 : f32 to vector<1x128xf32>
    %swap3A = arith.constant 0 : index
    %swap3A_1144 = arith.constant 0 : index
    %swap3A_1145 = vector.load %arg3[%swap3A, %swap3A_1144] : memref<1x128xf32, #tpu.memory_space<vmem>>, vector<1x128xf32>
    tpu.vector_store %arg3[%swap3A, %swap3A_1144], %broadcast_in_dim3A_1143 {strides = array<i32>} : memref<1x128xf32, #tpu.memory_space<vmem>>, vector<1x128xf32>,
    return
  }
}

</mosaic_0001>

<sc_bundles>
// kernel: kernel.5.cloned.1.call-start
scs
__scs_entry_jumppad:
0x0: {  	(pc) =	sbr.rel $0x88, $3  }
0x1: {  	(tag) =	ssettag $0x0;
	lr =	simm.s32 $0x1  }
0x2: {  	[smem:$0x3F9E] =	sst lr;
	_ =	strace $0xD0000000  }
0x3: {  	_ = 	snop  }
0x4: {  	_ = 	snop  }
0x5: {  	_ = 	snop  }
0x6: {  	_ = 	snop  }
0x7: {  	_ = 	snop  }
__scs_overlays_trampoline_lowered:
0x8: {  	[smem:$0x3FAD] =	sst s0  }
0x9: {  	[smem:$0x3FAE] =	sst s1  }
0xa: {  	[smem:$0x3FAF] =	sst s2  }
0xb: {  	[smem:$0x3FB0] =	sst s3  }
0xc: {  	[smem:$0x3FB1] =	sst s4  }
0xd: {  	[smem:$0x3FB2] =	sst s5  }
0xe: {  	[smem:$0x3FB3] =	sst s6  }
0xf: {  	[smem:$0x3FB4] =	sst s7  }
0x10: {  	[smem:$0x3FB5] =	sst s8  }
0x11: {  	[smem:$0x3FB6] =	sst s9;
	s0 =	simm.s32 @!p0 $0x0  }
0x12: {  	s1 =	sld [smem:$0x3F9C];
	s0 =	simm.s32 @p0 $0x1  }
0x13: {  	[smem:$0x3FB7] =	sst s0;
	s0 =	simm.s32 @!p1 $0x0  }
0x14: {  	s2 =	sld [smem:$0x3F9B];
	s0 =	simm.s32 @p1 $0x1  }
0x15: {  	[smem:$0x3FB8] =	sst s0;
	s0 =	simm.s32 @!p2 $0x0  }
0x16: {  	s3 =	sld [smem:$0x3FDB];
	s0 =	simm.s32 @p2 $0x1  }
0x17: {  	s4 =	simm.s32 $0x1BF5;
	[smem:$0x3FBA] =	sst s0  }
0x18: {  	s0 =	sld [smem:$0x3F9D];
	_ =	swait.ge [sflag:s4], $0x0  }
0x19: {  	s7 =	sld [smem:$0x3F9E]  }
0x1a: {  	s8 =	sadd.s32 $0xFFFFE003, lr  }
0x1b: {  	s9 =	sadd.s32 $0xFFFFFEF7, lr;
	s5 =	simm.s32 $0xFFFFFFFF;
	p2 =	slt.u32 s8, $0xFFFFF086  }
0x1c: {  	p1 =	slt.u32 s9, $0xF7A;
	s5 =	simm.s32 @!p2 $0x0  }
0x1d: {  	s5 =	simm.s32 @p1 $0x1;
	p0 =	seq.s32 s7, s2  }
0x1e: {  	s7 =	smul.u32 @!p0 $0xF7A, s2;
	p2 =	seq.s32 @!p0 s5, $0x0  }
0x1f: {  	s9 =	smul.u32 $0xF7A, s1;
	s8 =	simm.s32 @!p0 $0x1BF5;
	p2 =	por !p2, p0  }
0x20: {  	[sflag:s8] =	ssyncset.s32 @!p0 $0xFFFFF086;
	s6 =	sadd.s32 @!p0 s3, s7;
	s7 =	simm.s32 @!p0 $0x108  }
0x21: {  	s3 =	sadd.s32 s3, s9;
	s6 =	sadd.s32 @!p0 $0x88, s6;
	s7 =	simm.s32 @p2 $0x1082  }
0x22: {  	[simem:s7], [sflag:s8] =	dma.local @!p0 [hbm:s6], $0xF7A  }
0x23: {  	s9 =	sor.u32 $0xD0000000, s2;
	s6 =	simm.s32 $0x108;
	_ =	swait.ge @!p0 [sflag:s8], $0x0  }
0x24: {  	s3 =	sadd.s32 $0x88, s3;
	s6 =	simm.s32 @!p1 $0x1082;
	[sflag:s4] =	ssyncset.s32 $0xFFFFF086  }
0x25: {  	[simem:s6], [sflag:s4] =	dma.local [hbm:s3], $0xF7A  }
0x26: {  	[smem:$0x3F9E] =	sst s1;
	(tag) =	ssettag s2;
	_ =	strace s9  }
0x27: {  	s1 =	sld [smem:$0x3FAE]  }
0x28: {  	s2 =	sld [smem:$0x3FAF]  }
0x29: {  	s4 =	sld [smem:$0x3FB1]  }
0x2a: {  	p0 =	seq.s32 s5, $0x0;
	s5 =	sld [smem:$0x3FB2]  }
0x2b: {  	s6 =	sld [smem:$0x3FB3]  }
0x2c: {  	s7 =	sld [smem:$0x3FB4]  }
0x2d: {  	s3 =	simm.s32 $0x108;
	s8 =	sld [smem:$0x3FB5]  }
0x2e: {  	s3 =	simm.s32 @!p0 $0x1082;
	s9 =	sld [smem:$0x3FB6]  }
0x2f: {  	lr =	sadd.s32 s0, s3;
	s0 =	sld [smem:$0x3FAD]  }
0x30: {  	s3 =	sld [smem:$0x3FB0]  }
0x31: {  	[smem:$0x3FB9] =	sst s10  }
0x32: {  	s10 =	sld [smem:$0x3FB7];
	_ =	sdelay $0x3  }
0x33: {  	p0 =	seq.s32 s10, $0x1;
	s10 =	sld [smem:$0x3FB9];
	_ =	sdelay $0x3  }
0x34: {  	[smem:$0x3FB9] =	sst s10  }
0x35: {  	s10 =	sld [smem:$0x3FB8];
	_ =	sdelay $0x3  }
0x36: {  	p1 =	seq.s32 s10, $0x1;
	s10 =	sld [smem:$0x3FB9];
	_ =	sdelay $0x3  }
0x37: {  	[smem:$0x3FB9] =	sst s10  }
0x38: {  	s10 =	sld [smem:$0x3FBA]  }
0x39: {  	_ = 	snop;
	(pc) =	sbr.ind lr, $3  }
0x3a: {  	_ = 	snop  }
0x3b: {  	_ = 	snop  }
0x3c: {  	p2 =	seq.s32 s10, $0x1;
	s10 =	sld [smem:$0x3FB9]  }
0x3d: {  	_ =	shalt  }
0x3e: {  	_ =	shalt  }
0x3f: {  	_ =	shalt  }
0x40: {  	_ =	shalt  }
0x41: {  	_ =	shalt  }
0x42: {  	_ =	shalt  }
0x43: {  	_ =	shalt  }
0x44: {  	_ =	shalt  }
0x45: {  	_ =	shalt  }
0x46: {  	_ =	shalt  }
0x47: {  	_ =	shalt  }
0x48: {  	_ =	shalt  }
0x49: {  	_ =	shalt  }
0x4a: {  	_ =	shalt  }
0x4b: {  	_ =	shalt  }
0x4c: {  	_ =	shalt  }
0x4d: {  	_ =	shalt  }
0x4e: {  	_ =	shalt  }
0x4f: {  	_ =	shalt  }
0x50: {  	_ =	shalt  }
0x51: {  	_ =	shalt  }
0x52: {  	_ =	shalt  }
0x53: {  	_ =	shalt  }
0x54: {  	_ =	shalt  }
0x55: {  	_ =	shalt  }
0x56: {  	_ =	shalt  }
0x57: {  	_ =	shalt  }
0x58: {  	_ =	shalt  }
0x59: {  	_ =	shalt  }
0x5a: {  	_ =	shalt  }
0x5b: {  	_ =	shalt  }
0x5c: {  	_ =	shalt  }
0x5d: {  	_ =	shalt  }
0x5e: {  	_ =	shalt  }
0x5f: {  	_ =	shalt  }
0x60: {  	_ =	shalt  }
0x61: {  	_ =	shalt  }
0x62: {  	_ =	shalt  }
0x63: {  	_ =	shalt  }
0x64: {  	_ =	shalt  }
0x65: {  	_ =	shalt  }
0x66: {  	_ =	shalt  }
0x67: {  	_ =	shalt  }
0x68: {  	_ =	shalt  }
0x69: {  	_ =	shalt  }
0x6a: {  	_ =	shalt  }
0x6b: {  	_ =	shalt  }
0x6c: {  	_ =	shalt  }
0x6d: {  	_ =	shalt  }
0x6e: {  	_ =	shalt  }
0x6f: {  	_ =	shalt  }
0x70: {  	_ =	shalt  }
0x71: {  	_ =	shalt  }
0x72: {  	_ =	shalt  }
0x73: {  	_ =	shalt  }
0x74: {  	_ =	shalt  }
0x75: {  	_ =	shalt  }
0x76: {  	_ =	shalt  }
0x77: {  	_ =	shalt  }
0x78: {  	_ =	shalt  }
0x79: {  	_ =	shalt  }
0x7a: {  	_ =	shalt  }
0x7b: {  	_ =	shalt  }
0x7c: {  	_ =	shalt  }
0x7d: {  	_ =	shalt  }
0x7e: {  	_ =	shalt  }
0x7f: {  	_ =	shalt  }
0x80: {  	_ =	shalt  }
0x81: {  	_ =	shalt  }
0x82: {  	_ =	shalt  }
0x83: {  	_ =	shalt  }
0x84: {  	_ =	shalt  }
0x85: {  	_ =	shalt  }
0x86: {  	_ =	shalt  }
0x87: {  	_ =	shalt  }
.Lfunc_end0:
.L_simem_size_0:
called_computation_lowered:
.L_overlay_start_0:
0x88: {  	s2 =	sld [smem:$0x3FD9]  }
0x89: {  	s3 =	sld [smem:$0x3FFE];
	_ =	sdelay $0x1  }
0x8a: {  	s1 =	srdreg.scid  }
0x8b: {  	s0 =	sand.u32 $0x1, s1  }
0x8c: {  	s17 =	sshll.u32 s0, $0xA;
	s2 =	sadd.s32 s3, s2  }
0x8d: {  	s2 =	sadd.s32 s2, s17  }
0x8e: {  	[smem:$0x3FC5] =	sst s2  }
0x8f: {  	_ = 	snop  }
0x90: {  	s2 =	sld [smem:$0x3FC9]  }
0x91: {  	s18 =	sld [smem:$0x3FC8];
	(tm) =	ssettm $0x1  }
0x92: {  	s4 =	sld [smem:$0x3FFB];
	_ =	sdelay $0x3  }
0x93: {  	_ =	strace s4  }
0x94: {  	s4 =	sld [smem:$0x3FFC];
	_ =	sdelay $0x3  }
0x95: {  	_ =	strace s4  }
0x96: {  	s4 =	sld [smem:$0x3FFD];
	_ =	sdelay $0x3  }
0x97: {  	_ =	strace s4  }
0x98: {  	_ =	strace $0x8FFFFFFF  }
0x99: {  	s19 =	sld [smem:$0x3FDB];
	_ =	sdelay $0x1  }
0x9a: {  	s5 =	simm.s32 $_scs_section_size  }
0x9b: {  	s6 =	simm.s32 $_size__tile_overlayer_lowered;
	s7 =	simm.s32 $_tile_overlayer_lowered  }
0x9c: {  	s22 =	simm.s32 $0x1BFF;
	s21 =	sshll.u32 s7, $0x1;
	s4 =	sadd.s32 s5, s19  }
0x9d: {  	s8 =	simm.s32 $0x0;
	s20 =	sshll.u32 s6, $0x1;
	s6 =	sadd.s32 s21, s4  }
0x9e: {  	[timem:s8], [sflag:s22] =	dma.local [hbm:s6], s20  }
0x9f: {  	_ =	swait.ge [sflag:s22], s20  }
0xa0: {  	s5 =	ssub.s32 $0x0, s20;
	[sflag:s22] =	ssyncset.done $0x0  }
0xa1: {  	[sflag:s22] =	ssyncadd.s32 s5;
	_ =	sdelay $0x1  }
0xa2: {  	s23 =	simm.s32 $0x1B8B  }
0xa3: {  	_ =	swait.ge [sflag:s23], $0x1  }
0xa4: {  	[sflag:s23] =	ssyncset.done $0x0  }
0xa5: {  	s25 =	simm.s32 $0x1B8E;
	s24 =	sld [smem:$0x3FFE];
	[sflag:s23] =	ssyncadd.s32 $0xFFFFFFFF  }
0xa6: {  	s26 =	simm.s32 $execute0_lowered;
	[smem:$0x3FD2] =	sst s25  }
0xa7: {  	s6 =	sshll.u32 s26, $0x1;
	_ =	strace $0x80000046;
	[dreg:$0x1] =	wrdreg $0xFFFFFFFF  }
0xa8: {  	s28 =	simm.s32 $_size_execute0_lowered;
	s4 =	sadd.s32 s4, s6;
	[dreg:$0x0] =	wrdreg $0x0  }
0xa9: {  	s6 =	sshll.u32 s28, $0x1;
	[dreg:$0x2] =	wrdreg s4  }
0xaa: {  	[dreg:$0x3] =	wrdreg s6  }
0xab: {  	[dreg:$0x4] =	wrdreg $0xC0  }
0xac: {  	_ =	task [dreg:s8], $0x5FFFF  }
0xad: {  	[dreg:$0x1] =	wrdreg $0xFFFFFFFF  }
0xae: {  	[dreg:$0x0] =	wrdreg $0x60  }
0xaf: {  	[dreg:$0x2] =	wrdreg s2  }
0xb0: {  	[dreg:$0x3] =	wrdreg s18  }
0xb1: {  	[dreg:$0x4] =	wrdreg s24  }
0xb2: {  	[dreg:$0x5] =	wrdreg $0x9  }
0xb3: {  	_ =	task.clear_ibuf [dreg:s8], $0x6FFFF;
	_ =	strace $0x90000046  }
0xb4: {  	s29 =	simm.s32 $0x9;
	_ =	strace $0x80000048  }
0xb5: {  	_ =	swait.ge [sflag:s29], $0x1  }
0xb6: {  	[sflag:s29] =	ssyncadd.s32 $0xFFFFFFFF  }
0xb7: {  	_ =	strace $0x90000048  }
0xb8: {  	_ =	sfence  }
0xb9: {  	s30 =	sld [smem:$0x0];
	_ =	sdelay $0x2  }
0xba: {  	s31 =	sshll.u32 s1, $0xD;
	s1 =	sshrl.u32 s1, $0x2  }
0xbb: {  	s3 =	sand.u32 $0x4000, s31;
	s1 =	sadd.s32 s1, s30  }
0xbc: {  	s0 =	sor.u32 s3, s0;
	s1 =	sshll.u32 s1, $0x11  }
0xbd: {  	s0 =	sor.u32 s1, s0  }
0xbe: {  	s0 =	sadd.s32 $0x8F2B, s0  }
0xbf: {  	[sflag:s0] =	ssyncadd.remote.s32 $0x1  }
0xc0: {  	_ =	sfence.sel $0xFFFF  }
0xc1: {  	[dreg:$0x0] =	wrdreg $0xFFFFFFFF;
	(pc) =	sbr.abs _section_cstart, $3  }
0xc2: {  	[dreg:$0x1] =	wrdreg $0xFFFFFFFF  }
0xc3: {  	_ =	task.clear_ibuf [dreg:s8], $0x2FFFF;
	_ =	strace $0x9FFFFFFF  }
0xc4: {  	(tm) =	ssettm $0x7FFFFFFF  }
0xc5: {  	_ =	shalt  }
tec
execute0_lowered:
.L_overlay_start_1:
0x0: {  	(tag) =	ssettag $0x1  }
0x1: {  	s0 =	rddreg [dreg:$0x0]  }
0x2: {  	s3 =	rddreg [dreg:$0x1]  }
0x3: {  	s1 =	srdreg.scid;
	s2 =	rddreg [dreg:$0x2]  }
0x4: {  	s4 =	stileid.u32;
	s18 =	simm.s32 $0x0;
	s16 =	simm.s32 $0x400  }
0x5: {  	s17 =	simm.s32 $0x800;
	s23 =	simm.s32 $0x1;
	s24 =	simm.s32 $0x4  }
0x6: {  	s25 =	simm.s32 $0x2;
	s1 =	sand.u32 $0x1, s1;
	s6 =	smul.u32 $0xC00, s4  }
0x7: {  	s28 =	simm.s32 $0x3;
	s29 =	simm.s32 $0x6;
	s5 =	smul.u32 $0xC000, s1  }
0x8: {  	s31 =	simm.s32 $0x7;
	[smem:$0x7FF] =	sst s18;
	s7 =	ssub.s32 $0x2, s1  }
0x9: {  	s26 =	smul.u32 $0xD800, s4;
	s8 =	sshrl.u32 s7, $0x1;
	s5 =	sadd.s32 s6, s5  }
0xa: {  	_ =	strace $0x80000047;
	s30 =	ssub.s32 s7, s8;
	s5 =	sshrl.u32 s5, $0x3  }
0xb: {  	s1 =	sshll.u32 s1, $0xA;
	s15 =	smax.u32 s30, $0x1;
	s2 =	sadd.s32 s5, s2  }
0xc: {  	s5 =	sor.u32 s1, s26;
	s26 =	simm.s32 $0x5;
	s1 =	simm.s32 $0x0  }
0xd: {  	s9 =	sshrl.u32 s5, $0x3;
	s6 =	sadd.s32 $0x4800, s5;
	s8 =	sadd.s32 $0x9000, s5  }
0xe: {  	s14 =	sadd.s32 $0xA00, s2;
	s7 =	sadd.s32 s0, s9;
	s11 =	sshrl.u32 s6, $0x3  }
0xf: {  	s9 =	sadd.s32 s3, s9;
	s13 =	sshrl.u32 s8, $0x3;
	s10 =	sadd.s32 s0, s11  }
0x10: {  	s11 =	sadd.s32 s3, s11;
	s12 =	sadd.s32 s0, s13;
	s13 =	sadd.s32 s3, s13  }
.LBB2_1:
0x11: {  	[tilespmem:s18], [sflag:$0x1] =	stream.strided.gather [hbm4b:s7+s16], $0x2400, s17, s16, $0x38;
	[tilespmem:$0xE400] =	vst v63  }
0x12: {  	s2 =	simm.s32 $0x6C00  }
0x13: {  	[tilespmem:s2], [sflag:$0x4] =	stream.strided.gather [hbm4b:s9+s16], $0x2400, s17, s16, $0x38;
	[tilespmem:$0xE400] =	vst v63  }
0x14: {  	s20 =	simm.s32 $0x2400  }
0x15: {  	[tilespmem:s20], [sflag:$0x2] =	stream.strided.gather [hbm4b:s10+s16], $0x2400, s17, s16, $0x38;
	[tilespmem:$0xE400] =	vst v63  }
0x16: {  	s21 =	simm.s32 $0x9000  }
0x17: {  	[tilespmem:s21], [sflag:$0x5] =	stream.strided.gather [hbm4b:s11+s16], $0x2400, s17, s16, $0x38;
	[tilespmem:$0xE400] =	vst v63  }
0x18: {  	s22 =	simm.s32 $0x4800  }
0x19: {  	[tilespmem:s22], [sflag:$0x3] =	stream.strided.gather [hbm4b:s12+s16], $0x2400, s17, s16, $0x38;
	[tilespmem:$0xE400] =	vst v63  }
0x1a: {  	s30 =	simm.s32 $0xB400;
	s2 =	simm.s32 $0x0  }
0x1b: {  	[tilespmem:s30], [sflag:$0x6] =	stream.strided.gather [hbm4b:s13+s16], $0x2400, s17, s16, $0x38;
	[tilespmem:$0xE400] =	vst v63  }
.LBB2_2:
0x1c: {  	_ =	swait.ge [sflag:s23], $0x2400  }
0x1d: {  	[sflag:s23] =	ssyncset.done $0x0  }
0x1e: {  	[sflag:s23] =	ssyncadd.s32 $0xFFFFDC00  }
0x1f: {  	_ =	swait.ge [sflag:s24], $0x2400  }
0x20: {  	[sflag:s24] =	ssyncset.done $0x0  }
0x21: {  	s18 =	simm.s32 $0x0;
	[sflag:s24] =	ssyncadd.s32 $0xFFFFDC00  }
0x22: {  	v0 =	vld [tilespmem:s18+$0x180]  }
0x23: {  	v1 =	vld [tilespmem:s18+$0x6D80]  }
0x24: {  	v2 =	vld [tilespmem:s18+$0x190]  }
0x25: {  	v3 =	vld [tilespmem:s18+$0x6D90]  }
0x26: {  	v4 =	vld [tilespmem:s18+$0x1A0]  }
0x27: {  	v5 =	vld [tilespmem:s18+$0x6DA0]  }
0x28: {  	v6 =	vld [tilespmem:s18+$0x1B0]  }
0x29: {  	v7 =	vld [tilespmem:s18+$0x6DB0]  }
0x2a: {  	v8 =	vld [tilespmem:s18+$0x1C0]  }
0x2b: {  	v9 =	vld [tilespmem:s18+$0x6DC0]  }
0x2c: {  	v10 =	vld [tilespmem:s18+$0x1D0]  }
0x2d: {  	v11 =	vld [tilespmem:s18+$0x6DD0]  }
0x2e: {  	v12 =	vld [tilespmem:s18+$0x1E0]  }
0x2f: {  	v13 =	vld [tilespmem:s18+$0x6DE0]  }
0x30: {  	v14 =	vld [tilespmem:s18+$0x1F0]  }
0x31: {  	v15 =	vld [tilespmem:s18+$0x6DF0]  }
0x32: {  	v16 =	vld [tilespmem:s18+$0x100]  }
0x33: {  	v17 =	vld [tilespmem:s18+$0x6D00]  }
0x34: {  	v18 =	vld [tilespmem:s18+$0x110]  }
0x35: {  	v19 =	vld [tilespmem:s18+$0x6D10]  }
0x36: {  	v20 =	vld [tilespmem:s18+$0x120]  }
0x37: {  	v21 =	vld [tilespmem:s18+$0x6D20]  }
0x38: {  	v22 =	vld [tilespmem:s18+$0x130]  }
0x39: {  	v23 =	vld [tilespmem:s18+$0x6D30]  }
0x3a: {  	v24 =	vld [tilespmem:s18+$0x140]  }
0x3b: {  	v25 =	vld [tilespmem:s18+$0x6D40]  }
0x3c: {  	v26 =	vld [tilespmem:s18+$0x150]  }
0x3d: {  	v27 =	vld [tilespmem:s18+$0x6D50]  }
0x3e: {  	v28 =	vld [tilespmem:s18+$0x160]  }
0x3f: {  	v29 =	vld [tilespmem:s18+$0x6D60]  }
0x40: {  	v30 =	vld [tilespmem:s18+$0x170]  }
0x41: {  	v31 =	vld [tilespmem:s18+$0x6D70]  }
0x42: {  	v32 =	vld [tilespmem:s18+$0x80]  }
0x43: {  	v33 =	vld [tilespmem:s18+$0x6C80]  }
0x44: {  	v34 =	vld [tilespmem:s18+$0x90]  }
0x45: {  	v35 =	vld [tilespmem:s18+$0x6C90]  }
0x46: {  	v36 =	vld [tilespmem:s18+$0xA0]  }
0x47: {  	v37 =	vld [tilespmem:s18+$0x6CA0]  }
0x48: {  	v38 =	vld [tilespmem:s18+$0xB0]  }
0x49: {  	v39 =	vld [tilespmem:s18+$0x6CB0]  }
0x4a: {  	v40 =	vld [tilespmem:s18+$0xC0]  }
0x4b: {  	v41 =	vld [tilespmem:s18+$0x6CC0]  }
0x4c: {  	v42 =	vld [tilespmem:s18+$0xD0]  }
0x4d: {  	v43 =	vld [tilespmem:s18+$0x6CD0]  }
0x4e: {  	v44 =	vld [tilespmem:s18+$0xE0]  }
0x4f: {  	v45 =	vld [tilespmem:s18+$0x6CE0]  }
0x50: {  	v46 =	vld [tilespmem:s18+$0xF0]  }
0x51: {  	v47 =	vld [tilespmem:s18+$0x6CF0]  }
0x52: {  	v48 =	vld [tilespmem:s18+$0x0];
	v1 =	vsub.f32 v0, v1  }
0x53: {  	v49 =	vld [tilespmem:s18+$0x6C00];
	v2 =	vsub.f32 v2, v3;
	v5 =	vsub.f32 v4, v5  }
0x54: {  	v50 =	vld [tilespmem:s18+$0x10];
	v6 =	vsub.f32 v6, v7;
	v7 =	vsub.f32 v8, v9  }
0x55: {  	v51 =	vld [tilespmem:s18+$0x20];
	v9 =	vsub.f32 v10, v11;
	v0 =	vsub.f32 v12, v13  }
0x56: {  	v54 =	vld [tilespmem:s18+$0x30];
	v16 =	vsub.f32 v16, v17;
	v52 =	vsub.f32 v18, v19  }
0x57: {  	v57 =	vld [tilespmem:s18+$0x6C30];
	v53 =	vsub.f32 v20, v21;
	v55 =	vsub.f32 v22, v23  }
0x58: {  	v59 =	vld [tilespmem:s18+$0x40];
	v56 =	vsub.f32 v24, v25;
	v58 =	vsub.f32 v26, v27  }
0x59: {  	v62 =	vld [tilespmem:s18+$0x6C50];
	v11 =	vsub.f32 v28, v29;
	v33 =	vsub.f32 v32, v33  }
0x5a: {  	v8 =	vld [tilespmem:s18+$0x6C10];
	v10 =	vsub.f32 v30, v31;
	v34 =	vsub.f32 v34, v35  }
0x5b: {  	v17 =	vld [tilespmem:s18+$0x6C20];
	v25 =	vsub.f32 v36, v37;
	v24 =	vsub.f32 v38, v39  }
0x5c: {  	v30 =	vld [tilespmem:s18+$0x6C40];
	v19 =	vsub.f32 v40, v41;
	v21 =	vmul.f32 v1, v1;
	v22 =	vmul.f32 v2, v2  }
0x5d: {  	v31 =	vld [tilespmem:s18+$0x50];
	v18 =	vsub.f32 v42, v43;
	v20 =	vmul.f32 v5, v5;
	v23 =	vmul.f32 v6, v6  }
0x5e: {  	v63 =	vsub.f32 v54, v57;
	v1 =	vld [tilespmem:s18+$0x60];
	v12 =	vmul.f32 v7, v7;
	v13 =	vmul.f32 v9, v9  }
0x5f: {  	[tilespmem:$0x1FFE0] =	vst v0;
	v0 =	vsub.f32 v14, v15;
	v5 =	vld [tilespmem:s18+$0x6C60];
	v26 =	vmul.f32 v16, v16;
	v29 =	vmul.f32 v52, v52  }
0x60: {  	v15 =	vsub.f32 v44, v45;
	v7 =	vld [tilespmem:s18+$0x70];
	v27 =	vmul.f32 v53, v53;
	v28 =	vmul.f32 v55, v55  }
0x61: {  	v2 =	vsub.f32 v48, v49;
	v9 =	vld [tilespmem:s18+$0x6C70];
	v16 =	vmul.f32 v56, v56;
	v35 =	vmul.f32 v33, v33  }
0x62: {  	v14 =	vsub.f32 v46, v47;
	v34 =	vmul.f32 v34, v34;
	v36 =	vmul.f32 v63, v63  }
0x63: {  	[tilespmem:$0x1FFF0] =	vst v0;
	v0 =	vimm.f32 $0.0e+00;
	v39 =	vmul.f32 v2, v2;
	v6 =	vsub.f32 v50, v8  }
0x64: {  	v2 =	vimm.f32 $0.0e+00;
	v8 =	vsub.f32 v51, v17;
	v32 =	vsub.f32 v59, v30  }
0x65: {  	v17 =	vmul.f32 v58, v58;
	v31 =	vsub.f32 v31, v62;
	v37 =	vmul.f32 v6, v6  }
0x66: {  	v33 =	vsub.f32 v1, v5;
	v38 =	vmul.f32 v8, v8;
	v30 =	vsub.f32 v7, v9  }
0x67: {  	v5 =	vimm.f32 $0.0e+00;
	v1 =	vimm.f32 $0.0e+00;
	v9 =	vimm.f32 $0.0e+00  }
0x68: {  	s18 =	simm.s32 $0x800;
	v8 =	vimm.f32 $0.0e+00;
	v7 =	vimm.f32 $0.0e+00;
	v6 =	vimm.f32 $0.0e+00  }
.LBB2_3:
0x69: {  	s19 =	sshra.s32 s18, $0x2  }
0x6a: {  	v60 =	vmul.f32 v25, v25;
	v25 =	vld [tilespmem:s19+$0x180]  }
0x6b: {  	v61 =	vmul.f32 v24, v24;
	v24 =	vld [tilespmem:s19+$0x6D80]  }
0x6c: {  	v62 =	vmul.f32 v19, v19;
	v19 =	vld [tilespmem:s19+$0x190]  }
0x6d: {  	v63 =	vld [tilespmem:s19+$0x6D90]  }
0x6e: {  	v1 =	vadd.f32 v36, v1;
	v36 =	vld [tilespmem:s19+$0x6D50]  }
0x6f: {  	v2 =	vadd.f32 v37, v2;
	v37 =	vld [tilespmem:s19+$0x160]  }
0x70: {  	v5 =	vadd.f32 v38, v5;
	v38 =	vld [tilespmem:s19+$0x6D60]  }
0x71: {  	v40 =	vld [tilespmem:s19+$0x6D70]  }
0x72: {  	v41 =	vld [tilespmem:s19+$0x80]  }
0x73: {  	v42 =	vld [tilespmem:s19+$0x6C80]  }
0x74: {  	v43 =	vld [tilespmem:s19+$0x90]  }
0x75: {  	v44 =	vld [tilespmem:s19+$0x6C90]  }
0x76: {  	v45 =	vld [tilespmem:s19+$0xA0]  }
0x77: {  	v46 =	vld [tilespmem:s19+$0x6CA0]  }
0x78: {  	v47 =	vld [tilespmem:s19+$0xB0]  }
0x79: {  	v48 =	vld [tilespmem:s19+$0x6CB0]  }
0x7a: {  	v49 =	vld [tilespmem:s19+$0xC0]  }
0x7b: {  	v50 =	vld [tilespmem:s19+$0x6CC0]  }
0x7c: {  	v51 =	vld [tilespmem:s19+$0xD0]  }
0x7d: {  	v52 =	vld [tilespmem:s19+$0x6CD0]  }
0x7e: {  	v53 =	vld [tilespmem:s19+$0xE0]  }
0x7f: {  	v54 =	vld [tilespmem:s19+$0x6CE0]  }
0x80: {  	v55 =	vld [tilespmem:s19+$0xF0]  }
0x81: {  	v56 =	vld [tilespmem:s19+$0x6CF0]  }
0x82: {  	v32 =	vmul.f32 v32, v32;
	v57 =	vld [tilespmem:s19+$0x0]  }
0x83: {  	v59 =	vld [tilespmem:s19+$0x6C00]  }
0x84: {  	v9 =	vadd.f32 v32, v9;
	v32 =	vld [tilespmem:s19+$0x140]  }
0x85: {  	v2 =	vadd.f32 v34, v2;
	v5 =	vadd.f32 v60, v5;
	v34 =	vld [tilespmem:s19+$0x150]  }
0x86: {  	v0 =	vadd.f32 v39, v0;
	v39 =	vld [tilespmem:s19+$0x170]  }
0x87: {  	v1 =	vadd.f32 v61, v1;
	v5 =	vadd.f32 v27, v5;
	v27 =	vld [tilespmem:s19+$0x6DA0]  }
0x88: {  	v2 =	vadd.f32 v29, v2;
	v29 =	vmul.f32 v31, v31;
	v31 =	vld [tilespmem:s19+$0x6D30]  }
0x89: {  	v1 =	vadd.f32 v28, v1;
	v28 =	vmul.f32 v33, v33;
	v33 =	vld [tilespmem:s19+$0x6D40]  }
0x8a: {  	v9 =	vadd.f32 v62, v9;
	v62 =	vld [tilespmem:s19+$0x6C10];
	v0 =	vadd.f32 v35, v0  }
0x8b: {  	v35 =	vsub.f32 v19, v63;
	v19 =	vsub.f32 v49, v50;
	v50 =	vld [tilespmem:s19+$0x6C50]  }
0x8c: {  	v5 =	vadd.f32 v20, v5;
	v20 =	vld [tilespmem:s19+$0x6DB0]  }
0x8d: {  	v1 =	vadd.f32 v23, v1;
	v23 =	vld [tilespmem:s19+$0x1C0]  }
0x8e: {  	v9 =	vadd.f32 v16, v9;
	v16 =	vld [tilespmem:s19+$0x110]  }
0x8f: {  	v7 =	vadd.f32 v28, v7;
	v28 =	vld [tilespmem:s19+$0x120];
	v0 =	vadd.f32 v26, v0  }
0x90: {  	v8 =	vadd.f32 v29, v8;
	v29 =	vld [tilespmem:s19+$0x6D20]  }
0x91: {  	v2 =	vadd.f32 v22, v2;
	v22 =	vmul.f32 v30, v30;
	v30 =	vld [tilespmem:s19+$0x130];
	v0 =	vadd.f32 v21, v0  }
0x92: {  	v26 =	vld [tilespmem:s19+$0x1A0]  }
0x93: {  	v18 =	vmul.f32 v18, v18;
	[tilespmem:$0x1FFD0] =	vst v0;
	v0 =	vld [tilespmem:$0x1FFE0]  }
0x94: {  	v15 =	vmul.f32 v15, v15;
	v6 =	vadd.f32 v22, v6;
	v22 =	vld [tilespmem:s19+$0x6DC0]  }
0x95: {  	v8 =	vadd.f32 v18, v8;
	v18 =	vld [tilespmem:s19+$0x1D0]  }
0x96: {  	v7 =	vadd.f32 v15, v7;
	v15 =	vld [tilespmem:s19+$0x1E0]  }
0x97: {  	v9 =	vadd.f32 v12, v9;
	v12 =	vld [tilespmem:s19+$0x100]  }
0x98: {  	v14 =	vmul.f32 v14, v14;
	v4 =	vmul.f32 v0, v0;
	v0 =	vld [tilespmem:$0x1FFF0]  }
0x99: {  	v11 =	vmul.f32 v11, v11;
	v21 =	vld [tilespmem:s19+$0x1B0]  }
0x9a: {  	v6 =	vadd.f32 v14, v6;
	v14 =	vld [tilespmem:s19+$0x6DD0]  }
0x9b: {  	v10 =	vmul.f32 v10, v10;
	v7 =	vadd.f32 v11, v7;
	v11 =	vld [tilespmem:s19+$0x1F0]  }
0x9c: {  	v8 =	vadd.f32 v17, v8;
	v17 =	vld [tilespmem:s19+$0x6D10];
	v30 =	vsub.f32 v30, v31  }
0x9d: {  	v31 =	vsub.f32 v32, v33;
	v32 =	vld [tilespmem:s19+$0x6C30];
	v6 =	vadd.f32 v10, v6;
	v3 =	vmul.f32 v0, v0  }
0x9e: {  	v33 =	vsub.f32 v34, v36;
	v34 =	vld [tilespmem:s19+$0x40]  }
0x9f: {  	v58 =	vsub.f32 v25, v24;
	v6 =	vadd.f32 v3, v6;
	v3 =	vld [tilespmem:s19+$0x6DF0]  }
0xa0: {  	v25 =	vsub.f32 v45, v46;
	v24 =	vsub.f32 v47, v48;
	v10 =	vld [tilespmem:s19+$0x6DE0]  }
0xa1: {  	v36 =	vsub.f32 v41, v42;
	v8 =	vadd.f32 v13, v8;
	v13 =	vld [tilespmem:s19+$0x6D00]  }
0xa2: {  	v26 =	vsub.f32 v26, v27;
	v27 =	vld [tilespmem:s19+$0x10];
	v60 =	vsub.f32 v21, v20  }
0xa3: {  	v21 =	vmul.f32 v58, v58;
	v58 =	vsub.f32 v57, v59;
	v59 =	vld [tilespmem:s19+$0x6C60];
	v16 =	vsub.f32 v16, v17  }
0xa4: {  	v17 =	vsub.f32 v28, v29;
	v28 =	vld [tilespmem:s19+$0x30];
	v3 =	vsub.f32 v11, v3  }
0xa5: {  	v61 =	vsub.f32 v23, v22;
	v7 =	vadd.f32 v4, v7;
	v4 =	vld [tilespmem:s19+$0x20]  }
0xa6: {  	v22 =	vmul.f32 v35, v35;
	v35 =	vmul.f32 v36, v36;
	v63 =	vsub.f32 v18, v14;
	[tilespmem:$0x1FFF0] =	vst v3;
	v3 =	vld [tilespmem:s19+$0x6C20]  }
0xa7: {  	v18 =	vsub.f32 v51, v52;
	v23 =	vmul.f32 v60, v60;
	v60 =	vsub.f32 v27, v62;
	v62 =	vld [tilespmem:s19+$0x70]  }
0xa8: {  	v20 =	vmul.f32 v26, v26;
	v0 =	vsub.f32 v15, v10;
	v10 =	vsub.f32 v39, v40;
	v39 =	vld [tilespmem:s19+$0x50]  }
0xa9: {  	v29 =	vmul.f32 v16, v16;
	v27 =	vmul.f32 v17, v17;
	v15 =	vsub.f32 v53, v54;
	v54 =	vld [tilespmem:s19+$0x60]  }
0xaa: {  	v16 =	vmul.f32 v31, v31;
	[tilespmem:$0x1FFE0] =	vst v0;
	v0 =	vsub.f32 v12, v13;
	v11 =	vsub.f32 v37, v38;
	v37 =	vld [tilespmem:s19+$0x6C40]  }
0xab: {  	p0 =	sne.s32 s18, $0x8800;
	v17 =	vmul.f32 v33, v33;
	v12 =	vmul.f32 v61, v61;
	v3 =	vsub.f32 v4, v3;
	v4 =	vld [tilespmem:s19+$0x6C70]  }
.Ltmp0:
0xac: {  	v14 =	vsub.f32 v55, v56;
	v13 =	vmul.f32 v63, v63;
	v26 =	vmul.f32 v0, v0;
	(pc) =	sbr.rel @p0 .LBB2_3-.Ltmp0, $4  }
0xad: {  	v0 =	vsub.f32 v28, v32;
	v28 =	vmul.f32 v30, v30;
	v38 =	vsub.f32 v43, v44  }
0xae: {  	v31 =	vsub.f32 v39, v50;
	v39 =	vmul.f32 v58, v58;
	v33 =	vsub.f32 v54, v59  }
0xaf: {  	v36 =	vmul.f32 v0, v0;
	v32 =	vsub.f32 v34, v37;
	v34 =	vmul.f32 v38, v38  }
0xb0: {  	s18 =	sadd.s32 $0x800, s18;
	v0 =	vld [tilespmem:$0x1FFD0];
	v37 =	vmul.f32 v60, v60;
	v38 =	vmul.f32 v3, v3;
	v30 =	vsub.f32 v62, v4  }
0xb1: {  	s18 =	sadd.s32 $0x1, s2;
	p0 =	seq.s32 s2, $0x10  }
0xb2: {  	s19 =	smul.u32 @!p0 $0x1B0000, s18;
	_ =	sdelay $0x1  }
0xb3: {  	s20 =	sadd.s32 @!p0 s5, s19  }
0xb4: {  	s22 =	simm.s32 @!p0 $0x400;
	s20 =	sshrl.u32 @!p0 s20, $0x3  }
0xb5: {  	s30 =	simm.s32 @!p0 $0x800;
	s4 =	simm.s32 @!p0 $0x0;
	s21 =	sadd.s32 @!p0 s0, s20  }
0xb6: {  	[tilespmem:s4], [sflag:$0x1] =	stream.strided.gather @!p0 [hbm4b:s21+s22], $0x2400, s30, s22, $0x38;
	[tilespmem:$0xE400] =	vst v63  }
0xb7: {  	s4 =	sadd.s32 @!p0 s3, s20;
	s20 =	simm.s32 @!p0 $0x6C00  }
0xb8: {  	[tilespmem:s20], [sflag:$0x4] =	stream.strided.gather @!p0 [hbm4b:s4+s22], $0x2400, s30, s22, $0x38;
	[tilespmem:$0xE400] =	vst v63  }
0xb9: {  	_ =	swait.ge [sflag:s25], $0x2400  }
0xba: {  	[sflag:s25] =	ssyncset.done $0x0  }
0xbb: {  	[sflag:s25] =	ssyncadd.s32 $0xFFFFDC00  }
0xbc: {  	_ =	swait.ge [sflag:s26], $0x2400  }
0xbd: {  	[sflag:s26] =	ssyncset.done $0x0  }
0xbe: {  	s30 =	simm.s32 $0x0;
	[sflag:s26] =	ssyncadd.s32 $0xFFFFDC00  }
0xbf: {  	v3 =	vld [tilespmem:s30+$0x2580];
	_ =	sdelay $0x4  }
0xc0: {  	[tilespmem:$0x1FF60] =	vst v3;
	v3 =	vld [tilespmem:s30+$0x9180];
	_ =	sdelay $0x3  }
0xc1: {  	v47 =	vld [tilespmem:s30+$0x91B0]  }
0xc2: {  	[tilespmem:$0x1FF70] =	vst v3;
	v3 =	vld [tilespmem:s30+$0x2590]  }
0xc3: {  	v48 =	vld [tilespmem:s30+$0x25C0]  }
0xc4: {  	v49 =	vld [tilespmem:s30+$0x91C0]  }
0xc5: {  	v50 =	vld [tilespmem:s30+$0x25D0]  }
0xc6: {  	v51 =	vld [tilespmem:s30+$0x91D0]  }
0xc7: {  	[tilespmem:$0x1FF80] =	vst v3;
	v3 =	vld [tilespmem:s30+$0x9190]  }
0xc8: {  	v52 =	vld [tilespmem:s30+$0x25E0]  }
0xc9: {  	v53 =	vld [tilespmem:s30+$0x91E0]  }
0xca: {  	v54 =	vld [tilespmem:s30+$0x25F0]  }
0xcb: {  	v55 =	vld [tilespmem:s30+$0x91F0]  }
0xcc: {  	[tilespmem:$0x1FF90] =	vst v3;
	v3 =	vld [tilespmem:s30+$0x25A0]  }
0xcd: {  	v56 =	vld [tilespmem:s30+$0x2500]  }
0xce: {  	v57 =	vld [tilespmem:s30+$0x9100]  }
0xcf: {  	v58 =	vld [tilespmem:s30+$0x2510]  }
0xd0: {  	v59 =	vld [tilespmem:s30+$0x9110]  }
0xd1: {  	[tilespmem:$0x1FFA0] =	vst v3;
	v3 =	vld [tilespmem:s30+$0x91A0]  }
0xd2: {  	v60 =	vld [tilespmem:s30+$0x2520]  }
0xd3: {  	v61 =	vld [tilespmem:s30+$0x9120]  }
0xd4: {  	v62 =	vld [tilespmem:s30+$0x2530]  }
0xd5: {  	v63 =	vld [tilespmem:s30+$0x9130]  }
0xd6: {  	[tilespmem:$0x1FFB0] =	vst v3;
	v3 =	vld [tilespmem:s30+$0x25B0]  }
0xd7: {  	v45 =	vld [tilespmem:s30+$0x2540]  }
0xd8: {  	v43 =	vld [tilespmem:s30+$0x9140]  }
0xd9: {  	v44 =	vld [tilespmem:s30+$0x2550]  }
0xda: {  	v4 =	vmul.f32 v25, v25;
	v2 =	vadd.f32 v37, v2;
	v0 =	vadd.f32 v39, v0;
	v41 =	vld [tilespmem:s30+$0x9150]  }
0xdb: {  	v1 =	vadd.f32 v36, v1;
	v42 =	vld [tilespmem:s30+$0x2560];
	[tilespmem:$0x1FFC0] =	vst v3;
	v3 =	vadd.f32 v38, v5;
	v5 =	vmul.f32 v24, v24  }
0xdc: {  	v2 =	vadd.f32 v34, v2;
	v0 =	vadd.f32 v35, v0;
	v40 =	vld [tilespmem:s30+$0x9160]  }
0xdd: {  	v46 =	vld [tilespmem:s30+$0x2570];
	v3 =	vadd.f32 v4, v3;
	v1 =	vadd.f32 v5, v1  }
0xde: {  	v2 =	vadd.f32 v29, v2;
	v0 =	vadd.f32 v26, v0;
	v39 =	vld [tilespmem:s30+$0x9170]  }
0xdf: {  	v25 =	vld [tilespmem:s30+$0x2480];
	v3 =	vadd.f32 v27, v3;
	v4 =	vadd.f32 v28, v1  }
0xe0: {  	v0 =	vadd.f32 v21, v0;
	v21 =	vmul.f32 v32, v32;
	v34 =	vld [tilespmem:s30+$0x2490];
	v1 =	vadd.f32 v22, v2  }
0xe1: {  	v26 =	vld [tilespmem:s30+$0x9090];
	v5 =	vadd.f32 v20, v3;
	v2 =	vadd.f32 v23, v4  }
0xe2: {  	v37 =	vld [tilespmem:s30+$0x9010];
	v3 =	vmul.f32 v33, v33;
	v4 =	vadd.f32 v21, v9;
	v21 =	vmul.f32 v30, v30  }
0xe3: {  	v15 =	vmul.f32 v15, v15;
	v36 =	vsub.f32 v48, v49;
	v49 =	vld [tilespmem:s30+$0x9020];
	v43 =	vsub.f32 v45, v43  }
0xe4: {  	v45 =	vld [tilespmem:s30+$0x9030];
	v3 =	vadd.f32 v3, v7;
	v6 =	vadd.f32 v21, v6;
	v7 =	vmul.f32 v14, v14  }
0xe5: {  	v11 =	vmul.f32 v11, v11;
	v41 =	vsub.f32 v44, v41;
	v44 =	vld [tilespmem:s30+$0x2450]  }
0xe6: {  	v24 =	vld [tilespmem:s30+$0x9080];
	v3 =	vadd.f32 v15, v3;
	v6 =	vadd.f32 v7, v6;
	v7 =	vmul.f32 v10, v10  }
0xe7: {  	v10 =	vld [tilespmem:$0x1FFE0]  }
0xe8: {  	v19 =	vmul.f32 v19, v19;
	v3 =	vadd.f32 v11, v3;
	v11 =	vadd.f32 v7, v6;
	v6 =	vld [tilespmem:$0x1FFF0]  }
0xe9: {  	v38 =	vsub.f32 v50, v51;
	v51 =	vsub.f32 v60, v61;
	v60 =	vld [tilespmem:s30+$0x9060];
	v22 =	vmul.f32 v31, v31  }
0xea: {  	v61 =	vld [tilespmem:s30+$0x2470]  }
0xeb: {  	v18 =	vmul.f32 v18, v18;
	v27 =	vld [tilespmem:s30+$0x24A0];
	v8 =	vadd.f32 v22, v8;
	v4 =	vadd.f32 v19, v4  }
0xec: {  	v28 =	vld [tilespmem:s30+$0x90A0];
	v10 =	vmul.f32 v10, v10  }
0xed: {  	v20 =	vld [tilespmem:s30+$0x24B0];
	v8 =	vadd.f32 v18, v8;
	v4 =	vadd.f32 v16, v4;
	v18 =	vmul.f32 v6, v6  }
0xee: {  	v3 =	vadd.f32 v10, v3;
	v10 =	vld [tilespmem:$0x1FF60]  }
0xef: {  	v7 =	vadd.f32 v12, v4;
	v4 =	vadd.f32 v18, v11;
	v11 =	vld [tilespmem:$0x1FF70]  }
0xf0: {  	v9 =	vld [tilespmem:s30+$0x90B0]  }
0xf1: {  	v22 =	vld [tilespmem:s30+$0x24C0]  }
0xf2: {  	v23 =	vld [tilespmem:s30+$0x90C0]  }
0xf3: {  	v30 =	vld [tilespmem:s30+$0x9000]  }
0xf4: {  	v29 =	vsub.f32 v10, v11;
	v10 =	vld [tilespmem:$0x1FF80]  }
0xf5: {  	v11 =	vld [tilespmem:$0x1FF90]  }
0xf6: {  	v33 =	vld [tilespmem:s30+$0x2410]  }
0xf7: {  	v14 =	vld [tilespmem:s30+$0x24D0]  }
0xf8: {  	v19 =	vld [tilespmem:s30+$0x24F0]  }
0xf9: {  	v16 =	vld [tilespmem:s30+$0x24E0]  }
0xfa: {  	v31 =	vsub.f32 v10, v11;
	v10 =	vld [tilespmem:$0x1FFA0]  }
0xfb: {  	v11 =	vld [tilespmem:$0x1FFB0]  }
0xfc: {  	v8 =	vadd.f32 v17, v8;
	v17 =	vld [tilespmem:s30+$0x90E0]  }
0xfd: {  	v48 =	vsub.f32 v56, v57;
	v34 =	vsub.f32 v34, v26;
	v15 =	vld [tilespmem:s30+$0x90D0]  }
0xfe: {  	v50 =	vsub.f32 v58, v59;
	v12 =	vsub.f32 v46, v39;
	v39 =	vld [tilespmem:s30+$0x9040]  }
0xff: {  	v21 =	vsub.f32 v22, v23;
	v6 =	vadd.f32 v13, v8;
	v8 =	vld [tilespmem:s30+$0x90F0]  }
0x100: {  	v33 =	vsub.f32 v33, v37;
	v32 =	vsub.f32 v10, v11;
	v10 =	vld [tilespmem:$0x1FFC0]  }
0x101: {  	v34 =	vmul.f32 v34, v34;
	v46 =	vld [tilespmem:s30+$0x9050];
	v17 =	vsub.f32 v16, v17;
	v13 =	vsub.f32 v42, v40  }
0x102: {  	v37 =	vmul.f32 v33, v33;
	v40 =	vld [tilespmem:s30+$0x2440];
	v42 =	vsub.f32 v25, v24;
	v25 =	vsub.f32 v27, v28  }
0x103: {  	v24 =	vsub.f32 v20, v9;
	v20 =	vsub.f32 v14, v15;
	v15 =	vmul.f32 v36, v36;
	v18 =	vld [tilespmem:s30+$0x2400]  }
0x104: {  	v14 =	vmul.f32 v38, v38;
	v27 =	vmul.f32 v50, v50;
	v11 =	vsub.f32 v52, v53;
	v52 =	vld [tilespmem:s30+$0x2430]  }
0x105: {  	v28 =	vmul.f32 v51, v51;
	v16 =	vsub.f32 v19, v8;
	v35 =	vsub.f32 v10, v47;
	v47 =	vld [tilespmem:s30+$0x2420]  }
0x106: {  	v19 =	vmul.f32 v43, v43;
	v23 =	vmul.f32 v29, v29;
	v53 =	vsub.f32 v62, v63;
	v63 =	vld [tilespmem:s30+$0x9070]  }
0x107: {  	v29 =	vmul.f32 v48, v48;
	v8 =	vmul.f32 v31, v31;
	v10 =	vsub.f32 v54, v55;
	v54 =	vld [tilespmem:s30+$0x2460]  }
0x108: {  	v31 =	vsub.f32 v18, v30;
	v18 =	vmul.f32 v41, v41;
	v30 =	vsub.f32 v44, v46  }
0x109: {  	v22 =	vmul.f32 v32, v32;
	v26 =	vmul.f32 v53, v53;
	v32 =	vsub.f32 v40, v39  }
0x10a: {  	v39 =	vmul.f32 v31, v31;
	v45 =	vsub.f32 v52, v45;
	v62 =	vsub.f32 v47, v49  }
0x10b: {  	v31 =	vsub.f32 v61, v63;
	v9 =	vmul.f32 v35, v35;
	v35 =	vmul.f32 v42, v42  }
0x10c: {  	s20 =	simm.s32 $0x800;
	v36 =	vmul.f32 v45, v45;
	v33 =	vsub.f32 v54, v60;
	v38 =	vmul.f32 v62, v62  }
.LBB2_5:
0x10d: {  	s21 =	sshra.s32 s20, $0x2  }
0x10e: {  	v60 =	vmul.f32 v25, v25;
	v25 =	vld [tilespmem:s21+$0x2580]  }
0x10f: {  	v61 =	vmul.f32 v24, v24;
	v24 =	vld [tilespmem:s21+$0x9180]  }
0x110: {  	v62 =	vmul.f32 v21, v21;
	v21 =	vld [tilespmem:s21+$0x2590]  }
0x111: {  	v63 =	vld [tilespmem:s21+$0x9190]  }
0x112: {  	v2 =	vadd.f32 v36, v2;
	v36 =	vld [tilespmem:s21+$0x9150]  }
0x113: {  	v5 =	vadd.f32 v38, v5;
	v38 =	vld [tilespmem:s21+$0x9160]  }
0x114: {  	v40 =	vld [tilespmem:s21+$0x9170]  }
0x115: {  	v41 =	vld [tilespmem:s21+$0x2480]  }
0x116: {  	v42 =	vld [tilespmem:s21+$0x9080]  }
0x117: {  	v43 =	vld [tilespmem:s21+$0x2490]  }
0x118: {  	v44 =	vld [tilespmem:s21+$0x9090]  }
0x119: {  	v45 =	vld [tilespmem:s21+$0x24A0]  }
0x11a: {  	v46 =	vld [tilespmem:s21+$0x90A0]  }
0x11b: {  	v47 =	vld [tilespmem:s21+$0x24B0]  }
0x11c: {  	v48 =	vld [tilespmem:s21+$0x90B0]  }
0x11d: {  	v49 =	vld [tilespmem:s21+$0x24C0]  }
0x11e: {  	v50 =	vld [tilespmem:s21+$0x90C0]  }
0x11f: {  	v51 =	vld [tilespmem:s21+$0x24D0]  }
0x120: {  	v52 =	vld [tilespmem:s21+$0x90D0]  }
0x121: {  	v53 =	vld [tilespmem:s21+$0x24E0]  }
0x122: {  	v54 =	vld [tilespmem:s21+$0x90E0]  }
0x123: {  	v55 =	vld [tilespmem:s21+$0x24F0]  }
0x124: {  	v56 =	vld [tilespmem:s21+$0x90F0]  }
0x125: {  	v32 =	vmul.f32 v32, v32;
	v57 =	vld [tilespmem:s21+$0x2400]  }
0x126: {  	v59 =	vld [tilespmem:s21+$0x9000]  }
0x127: {  	v7 =	vadd.f32 v32, v7;
	v32 =	vld [tilespmem:s21+$0x2540]  }
0x128: {  	v2 =	vadd.f32 v61, v2;
	v61 =	vld [tilespmem:s21+$0x9010]  }
0x129: {  	v1 =	vadd.f32 v37, v1;
	v37 =	vld [tilespmem:s21+$0x2560]  }
0x12a: {  	v5 =	vadd.f32 v60, v5;
	v0 =	vadd.f32 v39, v0;
	v39 =	vld [tilespmem:s21+$0x2570]  }
0x12b: {  	v2 =	vadd.f32 v26, v2;
	v26 =	vld [tilespmem:s21+$0x91A0]  }
0x12c: {  	v5 =	vadd.f32 v28, v5;
	v28 =	vmul.f32 v33, v33;
	v33 =	vld [tilespmem:s21+$0x9140]  }
0x12d: {  	v1 =	vadd.f32 v34, v1;
	v34 =	vld [tilespmem:s21+$0x2550]  }
0x12e: {  	v0 =	vadd.f32 v35, v0;
	v35 =	vsub.f32 v21, v63;
	v63 =	vld [tilespmem:s21+$0x2420]  }
0x12f: {  	v21 =	vsub.f32 v49, v50;
	v50 =	vld [tilespmem:s21+$0x9050]  }
0x130: {  	v7 =	vadd.f32 v62, v7;
	v2 =	vadd.f32 v9, v2;
	v9 =	vld [tilespmem:s21+$0x91B0]  }
0x131: {  	v5 =	vadd.f32 v22, v5;
	v22 =	vld [tilespmem:s21+$0x25C0]  }
0x132: {  	v7 =	vadd.f32 v19, v7;
	v19 =	vld [tilespmem:s21+$0x9110]  }
0x133: {  	v3 =	vadd.f32 v28, v3;
	v28 =	vld [tilespmem:s21+$0x2520]  }
0x134: {  	v17 =	vmul.f32 v17, v17;
	v1 =	vadd.f32 v27, v1;
	v27 =	vld [tilespmem:s21+$0x25A0]  }
0x135: {  	v0 =	vadd.f32 v29, v0;
	v29 =	vmul.f32 v30, v30;
	v30 =	vld [tilespmem:s21+$0x2530]  }
0x136: {  	v3 =	vadd.f32 v17, v3;
	v17 =	vld [tilespmem:s21+$0x25E0]  }
0x137: {  	v7 =	vadd.f32 v15, v7;
	v15 =	vld [tilespmem:s21+$0x9100]  }
0x138: {  	v13 =	vmul.f32 v13, v13;
	v6 =	vadd.f32 v29, v6;
	v29 =	vld [tilespmem:s21+$0x9120]  }
0x139: {  	v0 =	vadd.f32 v23, v0;
	v23 =	vmul.f32 v31, v31;
	v31 =	vld [tilespmem:s21+$0x9130]  }
0x13a: {  	v3 =	vadd.f32 v13, v3;
	v13 =	vld [tilespmem:s21+$0x25F0]  }
0x13b: {  	v20 =	vmul.f32 v20, v20;
	[tilespmem:$0x1FF50] =	vst v0;
	v0 =	vadd.f32 v8, v1;
	v8 =	vld [tilespmem:s21+$0x25B0]  }
0x13c: {  	v4 =	vadd.f32 v23, v4;
	v23 =	vld [tilespmem:s21+$0x91C0]  }
0x13d: {  	v6 =	vadd.f32 v20, v6;
	v20 =	vld [tilespmem:s21+$0x25D0]  }
0x13e: {  	v16 =	vmul.f32 v16, v16;
	v58 =	vsub.f32 v25, v24;
	v1 =	vld [tilespmem:s21+$0x9020]  }
0x13f: {  	v25 =	vsub.f32 v45, v46;
	v26 =	vsub.f32 v27, v26;
	v27 =	vld [tilespmem:s21+$0x2410]  }
0x140: {  	v24 =	vsub.f32 v47, v48;
	v4 =	vadd.f32 v16, v4;
	v16 =	vld [tilespmem:s21+$0x91D0]  }
0x141: {  	v11 =	vmul.f32 v11, v11;
	v57 =	vsub.f32 v57, v59;
	v6 =	vadd.f32 v18, v6;
	v18 =	vld [tilespmem:s21+$0x2510]  }
0x142: {  	v12 =	vmul.f32 v12, v12;
	v30 =	vsub.f32 v30, v31;
	v31 =	vsub.f32 v32, v33;
	v32 =	vld [tilespmem:s21+$0x9030]  }
0x143: {  	v3 =	vadd.f32 v11, v3;
	v33 =	vsub.f32 v34, v36;
	v34 =	vld [tilespmem:s21+$0x2440]  }
0x144: {  	v36 =	vsub.f32 v41, v42;
	v4 =	vadd.f32 v12, v4;
	v12 =	vld [tilespmem:s21+$0x91E0]  }
0x145: {  	v10 =	vmul.f32 v10, v10;
	v6 =	vadd.f32 v14, v6;
	v14 =	vld [tilespmem:s21+$0x2500];
	v9 =	vsub.f32 v8, v9  }
0x146: {  	v60 =	vsub.f32 v22, v23;
	v23 =	vmul.f32 v58, v58;
	v58 =	vld [tilespmem:s21+$0x9060];
	v1 =	vsub.f32 v63, v1  }
0x147: {  	v8 =	vmul.f32 v35, v35;
	v4 =	vadd.f32 v10, v4;
	v10 =	vld [tilespmem:s21+$0x91F0];
	v59 =	vsub.f32 v27, v61  }
0x148: {  	v22 =	vmul.f32 v26, v26;
	v63 =	vld [tilespmem:s21+$0x9070];
	v62 =	vsub.f32 v20, v16;
	v18 =	vsub.f32 v18, v19  }
0x149: {  	v26 =	vmul.f32 v30, v30;
	v61 =	vld [tilespmem:s21+$0x2470];
	v19 =	vsub.f32 v28, v29;
	v20 =	vsub.f32 v51, v52  }
0x14a: {  	v35 =	vmul.f32 v36, v36;
	v28 =	vld [tilespmem:s21+$0x2430];
	v16 =	vsub.f32 v55, v56;
	v11 =	vsub.f32 v17, v12  }
0x14b: {  	[tilespmem:$0x1FF40] =	vst v0;
	v9 =	vmul.f32 v9, v9;
	v0 =	vsub.f32 v14, v15;
	v12 =	vsub.f32 v39, v40;
	v39 =	vld [tilespmem:s21+$0x2450]  }
0x14c: {  	v15 =	vmul.f32 v60, v60;
	v10 =	vsub.f32 v13, v10;
	v13 =	vsub.f32 v37, v38;
	v37 =	vld [tilespmem:s21+$0x9040]  }
0x14d: {  	p1 =	sne.s32 s20, $0x8800;
	v17 =	vsub.f32 v53, v54;
	v54 =	vld [tilespmem:s21+$0x2460];
	v14 =	vmul.f32 v62, v62;
	v27 =	vmul.f32 v18, v18  }
.Ltmp1:
0x14e: {  	v18 =	vmul.f32 v33, v33;
	v38 =	vsub.f32 v43, v44;
	v29 =	vmul.f32 v0, v0;
	(pc) =	sbr.rel @p1 .LBB2_5-.Ltmp1, $4  }
0x14f: {  	v0 =	vsub.f32 v28, v32;
	v28 =	vmul.f32 v19, v19;
	v19 =	vmul.f32 v31, v31  }
0x150: {  	v31 =	vsub.f32 v61, v63;
	v30 =	vsub.f32 v39, v50;
	v39 =	vmul.f32 v57, v57  }
0x151: {  	v36 =	vmul.f32 v0, v0;
	v0 =	vld [tilespmem:$0x1FF50];
	v32 =	vsub.f32 v34, v37;
	v34 =	vmul.f32 v38, v38  }
0x152: {  	s20 =	sadd.s32 $0x800, s20;
	v33 =	vsub.f32 v54, v58;
	v37 =	vmul.f32 v59, v59;
	v38 =	vmul.f32 v1, v1;
	v1 =	vld [tilespmem:$0x1FF40]  }
0x153: {  	s4 =	sadd.s32 @!p0 s6, s19  }
0x154: {  	s21 =	simm.s32 @!p0 $0x400;
	s4 =	sshrl.u32 @!p0 s4, $0x3  }
0x155: {  	s22 =	simm.s32 @!p0 $0x800;
	s30 =	simm.s32 @!p0 $0x2400;
	s20 =	sadd.s32 @!p0 s0, s4  }
0x156: {  	[tilespmem:s30], [sflag:$0x2] =	stream.strided.gather @!p0 [hbm4b:s20+s21], $0x2400, s22, s21, $0x38;
	[tilespmem:$0xE400] =	vst v63  }
0x157: {  	s4 =	sadd.s32 @!p0 s3, s4;
	s20 =	simm.s32 @!p0 $0x9000  }
0x158: {  	[tilespmem:s20], [sflag:$0x5] =	stream.strided.gather @!p0 [hbm4b:s4+s21], $0x2400, s22, s21, $0x38;
	[tilespmem:$0xE400] =	vst v63  }
0x159: {  	_ =	swait.ge [sflag:s28], $0x2400  }
0x15a: {  	[sflag:s28] =	ssyncset.done $0x0  }
0x15b: {  	[sflag:s28] =	ssyncadd.s32 $0xFFFFDC00  }
0x15c: {  	_ =	swait.ge [sflag:s29], $0x2400  }
0x15d: {  	[sflag:s29] =	ssyncset.done $0x0  }
0x15e: {  	s30 =	simm.s32 $0x0;
	[sflag:s29] =	ssyncadd.s32 $0xFFFFDC00  }
0x15f: {  	v40 =	vld [tilespmem:s30+$0x4980]  }
0x160: {  	v51 =	vld [tilespmem:s30+$0xB580]  }
0x161: {  	v52 =	vld [tilespmem:s30+$0x4990]  }
0x162: {  	v53 =	vld [tilespmem:s30+$0xB590]  }
0x163: {  	v54 =	vld [tilespmem:s30+$0x49A0]  }
0x164: {  	v55 =	vld [tilespmem:s30+$0xB5A0]  }
0x165: {  	v56 =	vld [tilespmem:s30+$0x49B0]  }
0x166: {  	v47 =	vld [tilespmem:s30+$0xB5B0]  }
0x167: {  	v48 =	vld [tilespmem:s30+$0x49C0]  }
0x168: {  	v49 =	vld [tilespmem:s30+$0xB5C0]  }
0x169: {  	v50 =	vld [tilespmem:s30+$0x49D0]  }
0x16a: {  	v57 =	vld [tilespmem:s30+$0xB500]  }
0x16b: {  	v58 =	vld [tilespmem:s30+$0x4910]  }
0x16c: {  	v59 =	vld [tilespmem:s30+$0xB510]  }
0x16d: {  	v60 =	vld [tilespmem:s30+$0x4920]  }
0x16e: {  	v61 =	vld [tilespmem:s30+$0xB520]  }
0x16f: {  	v62 =	vld [tilespmem:s30+$0x4930]  }
0x170: {  	v63 =	vld [tilespmem:s30+$0xB530]  }
0x171: {  	v45 =	vld [tilespmem:s30+$0x4940]  }
0x172: {  	v43 =	vld [tilespmem:s30+$0xB540]  }
0x173: {  	v44 =	vld [tilespmem:s30+$0x4950]  }
0x174: {  	v41 =	vld [tilespmem:s30+$0xB550]  }
0x175: {  	v42 =	vld [tilespmem:s30+$0x4960]  }
0x176: {  	v46 =	vld [tilespmem:s30+$0x4970]  }
0x177: {  	v0 =	vadd.f32 v39, v0;
	v39 =	vld [tilespmem:s30+$0xB570]  }
0x178: {  	v25 =	vmul.f32 v25, v25;
	v5 =	vadd.f32 v38, v5;
	v1 =	vadd.f32 v37, v1;
	v37 =	vld [tilespmem:s30+$0x4880]  }
0x179: {  	v2 =	vadd.f32 v36, v2;
	v24 =	vmul.f32 v24, v24;
	v0 =	vadd.f32 v35, v0;
	v35 =	vld [tilespmem:s30+$0xB480]  }
0x17a: {  	v5 =	vadd.f32 v25, v5;
	v1 =	vadd.f32 v34, v1;
	v25 =	vld [tilespmem:s30+$0x4890]  }
0x17b: {  	v2 =	vadd.f32 v24, v2;
	v0 =	vadd.f32 v29, v0;
	v24 =	vld [tilespmem:s30+$0xB490]  }
0x17c: {  	v1 =	vadd.f32 v27, v1;
	v27 =	vadd.f32 v28, v5;
	v28 =	vld [tilespmem:s30+$0x48A0]  }
0x17d: {  	v2 =	vadd.f32 v26, v2;
	v0 =	vadd.f32 v23, v0;
	v23 =	vmul.f32 v32, v32;
	v26 =	vld [tilespmem:s30+$0xB4A0]  }
0x17e: {  	v5 =	vadd.f32 v8, v1;
	v8 =	vadd.f32 v22, v27;
	v22 =	vld [tilespmem:s30+$0x48B0]  }
0x17f: {  	v1 =	vmul.f32 v30, v30;
	v7 =	vadd.f32 v23, v7;
	v23 =	vld [tilespmem:s30+$0xB4B0]  }
0x180: {  	v9 =	vadd.f32 v9, v2;
	v2 =	vmul.f32 v33, v33;
	v27 =	vmul.f32 v31, v31;
	v29 =	vld [tilespmem:s30+$0x48C0]  }
0x181: {  	v1 =	vadd.f32 v1, v6;
	v6 =	vmul.f32 v20, v20;
	v20 =	vld [tilespmem:s30+$0xB4C0]  }
0x182: {  	v2 =	vadd.f32 v2, v3;
	v3 =	vadd.f32 v27, v4;
	v4 =	vmul.f32 v16, v16;
	v16 =	vld [tilespmem:s30+$0x48D0]  }
0x183: {  	v17 =	vmul.f32 v17, v17;
	v27 =	vld [tilespmem:s30+$0x48F0]  }
0x184: {  	v30 =	vld [tilespmem:s30+$0x4800]  }
0x185: {  	v2 =	vadd.f32 v17, v2;
	v32 =	vld [tilespmem:s30+$0xB400];
	v1 =	vadd.f32 v6, v1  }
0x186: {  	v36 =	vld [tilespmem:s30+$0x4810];
	v6 =	vmul.f32 v13, v13;
	v3 =	vadd.f32 v4, v3;
	v4 =	vmul.f32 v12, v12  }
0x187: {  	v13 =	vld [tilespmem:s30+$0xB4D0];
	v1 =	vadd.f32 v18, v1  }
0x188: {  	v10 =	vmul.f32 v10, v10;
	v12 =	vld [tilespmem:s30+$0x48E0];
	v2 =	vadd.f32 v6, v2;
	v6 =	vadd.f32 v4, v3  }
0x189: {  	v18 =	vld [tilespmem:s30+$0xB4E0]  }
0x18a: {  	[tilespmem:$0x1FEE0] =	vst v51;
	v51 =	vld [tilespmem:s30+$0xB5D0];
	v3 =	vadd.f32 v14, v1;
	v1 =	vadd.f32 v10, v6  }
0x18b: {  	[tilespmem:$0x1FED0] =	vst v40;
	v6 =	vld [tilespmem:$0x1FEE0]  }
0x18c: {  	[tilespmem:$0x1FEC0] =	vst v1;
	v1 =	vld [tilespmem:$0x1FED0]  }
0x18d: {  	[tilespmem:$0x1FEF0] =	vst v52;
	v52 =	vld [tilespmem:s30+$0x49E0]  }
0x18e: {  	[tilespmem:$0x1FF00] =	vst v53;
	v53 =	vld [tilespmem:s30+$0xB5E0]  }
0x18f: {  	[tilespmem:$0x1FF10] =	vst v54;
	v54 =	vld [tilespmem:s30+$0x49F0]  }
0x190: {  	[tilespmem:$0x1FF20] =	vst v55;
	v55 =	vld [tilespmem:s30+$0xB5F0]  }
0x191: {  	v31 =	vsub.f32 v1, v6;
	v1 =	vld [tilespmem:$0x1FEF0]  }
0x192: {  	v21 =	vmul.f32 v21, v21;
	v6 =	vld [tilespmem:$0x1FF00]  }
0x193: {  	[tilespmem:$0x1FF30] =	vst v56;
	v56 =	vld [tilespmem:s30+$0x4900]  }
0x194: {  	v7 =	vadd.f32 v21, v7;
	v40 =	vld [tilespmem:s30+$0xB560]  }
0x195: {  	v43 =	vsub.f32 v45, v43;
	v45 =	vld [tilespmem:s30+$0xB430]  }
0x196: {  	v7 =	vadd.f32 v19, v7;
	v35 =	vsub.f32 v37, v35;
	v37 =	vld [tilespmem:s30+$0xB440]  }
0x197: {  	v33 =	vsub.f32 v1, v6;
	v1 =	vld [tilespmem:$0x1FF10]  }
0x198: {  	v4 =	vadd.f32 v15, v7;
	v6 =	vld [tilespmem:$0x1FF20]  }
0x199: {  	v11 =	vmul.f32 v11, v11;
	v41 =	vsub.f32 v44, v41;
	v17 =	vsub.f32 v28, v26;
	v14 =	vld [tilespmem:s30+$0xB4F0]  }
0x19a: {  	v19 =	vsub.f32 v22, v23;
	v7 =	vsub.f32 v52, v53;
	v52 =	vld [tilespmem:s30+$0xB420]  }
0x19b: {  	v2 =	vadd.f32 v11, v2;
	v11 =	vsub.f32 v42, v40;
	v40 =	vld [tilespmem:s30+$0x4840]  }
0x19c: {  	v21 =	vsub.f32 v29, v20;
	v53 =	vsub.f32 v58, v59;
	v58 =	vld [tilespmem:s30+$0xB450]  }
0x19d: {  	v30 =	vsub.f32 v30, v32;
	v34 =	vsub.f32 v1, v6;
	v1 =	vld [tilespmem:$0x1FF30]  }
0x19e: {  	v10 =	vsub.f32 v46, v39;
	v39 =	vsub.f32 v25, v24;
	v59 =	vld [tilespmem:s30+$0x4860]  }
0x19f: {  	v25 =	vsub.f32 v16, v13;
	v6 =	vsub.f32 v54, v55;
	v55 =	vld [tilespmem:s30+$0x4830]  }
0x1a0: {  	v16 =	vmul.f32 v41, v41;
	v15 =	vsub.f32 v12, v18;
	v54 =	vsub.f32 v60, v61;
	v60 =	vld [tilespmem:s30+$0xB460]  }
0x1a1: {  	v18 =	vmul.f32 v43, v43;
	v14 =	vsub.f32 v27, v14;
	v29 =	vmul.f32 v53, v53;
	v61 =	vld [tilespmem:s30+$0x4870]  }
0x1a2: {  	v22 =	vmul.f32 v31, v31;
	v38 =	vsub.f32 v1, v47;
	v47 =	vsub.f32 v48, v49;
	v48 =	vld [tilespmem:s30+$0xB410]  }
0x1a3: {  	v23 =	vmul.f32 v33, v33;
	v33 =	vsub.f32 v40, v37;
	v49 =	vsub.f32 v50, v51;
	v50 =	vld [tilespmem:s30+$0x4820]  }
0x1a4: {  	v24 =	vmul.f32 v34, v34;
	v26 =	vmul.f32 v54, v54;
	v51 =	vsub.f32 v56, v57;
	v57 =	vld [tilespmem:s30+$0x4850]  }
0x1a5: {  	v34 =	vmul.f32 v35, v35;
	v35 =	vmul.f32 v39, v39;
	v56 =	vsub.f32 v62, v63;
	v63 =	vld [tilespmem:s30+$0xB470]  }
0x1a6: {  	v45 =	vsub.f32 v55, v45;
	v20 =	vmul.f32 v38, v38;
	v13 =	vmul.f32 v47, v47  }
0x1a7: {  	v32 =	vsub.f32 v59, v60;
	v12 =	vmul.f32 v49, v49;
	v28 =	vmul.f32 v51, v51  }
0x1a8: {  	v27 =	vmul.f32 v56, v56;
	v36 =	vsub.f32 v36, v48;
	v62 =	vsub.f32 v50, v52  }
0x1a9: {  	v38 =	vmul.f32 v30, v30;
	v37 =	vmul.f32 v45, v45;
	v31 =	vsub.f32 v57, v58  }
0x1aa: {  	s20 =	simm.s32 $0x800;
	v30 =	vsub.f32 v61, v63;
	v39 =	vmul.f32 v36, v36;
	v36 =	vmul.f32 v62, v62  }
.LBB2_7:
0x1ab: {  	s21 =	sshra.s32 s20, $0x2  }
0x1ac: {  	v60 =	vmul.f32 v17, v17;
	v17 =	vld [tilespmem:s21+$0x4980]  }
0x1ad: {  	v61 =	vmul.f32 v19, v19;
	v19 =	vld [tilespmem:s21+$0xB580]  }
0x1ae: {  	v62 =	vmul.f32 v21, v21;
	v21 =	vld [tilespmem:s21+$0x4990]  }
0x1af: {  	v63 =	vld [tilespmem:s21+$0xB590]  }
0x1b0: {  	v8 =	vadd.f32 v36, v8;
	v36 =	vld [tilespmem:s21+$0xB550]  }
0x1b1: {  	v9 =	vadd.f32 v37, v9;
	v37 =	vld [tilespmem:s21+$0x4960]  }
0x1b2: {  	v5 =	vadd.f32 v39, v5;
	v39 =	vld [tilespmem:s21+$0x4970]  }
0x1b3: {  	v40 =	vld [tilespmem:s21+$0xB570]  }
0x1b4: {  	v41 =	vld [tilespmem:s21+$0x4880]  }
0x1b5: {  	v42 =	vld [tilespmem:s21+$0xB480]  }
0x1b6: {  	v43 =	vld [tilespmem:s21+$0x4890]  }
0x1b7: {  	v44 =	vld [tilespmem:s21+$0xB490]  }
0x1b8: {  	v45 =	vld [tilespmem:s21+$0x48A0]  }
0x1b9: {  	v46 =	vld [tilespmem:s21+$0xB4A0]  }
0x1ba: {  	v47 =	vld [tilespmem:s21+$0x48B0]  }
0x1bb: {  	v48 =	vld [tilespmem:s21+$0xB4B0]  }
0x1bc: {  	v49 =	vld [tilespmem:s21+$0x48C0]  }
0x1bd: {  	v50 =	vld [tilespmem:s21+$0xB4C0]  }
0x1be: {  	v51 =	vld [tilespmem:s21+$0x48D0]  }
0x1bf: {  	v52 =	vld [tilespmem:s21+$0xB4D0]  }
0x1c0: {  	v53 =	vld [tilespmem:s21+$0x48E0]  }
0x1c1: {  	v54 =	vld [tilespmem:s21+$0xB4E0]  }
0x1c2: {  	v55 =	vld [tilespmem:s21+$0x48F0]  }
0x1c3: {  	v56 =	vld [tilespmem:s21+$0xB4F0]  }
0x1c4: {  	v33 =	vmul.f32 v33, v33;
	v57 =	vld [tilespmem:s21+$0x4800]  }
0x1c5: {  	v59 =	vld [tilespmem:s21+$0xB400]  }
0x1c6: {  	v4 =	vadd.f32 v33, v4;
	v33 =	vld [tilespmem:s21+$0xB540]  }
0x1c7: {  	v8 =	vadd.f32 v60, v8;
	v9 =	vadd.f32 v61, v9;
	v61 =	vld [tilespmem:s21+$0xB410]  }
0x1c8: {  	v5 =	vadd.f32 v35, v5;
	v0 =	vadd.f32 v38, v0;
	v38 =	vld [tilespmem:s21+$0xB560]  }
0x1c9: {  	v8 =	vadd.f32 v26, v8;
	v26 =	vld [tilespmem:s21+$0xB5A0]  }
0x1ca: {  	v5 =	vadd.f32 v29, v5;
	v29 =	vmul.f32 v31, v31;
	v31 =	vld [tilespmem:s21+$0xB530]  }
0x1cb: {  	v9 =	vadd.f32 v27, v9;
	v27 =	vmul.f32 v32, v32;
	v32 =	vld [tilespmem:s21+$0x4940]  }
0x1cc: {  	v0 =	vadd.f32 v34, v0;
	v34 =	vld [tilespmem:s21+$0x4950]  }
0x1cd: {  	v35 =	vsub.f32 v21, v63;
	v63 =	vld [tilespmem:s21+$0x4820]  }
0x1ce: {  	v21 =	vsub.f32 v49, v50;
	v50 =	vld [tilespmem:s21+$0xB450]  }
0x1cf: {  	v4 =	vadd.f32 v62, v4;
	v9 =	vadd.f32 v20, v9;
	v20 =	vld [tilespmem:s21+$0xB5B0]  }
0x1d0: {  	v8 =	vadd.f32 v24, v8;
	v24 =	vld [tilespmem:s21+$0x49C0]  }
0x1d1: {  	v4 =	vadd.f32 v18, v4;
	v18 =	vld [tilespmem:s21+$0xB510]  }
0x1d2: {  	v2 =	vadd.f32 v27, v2;
	v27 =	vld [tilespmem:s21+$0x4920]  }
0x1d3: {  	v3 =	vadd.f32 v29, v3;
	v29 =	vld [tilespmem:s21+$0xB520]  }
0x1d4: {  	v25 =	vmul.f32 v25, v25;
	v5 =	vadd.f32 v23, v5;
	v23 =	vmul.f32 v30, v30;
	v30 =	vld [tilespmem:s21+$0x4930]  }
0x1d5: {  	v15 =	vmul.f32 v15, v15;
	v0 =	vadd.f32 v28, v0;
	v28 =	vld [tilespmem:s21+$0x49A0]  }
0x1d6: {  	v3 =	vadd.f32 v25, v3;
	v25 =	vld [tilespmem:s21+$0x49D0]  }
0x1d7: {  	v2 =	vadd.f32 v15, v2;
	v15 =	vld [tilespmem:s21+$0x49E0]  }
0x1d8: {  	v11 =	vmul.f32 v11, v11;
	v4 =	vadd.f32 v13, v4;
	v13 =	vld [tilespmem:s21+$0xB500]  }
0x1d9: {  	v0 =	vadd.f32 v22, v0;
	v22 =	vld [tilespmem:s21+$0x49B0]  }
0x1da: {  	v2 =	vadd.f32 v11, v2;
	v11 =	vld [tilespmem:s21+$0x49F0]  }
0x1db: {  	[tilespmem:$0x1FEB0] =	vst v0;
	v0 =	vld [tilespmem:$0x1FEC0]  }
0x1dc: {  	v3 =	vadd.f32 v16, v3;
	v16 =	vld [tilespmem:s21+$0x4910]  }
0x1dd: {  	v30 =	vsub.f32 v30, v31;
	v31 =	vsub.f32 v32, v33;
	v32 =	vld [tilespmem:s21+$0xB430]  }
0x1de: {  	v58 =	vsub.f32 v17, v19;
	v33 =	vld [tilespmem:s21+$0x4840]  }
0x1df: {  	v17 =	vsub.f32 v45, v46;
	v3 =	vadd.f32 v12, v3;
	v12 =	vld [tilespmem:s21+$0x4900]  }
0x1e0: {  	v14 =	vmul.f32 v14, v14;
	v26 =	vsub.f32 v28, v26;
	v28 =	vld [tilespmem:s21+$0x4810];
	v1 =	vadd.f32 v23, v0  }
0x1e1: {  	v19 =	vsub.f32 v47, v48;
	v20 =	vsub.f32 v22, v20;
	v22 =	vmul.f32 v58, v58;
	v58 =	vld [tilespmem:s21+$0xB460]  }
0x1e2: {  	v10 =	vmul.f32 v10, v10;
	v57 =	vsub.f32 v57, v59;
	v23 =	vld [tilespmem:s21+$0xB5C0];
	v1 =	vadd.f32 v14, v1  }
0x1e3: {  	v7 =	vmul.f32 v7, v7;
	v34 =	vsub.f32 v34, v36;
	v36 =	vsub.f32 v41, v42;
	v14 =	vld [tilespmem:s21+$0xB5D0]  }
0x1e4: {  	v6 =	vmul.f32 v6, v6;
	v16 =	vsub.f32 v16, v18;
	v1 =	vadd.f32 v10, v1;
	v10 =	vld [tilespmem:s21+$0xB5E0]  }
0x1e5: {  	v2 =	vadd.f32 v7, v2;
	v18 =	vsub.f32 v27, v29;
	v27 =	vld [tilespmem:s21+$0x4830]  }
0x1e6: {  	v20 =	vmul.f32 v20, v20;
	v29 =	vmul.f32 v16, v16;
	v0 =	vadd.f32 v6, v1;
	v6 =	vld [tilespmem:s21+$0xB5F0]  }
0x1e7: {  	v59 =	vsub.f32 v28, v61;
	v16 =	vmul.f32 v34, v34;
	v34 =	vmul.f32 v36, v36;
	v1 =	vld [tilespmem:s21+$0xB420]  }
0x1e8: {  	v61 =	vld [tilespmem:s21+$0x4870];
	v60 =	vsub.f32 v24, v23;
	v23 =	vmul.f32 v35, v35;
	v62 =	vsub.f32 v25, v14  }
0x1e9: {  	v24 =	vmul.f32 v26, v26;
	v7 =	vsub.f32 v15, v10;
	v10 =	vsub.f32 v39, v40;
	v39 =	vld [tilespmem:s21+$0x4850]  }
0x1ea: {  	v26 =	vmul.f32 v18, v18;
	[tilespmem:$0x1FEC0] =	vst v0;
	v0 =	vsub.f32 v12, v13;
	v15 =	vsub.f32 v53, v54;
	v54 =	vld [tilespmem:s21+$0x4860]  }
0x1eb: {  	v18 =	vmul.f32 v31, v31;
	v6 =	vsub.f32 v11, v6;
	v11 =	vsub.f32 v37, v38;
	v37 =	vld [tilespmem:s21+$0xB440]  }
0x1ec: {  	p1 =	sne.s32 s20, $0x8800;
	v13 =	vmul.f32 v60, v60;
	v38 =	vsub.f32 v43, v44;
	v1 =	vsub.f32 v63, v1;
	v63 =	vld [tilespmem:s21+$0xB470]  }
.Ltmp2:
0x1ed: {  	v25 =	vsub.f32 v51, v52;
	v12 =	vmul.f32 v62, v62;
	v28 =	vmul.f32 v0, v0;
	(pc) =	sbr.rel @p1 .LBB2_7-.Ltmp2, $4  }
0x1ee: {  	v0 =	vsub.f32 v27, v32;
	v27 =	vmul.f32 v30, v30;
	v35 =	vmul.f32 v38, v38  }
0x1ef: {  	v14 =	vsub.f32 v55, v56;
	v38 =	vmul.f32 v57, v57;
	v36 =	vmul.f32 v1, v1  }
0x1f0: {  	v31 =	vsub.f32 v39, v50;
	v39 =	vmul.f32 v59, v59;
	v32 =	vsub.f32 v54, v58  }
0x1f1: {  	s20 =	sadd.s32 $0x800, s20;
	v33 =	vsub.f32 v33, v37;
	v37 =	vmul.f32 v0, v0;
	v0 =	vld [tilespmem:$0x1FEB0];
	v30 =	vsub.f32 v61, v63  }
0x1f2: {  	v1 =	vadd.f32 v39, v5;
	v50 =	vmul.f32 v17, v17  }
0x1f3: {  	v8 =	vadd.f32 v36, v8;
	v51 =	vmul.f32 v19, v19;
	v56 =	vmul.f32 v31, v31  }
0x1f4: {  	v57 =	vmul.f32 v32, v32;
	v9 =	vadd.f32 v37, v9;
	v1 =	vadd.f32 v35, v1  }
0x1f5: {  	v55 =	vmul.f32 v33, v33;
	v5 =	vadd.f32 v50, v8;
	v3 =	vadd.f32 v56, v3  }
0x1f6: {  	v54 =	vmul.f32 v25, v25;
	v59 =	vld [tilespmem:$0x1FEC0];
	v2 =	vadd.f32 v57, v2;
	v53 =	vadd.f32 v51, v9  }
0x1f7: {  	v15 =	vmul.f32 v15, v15;
	v4 =	vadd.f32 v55, v4;
	v0 =	vadd.f32 v38, v0  }
0x1f8: {  	s4 =	sadd.s32 @!p0 s8, s19;
	v52 =	vmul.f32 v21, v21;
	v1 =	vadd.f32 v29, v1;
	v5 =	vadd.f32 v26, v5  }
0x1f9: {  	s20 =	simm.s32 @!p0 $0x400;
	s21 =	simm.s32 @!p0 $0x800;
	s4 =	sshrl.u32 @!p0 s4, $0x3;
	v58 =	vmul.f32 v30, v30;
	v3 =	vadd.f32 v54, v3;
	v2 =	vadd.f32 v15, v2  }
0x1fa: {  	s22 =	simm.s32 @!p0 $0x4800;
	s2 =	sshll.u32 s2, $0x7;
	s19 =	sadd.s32 @!p0 s0, s4;
	v8 =	vadd.f32 v27, v53;
	v4 =	vadd.f32 v52, v4  }
0x1fb: {  	[tilespmem:s22], [sflag:$0x3] =	stream.strided.gather @!p0 [hbm4b:s19+s20], $0x2400, s21, s20, $0x38;
	v17 =	vadd.f32 v58, v59;
	v0 =	vadd.f32 v34, v0;
	[tilespmem:$0xE400] =	vst v63  }
0x1fc: {  	v60 =	vmul.f32 v11, v11;
	s2 =	sand.u32 $0x3FFFFF80, s2;
	s4 =	sadd.s32 @!p0 s3, s4;
	s19 =	simm.s32 @!p0 $0xB400;
	v1 =	vadd.f32 v23, v1;
	v5 =	vadd.f32 v24, v5  }
0x1fd: {  	v14 =	vmul.f32 v14, v14;
	[tilespmem:s19], [sflag:$0x6] =	stream.strided.gather @!p0 [hbm4b:s4+s20], $0x2400, s21, s20, $0x38;
	v3 =	vadd.f32 v16, v3;
	v0 =	vadd.f32 v28, v0;
	[tilespmem:$0xE400] =	vst v63  }
0x1fe: {  	v10 =	vmul.f32 v10, v10;
	v2 =	vadd.f32 v60, v2;
	v8 =	vadd.f32 v20, v8;
	[tilespmem:s2+$0xD810] =	vst v1  }
0x1ff: {  	v62 =	vmul.f32 v7, v7;
	v61 =	vadd.f32 v14, v17;
	[tilespmem:s2+$0xD820] =	vst v5;
	v0 =	vadd.f32 v22, v0  }
0x200: {  	p0 =	sne.s32 s18, $0x11;
	v4 =	vadd.f32 v18, v4;
	v3 =	vadd.f32 v12, v3;
	[tilespmem:s2+$0xD830] =	vst v8  }
.Ltmp3:
0x201: {  	v63 =	vmul.f32 v6, v6;
	v1 =	vadd.f32 v62, v2;
	[tilespmem:s2+$0xD800] =	vst v0;
	v0 =	vadd.f32 v10, v61;
	(pc) =	sbr.rel @p0 .LBB2_2-.Ltmp3, $4  }
0x202: {  	v4 =	vadd.f32 v13, v4;
	[tilespmem:s2+$0xD850] =	vst v3  }
0x203: {  	[tilespmem:s2+$0xD860] =	vst v1;
	v0 =	vadd.f32 v63, v0  }
0x204: {  	[tilespmem:s2+$0xD840] =	vst v4  }
0x205: {  	[tilespmem:s2+$0xD870] =	vst v0;
	s2 =	smov.u32 s18  }
0x206: {  	s1 =	sadd.s32 $0x1, s1  }
0x207: {  	p0 =	sne.s32 s1, s15  }
.Ltmp4:
0x208: {  	s18 =	simm.s32 $0x0;
	s2 =	simm.s32 $0xD800;
	(pc) =	sbr.rel @p0 .LBB2_1-.Ltmp4, $4  }
0x209: {  	[hbm4b:s14+s18] =	stream.linear.scatter [tilespmem:s2], [sflag:$0x7], $0x880, $0x38;
	[tilespmem:$0xE400] =	vst v63  }
0x20a: {  	_ =	swait.ge [sflag:s31], $0x880  }
0x20b: {  	[sflag:s31] =	ssyncset.done $0x0  }
0x20c: {  	[sflag:s31] =	ssyncadd.s32 $0xFFFFF780  }
0x20d: {  	_ =	sfence.sel $0x180000  }
0x20e: {  	[bflag:$0x0] =	sbarrier.arrive $0xFFFF  }
0x20f: {  	_ =	strace $0x90000047  }
0x210: {  	s0 =	stileid.u32;
	[bflag:$0x2] =	sbarrier.arrive $0xFFFF  }
0x211: {  	p0 =	sne.s32 s0, $0x0;
	s0 =	rddreg [dreg:$0x3]  }
0x212: {  	s0 =	sadd.s32 @!p0 $0x100000, s0  }
0x213: {  	[sflag:s0] =	ssyncadd.tile.s32 @!p0 $0x1;
	_ =	shalt  }
.Lfunc_end2:
_tile_overlayer_lowered:
.L_overlay_start_2:
0x214: {  	(tag) =	ssettag $0x2  }
0x215: {  	s0 =	rddreg [dreg:$0x0];
	s2 =	stileid.u32  }
0x216: {  	s1 =	rddreg [dreg:$0x1];
	p0 =	sne.s32 s2, $0x0  }
0x217: {  	s3 =	rddreg [dreg:$0x2];
	[bflag:$0x3] =	sbarrier.arrive $0xFFFF;
	s2 =	simm.s32 @!p0 $0x1C07  }
0x218: {  	[timem:s3], [sflag:s2] =	dma.local @!p0 [hbm:s0], s1  }
0x219: {  	s0 =	simm.s32 @!p0 $0x7  }
0x21a: {  	_ =	swait.ge @!p0 [sflag:s0], s1  }
0x21b: {  	s1 =	ssub.s32 @!p0 $0x0, s1;
	[sflag:s0] =	ssyncset.done @!p0 $0x0  }
0x21c: {  	[sflag:s0] =	ssyncadd.s32 @!p0 s1  }
0x21d: {  	[bflag:$0x3] =	sbarrier.arrive $0xFFFF  }
0x21e: {  	_ =	shalt  }

</sc_bundles>
